<compile_context>
chip_gen: v7x
topology: tpu7x:2x2x1
jax: 0.10.2.dev20260603
libtpu: 0.0.44.dev20260713+nightly
codegen_flags: <defaults>
</compile_context>

<pallas_src>
import functools

import jax
import jax.numpy as jnp
from jax import lax
from jax.experimental import pallas as pl
from jax.experimental.pallas import tpu as pltpu
from jax.experimental.pallas import tpu_sc as plsc

N_NODES = 10000
D_FEAT = 256
N_GRAPHS = 128
D_GLOBAL = 64
HIDDEN = 256
OUT = 256

NC = 2
NS = 16
NW = NC * NS

ROWS = 312
TAIL = N_NODES - NW * ROWS
CW = 16
LPR = D_FEAT // 16
CHUNK = 112
NCHUNK = 3
RPAD = NCHUNK * CHUNK
TRASH = N_GRAPHS

_sc_mesh = plsc.VectorSubcoreMesh(core_axis_name="c", subcore_axis_name="s")


@functools.partial(
    pl.kernel,
    out_type=[
        jax.ShapeDtypeStruct((NW, N_GRAPHS, D_FEAT), jnp.float32),
        jax.ShapeDtypeStruct((NW, N_GRAPHS, CW), jnp.float32),
    ],
    mesh=_sc_mesh,
    scratch_types=[
        pltpu.VMEM((RPAD,), jnp.int32),
        pltpu.VMEM((CHUNK, D_FEAT), jnp.float32),
        pltpu.VMEM((N_GRAPHS + 8, D_FEAT), jnp.float32),
        pltpu.VMEM((N_GRAPHS + 8, CW), jnp.float32),
    ],
)
def _sc_segment_sum(x_hbm, batch_hbm, parts_hbm, cnts_hbm,
                    idx_v, rows_v, acc_v, cnt_v):
    cid = lax.axis_index("c")
    sid = lax.axis_index("s")
    wid = sid * NC + cid
    off = wid * ROWS
    n = jnp.where(wid == NW - 1, ROWS + TAIL, ROWS)

    pltpu.sync_copy(batch_hbm.at[pl.ds(off, ROWS)], idx_v.at[pl.ds(0, ROWS)])

    @pl.when(wid == NW - 1)
    def _stage_tail_ids():
        pltpu.sync_copy(batch_hbm.at[pl.ds(NW * ROWS, TAIL)],
                        idx_v.at[pl.ds(ROWS, TAIL)])

    zv = jnp.zeros((16,), jnp.float32)

    def _zero(r, _):
        cnt_v[r, :] = zv
        return 0

    lax.fori_loop(0, N_GRAPHS + 8, _zero, 0, unroll=8)

    lane = lax.iota(jnp.int32, 16)
    one16 = jnp.ones((16,), jnp.float32)

    def _row_step(seg, row, carry):
        cur, rl = carry[0], carry[1]
        accs = carry[2:]
        flush = seg != cur
        new_cur = jnp.where(flush, seg, cur)
        new_rl = jnp.where(flush, jnp.int32(1), rl + 1)
        keep = jnp.where(flush, 0.0, 1.0)
        new_accs = tuple(b + a * keep for a, b in zip(accs, row))
        for c in range(LPR):
            acc_v[new_cur, pl.ds(c * 16, 16)] = new_accs[c]
        cnt_v[new_cur, :] = one16 * new_rl.astype(jnp.float32)
        return (new_cur, new_rl) + new_accs
    def _chunk(c_i, carry):
        coff = c_i * CHUNK

        @pl.when(c_i < 2)
        def _stage_full():
            pltpu.sync_copy(x_hbm.at[pl.ds(off + coff, CHUNK)], rows_v)

        @pl.when(c_i == 2)
        def _stage_last():
            pltpu.sync_copy(x_hbm.at[pl.ds(off + 2 * CHUNK, ROWS - 2 * CHUNK)],
                            rows_v.at[pl.ds(0, ROWS - 2 * CHUNK)])

            @pl.when(wid == NW - 1)
            def _stage_tail_rows():
                pltpu.sync_copy(
                    x_hbm.at[pl.ds(NW * ROWS, TAIL)],
                    rows_v.at[pl.ds(ROWS - 2 * CHUNK, TAIL)])

        def _group(g, carry):
            segv = idx_v[pl.ds(coff + g * 16, 16)]
            rowid = coff + g * 16 + lane
            segv = jnp.where(rowid < n, segv, TRASH)
            for j in range(16):
                r = g * 16 + j
                row = [rows_v[r, pl.ds(c * 16, 16)] for c in range(LPR)]
                carry = _row_step(segv[j], row, carry)
            return carry

        return lax.fori_loop(0, CHUNK // 16, _group, carry)

    carry0 = (jnp.int32(TRASH), jnp.int32(0)) + tuple(
        jnp.zeros((16,), jnp.float32) for _ in range(LPR))
    lax.fori_loop(0, NCHUNK, _chunk, carry0)

    pltpu.sync_copy(acc_v.at[pl.ds(0, N_GRAPHS)], parts_hbm.at[wid])
    pltpu.sync_copy(cnt_v.at[pl.ds(0, N_GRAPHS)], cnts_hbm.at[wid])


def _tc_mlp_body(parts_ref, cnts_ref, u_ref, w1u_ref, w1m_ref, b1_ref,
                 w2_ref, b2_ref, w3_ref, b3_ref, out_ref):
    cnts = cnts_ref[...]
    mask_c = jnp.concatenate([cnts] * (D_FEAT // CW), axis=2)
    parts = jnp.where(mask_c > 0.0, parts_ref[...], 0.0)
    sums = jnp.sum(parts, axis=0)
    counts = jnp.sum(cnts, axis=(0, 2)) * (1.0 / CW)
    mean = sums * (1.0 / jnp.maximum(counts, 1.0))[:, None]
    h = u_ref[...] @ w1u_ref[...] + mean @ w1m_ref[...] + b1_ref[...]
    h = jnp.maximum(h, 0.0)
    h = jnp.maximum(h @ w2_ref[...] + b2_ref[...], 0.0)
    out_ref[...] = h @ w3_ref[...] + b3_ref[...]


def _tc_mlp(parts, cnts, u, W1u, W1m, b1, W2, b2, W3, b3):
    return pl.pallas_call(
        _tc_mlp_body,
        out_shape=jax.ShapeDtypeStruct((N_GRAPHS, OUT), jnp.float32),
    )(parts, cnts, u, W1u, W1m, b1, W2, b2, W3, b3)


@jax.jit
def _run(x, batch, u, W1u, W1m, b1, W2, b2, W3, b3):
    parts, cnts = _sc_segment_sum(x, batch)
    return _tc_mlp(parts, cnts, u, W1u, W1m, b1, W2, b2, W3, b3)


def kernel(x, edge_index, edge_attr, u, batch, W1, b1, W2, b2, W3, b3):
    del edge_index, edge_attr
    return _run(x, batch, u, W1[:D_GLOBAL], W1[D_GLOBAL:],
                b1.reshape(1, -1), W2, b2.reshape(1, -1), W3,
                b3.reshape(1, -1))

# --- scband reference (transcript-rebuilt; emitter-appended) ---
"""Pipeline reference for scband-global-model-13486197310234 (READ-ONLY COPY).

The authoritative reference and input builder live on the scoring server;
editing this copy changes nothing except your own understanding.
"""

import jax, jax.numpy as jnp
import numpy as np

N_NODES = 10000
N_EDGES = 160000
D_FEAT = 256
D_EDGE = 4
N_GRAPHS = 128
D_GLOBAL = 64
HIDDEN = 256
OUT = 256


def setup_inputs(seed: int = 0) -> dict:
    key = jax.random.key(seed)
    ks = jax.random.split(key, 12)
    x = jax.random.normal(ks[0], (N_NODES, D_FEAT), dtype=jnp.float32)
    edge_index = jax.random.randint(ks[1], (2, N_EDGES), 0, N_NODES, dtype=jnp.int32)
    edge_attr = jax.random.normal(ks[2], (N_EDGES, D_EDGE), dtype=jnp.float32)
    u = jax.random.normal(ks[3], (N_GRAPHS, D_GLOBAL), dtype=jnp.float32)
    batch = jnp.sort(jax.random.randint(ks[4], (N_NODES,), 0, N_GRAPHS, dtype=jnp.int32))
    W1 = jax.random.normal(ks[5], (D_GLOBAL + D_FEAT, HIDDEN), dtype=jnp.float32) * 0.05
    b1 = jnp.zeros((HIDDEN,), dtype=jnp.float32)
    W2 = jax.random.normal(ks[6], (HIDDEN, HIDDEN), dtype=jnp.float32) * 0.05
    b2 = jnp.zeros((HIDDEN,), dtype=jnp.float32)
    W3 = jax.random.normal(ks[7], (HIDDEN, OUT), dtype=jnp.float32) * 0.05
    b3 = jnp.zeros((OUT,), dtype=jnp.float32)
    return {"x": x, "edge_index": edge_index, "edge_attr": edge_attr, "u": u,
            "batch": batch, "W1": W1, "b1": b1, "W2": W2, "b2": b2, "W3": W3, "b3": b3}


def reference(x, edge_index, edge_attr, u, batch, W1, b1, W2, b2, W3, b3):
    num_segments = u.shape[0]
    # scatter_mean(x, batch, dim=0)
    sums = jax.ops.segment_sum(x, batch, num_segments=num_segments)
    counts = jax.ops.segment_sum(jnp.ones((x.shape[0],), dtype=x.dtype), batch, num_segments=num_segments)
    mean = sums / jnp.clip(counts, 1.0)[:, None]
    out = jnp.concatenate([u, mean], axis=1)
    h = jax.nn.relu(out @ W1 + b1)
    h = jax.nn.relu(h @ W2 + b2)
    return h @ W3 + b3

if __name__ == "__main__":
    import jax
    _d = setup_inputs()
    print(jax.jit(kernel)(*tuple(_d.values())))

</pallas_src>

<mosaic_0001>
#map = affine_map<(d0, d1) -> (0, 0)>
#map1 = affine_map<(d0, d1) -> (0)>
#map2 = affine_map<(d0, d1) -> (0, 0, 0)>
module attributes {stable_mosaic.version = 14 : i64} {
  func.func @_sc_segment_sum(%arg0: i32, %arg1: i32, %arg2: memref<10000x256xf32, #tpu.memory_space<hbm>>, %arg3: memref<10000xi32, #tpu.memory_space<hbm>>, %arg4: memref<32x128x256xf32, #tpu.memory_space<hbm>>, %arg5: memref<32x128x16xf32, #tpu.memory_space<hbm>>, %arg6: memref<336xi32, #tpu.memory_space<vmem>>, %arg7: memref<112x256xf32, #tpu.memory_space<vmem>>, %arg8: memref<136x256xf32, #tpu.memory_space<vmem>>, %arg9: memref<136x16xf32, #tpu.memory_space<vmem>>) attributes {dimension_semantics = [#tpu.dimension_semantics<core_parallel>, #tpu.dimension_semantics<subcore_parallel>], iteration_bounds = array<i64: 2, 16>, scalar_prefetch = 0 : i64, scratch_operands = 4 : i64, tpu.core_type = #tpu.core_type<sc_vector_subcore>, window_params = [{transform_indices = #map}, {transform_indices = #map1}, {transform_indices = #map2}, {transform_indices = #map2}]} {
    %mul3A = arith.constant 2 : i32
    %mul3A_0 = arith.muli %arg1, %mul3A : i32
    %add3A = arith.addi %mul3A_0, %arg0 : i32
    %mul3A_1 = arith.constant 312 : i32
    %mul3A_2 = arith.muli %add3A, %mul3A_1 : i32
    %eq3A = arith.constant 31 : i32
    %eq3A_3 = arith.cmpi eq, %add3A, %eq3A : i32
    %jit3A = arith.constant 328 : i32
    %jit3A_4 = arith.constant 312 : i32
    %select_n3A = arith.select %eq3A_3, %jit3A, %jit3A_4 : i32
    "tpu.region"() ({
      %run_scoped3A = tpu.sem_alloc : memref<!tpu.dma_semaphore, #tpu.memory_space<semaphore_mem>>
      %dma_start3A = arith.constant 0 : i32
      %dma_start3A_57 = tpu.memref_slice %arg6[%dma_start3A] : memref<336xi32, #tpu.memory_space<vmem>> -> memref<312xi32, #tpu.memory_space<vmem>>
      %dma_start3A_58 = tpu.memref_slice %arg3[%mul3A_2] : memref<10000xi32, #tpu.memory_space<hbm>> -> memref<312xi32, #tpu.memory_space<hbm>>
      %dma_start3A_59 = arith.constant 0 : i32
      %dma_start3A_60 = tpu.memref_slice %arg6[%dma_start3A_59] : memref<336xi32, #tpu.memory_space<vmem>> -> memref<312xi32, #tpu.memory_space<vmem>>
      %dma_start3A_61 = tpu.memref_slice %arg3[%mul3A_2] : memref<10000xi32, #tpu.memory_space<hbm>> -> memref<312xi32, #tpu.memory_space<hbm>>
      tpu.enqueue_dma source(%dma_start3A_61 : memref<312xi32, #tpu.memory_space<hbm>>) target(%dma_start3A_60 : memref<312xi32, #tpu.memory_space<vmem>>) target_semaphore(%run_scoped3A : memref<!tpu.dma_semaphore, #tpu.memory_space<semaphore_mem>>)
      %dma_wait3A = arith.constant 0 : i32
      %dma_wait3A_62 = tpu.memref_slice %arg6[%dma_wait3A] : memref<336xi32, #tpu.memory_space<vmem>> -> memref<312xi32, #tpu.memory_space<vmem>>
      %dma_wait3A_63 = tpu.memref_slice %arg3[%mul3A_2] : memref<10000xi32, #tpu.memory_space<hbm>> -> memref<312xi32, #tpu.memory_space<hbm>>
      %dma_wait3A_64 = arith.constant 0 : i32
      %dma_wait3A_65 = tpu.memref_slice %arg6[%dma_wait3A_64] : memref<336xi32, #tpu.memory_space<vmem>> -> memref<312xi32, #tpu.memory_space<vmem>>
      %dma_wait3A_66 = tpu.memref_slice %arg3[%mul3A_2] : memref<10000xi32, #tpu.memory_space<hbm>> -> memref<312xi32, #tpu.memory_space<hbm>>
      tpu.wait_dma2 semaphore(%run_scoped3A : memref<!tpu.dma_semaphore, #tpu.memory_space<semaphore_mem>>) src(%dma_wait3A_66 : memref<312xi32, #tpu.memory_space<hbm>>) dst(%dma_wait3A_65 : memref<312xi32, #tpu.memory_space<vmem>>)
      tpu.yield
    }) : () -> ()
    %eq3A_5 = arith.constant 31 : i32
    %eq3A_6 = arith.cmpi eq, %add3A, %eq3A_5 : i32
    %convert_element_type3A = arith.extui %eq3A_6 : i1 to i32
    %cond3A = arith.constant 0 : i32
    %cond3A_7 = arith.cmpi ne, %convert_element_type3A, %cond3A : i32
    scf.if %cond3A_7 {
      "tpu.region"() ({
        %run_scoped3A = tpu.sem_alloc : memref<!tpu.dma_semaphore, #tpu.memory_space<semaphore_mem>>
        %dma_start3A = arith.constant 312 : i32
        %dma_start3A_57 = tpu.memref_slice %arg6[%dma_start3A] : memref<336xi32, #tpu.memory_space<vmem>> -> memref<16xi32, #tpu.memory_space<vmem>>
        %dma_start3A_58 = arith.constant 9984 : i32
        %dma_start3A_59 = tpu.memref_slice %arg3[%dma_start3A_58] : memref<10000xi32, #tpu.memory_space<hbm>> -> memref<16xi32, #tpu.memory_space<hbm>>
        %dma_start3A_60 = arith.constant 312 : i32
        %dma_start3A_61 = tpu.memref_slice %arg6[%dma_start3A_60] : memref<336xi32, #tpu.memory_space<vmem>> -> memref<16xi32, #tpu.memory_space<vmem>>
        %dma_start3A_62 = arith.constant 9984 : i32
        %dma_start3A_63 = tpu.memref_slice %arg3[%dma_start3A_62] : memref<10000xi32, #tpu.memory_space<hbm>> -> memref<16xi32, #tpu.memory_space<hbm>>
        tpu.enqueue_dma source(%dma_start3A_63 : memref<16xi32, #tpu.memory_space<hbm>>) target(%dma_start3A_61 : memref<16xi32, #tpu.memory_space<vmem>>) target_semaphore(%run_scoped3A : memref<!tpu.dma_semaphore, #tpu.memory_space<semaphore_mem>>)
        %dma_wait3A = arith.constant 312 : i32
        %dma_wait3A_64 = tpu.memref_slice %arg6[%dma_wait3A] : memref<336xi32, #tpu.memory_space<vmem>> -> memref<16xi32, #tpu.memory_space<vmem>>
        %dma_wait3A_65 = arith.constant 9984 : i32
        %dma_wait3A_66 = tpu.memref_slice %arg3[%dma_wait3A_65] : memref<10000xi32, #tpu.memory_space<hbm>> -> memref<16xi32, #tpu.memory_space<hbm>>
        %dma_wait3A_67 = arith.constant 312 : i32
        %dma_wait3A_68 = tpu.memref_slice %arg6[%dma_wait3A_67] : memref<336xi32, #tpu.memory_space<vmem>> -> memref<16xi32, #tpu.memory_space<vmem>>
        %dma_wait3A_69 = arith.constant 9984 : i32
        %dma_wait3A_70 = tpu.memref_slice %arg3[%dma_wait3A_69] : memref<10000xi32, #tpu.memory_space<hbm>> -> memref<16xi32, #tpu.memory_space<hbm>>
        tpu.wait_dma2 semaphore(%run_scoped3A : memref<!tpu.dma_semaphore, #tpu.memory_space<semaphore_mem>>) src(%dma_wait3A_70 : memref<16xi32, #tpu.memory_space<hbm>>) dst(%dma_wait3A_68 : memref<16xi32, #tpu.memory_space<vmem>>)
        tpu.yield
      }) : () -> ()
    } else {
    }
    %broadcast_in_dim3A = arith.constant 0.000000e+00 : f32
    %broadcast_in_dim3A_8 = vector.broadcast %broadcast_in_dim3A : f32 to vector<16xf32>
    %scan3A = arith.constant 0 : i32
    %scan3A_9 = arith.constant 0 : i32
    %scan3A_10 = arith.constant 136 : i32
    %scan3A_11 = arith.addi %scan3A_9, %scan3A_10 : i32
    %scan3A_12 = arith.constant 8 : i32
    %scan3A_13 = scf.for %scan3A_57 = %scan3A_9 to %scan3A_11 step %scan3A_12 iter_args(%scan3A_58 = %scan3A) -> (i32)  : i32 {
      %swap3A = arith.index_cast %scan3A_57 : i32 to index
      %swap3A_59 = arith.constant 0 : index
      %swap3A_60 = tpu.vector_load %arg9[%swap3A, %swap3A_59] {strides = array<i32>} : memref<136x16xf32, #tpu.memory_space<vmem>>, vector<1x16xf32>,
      %swap3A_61 = vector.shape_cast %swap3A_60 : vector<1x16xf32> to vector<16xf32>
      %swap3A_62 = vector.shape_cast %broadcast_in_dim3A_8 : vector<16xf32> to vector<1x16xf32>
      tpu.vector_store %arg9[%swap3A, %swap3A_59], %swap3A_62 {strides = array<i32>} : memref<136x16xf32, #tpu.memory_space<vmem>>, vector<1x16xf32>,
      %scan3A_63 = arith.constant 0 : i32
      %scan3A_64 = arith.constant 1 : i32
      %scan3A_65 = arith.addi %scan3A_57, %scan3A_64 : i32
      %swap3A_66 = arith.index_cast %scan3A_65 : i32 to index
      %swap3A_67 = arith.constant 0 : index
      %swap3A_68 = tpu.vector_load %arg9[%swap3A_66, %swap3A_67] {strides = array<i32>} : memref<136x16xf32, #tpu.memory_space<vmem>>, vector<1x16xf32>,
      %swap3A_69 = vector.shape_cast %swap3A_68 : vector<1x16xf32> to vector<16xf32>
      %swap3A_70 = vector.shape_cast %broadcast_in_dim3A_8 : vector<16xf32> to vector<1x16xf32>
      tpu.vector_store %arg9[%swap3A_66, %swap3A_67], %swap3A_70 {strides = array<i32>} : memref<136x16xf32, #tpu.memory_space<vmem>>, vector<1x16xf32>,
      %scan3A_71 = arith.constant 0 : i32
      %scan3A_72 = arith.constant 2 : i32
      %scan3A_73 = arith.addi %scan3A_57, %scan3A_72 : i32
      %swap3A_74 = arith.index_cast %scan3A_73 : i32 to index
      %swap3A_75 = arith.constant 0 : index
      %swap3A_76 = tpu.vector_load %arg9[%swap3A_74, %swap3A_75] {strides = array<i32>} : memref<136x16xf32, #tpu.memory_space<vmem>>, vector<1x16xf32>,
      %swap3A_77 = vector.shape_cast %swap3A_76 : vector<1x16xf32> to vector<16xf32>
      %swap3A_78 = vector.shape_cast %broadcast_in_dim3A_8 : vector<16xf32> to vector<1x16xf32>
      tpu.vector_store %arg9[%swap3A_74, %swap3A_75], %swap3A_78 {strides = array<i32>} : memref<136x16xf32, #tpu.memory_space<vmem>>, vector<1x16xf32>,
      %scan3A_79 = arith.constant 0 : i32
      %scan3A_80 = arith.constant 3 : i32
      %scan3A_81 = arith.addi %scan3A_57, %scan3A_80 : i32
      %swap3A_82 = arith.index_cast %scan3A_81 : i32 to index
      %swap3A_83 = arith.constant 0 : index
      %swap3A_84 = tpu.vector_load %arg9[%swap3A_82, %swap3A_83] {strides = array<i32>} : memref<136x16xf32, #tpu.memory_space<vmem>>, vector<1x16xf32>,
      %swap3A_85 = vector.shape_cast %swap3A_84 : vector<1x16xf32> to vector<16xf32>
      %swap3A_86 = vector.shape_cast %broadcast_in_dim3A_8 : vector<16xf32> to vector<1x16xf32>
      tpu.vector_store %arg9[%swap3A_82, %swap3A_83], %swap3A_86 {strides = array<i32>} : memref<136x16xf32, #tpu.memory_space<vmem>>, vector<1x16xf32>,
      %scan3A_87 = arith.constant 0 : i32
      %scan3A_88 = arith.constant 4 : i32
      %scan3A_89 = arith.addi %scan3A_57, %scan3A_88 : i32
      %swap3A_90 = arith.index_cast %scan3A_89 : i32 to index
      %swap3A_91 = arith.constant 0 : index
      %swap3A_92 = tpu.vector_load %arg9[%swap3A_90, %swap3A_91] {strides = array<i32>} : memref<136x16xf32, #tpu.memory_space<vmem>>, vector<1x16xf32>,
      %swap3A_93 = vector.shape_cast %swap3A_92 : vector<1x16xf32> to vector<16xf32>
      %swap3A_94 = vector.shape_cast %broadcast_in_dim3A_8 : vector<16xf32> to vector<1x16xf32>
      tpu.vector_store %arg9[%swap3A_90, %swap3A_91], %swap3A_94 {strides = array<i32>} : memref<136x16xf32, #tpu.memory_space<vmem>>, vector<1x16xf32>,
      %scan3A_95 = arith.constant 0 : i32
      %scan3A_96 = arith.constant 5 : i32
      %scan3A_97 = arith.addi %scan3A_57, %scan3A_96 : i32
      %swap3A_98 = arith.index_cast %scan3A_97 : i32 to index
      %swap3A_99 = arith.constant 0 : index
      %swap3A_100 = tpu.vector_load %arg9[%swap3A_98, %swap3A_99] {strides = array<i32>} : memref<136x16xf32, #tpu.memory_space<vmem>>, vector<1x16xf32>,
      %swap3A_101 = vector.shape_cast %swap3A_100 : vector<1x16xf32> to vector<16xf32>
      %swap3A_102 = vector.shape_cast %broadcast_in_dim3A_8 : vector<16xf32> to vector<1x16xf32>
      tpu.vector_store %arg9[%swap3A_98, %swap3A_99], %swap3A_102 {strides = array<i32>} : memref<136x16xf32, #tpu.memory_space<vmem>>, vector<1x16xf32>,
      %scan3A_103 = arith.constant 0 : i32
      %scan3A_104 = arith.constant 6 : i32
      %scan3A_105 = arith.addi %scan3A_57, %scan3A_104 : i32
      %swap3A_106 = arith.index_cast %scan3A_105 : i32 to index
      %swap3A_107 = arith.constant 0 : index
      %swap3A_108 = tpu.vector_load %arg9[%swap3A_106, %swap3A_107] {strides = array<i32>} : memref<136x16xf32, #tpu.memory_space<vmem>>, vector<1x16xf32>,
      %swap3A_109 = vector.shape_cast %swap3A_108 : vector<1x16xf32> to vector<16xf32>
      %swap3A_110 = vector.shape_cast %broadcast_in_dim3A_8 : vector<16xf32> to vector<1x16xf32>
      tpu.vector_store %arg9[%swap3A_106, %swap3A_107], %swap3A_110 {strides = array<i32>} : memref<136x16xf32, #tpu.memory_space<vmem>>, vector<1x16xf32>,
      %scan3A_111 = arith.constant 0 : i32
      %scan3A_112 = arith.constant 7 : i32
      %scan3A_113 = arith.addi %scan3A_57, %scan3A_112 : i32
      %swap3A_114 = arith.index_cast %scan3A_113 : i32 to index
      %swap3A_115 = arith.constant 0 : index
      %swap3A_116 = tpu.vector_load %arg9[%swap3A_114, %swap3A_115] {strides = array<i32>} : memref<136x16xf32, #tpu.memory_space<vmem>>, vector<1x16xf32>,
      %swap3A_117 = vector.shape_cast %swap3A_116 : vector<1x16xf32> to vector<16xf32>
      %swap3A_118 = vector.shape_cast %broadcast_in_dim3A_8 : vector<16xf32> to vector<1x16xf32>
      tpu.vector_store %arg9[%swap3A_114, %swap3A_115], %swap3A_118 {strides = array<i32>} : memref<136x16xf32, #tpu.memory_space<vmem>>, vector<1x16xf32>,
      %scan3A_119 = arith.constant 0 : i32
      scf.yield %scan3A_119 : i32
    }
    %scan3A_14 = arith.constant 136 : i32
    %iota3A = tpu.iota {dimensions = array<i32: 0>} : vector<16xi32>
    %broadcast_in_dim3A_15 = arith.constant 1.000000e+00 : f32
    %broadcast_in_dim3A_16 = vector.broadcast %broadcast_in_dim3A_15 : f32 to vector<16xf32>
    %broadcast_in_dim3A_17 = arith.constant 0.000000e+00 : f32
    %broadcast_in_dim3A_18 = vector.broadcast %broadcast_in_dim3A_17 : f32 to vector<16xf32>
    %broadcast_in_dim3A_19 = arith.constant 0.000000e+00 : f32
    %broadcast_in_dim3A_20 = vector.broadcast %broadcast_in_dim3A_19 : f32 to vector<16xf32>
    %broadcast_in_dim3A_21 = arith.constant 0.000000e+00 : f32
    %broadcast_in_dim3A_22 = vector.broadcast %broadcast_in_dim3A_21 : f32 to vector<16xf32>
    %broadcast_in_dim3A_23 = arith.constant 0.000000e+00 : f32
    %broadcast_in_dim3A_24 = vector.broadcast %broadcast_in_dim3A_23 : f32 to vector<16xf32>
    %broadcast_in_dim3A_25 = arith.constant 0.000000e+00 : f32
    %broadcast_in_dim3A_26 = vector.broadcast %broadcast_in_dim3A_25 : f32 to vector<16xf32>
    %broadcast_in_dim3A_27 = arith.constant 0.000000e+00 : f32
    %broadcast_in_dim3A_28 = vector.broadcast %broadcast_in_dim3A_27 : f32 to vector<16xf32>
    %broadcast_in_dim3A_29 = arith.constant 0.000000e+00 : f32
    %broadcast_in_dim3A_30 = vector.broadcast %broadcast_in_dim3A_29 : f32 to vector<16xf32>
    %broadcast_in_dim3A_31 = arith.constant 0.000000e+00 : f32
    %broadcast_in_dim3A_32 = vector.broadcast %broadcast_in_dim3A_31 : f32 to vector<16xf32>
    %broadcast_in_dim3A_33 = arith.constant 0.000000e+00 : f32
    %broadcast_in_dim3A_34 = vector.broadcast %broadcast_in_dim3A_33 : f32 to vector<16xf32>
    %broadcast_in_dim3A_35 = arith.constant 0.000000e+00 : f32
    %broadcast_in_dim3A_36 = vector.broadcast %broadcast_in_dim3A_35 : f32 to vector<16xf32>
    %broadcast_in_dim3A_37 = arith.constant 0.000000e+00 : f32
    %broadcast_in_dim3A_38 = vector.broadcast %broadcast_in_dim3A_37 : f32 to vector<16xf32>
    %broadcast_in_dim3A_39 = arith.constant 0.000000e+00 : f32
    %broadcast_in_dim3A_40 = vector.broadcast %broadcast_in_dim3A_39 : f32 to vector<16xf32>
    %broadcast_in_dim3A_41 = arith.constant 0.000000e+00 : f32
    %broadcast_in_dim3A_42 = vector.broadcast %broadcast_in_dim3A_41 : f32 to vector<16xf32>
    %broadcast_in_dim3A_43 = arith.constant 0.000000e+00 : f32
    %broadcast_in_dim3A_44 = vector.broadcast %broadcast_in_dim3A_43 : f32 to vector<16xf32>
    %broadcast_in_dim3A_45 = arith.constant 0.000000e+00 : f32
    %broadcast_in_dim3A_46 = vector.broadcast %broadcast_in_dim3A_45 : f32 to vector<16xf32>
    %broadcast_in_dim3A_47 = arith.constant 0.000000e+00 : f32
    %broadcast_in_dim3A_48 = vector.broadcast %broadcast_in_dim3A_47 : f32 to vector<16xf32>
    %scan3A_49 = arith.constant 128 : i32
    %scan3A_50 = arith.constant 0 : i32
    %scan3A_51 = arith.constant 0 : i32
    %scan3A_52 = arith.constant 3 : i32
    %scan3A_53 = arith.addi %scan3A_51, %scan3A_52 : i32
    %scan3A_54 = arith.constant 1 : i32
    %scan3A_55:18 = scf.for %scan3A_57 = %scan3A_51 to %scan3A_53 step %scan3A_54 iter_args(%scan3A_58 = %scan3A_49, %scan3A_59 = %scan3A_50, %scan3A_60 = %broadcast_in_dim3A_18, %scan3A_61 = %broadcast_in_dim3A_20, %scan3A_62 = %broadcast_in_dim3A_22, %scan3A_63 = %broadcast_in_dim3A_24, %scan3A_64 = %broadcast_in_dim3A_26, %scan3A_65 = %broadcast_in_dim3A_28, %scan3A_66 = %broadcast_in_dim3A_30, %scan3A_67 = %broadcast_in_dim3A_32, %scan3A_68 = %broadcast_in_dim3A_34, %scan3A_69 = %broadcast_in_dim3A_36, %scan3A_70 = %broadcast_in_dim3A_38, %scan3A_71 = %broadcast_in_dim3A_40, %scan3A_72 = %broadcast_in_dim3A_42, %scan3A_73 = %broadcast_in_dim3A_44, %scan3A_74 = %broadcast_in_dim3A_46, %scan3A_75 = %broadcast_in_dim3A_48) -> (i32, i32, vector<16xf32>, vector<16xf32>, vector<16xf32>, vector<16xf32>, vector<16xf32>, vector<16xf32>, vector<16xf32>, vector<16xf32>, vector<16xf32>, vector<16xf32>, vector<16xf32>, vector<16xf32>, vector<16xf32>, vector<16xf32>, vector<16xf32>, vector<16xf32>)  : i32 {
      %mul3A_76 = arith.constant 112 : i32
      %mul3A_77 = arith.muli %scan3A_57, %mul3A_76 : i32
      %lt3A = arith.constant 2 : i32
      %lt3A_78 = arith.cmpi slt, %scan3A_57, %lt3A : i32
      %convert_element_type3A_79 = arith.extui %lt3A_78 : i1 to i32
      %cond3A_80 = arith.constant 0 : i32
      %cond3A_81 = arith.cmpi ne, %convert_element_type3A_79, %cond3A_80 : i32
      scf.if %cond3A_81 {
        %add3A_93 = arith.addi %mul3A_2, %mul3A_77 : i32
        "tpu.region"() ({
          %run_scoped3A = tpu.sem_alloc : memref<!tpu.dma_semaphore, #tpu.memory_space<semaphore_mem>>
          %dma_start3A = arith.constant 0 : i32
          %dma_start3A_94 = tpu.memref_slice %arg2[%add3A_93, %dma_start3A] : memref<10000x256xf32, #tpu.memory_space<hbm>> -> memref<112x256xf32, #tpu.memory_space<hbm>>
          %dma_start3A_95 = arith.constant 0 : i32
          %dma_start3A_96 = tpu.memref_slice %arg2[%add3A_93, %dma_start3A_95] : memref<10000x256xf32, #tpu.memory_space<hbm>> -> memref<112x256xf32, #tpu.memory_space<hbm>>
          tpu.enqueue_dma source(%dma_start3A_96 : memref<112x256xf32, #tpu.memory_space<hbm>>) target(%arg7 : memref<112x256xf32, #tpu.memory_space<vmem>>) target_semaphore(%run_scoped3A : memref<!tpu.dma_semaphore, #tpu.memory_space<semaphore_mem>>)
          %dma_wait3A = arith.constant 0 : i32
          %dma_wait3A_97 = tpu.memref_slice %arg2[%add3A_93, %dma_wait3A] : memref<10000x256xf32, #tpu.memory_space<hbm>> -> memref<112x256xf32, #tpu.memory_space<hbm>>
          %dma_wait3A_98 = arith.constant 0 : i32
          %dma_wait3A_99 = tpu.memref_slice %arg2[%add3A_93, %dma_wait3A_98] : memref<10000x256xf32, #tpu.memory_space<hbm>> -> memref<112x256xf32, #tpu.memory_space<hbm>>
          tpu.wait_dma2 semaphore(%run_scoped3A : memref<!tpu.dma_semaphore, #tpu.memory_space<semaphore_mem>>) src(%dma_wait3A_99 : memref<112x256xf32, #tpu.memory_space<hbm>>) dst(%arg7 : memref<112x256xf32, #tpu.memory_space<vmem>>)
          tpu.yield
        }) : () -> ()
      } else {
      }
      %eq3A_82 = arith.constant 2 : i32
      %eq3A_83 = arith.cmpi eq, %scan3A_57, %eq3A_82 : i32
      %convert_element_type3A_84 = arith.extui %eq3A_83 : i1 to i32
      %cond3A_85 = arith.constant 0 : i32
      %cond3A_86 = arith.cmpi ne, %convert_element_type3A_84, %cond3A_85 : i32
      scf.if %cond3A_86 {
        %add3A_93 = arith.constant 224 : i32
        %add3A_94 = arith.addi %mul3A_2, %add3A_93 : i32
        "tpu.region"() ({
          %run_scoped3A = tpu.sem_alloc : memref<!tpu.dma_semaphore, #tpu.memory_space<semaphore_mem>>
          %dma_start3A = arith.constant 0 : i32
          %dma_start3A_100 = arith.constant 0 : i32
          %dma_start3A_101 = tpu.memref_slice %arg7[%dma_start3A, %dma_start3A_100] : memref<112x256xf32, #tpu.memory_space<vmem>> -> memref<88x256xf32, #tpu.memory_space<vmem>>
          %dma_start3A_102 = arith.constant 0 : i32
          %dma_start3A_103 = tpu.memref_slice %arg2[%add3A_94, %dma_start3A_102] : memref<10000x256xf32, #tpu.memory_space<hbm>> -> memref<88x256xf32, #tpu.memory_space<hbm>>
          %dma_start3A_104 = arith.constant 0 : i32
          %dma_start3A_105 = arith.constant 0 : i32
          %dma_start3A_106 = tpu.memref_slice %arg7[%dma_start3A_104, %dma_start3A_105] : memref<112x256xf32, #tpu.memory_space<vmem>> -> memref<88x256xf32, #tpu.memory_space<vmem>>
          %dma_start3A_107 = arith.constant 0 : i32
          %dma_start3A_108 = tpu.memref_slice %arg2[%add3A_94, %dma_start3A_107] : memref<10000x256xf32, #tpu.memory_space<hbm>> -> memref<88x256xf32, #tpu.memory_space<hbm>>
          tpu.enqueue_dma source(%dma_start3A_108 : memref<88x256xf32, #tpu.memory_space<hbm>>) target(%dma_start3A_106 : memref<88x256xf32, #tpu.memory_space<vmem>>) target_semaphore(%run_scoped3A : memref<!tpu.dma_semaphore, #tpu.memory_space<semaphore_mem>>)
          %dma_wait3A = arith.constant 0 : i32
          %dma_wait3A_109 = arith.constant 0 : i32
          %dma_wait3A_110 = tpu.memref_slice %arg7[%dma_wait3A, %dma_wait3A_109] : memref<112x256xf32, #tpu.memory_space<vmem>> -> memref<88x256xf32, #tpu.memory_space<vmem>>
          %dma_wait3A_111 = arith.constant 0 : i32
          %dma_wait3A_112 = tpu.memref_slice %arg2[%add3A_94, %dma_wait3A_111] : memref<10000x256xf32, #tpu.memory_space<hbm>> -> memref<88x256xf32, #tpu.memory_space<hbm>>
          %dma_wait3A_113 = arith.constant 0 : i32
          %dma_wait3A_114 = arith.constant 0 : i32
          %dma_wait3A_115 = tpu.memref_slice %arg7[%dma_wait3A_113, %dma_wait3A_114] : memref<112x256xf32, #tpu.memory_space<vmem>> -> memref<88x256xf32, #tpu.memory_space<vmem>>
          %dma_wait3A_116 = arith.constant 0 : i32
          %dma_wait3A_117 = tpu.memref_slice %arg2[%add3A_94, %dma_wait3A_116] : memref<10000x256xf32, #tpu.memory_space<hbm>> -> memref<88x256xf32, #tpu.memory_space<hbm>>
          tpu.wait_dma2 semaphore(%run_scoped3A : memref<!tpu.dma_semaphore, #tpu.memory_space<semaphore_mem>>) src(%dma_wait3A_117 : memref<88x256xf32, #tpu.memory_space<hbm>>) dst(%dma_wait3A_115 : memref<88x256xf32, #tpu.memory_space<vmem>>)
          tpu.yield
        }) : () -> ()
        %eq3A_95 = arith.constant 31 : i32
        %eq3A_96 = arith.cmpi eq, %add3A, %eq3A_95 : i32
        %convert_element_type3A_97 = arith.extui %eq3A_96 : i1 to i32
        %cond3A_98 = arith.constant 0 : i32
        %cond3A_99 = arith.cmpi ne, %convert_element_type3A_97, %cond3A_98 : i32
        scf.if %cond3A_99 {
          "tpu.region"() ({
            %run_scoped3A = tpu.sem_alloc : memref<!tpu.dma_semaphore, #tpu.memory_space<semaphore_mem>>
            %dma_start3A = arith.constant 88 : i32
            %dma_start3A_100 = arith.constant 0 : i32
            %dma_start3A_101 = tpu.memref_slice %arg7[%dma_start3A, %dma_start3A_100] : memref<112x256xf32, #tpu.memory_space<vmem>> -> memref<16x256xf32, #tpu.memory_space<vmem>>
            %dma_start3A_102 = arith.constant 9984 : i32
            %dma_start3A_103 = arith.constant 0 : i32
            %dma_start3A_104 = tpu.memref_slice %arg2[%dma_start3A_102, %dma_start3A_103] : memref<10000x256xf32, #tpu.memory_space<hbm>> -> memref<16x256xf32, #tpu.memory_space<hbm>>
            %dma_start3A_105 = arith.constant 88 : i32
            %dma_start3A_106 = arith.constant 0 : i32
            %dma_start3A_107 = tpu.memref_slice %arg7[%dma_start3A_105, %dma_start3A_106] : memref<112x256xf32, #tpu.memory_space<vmem>> -> memref<16x256xf32, #tpu.memory_space<vmem>>
            %dma_start3A_108 = arith.constant 9984 : i32
            %dma_start3A_109 = arith.constant 0 : i32
            %dma_start3A_110 = tpu.memref_slice %arg2[%dma_start3A_108, %dma_start3A_109] : memref<10000x256xf32, #tpu.memory_space<hbm>> -> memref<16x256xf32, #tpu.memory_space<hbm>>
            tpu.enqueue_dma source(%dma_start3A_110 : memref<16x256xf32, #tpu.memory_space<hbm>>) target(%dma_start3A_107 : memref<16x256xf32, #tpu.memory_space<vmem>>) target_semaphore(%run_scoped3A : memref<!tpu.dma_semaphore, #tpu.memory_space<semaphore_mem>>)
            %dma_wait3A = arith.constant 88 : i32
            %dma_wait3A_111 = arith.constant 0 : i32
            %dma_wait3A_112 = tpu.memref_slice %arg7[%dma_wait3A, %dma_wait3A_111] : memref<112x256xf32, #tpu.memory_space<vmem>> -> memref<16x256xf32, #tpu.memory_space<vmem>>
            %dma_wait3A_113 = arith.constant 9984 : i32
            %dma_wait3A_114 = arith.constant 0 : i32
            %dma_wait3A_115 = tpu.memref_slice %arg2[%dma_wait3A_113, %dma_wait3A_114] : memref<10000x256xf32, #tpu.memory_space<hbm>> -> memref<16x256xf32, #tpu.memory_space<hbm>>
            %dma_wait3A_116 = arith.constant 88 : i32
            %dma_wait3A_117 = arith.constant 0 : i32
            %dma_wait3A_118 = tpu.memref_slice %arg7[%dma_wait3A_116, %dma_wait3A_117] : memref<112x256xf32, #tpu.memory_space<vmem>> -> memref<16x256xf32, #tpu.memory_space<vmem>>
            %dma_wait3A_119 = arith.constant 9984 : i32
            %dma_wait3A_120 = arith.constant 0 : i32
            %dma_wait3A_121 = tpu.memref_slice %arg2[%dma_wait3A_119, %dma_wait3A_120] : memref<10000x256xf32, #tpu.memory_space<hbm>> -> memref<16x256xf32, #tpu.memory_space<hbm>>
            tpu.wait_dma2 semaphore(%run_scoped3A : memref<!tpu.dma_semaphore, #tpu.memory_space<semaphore_mem>>) src(%dma_wait3A_121 : memref<16x256xf32, #tpu.memory_space<hbm>>) dst(%dma_wait3A_118 : memref<16x256xf32, #tpu.memory_space<vmem>>)
            tpu.yield
          }) : () -> ()
        } else {
        }
      } else {
      }
      %scan3A_87 = arith.constant 0 : i32
      %scan3A_88 = arith.constant 7 : i32
      %scan3A_89 = arith.addi %scan3A_87, %scan3A_88 : i32
      %scan3A_90 = arith.constant 1 : i32
      %scan3A_91:18 = scf.for %scan3A_93 = %scan3A_87 to %scan3A_89 step %scan3A_90 iter_args(%scan3A_94 = %scan3A_58, %scan3A_95 = %scan3A_59, %scan3A_96 = %scan3A_60, %scan3A_97 = %scan3A_61, %scan3A_98 = %scan3A_62, %scan3A_99 = %scan3A_63, %scan3A_100 = %scan3A_64, %scan3A_101 = %scan3A_65, %scan3A_102 = %scan3A_66, %scan3A_103 = %scan3A_67, %scan3A_104 = %scan3A_68, %scan3A_105 = %scan3A_69, %scan3A_106 = %scan3A_70, %scan3A_107 = %scan3A_71, %scan3A_108 = %scan3A_72, %scan3A_109 = %scan3A_73, %scan3A_110 = %scan3A_74, %scan3A_111 = %scan3A_75) -> (i32, i32, vector<16xf32>, vector<16xf32>, vector<16xf32>, vector<16xf32>, vector<16xf32>, vector<16xf32>, vector<16xf32>, vector<16xf32>, vector<16xf32>, vector<16xf32>, vector<16xf32>, vector<16xf32>, vector<16xf32>, vector<16xf32>, vector<16xf32>, vector<16xf32>)  : i32 {
        %mul3A_112 = arith.constant 16 : i32
        %mul3A_113 = arith.muli %scan3A_93, %mul3A_112 : i32
        %add3A_114 = arith.addi %mul3A_77, %mul3A_113 : i32
        %get3A = arith.index_cast %add3A_114 : i32 to index
        %get3A_115 = tpu.vector_load %arg6[%get3A] {strides = array<i32>} : memref<336xi32, #tpu.memory_space<vmem>>, vector<16xi32>,
        %get3A_116 = vector.shape_cast %get3A_115 : vector<16xi32> to vector<16xi32>
        %mul3A_117 = arith.constant 16 : i32
        %mul3A_118 = arith.muli %scan3A_93, %mul3A_117 : i32
        %add3A_119 = arith.addi %mul3A_77, %mul3A_118 : i32
        %add3A_120 = vector.broadcast %add3A_119 : i32 to vector<16xi32>
        %add3A_121 = arith.addi %add3A_120, %iota3A : vector<16xi32>
        %lt3A_122 = vector.broadcast %select_n3A : i32 to vector<16xi32>
        %lt3A_123 = arith.cmpi slt, %add3A_121, %lt3A_122 : vector<16xi32>
        %jit3A_124 = arith.constant 128 : i32
        %broadcast_in_dim3A_125 = vector.broadcast %jit3A_124 : i32 to vector<16xi32>
        %select_n3A_126 = arith.select %lt3A_123, %get3A_116, %broadcast_in_dim3A_125 : vector<16xi1>, vector<16xi32>
        %mul3A_127 = arith.constant 16 : i32
        %mul3A_128 = arith.muli %scan3A_93, %mul3A_127 : i32
        %add3A_129 = arith.constant 0 : i32
        %add3A_130 = arith.addi %mul3A_128, %add3A_129 : i32
        %get3A_131 = arith.index_cast %add3A_130 : i32 to index
        %get3A_132 = arith.constant 0 : index
        %get3A_133 = tpu.vector_load %arg7[%get3A_131, %get3A_132] {strides = array<i32>} : memref<112x256xf32, #tpu.memory_space<vmem>>, vector<1x16xf32>,
        %get3A_134 = vector.shape_cast %get3A_133 : vector<1x16xf32> to vector<16xf32>
        %get3A_135 = arith.index_cast %add3A_130 : i32 to index
        %get3A_136 = arith.constant 16 : index
        %get3A_137 = tpu.vector_load %arg7[%get3A_135, %get3A_136] {strides = array<i32>} : memref<112x256xf32, #tpu.memory_space<vmem>>, vector<1x16xf32>,
        %get3A_138 = vector.shape_cast %get3A_137 : vector<1x16xf32> to vector<16xf32>
        %get3A_139 = arith.index_cast %add3A_130 : i32 to index
        %get3A_140 = arith.constant 32 : index
        %get3A_141 = tpu.vector_load %arg7[%get3A_139, %get3A_140] {strides = array<i32>} : memref<112x256xf32, #tpu.memory_space<vmem>>, vector<1x16xf32>,
        %get3A_142 = vector.shape_cast %get3A_141 : vector<1x16xf32> to vector<16xf32>
        %get3A_143 = arith.index_cast %add3A_130 : i32 to index
        %get3A_144 = arith.constant 48 : index
        %get3A_145 = tpu.vector_load %arg7[%get3A_143, %get3A_144] {strides = array<i32>} : memref<112x256xf32, #tpu.memory_space<vmem>>, vector<1x16xf32>,
        %get3A_146 = vector.shape_cast %get3A_145 : vector<1x16xf32> to vector<16xf32>
        %get3A_147 = arith.index_cast %add3A_130 : i32 to index
        %get3A_148 = arith.constant 64 : index
        %get3A_149 = tpu.vector_load %arg7[%get3A_147, %get3A_148] {strides = array<i32>} : memref<112x256xf32, #tpu.memory_space<vmem>>, vector<1x16xf32>,
        %get3A_150 = vector.shape_cast %get3A_149 : vector<1x16xf32> to vector<16xf32>
        %get3A_151 = arith.index_cast %add3A_130 : i32 to index
        %get3A_152 = arith.constant 80 : index
        %get3A_153 = tpu.vector_load %arg7[%get3A_151, %get3A_152] {strides = array<i32>} : memref<112x256xf32, #tpu.memory_space<vmem>>, vector<1x16xf32>,
        %get3A_154 = vector.shape_cast %get3A_153 : vector<1x16xf32> to vector<16xf32>
        %get3A_155 = arith.index_cast %add3A_130 : i32 to index
        %get3A_156 = arith.constant 96 : index
        %get3A_157 = tpu.vector_load %arg7[%get3A_155, %get3A_156] {strides = array<i32>} : memref<112x256xf32, #tpu.memory_space<vmem>>, vector<1x16xf32>,
        %get3A_158 = vector.shape_cast %get3A_157 : vector<1x16xf32> to vector<16xf32>
        %get3A_159 = arith.index_cast %add3A_130 : i32 to index
        %get3A_160 = arith.constant 112 : index
        %get3A_161 = tpu.vector_load %arg7[%get3A_159, %get3A_160] {strides = array<i32>} : memref<112x256xf32, #tpu.memory_space<vmem>>, vector<1x16xf32>,
        %get3A_162 = vector.shape_cast %get3A_161 : vector<1x16xf32> to vector<16xf32>
        %get3A_163 = arith.index_cast %add3A_130 : i32 to index
        %get3A_164 = arith.constant 128 : index
        %get3A_165 = tpu.vector_load %arg7[%get3A_163, %get3A_164] {strides = array<i32>} : memref<112x256xf32, #tpu.memory_space<vmem>>, vector<1x16xf32>,
        %get3A_166 = vector.shape_cast %get3A_165 : vector<1x16xf32> to vector<16xf32>
        %get3A_167 = arith.index_cast %add3A_130 : i32 to index
        %get3A_168 = arith.constant 144 : index
        %get3A_169 = tpu.vector_load %arg7[%get3A_167, %get3A_168] {strides = array<i32>} : memref<112x256xf32, #tpu.memory_space<vmem>>, vector<1x16xf32>,
        %get3A_170 = vector.shape_cast %get3A_169 : vector<1x16xf32> to vector<16xf32>
        %get3A_171 = arith.index_cast %add3A_130 : i32 to index
        %get3A_172 = arith.constant 160 : index
        %get3A_173 = tpu.vector_load %arg7[%get3A_171, %get3A_172] {strides = array<i32>} : memref<112x256xf32, #tpu.memory_space<vmem>>, vector<1x16xf32>,
        %get3A_174 = vector.shape_cast %get3A_173 : vector<1x16xf32> to vector<16xf32>
        %get3A_175 = arith.index_cast %add3A_130 : i32 to index
        %get3A_176 = arith.constant 176 : index
        %get3A_177 = tpu.vector_load %arg7[%get3A_175, %get3A_176] {strides = array<i32>} : memref<112x256xf32, #tpu.memory_space<vmem>>, vector<1x16xf32>,
        %get3A_178 = vector.shape_cast %get3A_177 : vector<1x16xf32> to vector<16xf32>
        %get3A_179 = arith.index_cast %add3A_130 : i32 to index
        %get3A_180 = arith.constant 192 : index
        %get3A_181 = tpu.vector_load %arg7[%get3A_179, %get3A_180] {strides = array<i32>} : memref<112x256xf32, #tpu.memory_space<vmem>>, vector<1x16xf32>,
        %get3A_182 = vector.shape_cast %get3A_181 : vector<1x16xf32> to vector<16xf32>
        %get3A_183 = arith.index_cast %add3A_130 : i32 to index
        %get3A_184 = arith.constant 208 : index
        %get3A_185 = tpu.vector_load %arg7[%get3A_183, %get3A_184] {strides = array<i32>} : memref<112x256xf32, #tpu.memory_space<vmem>>, vector<1x16xf32>,
        %get3A_186 = vector.shape_cast %get3A_185 : vector<1x16xf32> to vector<16xf32>
        %get3A_187 = arith.index_cast %add3A_130 : i32 to index
        %get3A_188 = arith.constant 224 : index
        %get3A_189 = tpu.vector_load %arg7[%get3A_187, %get3A_188] {strides = array<i32>} : memref<112x256xf32, #tpu.memory_space<vmem>>, vector<1x16xf32>,
        %get3A_190 = vector.shape_cast %get3A_189 : vector<1x16xf32> to vector<16xf32>
        %get3A_191 = arith.index_cast %add3A_130 : i32 to index
        %get3A_192 = arith.constant 240 : index
        %get3A_193 = tpu.vector_load %arg7[%get3A_191, %get3A_192] {strides = array<i32>} : memref<112x256xf32, #tpu.memory_space<vmem>>, vector<1x16xf32>,
        %get3A_194 = vector.shape_cast %get3A_193 : vector<1x16xf32> to vector<16xf32>
        %slice3A = vector.extract_strided_slice %select_n3A_126 {offsets = [0], sizes = [1], strides = [1]} : vector<16xi32> to vector<1xi32>
        %squeeze3A = vector.extract %slice3A[0] : i32 from vector<1xi32>
        %ne3A = arith.cmpi ne, %squeeze3A, %scan3A_94 : i32
        %select_n3A_195 = arith.select %ne3A, %squeeze3A, %scan3A_94 : i32
        %add3A_196 = arith.constant 1 : i32
        %add3A_197 = arith.addi %scan3A_95, %add3A_196 : i32
        %jit3A_198 = arith.constant 1 : i32
        %select_n3A_199 = arith.select %ne3A, %jit3A_198, %add3A_197 : i32
        %jit3A_200 = arith.constant 0.000000e+00 : f32
        %jit3A_201 = arith.constant 1.000000e+00 : f32
        %select_n3A_202 = arith.select %ne3A, %jit3A_200, %jit3A_201 : f32
        %mul3A_203 = vector.broadcast %select_n3A_202 : f32 to vector<16xf32>
        %mul3A_204 = arith.mulf %scan3A_96, %mul3A_203 : vector<16xf32>
        %add3A_205 = arith.addf %get3A_134, %mul3A_204 : vector<16xf32>
        %mul3A_206 = vector.broadcast %select_n3A_202 : f32 to vector<16xf32>
        %mul3A_207 = arith.mulf %scan3A_97, %mul3A_206 : vector<16xf32>
        %add3A_208 = arith.addf %get3A_138, %mul3A_207 : vector<16xf32>
        %mul3A_209 = vector.broadcast %select_n3A_202 : f32 to vector<16xf32>
        %mul3A_210 = arith.mulf %scan3A_98, %mul3A_209 : vector<16xf32>
        %add3A_211 = arith.addf %get3A_142, %mul3A_210 : vector<16xf32>
        %mul3A_212 = vector.broadcast %select_n3A_202 : f32 to vector<16xf32>
        %mul3A_213 = arith.mulf %scan3A_99, %mul3A_212 : vector<16xf32>
        %add3A_214 = arith.addf %get3A_146, %mul3A_213 : vector<16xf32>
        %mul3A_215 = vector.broadcast %select_n3A_202 : f32 to vector<16xf32>
        %mul3A_216 = arith.mulf %scan3A_100, %mul3A_215 : vector<16xf32>
        %add3A_217 = arith.addf %get3A_150, %mul3A_216 : vector<16xf32>
        %mul3A_218 = vector.broadcast %select_n3A_202 : f32 to vector<16xf32>
        %mul3A_219 = arith.mulf %scan3A_101, %mul3A_218 : vector<16xf32>
        %add3A_220 = arith.addf %get3A_154, %mul3A_219 : vector<16xf32>
        %mul3A_221 = vector.broadcast %select_n3A_202 : f32 to vector<16xf32>
        %mul3A_222 = arith.mulf %scan3A_102, %mul3A_221 : vector<16xf32>
        %add3A_223 = arith.addf %get3A_158, %mul3A_222 : vector<16xf32>
        %mul3A_224 = vector.broadcast %select_n3A_202 : f32 to vector<16xf32>
        %mul3A_225 = arith.mulf %scan3A_103, %mul3A_224 : vector<16xf32>
        %add3A_226 = arith.addf %get3A_162, %mul3A_225 : vector<16xf32>
        %mul3A_227 = vector.broadcast %select_n3A_202 : f32 to vector<16xf32>
        %mul3A_228 = arith.mulf %scan3A_104, %mul3A_227 : vector<16xf32>
        %add3A_229 = arith.addf %get3A_166, %mul3A_228 : vector<16xf32>
        %mul3A_230 = vector.broadcast %select_n3A_202 : f32 to vector<16xf32>
        %mul3A_231 = arith.mulf %scan3A_105, %mul3A_230 : vector<16xf32>
        %add3A_232 = arith.addf %get3A_170, %mul3A_231 : vector<16xf32>
        %mul3A_233 = vector.broadcast %select_n3A_202 : f32 to vector<16xf32>
        %mul3A_234 = arith.mulf %scan3A_106, %mul3A_233 : vector<16xf32>
        %add3A_235 = arith.addf %get3A_174, %mul3A_234 : vector<16xf32>
        %mul3A_236 = vector.broadcast %select_n3A_202 : f32 to vector<16xf32>
        %mul3A_237 = arith.mulf %scan3A_107, %mul3A_236 : vector<16xf32>
        %add3A_238 = arith.addf %get3A_178, %mul3A_237 : vector<16xf32>
        %mul3A_239 = vector.broadcast %select_n3A_202 : f32 to vector<16xf32>
        %mul3A_240 = arith.mulf %scan3A_108, %mul3A_239 : vector<16xf32>
        %add3A_241 = arith.addf %get3A_182, %mul3A_240 : vector<16xf32>
        %mul3A_242 = vector.broadcast %select_n3A_202 : f32 to vector<16xf32>
        %mul3A_243 = arith.mulf %scan3A_109, %mul3A_242 : vector<16xf32>
        %add3A_244 = arith.addf %get3A_186, %mul3A_243 : vector<16xf32>
        %mul3A_245 = vector.broadcast %select_n3A_202 : f32 to vector<16xf32>
        %mul3A_246 = arith.mulf %scan3A_110, %mul3A_245 : vector<16xf32>
        %add3A_247 = arith.addf %get3A_190, %mul3A_246 : vector<16xf32>
        %mul3A_248 = vector.broadcast %select_n3A_202 : f32 to vector<16xf32>
        %mul3A_249 = arith.mulf %scan3A_111, %mul3A_248 : vector<16xf32>
        %add3A_250 = arith.addf %get3A_194, %mul3A_249 : vector<16xf32>
        %swap3A = arith.index_cast %select_n3A_195 : i32 to index
        %swap3A_251 = arith.constant 0 : index
        %swap3A_252 = tpu.vector_load %arg8[%swap3A, %swap3A_251] {strides = array<i32>} : memref<136x256xf32, #tpu.memory_space<vmem>>, vector<1x16xf32>,
        %swap3A_253 = vector.shape_cast %swap3A_252 : vector<1x16xf32> to vector<16xf32>
        %swap3A_254 = vector.shape_cast %add3A_205 : vector<16xf32> to vector<1x16xf32>
        tpu.vector_store %arg8[%swap3A, %swap3A_251], %swap3A_254 {strides = array<i32>} : memref<136x256xf32, #tpu.memory_space<vmem>>, vector<1x16xf32>,
        %swap3A_255 = arith.index_cast %select_n3A_195 : i32 to index
        %swap3A_256 = arith.constant 16 : index
        %swap3A_257 = tpu.vector_load %arg8[%swap3A_255, %swap3A_256] {strides = array<i32>} : memref<136x256xf32, #tpu.memory_space<vmem>>, vector<1x16xf32>,
        %swap3A_258 = vector.shape_cast %swap3A_257 : vector<1x16xf32> to vector<16xf32>
        %swap3A_259 = vector.shape_cast %add3A_208 : vector<16xf32> to vector<1x16xf32>
        tpu.vector_store %arg8[%swap3A_255, %swap3A_256], %swap3A_259 {strides = array<i32>} : memref<136x256xf32, #tpu.memory_space<vmem>>, vector<1x16xf32>,
        %swap3A_260 = arith.index_cast %select_n3A_195 : i32 to index
        %swap3A_261 = arith.constant 32 : index
        %swap3A_262 = tpu.vector_load %arg8[%swap3A_260, %swap3A_261] {strides = array<i32>} : memref<136x256xf32, #tpu.memory_space<vmem>>, vector<1x16xf32>,
        %swap3A_263 = vector.shape_cast %swap3A_262 : vector<1x16xf32> to vector<16xf32>
        %swap3A_264 = vector.shape_cast %add3A_211 : vector<16xf32> to vector<1x16xf32>
        tpu.vector_store %arg8[%swap3A_260, %swap3A_261], %swap3A_264 {strides = array<i32>} : memref<136x256xf32, #tpu.memory_space<vmem>>, vector<1x16xf32>,
        %swap3A_265 = arith.index_cast %select_n3A_195 : i32 to index
        %swap3A_266 = arith.constant 48 : index
        %swap3A_267 = tpu.vector_load %arg8[%swap3A_265, %swap3A_266] {strides = array<i32>} : memref<136x256xf32, #tpu.memory_space<vmem>>, vector<1x16xf32>,
        %swap3A_268 = vector.shape_cast %swap3A_267 : vector<1x16xf32> to vector<16xf32>
        %swap3A_269 = vector.shape_cast %add3A_214 : vector<16xf32> to vector<1x16xf32>
        tpu.vector_store %arg8[%swap3A_265, %swap3A_266], %swap3A_269 {strides = array<i32>} : memref<136x256xf32, #tpu.memory_space<vmem>>, vector<1x16xf32>,
        %swap3A_270 = arith.index_cast %select_n3A_195 : i32 to index
        %swap3A_271 = arith.constant 64 : index
        %swap3A_272 = tpu.vector_load %arg8[%swap3A_270, %swap3A_271] {strides = array<i32>} : memref<136x256xf32, #tpu.memory_space<vmem>>, vector<1x16xf32>,
        %swap3A_273 = vector.shape_cast %swap3A_272 : vector<1x16xf32> to vector<16xf32>
        %swap3A_274 = vector.shape_cast %add3A_217 : vector<16xf32> to vector<1x16xf32>
        tpu.vector_store %arg8[%swap3A_270, %swap3A_271], %swap3A_274 {strides = array<i32>} : memref<136x256xf32, #tpu.memory_space<vmem>>, vector<1x16xf32>,
        %swap3A_275 = arith.index_cast %select_n3A_195 : i32 to index
        %swap3A_276 = arith.constant 80 : index
        %swap3A_277 = tpu.vector_load %arg8[%swap3A_275, %swap3A_276] {strides = array<i32>} : memref<136x256xf32, #tpu.memory_space<vmem>>, vector<1x16xf32>,
        %swap3A_278 = vector.shape_cast %swap3A_277 : vector<1x16xf32> to vector<16xf32>
        %swap3A_279 = vector.shape_cast %add3A_220 : vector<16xf32> to vector<1x16xf32>
        tpu.vector_store %arg8[%swap3A_275, %swap3A_276], %swap3A_279 {strides = array<i32>} : memref<136x256xf32, #tpu.memory_space<vmem>>, vector<1x16xf32>,
        %swap3A_280 = arith.index_cast %select_n3A_195 : i32 to index
        %swap3A_281 = arith.constant 96 : index
        %swap3A_282 = tpu.vector_load %arg8[%swap3A_280, %swap3A_281] {strides = array<i32>} : memref<136x256xf32, #tpu.memory_space<vmem>>, vector<1x16xf32>,
        %swap3A_283 = vector.shape_cast %swap3A_282 : vector<1x16xf32> to vector<16xf32>
        %swap3A_284 = vector.shape_cast %add3A_223 : vector<16xf32> to vector<1x16xf32>
        tpu.vector_store %arg8[%swap3A_280, %swap3A_281], %swap3A_284 {strides = array<i32>} : memref<136x256xf32, #tpu.memory_space<vmem>>, vector<1x16xf32>,
        %swap3A_285 = arith.index_cast %select_n3A_195 : i32 to index
        %swap3A_286 = arith.constant 112 : index
        %swap3A_287 = tpu.vector_load %arg8[%swap3A_285, %swap3A_286] {strides = array<i32>} : memref<136x256xf32, #tpu.memory_space<vmem>>, vector<1x16xf32>,
        %swap3A_288 = vector.shape_cast %swap3A_287 : vector<1x16xf32> to vector<16xf32>
        %swap3A_289 = vector.shape_cast %add3A_226 : vector<16xf32> to vector<1x16xf32>
        tpu.vector_store %arg8[%swap3A_285, %swap3A_286], %swap3A_289 {strides = array<i32>} : memref<136x256xf32, #tpu.memory_space<vmem>>, vector<1x16xf32>,
        %swap3A_290 = arith.index_cast %select_n3A_195 : i32 to index
        %swap3A_291 = arith.constant 128 : index
        %swap3A_292 = tpu.vector_load %arg8[%swap3A_290, %swap3A_291] {strides = array<i32>} : memref<136x256xf32, #tpu.memory_space<vmem>>, vector<1x16xf32>,
        %swap3A_293 = vector.shape_cast %swap3A_292 : vector<1x16xf32> to vector<16xf32>
        %swap3A_294 = vector.shape_cast %add3A_229 : vector<16xf32> to vector<1x16xf32>
        tpu.vector_store %arg8[%swap3A_290, %swap3A_291], %swap3A_294 {strides = array<i32>} : memref<136x256xf32, #tpu.memory_space<vmem>>, vector<1x16xf32>,
        %swap3A_295 = arith.index_cast %select_n3A_195 : i32 to index
        %swap3A_296 = arith.constant 144 : index
        %swap3A_297 = tpu.vector_load %arg8[%swap3A_295, %swap3A_296] {strides = array<i32>} : memref<136x256xf32, #tpu.memory_space<vmem>>, vector<1x16xf32>,
        %swap3A_298 = vector.shape_cast %swap3A_297 : vector<1x16xf32> to vector<16xf32>
        %swap3A_299 = vector.shape_cast %add3A_232 : vector<16xf32> to vector<1x16xf32>
        tpu.vector_store %arg8[%swap3A_295, %swap3A_296], %swap3A_299 {strides = array<i32>} : memref<136x256xf32, #tpu.memory_space<vmem>>, vector<1x16xf32>,
        %swap3A_300 = arith.index_cast %select_n3A_195 : i32 to index
        %swap3A_301 = arith.constant 160 : index
        %swap3A_302 = tpu.vector_load %arg8[%swap3A_300, %swap3A_301] {strides = array<i32>} : memref<136x256xf32, #tpu.memory_space<vmem>>, vector<1x16xf32>,
        %swap3A_303 = vector.shape_cast %swap3A_302 : vector<1x16xf32> to vector<16xf32>
        %swap3A_304 = vector.shape_cast %add3A_235 : vector<16xf32> to vector<1x16xf32>
        tpu.vector_store %arg8[%swap3A_300, %swap3A_301], %swap3A_304 {strides = array<i32>} : memref<136x256xf32, #tpu.memory_space<vmem>>, vector<1x16xf32>,
        %swap3A_305 = arith.index_cast %select_n3A_195 : i32 to index
        %swap3A_306 = arith.constant 176 : index
        %swap3A_307 = tpu.vector_load %arg8[%swap3A_305, %swap3A_306] {strides = array<i32>} : memref<136x256xf32, #tpu.memory_space<vmem>>, vector<1x16xf32>,
        %swap3A_308 = vector.shape_cast %swap3A_307 : vector<1x16xf32> to vector<16xf32>
        %swap3A_309 = vector.shape_cast %add3A_238 : vector<16xf32> to vector<1x16xf32>
        tpu.vector_store %arg8[%swap3A_305, %swap3A_306], %swap3A_309 {strides = array<i32>} : memref<136x256xf32, #tpu.memory_space<vmem>>, vector<1x16xf32>,
        %swap3A_310 = arith.index_cast %select_n3A_195 : i32 to index
        %swap3A_311 = arith.constant 192 : index
        %swap3A_312 = tpu.vector_load %arg8[%swap3A_310, %swap3A_311] {strides = array<i32>} : memref<136x256xf32, #tpu.memory_space<vmem>>, vector<1x16xf32>,
        %swap3A_313 = vector.shape_cast %swap3A_312 : vector<1x16xf32> to vector<16xf32>
        %swap3A_314 = vector.shape_cast %add3A_241 : vector<16xf32> to vector<1x16xf32>
        tpu.vector_store %arg8[%swap3A_310, %swap3A_311], %swap3A_314 {strides = array<i32>} : memref<136x256xf32, #tpu.memory_space<vmem>>, vector<1x16xf32>,
        %swap3A_315 = arith.index_cast %select_n3A_195 : i32 to index
        %swap3A_316 = arith.constant 208 : index
        %swap3A_317 = tpu.vector_load %arg8[%swap3A_315, %swap3A_316] {strides = array<i32>} : memref<136x256xf32, #tpu.memory_space<vmem>>, vector<1x16xf32>,
        %swap3A_318 = vector.shape_cast %swap3A_317 : vector<1x16xf32> to vector<16xf32>
        %swap3A_319 = vector.shape_cast %add3A_244 : vector<16xf32> to vector<1x16xf32>
        tpu.vector_store %arg8[%swap3A_315, %swap3A_316], %swap3A_319 {strides = array<i32>} : memref<136x256xf32, #tpu.memory_space<vmem>>, vector<1x16xf32>,
        %swap3A_320 = arith.index_cast %select_n3A_195 : i32 to index
        %swap3A_321 = arith.constant 224 : index
        %swap3A_322 = tpu.vector_load %arg8[%swap3A_320, %swap3A_321] {strides = array<i32>} : memref<136x256xf32, #tpu.memory_space<vmem>>, vector<1x16xf32>,
        %swap3A_323 = vector.shape_cast %swap3A_322 : vector<1x16xf32> to vector<16xf32>
        %swap3A_324 = vector.shape_cast %add3A_247 : vector<16xf32> to vector<1x16xf32>
        tpu.vector_store %arg8[%swap3A_320, %swap3A_321], %swap3A_324 {strides = array<i32>} : memref<136x256xf32, #tpu.memory_space<vmem>>, vector<1x16xf32>,
        %swap3A_325 = arith.index_cast %select_n3A_195 : i32 to index
        %swap3A_326 = arith.constant 240 : index
        %swap3A_327 = tpu.vector_load %arg8[%swap3A_325, %swap3A_326] {strides = array<i32>} : memref<136x256xf32, #tpu.memory_space<vmem>>, vector<1x16xf32>,
        %swap3A_328 = vector.shape_cast %swap3A_327 : vector<1x16xf32> to vector<16xf32>
        %swap3A_329 = vector.shape_cast %add3A_250 : vector<16xf32> to vector<1x16xf32>
        tpu.vector_store %arg8[%swap3A_325, %swap3A_326], %swap3A_329 {strides = array<i32>} : memref<136x256xf32, #tpu.memory_space<vmem>>, vector<1x16xf32>,
        %convert_element_type3A_330 = arith.sitofp %select_n3A_199 : i32 to f32
        %mul3A_331 = vector.broadcast %convert_element_type3A_330 : f32 to vector<16xf32>
        %mul3A_332 = arith.mulf %broadcast_in_dim3A_16, %mul3A_331 : vector<16xf32>
        %swap3A_333 = arith.index_cast %select_n3A_195 : i32 to index
        %swap3A_334 = arith.constant 0 : index
        %swap3A_335 = tpu.vector_load %arg9[%swap3A_333, %swap3A_334] {strides = array<i32>} : memref<136x16xf32, #tpu.memory_space<vmem>>, vector<1x16xf32>,
        %swap3A_336 = vector.shape_cast %swap3A_335 : vector<1x16xf32> to vector<16xf32>
        %swap3A_337 = vector.shape_cast %mul3A_332 : vector<16xf32> to vector<1x16xf32>
        tpu.vector_store %arg9[%swap3A_333, %swap3A_334], %swap3A_337 {strides = array<i32>} : memref<136x16xf32, #tpu.memory_space<vmem>>, vector<1x16xf32>,
        %mul3A_338 = arith.constant 16 : i32
        %mul3A_339 = arith.muli %scan3A_93, %mul3A_338 : i32
        %add3A_340 = arith.constant 1 : i32
        %add3A_341 = arith.addi %mul3A_339, %add3A_340 : i32
        %get3A_342 = arith.index_cast %add3A_341 : i32 to index
        %get3A_343 = arith.constant 0 : index
        %get3A_344 = tpu.vector_load %arg7[%get3A_342, %get3A_343] {strides = array<i32>} : memref<112x256xf32, #tpu.memory_space<vmem>>, vector<1x16xf32>,
        %get3A_345 = vector.shape_cast %get3A_344 : vector<1x16xf32> to vector<16xf32>
        %get3A_346 = arith.index_cast %add3A_341 : i32 to index
        %get3A_347 = arith.constant 16 : index
        %get3A_348 = tpu.vector_load %arg7[%get3A_346, %get3A_347] {strides = array<i32>} : memref<112x256xf32, #tpu.memory_space<vmem>>, vector<1x16xf32>,
        %get3A_349 = vector.shape_cast %get3A_348 : vector<1x16xf32> to vector<16xf32>
        %get3A_350 = arith.index_cast %add3A_341 : i32 to index
        %get3A_351 = arith.constant 32 : index
        %get3A_352 = tpu.vector_load %arg7[%get3A_350, %get3A_351] {strides = array<i32>} : memref<112x256xf32, #tpu.memory_space<vmem>>, vector<1x16xf32>,
        %get3A_353 = vector.shape_cast %get3A_352 : vector<1x16xf32> to vector<16xf32>
        %get3A_354 = arith.index_cast %add3A_341 : i32 to index
        %get3A_355 = arith.constant 48 : index
        %get3A_356 = tpu.vector_load %arg7[%get3A_354, %get3A_355] {strides = array<i32>} : memref<112x256xf32, #tpu.memory_space<vmem>>, vector<1x16xf32>,
        %get3A_357 = vector.shape_cast %get3A_356 : vector<1x16xf32> to vector<16xf32>
        %get3A_358 = arith.index_cast %add3A_341 : i32 to index
        %get3A_359 = arith.constant 64 : index
        %get3A_360 = tpu.vector_load %arg7[%get3A_358, %get3A_359] {strides = array<i32>} : memref<112x256xf32, #tpu.memory_space<vmem>>, vector<1x16xf32>,
        %get3A_361 = vector.shape_cast %get3A_360 : vector<1x16xf32> to vector<16xf32>
        %get3A_362 = arith.index_cast %add3A_341 : i32 to index
        %get3A_363 = arith.constant 80 : index
        %get3A_364 = tpu.vector_load %arg7[%get3A_362, %get3A_363] {strides = array<i32>} : memref<112x256xf32, #tpu.memory_space<vmem>>, vector<1x16xf32>,
        %get3A_365 = vector.shape_cast %get3A_364 : vector<1x16xf32> to vector<16xf32>
        %get3A_366 = arith.index_cast %add3A_341 : i32 to index
        %get3A_367 = arith.constant 96 : index
        %get3A_368 = tpu.vector_load %arg7[%get3A_366, %get3A_367] {strides = array<i32>} : memref<112x256xf32, #tpu.memory_space<vmem>>, vector<1x16xf32>,
        %get3A_369 = vector.shape_cast %get3A_368 : vector<1x16xf32> to vector<16xf32>
        %get3A_370 = arith.index_cast %add3A_341 : i32 to index
        %get3A_371 = arith.constant 112 : index
        %get3A_372 = tpu.vector_load %arg7[%get3A_370, %get3A_371] {strides = array<i32>} : memref<112x256xf32, #tpu.memory_space<vmem>>, vector<1x16xf32>,
        %get3A_373 = vector.shape_cast %get3A_372 : vector<1x16xf32> to vector<16xf32>
        %get3A_374 = arith.index_cast %add3A_341 : i32 to index
        %get3A_375 = arith.constant 128 : index
        %get3A_376 = tpu.vector_load %arg7[%get3A_374, %get3A_375] {strides = array<i32>} : memref<112x256xf32, #tpu.memory_space<vmem>>, vector<1x16xf32>,
        %get3A_377 = vector.shape_cast %get3A_376 : vector<1x16xf32> to vector<16xf32>
        %get3A_378 = arith.index_cast %add3A_341 : i32 to index
        %get3A_379 = arith.constant 144 : index
        %get3A_380 = tpu.vector_load %arg7[%get3A_378, %get3A_379] {strides = array<i32>} : memref<112x256xf32, #tpu.memory_space<vmem>>, vector<1x16xf32>,
        %get3A_381 = vector.shape_cast %get3A_380 : vector<1x16xf32> to vector<16xf32>
        %get3A_382 = arith.index_cast %add3A_341 : i32 to index
        %get3A_383 = arith.constant 160 : index
        %get3A_384 = tpu.vector_load %arg7[%get3A_382, %get3A_383] {strides = array<i32>} : memref<112x256xf32, #tpu.memory_space<vmem>>, vector<1x16xf32>,
        %get3A_385 = vector.shape_cast %get3A_384 : vector<1x16xf32> to vector<16xf32>
        %get3A_386 = arith.index_cast %add3A_341 : i32 to index
        %get3A_387 = arith.constant 176 : index
        %get3A_388 = tpu.vector_load %arg7[%get3A_386, %get3A_387] {strides = array<i32>} : memref<112x256xf32, #tpu.memory_space<vmem>>, vector<1x16xf32>,
        %get3A_389 = vector.shape_cast %get3A_388 : vector<1x16xf32> to vector<16xf32>
        %get3A_390 = arith.index_cast %add3A_341 : i32 to index
        %get3A_391 = arith.constant 192 : index
        %get3A_392 = tpu.vector_load %arg7[%get3A_390, %get3A_391] {strides = array<i32>} : memref<112x256xf32, #tpu.memory_space<vmem>>, vector<1x16xf32>,
        %get3A_393 = vector.shape_cast %get3A_392 : vector<1x16xf32> to vector<16xf32>
        %get3A_394 = arith.index_cast %add3A_341 : i32 to index
        %get3A_395 = arith.constant 208 : index
        %get3A_396 = tpu.vector_load %arg7[%get3A_394, %get3A_395] {strides = array<i32>} : memref<112x256xf32, #tpu.memory_space<vmem>>, vector<1x16xf32>,
        %get3A_397 = vector.shape_cast %get3A_396 : vector<1x16xf32> to vector<16xf32>
        %get3A_398 = arith.index_cast %add3A_341 : i32 to index
        %get3A_399 = arith.constant 224 : index
        %get3A_400 = tpu.vector_load %arg7[%get3A_398, %get3A_399] {strides = array<i32>} : memref<112x256xf32, #tpu.memory_space<vmem>>, vector<1x16xf32>,
        %get3A_401 = vector.shape_cast %get3A_400 : vector<1x16xf32> to vector<16xf32>
        %get3A_402 = arith.index_cast %add3A_341 : i32 to index
        %get3A_403 = arith.constant 240 : index
        %get3A_404 = tpu.vector_load %arg7[%get3A_402, %get3A_403] {strides = array<i32>} : memref<112x256xf32, #tpu.memory_space<vmem>>, vector<1x16xf32>,
        %get3A_405 = vector.shape_cast %get3A_404 : vector<1x16xf32> to vector<16xf32>
        %slice3A_406 = vector.extract_strided_slice %select_n3A_126 {offsets = [1], sizes = [1], strides = [1]} : vector<16xi32> to vector<1xi32>
        %squeeze3A_407 = vector.extract %slice3A_406[0] : i32 from vector<1xi32>
        %ne3A_408 = arith.cmpi ne, %squeeze3A_407, %select_n3A_195 : i32
        %select_n3A_409 = arith.select %ne3A_408, %squeeze3A_407, %select_n3A_195 : i32
        %add3A_410 = arith.constant 1 : i32
        %add3A_411 = arith.addi %select_n3A_199, %add3A_410 : i32
        %jit3A_412 = arith.constant 1 : i32
        %select_n3A_413 = arith.select %ne3A_408, %jit3A_412, %add3A_411 : i32
        %jit3A_414 = arith.constant 0.000000e+00 : f32
        %jit3A_415 = arith.constant 1.000000e+00 : f32
        %select_n3A_416 = arith.select %ne3A_408, %jit3A_414, %jit3A_415 : f32
        %mul3A_417 = vector.broadcast %select_n3A_416 : f32 to vector<16xf32>
        %mul3A_418 = arith.mulf %add3A_205, %mul3A_417 : vector<16xf32>
        %add3A_419 = arith.addf %get3A_345, %mul3A_418 : vector<16xf32>
        %mul3A_420 = vector.broadcast %select_n3A_416 : f32 to vector<16xf32>
        %mul3A_421 = arith.mulf %add3A_208, %mul3A_420 : vector<16xf32>
        %add3A_422 = arith.addf %get3A_349, %mul3A_421 : vector<16xf32>
        %mul3A_423 = vector.broadcast %select_n3A_416 : f32 to vector<16xf32>
        %mul3A_424 = arith.mulf %add3A_211, %mul3A_423 : vector<16xf32>
        %add3A_425 = arith.addf %get3A_353, %mul3A_424 : vector<16xf32>
        %mul3A_426 = vector.broadcast %select_n3A_416 : f32 to vector<16xf32>
        %mul3A_427 = arith.mulf %add3A_214, %mul3A_426 : vector<16xf32>
        %add3A_428 = arith.addf %get3A_357, %mul3A_427 : vector<16xf32>
        %mul3A_429 = vector.broadcast %select_n3A_416 : f32 to vector<16xf32>
        %mul3A_430 = arith.mulf %add3A_217, %mul3A_429 : vector<16xf32>
        %add3A_431 = arith.addf %get3A_361, %mul3A_430 : vector<16xf32>
        %mul3A_432 = vector.broadcast %select_n3A_416 : f32 to vector<16xf32>
        %mul3A_433 = arith.mulf %add3A_220, %mul3A_432 : vector<16xf32>
        %add3A_434 = arith.addf %get3A_365, %mul3A_433 : vector<16xf32>
        %mul3A_435 = vector.broadcast %select_n3A_416 : f32 to vector<16xf32>
        %mul3A_436 = arith.mulf %add3A_223, %mul3A_435 : vector<16xf32>
        %add3A_437 = arith.addf %get3A_369, %mul3A_436 : vector<16xf32>
        %mul3A_438 = vector.broadcast %select_n3A_416 : f32 to vector<16xf32>
        %mul3A_439 = arith.mulf %add3A_226, %mul3A_438 : vector<16xf32>
        %add3A_440 = arith.addf %get3A_373, %mul3A_439 : vector<16xf32>
        %mul3A_441 = vector.broadcast %select_n3A_416 : f32 to vector<16xf32>
        %mul3A_442 = arith.mulf %add3A_229, %mul3A_441 : vector<16xf32>
        %add3A_443 = arith.addf %get3A_377, %mul3A_442 : vector<16xf32>
        %mul3A_444 = vector.broadcast %select_n3A_416 : f32 to vector<16xf32>
        %mul3A_445 = arith.mulf %add3A_232, %mul3A_444 : vector<16xf32>
        %add3A_446 = arith.addf %get3A_381, %mul3A_445 : vector<16xf32>
        %mul3A_447 = vector.broadcast %select_n3A_416 : f32 to vector<16xf32>
        %mul3A_448 = arith.mulf %add3A_235, %mul3A_447 : vector<16xf32>
        %add3A_449 = arith.addf %get3A_385, %mul3A_448 : vector<16xf32>
        %mul3A_450 = vector.broadcast %select_n3A_416 : f32 to vector<16xf32>
        %mul3A_451 = arith.mulf %add3A_238, %mul3A_450 : vector<16xf32>
        %add3A_452 = arith.addf %get3A_389, %mul3A_451 : vector<16xf32>
        %mul3A_453 = vector.broadcast %select_n3A_416 : f32 to vector<16xf32>
        %mul3A_454 = arith.mulf %add3A_241, %mul3A_453 : vector<16xf32>
        %add3A_455 = arith.addf %get3A_393, %mul3A_454 : vector<16xf32>
        %mul3A_456 = vector.broadcast %select_n3A_416 : f32 to vector<16xf32>
        %mul3A_457 = arith.mulf %add3A_244, %mul3A_456 : vector<16xf32>
        %add3A_458 = arith.addf %get3A_397, %mul3A_457 : vector<16xf32>
        %mul3A_459 = vector.broadcast %select_n3A_416 : f32 to vector<16xf32>
        %mul3A_460 = arith.mulf %add3A_247, %mul3A_459 : vector<16xf32>
        %add3A_461 = arith.addf %get3A_401, %mul3A_460 : vector<16xf32>
        %mul3A_462 = vector.broadcast %select_n3A_416 : f32 to vector<16xf32>
        %mul3A_463 = arith.mulf %add3A_250, %mul3A_462 : vector<16xf32>
        %add3A_464 = arith.addf %get3A_405, %mul3A_463 : vector<16xf32>
        %swap3A_465 = arith.index_cast %select_n3A_409 : i32 to index
        %swap3A_466 = arith.constant 0 : index
        %swap3A_467 = tpu.vector_load %arg8[%swap3A_465, %swap3A_466] {strides = array<i32>} : memref<136x256xf32, #tpu.memory_space<vmem>>, vector<1x16xf32>,
        %swap3A_468 = vector.shape_cast %swap3A_467 : vector<1x16xf32> to vector<16xf32>
        %swap3A_469 = vector.shape_cast %add3A_419 : vector<16xf32> to vector<1x16xf32>
        tpu.vector_store %arg8[%swap3A_465, %swap3A_466], %swap3A_469 {strides = array<i32>} : memref<136x256xf32, #tpu.memory_space<vmem>>, vector<1x16xf32>,
        %swap3A_470 = arith.index_cast %select_n3A_409 : i32 to index
        %swap3A_471 = arith.constant 16 : index
        %swap3A_472 = tpu.vector_load %arg8[%swap3A_470, %swap3A_471] {strides = array<i32>} : memref<136x256xf32, #tpu.memory_space<vmem>>, vector<1x16xf32>,
        %swap3A_473 = vector.shape_cast %swap3A_472 : vector<1x16xf32> to vector<16xf32>
        %swap3A_474 = vector.shape_cast %add3A_422 : vector<16xf32> to vector<1x16xf32>
        tpu.vector_store %arg8[%swap3A_470, %swap3A_471], %swap3A_474 {strides = array<i32>} : memref<136x256xf32, #tpu.memory_space<vmem>>, vector<1x16xf32>,
        %swap3A_475 = arith.index_cast %select_n3A_409 : i32 to index
        %swap3A_476 = arith.constant 32 : index
        %swap3A_477 = tpu.vector_load %arg8[%swap3A_475, %swap3A_476] {strides = array<i32>} : memref<136x256xf32, #tpu.memory_space<vmem>>, vector<1x16xf32>,
        %swap3A_478 = vector.shape_cast %swap3A_477 : vector<1x16xf32> to vector<16xf32>
        %swap3A_479 = vector.shape_cast %add3A_425 : vector<16xf32> to vector<1x16xf32>
        tpu.vector_store %arg8[%swap3A_475, %swap3A_476], %swap3A_479 {strides = array<i32>} : memref<136x256xf32, #tpu.memory_space<vmem>>, vector<1x16xf32>,
        %swap3A_480 = arith.index_cast %select_n3A_409 : i32 to index
        %swap3A_481 = arith.constant 48 : index
        %swap3A_482 = tpu.vector_load %arg8[%swap3A_480, %swap3A_481] {strides = array<i32>} : memref<136x256xf32, #tpu.memory_space<vmem>>, vector<1x16xf32>,
        %swap3A_483 = vector.shape_cast %swap3A_482 : vector<1x16xf32> to vector<16xf32>
        %swap3A_484 = vector.shape_cast %add3A_428 : vector<16xf32> to vector<1x16xf32>
        tpu.vector_store %arg8[%swap3A_480, %swap3A_481], %swap3A_484 {strides = array<i32>} : memref<136x256xf32, #tpu.memory_space<vmem>>, vector<1x16xf32>,
        %swap3A_485 = arith.index_cast %select_n3A_409 : i32 to index
        %swap3A_486 = arith.constant 64 : index
        %swap3A_487 = tpu.vector_load %arg8[%swap3A_485, %swap3A_486] {strides = array<i32>} : memref<136x256xf32, #tpu.memory_space<vmem>>, vector<1x16xf32>,
        %swap3A_488 = vector.shape_cast %swap3A_487 : vector<1x16xf32> to vector<16xf32>
        %swap3A_489 = vector.shape_cast %add3A_431 : vector<16xf32> to vector<1x16xf32>
        tpu.vector_store %arg8[%swap3A_485, %swap3A_486], %swap3A_489 {strides = array<i32>} : memref<136x256xf32, #tpu.memory_space<vmem>>, vector<1x16xf32>,
        %swap3A_490 = arith.index_cast %select_n3A_409 : i32 to index
        %swap3A_491 = arith.constant 80 : index
        %swap3A_492 = tpu.vector_load %arg8[%swap3A_490, %swap3A_491] {strides = array<i32>} : memref<136x256xf32, #tpu.memory_space<vmem>>, vector<1x16xf32>,
        %swap3A_493 = vector.shape_cast %swap3A_492 : vector<1x16xf32> to vector<16xf32>
        %swap3A_494 = vector.shape_cast %add3A_434 : vector<16xf32> to vector<1x16xf32>
        tpu.vector_store %arg8[%swap3A_490, %swap3A_491], %swap3A_494 {strides = array<i32>} : memref<136x256xf32, #tpu.memory_space<vmem>>, vector<1x16xf32>,
        %swap3A_495 = arith.index_cast %select_n3A_409 : i32 to index
        %swap3A_496 = arith.constant 96 : index
        %swap3A_497 = tpu.vector_load %arg8[%swap3A_495, %swap3A_496] {strides = array<i32>} : memref<136x256xf32, #tpu.memory_space<vmem>>, vector<1x16xf32>,
        %swap3A_498 = vector.shape_cast %swap3A_497 : vector<1x16xf32> to vector<16xf32>
        %swap3A_499 = vector.shape_cast %add3A_437 : vector<16xf32> to vector<1x16xf32>
        tpu.vector_store %arg8[%swap3A_495, %swap3A_496], %swap3A_499 {strides = array<i32>} : memref<136x256xf32, #tpu.memory_space<vmem>>, vector<1x16xf32>,
        %swap3A_500 = arith.index_cast %select_n3A_409 : i32 to index
        %swap3A_501 = arith.constant 112 : index
        %swap3A_502 = tpu.vector_load %arg8[%swap3A_500, %swap3A_501] {strides = array<i32>} : memref<136x256xf32, #tpu.memory_space<vmem>>, vector<1x16xf32>,
        %swap3A_503 = vector.shape_cast %swap3A_502 : vector<1x16xf32> to vector<16xf32>
        %swap3A_504 = vector.shape_cast %add3A_440 : vector<16xf32> to vector<1x16xf32>
        tpu.vector_store %arg8[%swap3A_500, %swap3A_501], %swap3A_504 {strides = array<i32>} : memref<136x256xf32, #tpu.memory_space<vmem>>, vector<1x16xf32>,
        %swap3A_505 = arith.index_cast %select_n3A_409 : i32 to index
        %swap3A_506 = arith.constant 128 : index
        %swap3A_507 = tpu.vector_load %arg8[%swap3A_505, %swap3A_506] {strides = array<i32>} : memref<136x256xf32, #tpu.memory_space<vmem>>, vector<1x16xf32>,
        %swap3A_508 = vector.shape_cast %swap3A_507 : vector<1x16xf32> to vector<16xf32>
        %swap3A_509 = vector.shape_cast %add3A_443 : vector<16xf32> to vector<1x16xf32>
        tpu.vector_store %arg8[%swap3A_505, %swap3A_506], %swap3A_509 {strides = array<i32>} : memref<136x256xf32, #tpu.memory_space<vmem>>, vector<1x16xf32>,
        %swap3A_510 = arith.index_cast %select_n3A_409 : i32 to index
        %swap3A_511 = arith.constant 144 : index
        %swap3A_512 = tpu.vector_load %arg8[%swap3A_510, %swap3A_511] {strides = array<i32>} : memref<136x256xf32, #tpu.memory_space<vmem>>, vector<1x16xf32>,
        %swap3A_513 = vector.shape_cast %swap3A_512 : vector<1x16xf32> to vector<16xf32>
        %swap3A_514 = vector.shape_cast %add3A_446 : vector<16xf32> to vector<1x16xf32>
        tpu.vector_store %arg8[%swap3A_510, %swap3A_511], %swap3A_514 {strides = array<i32>} : memref<136x256xf32, #tpu.memory_space<vmem>>, vector<1x16xf32>,
        %swap3A_515 = arith.index_cast %select_n3A_409 : i32 to index
        %swap3A_516 = arith.constant 160 : index
        %swap3A_517 = tpu.vector_load %arg8[%swap3A_515, %swap3A_516] {strides = array<i32>} : memref<136x256xf32, #tpu.memory_space<vmem>>, vector<1x16xf32>,
        %swap3A_518 = vector.shape_cast %swap3A_517 : vector<1x16xf32> to vector<16xf32>
        %swap3A_519 = vector.shape_cast %add3A_449 : vector<16xf32> to vector<1x16xf32>
        tpu.vector_store %arg8[%swap3A_515, %swap3A_516], %swap3A_519 {strides = array<i32>} : memref<136x256xf32, #tpu.memory_space<vmem>>, vector<1x16xf32>,
        %swap3A_520 = arith.index_cast %select_n3A_409 : i32 to index
        %swap3A_521 = arith.constant 176 : index
        %swap3A_522 = tpu.vector_load %arg8[%swap3A_520, %swap3A_521] {strides = array<i32>} : memref<136x256xf32, #tpu.memory_space<vmem>>, vector<1x16xf32>,
        %swap3A_523 = vector.shape_cast %swap3A_522 : vector<1x16xf32> to vector<16xf32>
        %swap3A_524 = vector.shape_cast %add3A_452 : vector<16xf32> to vector<1x16xf32>
        tpu.vector_store %arg8[%swap3A_520, %swap3A_521], %swap3A_524 {strides = array<i32>} : memref<136x256xf32, #tpu.memory_space<vmem>>, vector<1x16xf32>,
        %swap3A_525 = arith.index_cast %select_n3A_409 : i32 to index
        %swap3A_526 = arith.constant 192 : index
        %swap3A_527 = tpu.vector_load %arg8[%swap3A_525, %swap3A_526] {strides = array<i32>} : memref<136x256xf32, #tpu.memory_space<vmem>>, vector<1x16xf32>,
        %swap3A_528 = vector.shape_cast %swap3A_527 : vector<1x16xf32> to vector<16xf32>
        %swap3A_529 = vector.shape_cast %add3A_455 : vector<16xf32> to vector<1x16xf32>
        tpu.vector_store %arg8[%swap3A_525, %swap3A_526], %swap3A_529 {strides = array<i32>} : memref<136x256xf32, #tpu.memory_space<vmem>>, vector<1x16xf32>,
        %swap3A_530 = arith.index_cast %select_n3A_409 : i32 to index
        %swap3A_531 = arith.constant 208 : index
        %swap3A_532 = tpu.vector_load %arg8[%swap3A_530, %swap3A_531] {strides = array<i32>} : memref<136x256xf32, #tpu.memory_space<vmem>>, vector<1x16xf32>,
        %swap3A_533 = vector.shape_cast %swap3A_532 : vector<1x16xf32> to vector<16xf32>
        %swap3A_534 = vector.shape_cast %add3A_458 : vector<16xf32> to vector<1x16xf32>
        tpu.vector_store %arg8[%swap3A_530, %swap3A_531], %swap3A_534 {strides = array<i32>} : memref<136x256xf32, #tpu.memory_space<vmem>>, vector<1x16xf32>,
        %swap3A_535 = arith.index_cast %select_n3A_409 : i32 to index
        %swap3A_536 = arith.constant 224 : index
        %swap3A_537 = tpu.vector_load %arg8[%swap3A_535, %swap3A_536] {strides = array<i32>} : memref<136x256xf32, #tpu.memory_space<vmem>>, vector<1x16xf32>,
        %swap3A_538 = vector.shape_cast %swap3A_537 : vector<1x16xf32> to vector<16xf32>
        %swap3A_539 = vector.shape_cast %add3A_461 : vector<16xf32> to vector<1x16xf32>
        tpu.vector_store %arg8[%swap3A_535, %swap3A_536], %swap3A_539 {strides = array<i32>} : memref<136x256xf32, #tpu.memory_space<vmem>>, vector<1x16xf32>,
        %swap3A_540 = arith.index_cast %select_n3A_409 : i32 to index
        %swap3A_541 = arith.constant 240 : index
        %swap3A_542 = tpu.vector_load %arg8[%swap3A_540, %swap3A_541] {strides = array<i32>} : memref<136x256xf32, #tpu.memory_space<vmem>>, vector<1x16xf32>,
        %swap3A_543 = vector.shape_cast %swap3A_542 : vector<1x16xf32> to vector<16xf32>
        %swap3A_544 = vector.shape_cast %add3A_464 : vector<16xf32> to vector<1x16xf32>
        tpu.vector_store %arg8[%swap3A_540, %swap3A_541], %swap3A_544 {strides = array<i32>} : memref<136x256xf32, #tpu.memory_space<vmem>>, vector<1x16xf32>,
        %convert_element_type3A_545 = arith.sitofp %select_n3A_413 : i32 to f32
        %mul3A_546 = vector.broadcast %convert_element_type3A_545 : f32 to vector<16xf32>
        %mul3A_547 = arith.mulf %broadcast_in_dim3A_16, %mul3A_546 : vector<16xf32>
        %swap3A_548 = arith.index_cast %select_n3A_409 : i32 to index
        %swap3A_549 = arith.constant 0 : index
        %swap3A_550 = tpu.vector_load %arg9[%swap3A_548, %swap3A_549] {strides = array<i32>} : memref<136x16xf32, #tpu.memory_space<vmem>>, vector<1x16xf32>,
        %swap3A_551 = vector.shape_cast %swap3A_550 : vector<1x16xf32> to vector<16xf32>
        %swap3A_552 = vector.shape_cast %mul3A_547 : vector<16xf32> to vector<1x16xf32>
        tpu.vector_store %arg9[%swap3A_548, %swap3A_549], %swap3A_552 {strides = array<i32>} : memref<136x16xf32, #tpu.memory_space<vmem>>, vector<1x16xf32>,
        %mul3A_553 = arith.constant 16 : i32
        %mul3A_554 = arith.muli %scan3A_93, %mul3A_553 : i32
        %add3A_555 = arith.constant 2 : i32
        %add3A_556 = arith.addi %mul3A_554, %add3A_555 : i32
        %get3A_557 = arith.index_cast %add3A_556 : i32 to index
        %get3A_558 = arith.constant 0 : index
        %get3A_559 = tpu.vector_load %arg7[%get3A_557, %get3A_558] {strides = array<i32>} : memref<112x256xf32, #tpu.memory_space<vmem>>, vector<1x16xf32>,
        %get3A_560 = vector.shape_cast %get3A_559 : vector<1x16xf32> to vector<16xf32>
        %get3A_561 = arith.index_cast %add3A_556 : i32 to index
        %get3A_562 = arith.constant 16 : index
        %get3A_563 = tpu.vector_load %arg7[%get3A_561, %get3A_562] {strides = array<i32>} : memref<112x256xf32, #tpu.memory_space<vmem>>, vector<1x16xf32>,
        %get3A_564 = vector.shape_cast %get3A_563 : vector<1x16xf32> to vector<16xf32>
        %get3A_565 = arith.index_cast %add3A_556 : i32 to index
        %get3A_566 = arith.constant 32 : index
        %get3A_567 = tpu.vector_load %arg7[%get3A_565, %get3A_566] {strides = array<i32>} : memref<112x256xf32, #tpu.memory_space<vmem>>, vector<1x16xf32>,
        %get3A_568 = vector.shape_cast %get3A_567 : vector<1x16xf32> to vector<16xf32>
        %get3A_569 = arith.index_cast %add3A_556 : i32 to index
        %get3A_570 = arith.constant 48 : index
        %get3A_571 = tpu.vector_load %arg7[%get3A_569, %get3A_570] {strides = array<i32>} : memref<112x256xf32, #tpu.memory_space<vmem>>, vector<1x16xf32>,
        %get3A_572 = vector.shape_cast %get3A_571 : vector<1x16xf32> to vector<16xf32>
        %get3A_573 = arith.index_cast %add3A_556 : i32 to index
        %get3A_574 = arith.constant 64 : index
        %get3A_575 = tpu.vector_load %arg7[%get3A_573, %get3A_574] {strides = array<i32>} : memref<112x256xf32, #tpu.memory_space<vmem>>, vector<1x16xf32>,
        %get3A_576 = vector.shape_cast %get3A_575 : vector<1x16xf32> to vector<16xf32>
        %get3A_577 = arith.index_cast %add3A_556 : i32 to index
        %get3A_578 = arith.constant 80 : index
        %get3A_579 = tpu.vector_load %arg7[%get3A_577, %get3A_578] {strides = array<i32>} : memref<112x256xf32, #tpu.memory_space<vmem>>, vector<1x16xf32>,
        %get3A_580 = vector.shape_cast %get3A_579 : vector<1x16xf32> to vector<16xf32>
        %get3A_581 = arith.index_cast %add3A_556 : i32 to index
        %get3A_582 = arith.constant 96 : index
        %get3A_583 = tpu.vector_load %arg7[%get3A_581, %get3A_582] {strides = array<i32>} : memref<112x256xf32, #tpu.memory_space<vmem>>, vector<1x16xf32>,
        %get3A_584 = vector.shape_cast %get3A_583 : vector<1x16xf32> to vector<16xf32>
        %get3A_585 = arith.index_cast %add3A_556 : i32 to index
        %get3A_586 = arith.constant 112 : index
        %get3A_587 = tpu.vector_load %arg7[%get3A_585, %get3A_586] {strides = array<i32>} : memref<112x256xf32, #tpu.memory_space<vmem>>, vector<1x16xf32>,
        %get3A_588 = vector.shape_cast %get3A_587 : vector<1x16xf32> to vector<16xf32>
        %get3A_589 = arith.index_cast %add3A_556 : i32 to index
        %get3A_590 = arith.constant 128 : index
        %get3A_591 = tpu.vector_load %arg7[%get3A_589, %get3A_590] {strides = array<i32>} : memref<112x256xf32, #tpu.memory_space<vmem>>, vector<1x16xf32>,
        %get3A_592 = vector.shape_cast %get3A_591 : vector<1x16xf32> to vector<16xf32>
        %get3A_593 = arith.index_cast %add3A_556 : i32 to index
        %get3A_594 = arith.constant 144 : index
        %get3A_595 = tpu.vector_load %arg7[%get3A_593, %get3A_594] {strides = array<i32>} : memref<112x256xf32, #tpu.memory_space<vmem>>, vector<1x16xf32>,
        %get3A_596 = vector.shape_cast %get3A_595 : vector<1x16xf32> to vector<16xf32>
        %get3A_597 = arith.index_cast %add3A_556 : i32 to index
        %get3A_598 = arith.constant 160 : index
        %get3A_599 = tpu.vector_load %arg7[%get3A_597, %get3A_598] {strides = array<i32>} : memref<112x256xf32, #tpu.memory_space<vmem>>, vector<1x16xf32>,
        %get3A_600 = vector.shape_cast %get3A_599 : vector<1x16xf32> to vector<16xf32>
        %get3A_601 = arith.index_cast %add3A_556 : i32 to index
        %get3A_602 = arith.constant 176 : index
        %get3A_603 = tpu.vector_load %arg7[%get3A_601, %get3A_602] {strides = array<i32>} : memref<112x256xf32, #tpu.memory_space<vmem>>, vector<1x16xf32>,
        %get3A_604 = vector.shape_cast %get3A_603 : vector<1x16xf32> to vector<16xf32>
        %get3A_605 = arith.index_cast %add3A_556 : i32 to index
        %get3A_606 = arith.constant 192 : index
        %get3A_607 = tpu.vector_load %arg7[%get3A_605, %get3A_606] {strides = array<i32>} : memref<112x256xf32, #tpu.memory_space<vmem>>, vector<1x16xf32>,
        %get3A_608 = vector.shape_cast %get3A_607 : vector<1x16xf32> to vector<16xf32>
        %get3A_609 = arith.index_cast %add3A_556 : i32 to index
        %get3A_610 = arith.constant 208 : index
        %get3A_611 = tpu.vector_load %arg7[%get3A_609, %get3A_610] {strides = array<i32>} : memref<112x256xf32, #tpu.memory_space<vmem>>, vector<1x16xf32>,
        %get3A_612 = vector.shape_cast %get3A_611 : vector<1x16xf32> to vector<16xf32>
        %get3A_613 = arith.index_cast %add3A_556 : i32 to index
        %get3A_614 = arith.constant 224 : index
        %get3A_615 = tpu.vector_load %arg7[%get3A_613, %get3A_614] {strides = array<i32>} : memref<112x256xf32, #tpu.memory_space<vmem>>, vector<1x16xf32>,
        %get3A_616 = vector.shape_cast %get3A_615 : vector<1x16xf32> to vector<16xf32>
        %get3A_617 = arith.index_cast %add3A_556 : i32 to index
        %get3A_618 = arith.constant 240 : index
        %get3A_619 = tpu.vector_load %arg7[%get3A_617, %get3A_618] {strides = array<i32>} : memref<112x256xf32, #tpu.memory_space<vmem>>, vector<1x16xf32>,
        %get3A_620 = vector.shape_cast %get3A_619 : vector<1x16xf32> to vector<16xf32>
        %slice3A_621 = vector.extract_strided_slice %select_n3A_126 {offsets = [2], sizes = [1], strides = [1]} : vector<16xi32> to vector<1xi32>
        %squeeze3A_622 = vector.extract %slice3A_621[0] : i32 from vector<1xi32>
        %ne3A_623 = arith.cmpi ne, %squeeze3A_622, %select_n3A_409 : i32
        %select_n3A_624 = arith.select %ne3A_623, %squeeze3A_622, %select_n3A_409 : i32
        %add3A_625 = arith.constant 1 : i32
        %add3A_626 = arith.addi %select_n3A_413, %add3A_625 : i32
        %jit3A_627 = arith.constant 1 : i32
        %select_n3A_628 = arith.select %ne3A_623, %jit3A_627, %add3A_626 : i32
        %jit3A_629 = arith.constant 0.000000e+00 : f32
        %jit3A_630 = arith.constant 1.000000e+00 : f32
        %select_n3A_631 = arith.select %ne3A_623, %jit3A_629, %jit3A_630 : f32
        %mul3A_632 = vector.broadcast %select_n3A_631 : f32 to vector<16xf32>
        %mul3A_633 = arith.mulf %add3A_419, %mul3A_632 : vector<16xf32>
        %add3A_634 = arith.addf %get3A_560, %mul3A_633 : vector<16xf32>
        %mul3A_635 = vector.broadcast %select_n3A_631 : f32 to vector<16xf32>
        %mul3A_636 = arith.mulf %add3A_422, %mul3A_635 : vector<16xf32>
        %add3A_637 = arith.addf %get3A_564, %mul3A_636 : vector<16xf32>
        %mul3A_638 = vector.broadcast %select_n3A_631 : f32 to vector<16xf32>
        %mul3A_639 = arith.mulf %add3A_425, %mul3A_638 : vector<16xf32>
        %add3A_640 = arith.addf %get3A_568, %mul3A_639 : vector<16xf32>
        %mul3A_641 = vector.broadcast %select_n3A_631 : f32 to vector<16xf32>
        %mul3A_642 = arith.mulf %add3A_428, %mul3A_641 : vector<16xf32>
        %add3A_643 = arith.addf %get3A_572, %mul3A_642 : vector<16xf32>
        %mul3A_644 = vector.broadcast %select_n3A_631 : f32 to vector<16xf32>
        %mul3A_645 = arith.mulf %add3A_431, %mul3A_644 : vector<16xf32>
        %add3A_646 = arith.addf %get3A_576, %mul3A_645 : vector<16xf32>
        %mul3A_647 = vector.broadcast %select_n3A_631 : f32 to vector<16xf32>
        %mul3A_648 = arith.mulf %add3A_434, %mul3A_647 : vector<16xf32>
        %add3A_649 = arith.addf %get3A_580, %mul3A_648 : vector<16xf32>
        %mul3A_650 = vector.broadcast %select_n3A_631 : f32 to vector<16xf32>
        %mul3A_651 = arith.mulf %add3A_437, %mul3A_650 : vector<16xf32>
        %add3A_652 = arith.addf %get3A_584, %mul3A_651 : vector<16xf32>
        %mul3A_653 = vector.broadcast %select_n3A_631 : f32 to vector<16xf32>
        %mul3A_654 = arith.mulf %add3A_440, %mul3A_653 : vector<16xf32>
        %add3A_655 = arith.addf %get3A_588, %mul3A_654 : vector<16xf32>
        %mul3A_656 = vector.broadcast %select_n3A_631 : f32 to vector<16xf32>
        %mul3A_657 = arith.mulf %add3A_443, %mul3A_656 : vector<16xf32>
        %add3A_658 = arith.addf %get3A_592, %mul3A_657 : vector<16xf32>
        %mul3A_659 = vector.broadcast %select_n3A_631 : f32 to vector<16xf32>
        %mul3A_660 = arith.mulf %add3A_446, %mul3A_659 : vector<16xf32>
        %add3A_661 = arith.addf %get3A_596, %mul3A_660 : vector<16xf32>
        %mul3A_662 = vector.broadcast %select_n3A_631 : f32 to vector<16xf32>
        %mul3A_663 = arith.mulf %add3A_449, %mul3A_662 : vector<16xf32>
        %add3A_664 = arith.addf %get3A_600, %mul3A_663 : vector<16xf32>
        %mul3A_665 = vector.broadcast %select_n3A_631 : f32 to vector<16xf32>
        %mul3A_666 = arith.mulf %add3A_452, %mul3A_665 : vector<16xf32>
        %add3A_667 = arith.addf %get3A_604, %mul3A_666 : vector<16xf32>
        %mul3A_668 = vector.broadcast %select_n3A_631 : f32 to vector<16xf32>
        %mul3A_669 = arith.mulf %add3A_455, %mul3A_668 : vector<16xf32>
        %add3A_670 = arith.addf %get3A_608, %mul3A_669 : vector<16xf32>
        %mul3A_671 = vector.broadcast %select_n3A_631 : f32 to vector<16xf32>
        %mul3A_672 = arith.mulf %add3A_458, %mul3A_671 : vector<16xf32>
        %add3A_673 = arith.addf %get3A_612, %mul3A_672 : vector<16xf32>
        %mul3A_674 = vector.broadcast %select_n3A_631 : f32 to vector<16xf32>
        %mul3A_675 = arith.mulf %add3A_461, %mul3A_674 : vector<16xf32>
        %add3A_676 = arith.addf %get3A_616, %mul3A_675 : vector<16xf32>
        %mul3A_677 = vector.broadcast %select_n3A_631 : f32 to vector<16xf32>
        %mul3A_678 = arith.mulf %add3A_464, %mul3A_677 : vector<16xf32>
        %add3A_679 = arith.addf %get3A_620, %mul3A_678 : vector<16xf32>
        %swap3A_680 = arith.index_cast %select_n3A_624 : i32 to index
        %swap3A_681 = arith.constant 0 : index
        %swap3A_682 = tpu.vector_load %arg8[%swap3A_680, %swap3A_681] {strides = array<i32>} : memref<136x256xf32, #tpu.memory_space<vmem>>, vector<1x16xf32>,
        %swap3A_683 = vector.shape_cast %swap3A_682 : vector<1x16xf32> to vector<16xf32>
        %swap3A_684 = vector.shape_cast %add3A_634 : vector<16xf32> to vector<1x16xf32>
        tpu.vector_store %arg8[%swap3A_680, %swap3A_681], %swap3A_684 {strides = array<i32>} : memref<136x256xf32, #tpu.memory_space<vmem>>, vector<1x16xf32>,
        %swap3A_685 = arith.index_cast %select_n3A_624 : i32 to index
        %swap3A_686 = arith.constant 16 : index
        %swap3A_687 = tpu.vector_load %arg8[%swap3A_685, %swap3A_686] {strides = array<i32>} : memref<136x256xf32, #tpu.memory_space<vmem>>, vector<1x16xf32>,
        %swap3A_688 = vector.shape_cast %swap3A_687 : vector<1x16xf32> to vector<16xf32>
        %swap3A_689 = vector.shape_cast %add3A_637 : vector<16xf32> to vector<1x16xf32>
        tpu.vector_store %arg8[%swap3A_685, %swap3A_686], %swap3A_689 {strides = array<i32>} : memref<136x256xf32, #tpu.memory_space<vmem>>, vector<1x16xf32>,
        %swap3A_690 = arith.index_cast %select_n3A_624 : i32 to index
        %swap3A_691 = arith.constant 32 : index
        %swap3A_692 = tpu.vector_load %arg8[%swap3A_690, %swap3A_691] {strides = array<i32>} : memref<136x256xf32, #tpu.memory_space<vmem>>, vector<1x16xf32>,
        %swap3A_693 = vector.shape_cast %swap3A_692 : vector<1x16xf32> to vector<16xf32>
        %swap3A_694 = vector.shape_cast %add3A_640 : vector<16xf32> to vector<1x16xf32>
        tpu.vector_store %arg8[%swap3A_690, %swap3A_691], %swap3A_694 {strides = array<i32>} : memref<136x256xf32, #tpu.memory_space<vmem>>, vector<1x16xf32>,
        %swap3A_695 = arith.index_cast %select_n3A_624 : i32 to index
        %swap3A_696 = arith.constant 48 : index
        %swap3A_697 = tpu.vector_load %arg8[%swap3A_695, %swap3A_696] {strides = array<i32>} : memref<136x256xf32, #tpu.memory_space<vmem>>, vector<1x16xf32>,
        %swap3A_698 = vector.shape_cast %swap3A_697 : vector<1x16xf32> to vector<16xf32>
        %swap3A_699 = vector.shape_cast %add3A_643 : vector<16xf32> to vector<1x16xf32>
        tpu.vector_store %arg8[%swap3A_695, %swap3A_696], %swap3A_699 {strides = array<i32>} : memref<136x256xf32, #tpu.memory_space<vmem>>, vector<1x16xf32>,
        %swap3A_700 = arith.index_cast %select_n3A_624 : i32 to index
        %swap3A_701 = arith.constant 64 : index
        %swap3A_702 = tpu.vector_load %arg8[%swap3A_700, %swap3A_701] {strides = array<i32>} : memref<136x256xf32, #tpu.memory_space<vmem>>, vector<1x16xf32>,
        %swap3A_703 = vector.shape_cast %swap3A_702 : vector<1x16xf32> to vector<16xf32>
        %swap3A_704 = vector.shape_cast %add3A_646 : vector<16xf32> to vector<1x16xf32>
        tpu.vector_store %arg8[%swap3A_700, %swap3A_701], %swap3A_704 {strides = array<i32>} : memref<136x256xf32, #tpu.memory_space<vmem>>, vector<1x16xf32>,
        %swap3A_705 = arith.index_cast %select_n3A_624 : i32 to index
        %swap3A_706 = arith.constant 80 : index
        %swap3A_707 = tpu.vector_load %arg8[%swap3A_705, %swap3A_706] {strides = array<i32>} : memref<136x256xf32, #tpu.memory_space<vmem>>, vector<1x16xf32>,
        %swap3A_708 = vector.shape_cast %swap3A_707 : vector<1x16xf32> to vector<16xf32>
        %swap3A_709 = vector.shape_cast %add3A_649 : vector<16xf32> to vector<1x16xf32>
        tpu.vector_store %arg8[%swap3A_705, %swap3A_706], %swap3A_709 {strides = array<i32>} : memref<136x256xf32, #tpu.memory_space<vmem>>, vector<1x16xf32>,
        %swap3A_710 = arith.index_cast %select_n3A_624 : i32 to index
        %swap3A_711 = arith.constant 96 : index
        %swap3A_712 = tpu.vector_load %arg8[%swap3A_710, %swap3A_711] {strides = array<i32>} : memref<136x256xf32, #tpu.memory_space<vmem>>, vector<1x16xf32>,
        %swap3A_713 = vector.shape_cast %swap3A_712 : vector<1x16xf32> to vector<16xf32>
        %swap3A_714 = vector.shape_cast %add3A_652 : vector<16xf32> to vector<1x16xf32>
        tpu.vector_store %arg8[%swap3A_710, %swap3A_711], %swap3A_714 {strides = array<i32>} : memref<136x256xf32, #tpu.memory_space<vmem>>, vector<1x16xf32>,
        %swap3A_715 = arith.index_cast %select_n3A_624 : i32 to index
        %swap3A_716 = arith.constant 112 : index
        %swap3A_717 = tpu.vector_load %arg8[%swap3A_715, %swap3A_716] {strides = array<i32>} : memref<136x256xf32, #tpu.memory_space<vmem>>, vector<1x16xf32>,
        %swap3A_718 = vector.shape_cast %swap3A_717 : vector<1x16xf32> to vector<16xf32>
        %swap3A_719 = vector.shape_cast %add3A_655 : vector<16xf32> to vector<1x16xf32>
        tpu.vector_store %arg8[%swap3A_715, %swap3A_716], %swap3A_719 {strides = array<i32>} : memref<136x256xf32, #tpu.memory_space<vmem>>, vector<1x16xf32>,
        %swap3A_720 = arith.index_cast %select_n3A_624 : i32 to index
        %swap3A_721 = arith.constant 128 : index
        %swap3A_722 = tpu.vector_load %arg8[%swap3A_720, %swap3A_721] {strides = array<i32>} : memref<136x256xf32, #tpu.memory_space<vmem>>, vector<1x16xf32>,
        %swap3A_723 = vector.shape_cast %swap3A_722 : vector<1x16xf32> to vector<16xf32>
        %swap3A_724 = vector.shape_cast %add3A_658 : vector<16xf32> to vector<1x16xf32>
        tpu.vector_store %arg8[%swap3A_720, %swap3A_721], %swap3A_724 {strides = array<i32>} : memref<136x256xf32, #tpu.memory_space<vmem>>, vector<1x16xf32>,
        %swap3A_725 = arith.index_cast %select_n3A_624 : i32 to index
        %swap3A_726 = arith.constant 144 : index
        %swap3A_727 = tpu.vector_load %arg8[%swap3A_725, %swap3A_726] {strides = array<i32>} : memref<136x256xf32, #tpu.memory_space<vmem>>, vector<1x16xf32>,
        %swap3A_728 = vector.shape_cast %swap3A_727 : vector<1x16xf32> to vector<16xf32>
        %swap3A_729 = vector.shape_cast %add3A_661 : vector<16xf32> to vector<1x16xf32>
        tpu.vector_store %arg8[%swap3A_725, %swap3A_726], %swap3A_729 {strides = array<i32>} : memref<136x256xf32, #tpu.memory_space<vmem>>, vector<1x16xf32>,
        %swap3A_730 = arith.index_cast %select_n3A_624 : i32 to index
        %swap3A_731 = arith.constant 160 : index
        %swap3A_732 = tpu.vector_load %arg8[%swap3A_730, %swap3A_731] {strides = array<i32>} : memref<136x256xf32, #tpu.memory_space<vmem>>, vector<1x16xf32>,
        %swap3A_733 = vector.shape_cast %swap3A_732 : vector<1x16xf32> to vector<16xf32>
        %swap3A_734 = vector.shape_cast %add3A_664 : vector<16xf32> to vector<1x16xf32>
        tpu.vector_store %arg8[%swap3A_730, %swap3A_731], %swap3A_734 {strides = array<i32>} : memref<136x256xf32, #tpu.memory_space<vmem>>, vector<1x16xf32>,
        %swap3A_735 = arith.index_cast %select_n3A_624 : i32 to index
        %swap3A_736 = arith.constant 176 : index
        %swap3A_737 = tpu.vector_load %arg8[%swap3A_735, %swap3A_736] {strides = array<i32>} : memref<136x256xf32, #tpu.memory_space<vmem>>, vector<1x16xf32>,
        %swap3A_738 = vector.shape_cast %swap3A_737 : vector<1x16xf32> to vector<16xf32>
        %swap3A_739 = vector.shape_cast %add3A_667 : vector<16xf32> to vector<1x16xf32>
        tpu.vector_store %arg8[%swap3A_735, %swap3A_736], %swap3A_739 {strides = array<i32>} : memref<136x256xf32, #tpu.memory_space<vmem>>, vector<1x16xf32>,
        %swap3A_740 = arith.index_cast %select_n3A_624 : i32 to index
        %swap3A_741 = arith.constant 192 : index
        %swap3A_742 = tpu.vector_load %arg8[%swap3A_740, %swap3A_741] {strides = array<i32>} : memref<136x256xf32, #tpu.memory_space<vmem>>, vector<1x16xf32>,
        %swap3A_743 = vector.shape_cast %swap3A_742 : vector<1x16xf32> to vector<16xf32>
        %swap3A_744 = vector.shape_cast %add3A_670 : vector<16xf32> to vector<1x16xf32>
        tpu.vector_store %arg8[%swap3A_740, %swap3A_741], %swap3A_744 {strides = array<i32>} : memref<136x256xf32, #tpu.memory_space<vmem>>, vector<1x16xf32>,
        %swap3A_745 = arith.index_cast %select_n3A_624 : i32 to index
        %swap3A_746 = arith.constant 208 : index
        %swap3A_747 = tpu.vector_load %arg8[%swap3A_745, %swap3A_746] {strides = array<i32>} : memref<136x256xf32, #tpu.memory_space<vmem>>, vector<1x16xf32>,
        %swap3A_748 = vector.shape_cast %swap3A_747 : vector<1x16xf32> to vector<16xf32>
        %swap3A_749 = vector.shape_cast %add3A_673 : vector<16xf32> to vector<1x16xf32>
        tpu.vector_store %arg8[%swap3A_745, %swap3A_746], %swap3A_749 {strides = array<i32>} : memref<136x256xf32, #tpu.memory_space<vmem>>, vector<1x16xf32>,
        %swap3A_750 = arith.index_cast %select_n3A_624 : i32 to index
        %swap3A_751 = arith.constant 224 : index
        %swap3A_752 = tpu.vector_load %arg8[%swap3A_750, %swap3A_751] {strides = array<i32>} : memref<136x256xf32, #tpu.memory_space<vmem>>, vector<1x16xf32>,
        %swap3A_753 = vector.shape_cast %swap3A_752 : vector<1x16xf32> to vector<16xf32>
        %swap3A_754 = vector.shape_cast %add3A_676 : vector<16xf32> to vector<1x16xf32>
        tpu.vector_store %arg8[%swap3A_750, %swap3A_751], %swap3A_754 {strides = array<i32>} : memref<136x256xf32, #tpu.memory_space<vmem>>, vector<1x16xf32>,
        %swap3A_755 = arith.index_cast %select_n3A_624 : i32 to index
        %swap3A_756 = arith.constant 240 : index
        %swap3A_757 = tpu.vector_load %arg8[%swap3A_755, %swap3A_756] {strides = array<i32>} : memref<136x256xf32, #tpu.memory_space<vmem>>, vector<1x16xf32>,
        %swap3A_758 = vector.shape_cast %swap3A_757 : vector<1x16xf32> to vector<16xf32>
        %swap3A_759 = vector.shape_cast %add3A_679 : vector<16xf32> to vector<1x16xf32>
        tpu.vector_store %arg8[%swap3A_755, %swap3A_756], %swap3A_759 {strides = array<i32>} : memref<136x256xf32, #tpu.memory_space<vmem>>, vector<1x16xf32>,
        %convert_element_type3A_760 = arith.sitofp %select_n3A_628 : i32 to f32
        %mul3A_761 = vector.broadcast %convert_element_type3A_760 : f32 to vector<16xf32>
        %mul3A_762 = arith.mulf %broadcast_in_dim3A_16, %mul3A_761 : vector<16xf32>
        %swap3A_763 = arith.index_cast %select_n3A_624 : i32 to index
        %swap3A_764 = arith.constant 0 : index
        %swap3A_765 = tpu.vector_load %arg9[%swap3A_763, %swap3A_764] {strides = array<i32>} : memref<136x16xf32, #tpu.memory_space<vmem>>, vector<1x16xf32>,
        %swap3A_766 = vector.shape_cast %swap3A_765 : vector<1x16xf32> to vector<16xf32>
        %swap3A_767 = vector.shape_cast %mul3A_762 : vector<16xf32> to vector<1x16xf32>
        tpu.vector_store %arg9[%swap3A_763, %swap3A_764], %swap3A_767 {strides = array<i32>} : memref<136x16xf32, #tpu.memory_space<vmem>>, vector<1x16xf32>,
        %mul3A_768 = arith.constant 16 : i32
        %mul3A_769 = arith.muli %scan3A_93, %mul3A_768 : i32
        %add3A_770 = arith.constant 3 : i32
        %add3A_771 = arith.addi %mul3A_769, %add3A_770 : i32
        %get3A_772 = arith.index_cast %add3A_771 : i32 to index
        %get3A_773 = arith.constant 0 : index
        %get3A_774 = tpu.vector_load %arg7[%get3A_772, %get3A_773] {strides = array<i32>} : memref<112x256xf32, #tpu.memory_space<vmem>>, vector<1x16xf32>,
        %get3A_775 = vector.shape_cast %get3A_774 : vector<1x16xf32> to vector<16xf32>
        %get3A_776 = arith.index_cast %add3A_771 : i32 to index
        %get3A_777 = arith.constant 16 : index
        %get3A_778 = tpu.vector_load %arg7[%get3A_776, %get3A_777] {strides = array<i32>} : memref<112x256xf32, #tpu.memory_space<vmem>>, vector<1x16xf32>,
        %get3A_779 = vector.shape_cast %get3A_778 : vector<1x16xf32> to vector<16xf32>
        %get3A_780 = arith.index_cast %add3A_771 : i32 to index
        %get3A_781 = arith.constant 32 : index
        %get3A_782 = tpu.vector_load %arg7[%get3A_780, %get3A_781] {strides = array<i32>} : memref<112x256xf32, #tpu.memory_space<vmem>>, vector<1x16xf32>,
        %get3A_783 = vector.shape_cast %get3A_782 : vector<1x16xf32> to vector<16xf32>
        %get3A_784 = arith.index_cast %add3A_771 : i32 to index
        %get3A_785 = arith.constant 48 : index
        %get3A_786 = tpu.vector_load %arg7[%get3A_784, %get3A_785] {strides = array<i32>} : memref<112x256xf32, #tpu.memory_space<vmem>>, vector<1x16xf32>,
        %get3A_787 = vector.shape_cast %get3A_786 : vector<1x16xf32> to vector<16xf32>
        %get3A_788 = arith.index_cast %add3A_771 : i32 to index
        %get3A_789 = arith.constant 64 : index
        %get3A_790 = tpu.vector_load %arg7[%get3A_788, %get3A_789] {strides = array<i32>} : memref<112x256xf32, #tpu.memory_space<vmem>>, vector<1x16xf32>,
        %get3A_791 = vector.shape_cast %get3A_790 : vector<1x16xf32> to vector<16xf32>
        %get3A_792 = arith.index_cast %add3A_771 : i32 to index
        %get3A_793 = arith.constant 80 : index
        %get3A_794 = tpu.vector_load %arg7[%get3A_792, %get3A_793] {strides = array<i32>} : memref<112x256xf32, #tpu.memory_space<vmem>>, vector<1x16xf32>,
        %get3A_795 = vector.shape_cast %get3A_794 : vector<1x16xf32> to vector<16xf32>
        %get3A_796 = arith.index_cast %add3A_771 : i32 to index
        %get3A_797 = arith.constant 96 : index
        %get3A_798 = tpu.vector_load %arg7[%get3A_796, %get3A_797] {strides = array<i32>} : memref<112x256xf32, #tpu.memory_space<vmem>>, vector<1x16xf32>,
        %get3A_799 = vector.shape_cast %get3A_798 : vector<1x16xf32> to vector<16xf32>
        %get3A_800 = arith.index_cast %add3A_771 : i32 to index
        %get3A_801 = arith.constant 112 : index
        %get3A_802 = tpu.vector_load %arg7[%get3A_800, %get3A_801] {strides = array<i32>} : memref<112x256xf32, #tpu.memory_space<vmem>>, vector<1x16xf32>,
        %get3A_803 = vector.shape_cast %get3A_802 : vector<1x16xf32> to vector<16xf32>
        %get3A_804 = arith.index_cast %add3A_771 : i32 to index
        %get3A_805 = arith.constant 128 : index
        %get3A_806 = tpu.vector_load %arg7[%get3A_804, %get3A_805] {strides = array<i32>} : memref<112x256xf32, #tpu.memory_space<vmem>>, vector<1x16xf32>,
        %get3A_807 = vector.shape_cast %get3A_806 : vector<1x16xf32> to vector<16xf32>
        %get3A_808 = arith.index_cast %add3A_771 : i32 to index
        %get3A_809 = arith.constant 144 : index
        %get3A_810 = tpu.vector_load %arg7[%get3A_808, %get3A_809] {strides = array<i32>} : memref<112x256xf32, #tpu.memory_space<vmem>>, vector<1x16xf32>,
        %get3A_811 = vector.shape_cast %get3A_810 : vector<1x16xf32> to vector<16xf32>
        %get3A_812 = arith.index_cast %add3A_771 : i32 to index
        %get3A_813 = arith.constant 160 : index
        %get3A_814 = tpu.vector_load %arg7[%get3A_812, %get3A_813] {strides = array<i32>} : memref<112x256xf32, #tpu.memory_space<vmem>>, vector<1x16xf32>,
        %get3A_815 = vector.shape_cast %get3A_814 : vector<1x16xf32> to vector<16xf32>
        %get3A_816 = arith.index_cast %add3A_771 : i32 to index
        %get3A_817 = arith.constant 176 : index
        %get3A_818 = tpu.vector_load %arg7[%get3A_816, %get3A_817] {strides = array<i32>} : memref<112x256xf32, #tpu.memory_space<vmem>>, vector<1x16xf32>,
        %get3A_819 = vector.shape_cast %get3A_818 : vector<1x16xf32> to vector<16xf32>
        %get3A_820 = arith.index_cast %add3A_771 : i32 to index
        %get3A_821 = arith.constant 192 : index
        %get3A_822 = tpu.vector_load %arg7[%get3A_820, %get3A_821] {strides = array<i32>} : memref<112x256xf32, #tpu.memory_space<vmem>>, vector<1x16xf32>,
        %get3A_823 = vector.shape_cast %get3A_822 : vector<1x16xf32> to vector<16xf32>
        %get3A_824 = arith.index_cast %add3A_771 : i32 to index
        %get3A_825 = arith.constant 208 : index
        %get3A_826 = tpu.vector_load %arg7[%get3A_824, %get3A_825] {strides = array<i32>} : memref<112x256xf32, #tpu.memory_space<vmem>>, vector<1x16xf32>,
        %get3A_827 = vector.shape_cast %get3A_826 : vector<1x16xf32> to vector<16xf32>
        %get3A_828 = arith.index_cast %add3A_771 : i32 to index
        %get3A_829 = arith.constant 224 : index
        %get3A_830 = tpu.vector_load %arg7[%get3A_828, %get3A_829] {strides = array<i32>} : memref<112x256xf32, #tpu.memory_space<vmem>>, vector<1x16xf32>,
        %get3A_831 = vector.shape_cast %get3A_830 : vector<1x16xf32> to vector<16xf32>
        %get3A_832 = arith.index_cast %add3A_771 : i32 to index
        %get3A_833 = arith.constant 240 : index
        %get3A_834 = tpu.vector_load %arg7[%get3A_832, %get3A_833] {strides = array<i32>} : memref<112x256xf32, #tpu.memory_space<vmem>>, vector<1x16xf32>,
        %get3A_835 = vector.shape_cast %get3A_834 : vector<1x16xf32> to vector<16xf32>
        %slice3A_836 = vector.extract_strided_slice %select_n3A_126 {offsets = [3], sizes = [1], strides = [1]} : vector<16xi32> to vector<1xi32>
        %squeeze3A_837 = vector.extract %slice3A_836[0] : i32 from vector<1xi32>
        %ne3A_838 = arith.cmpi ne, %squeeze3A_837, %select_n3A_624 : i32
        %select_n3A_839 = arith.select %ne3A_838, %squeeze3A_837, %select_n3A_624 : i32
        %add3A_840 = arith.constant 1 : i32
        %add3A_841 = arith.addi %select_n3A_628, %add3A_840 : i32
        %jit3A_842 = arith.constant 1 : i32
        %select_n3A_843 = arith.select %ne3A_838, %jit3A_842, %add3A_841 : i32
        %jit3A_844 = arith.constant 0.000000e+00 : f32
        %jit3A_845 = arith.constant 1.000000e+00 : f32
        %select_n3A_846 = arith.select %ne3A_838, %jit3A_844, %jit3A_845 : f32
        %mul3A_847 = vector.broadcast %select_n3A_846 : f32 to vector<16xf32>
        %mul3A_848 = arith.mulf %add3A_634, %mul3A_847 : vector<16xf32>
        %add3A_849 = arith.addf %get3A_775, %mul3A_848 : vector<16xf32>
        %mul3A_850 = vector.broadcast %select_n3A_846 : f32 to vector<16xf32>
        %mul3A_851 = arith.mulf %add3A_637, %mul3A_850 : vector<16xf32>
        %add3A_852 = arith.addf %get3A_779, %mul3A_851 : vector<16xf32>
        %mul3A_853 = vector.broadcast %select_n3A_846 : f32 to vector<16xf32>
        %mul3A_854 = arith.mulf %add3A_640, %mul3A_853 : vector<16xf32>
        %add3A_855 = arith.addf %get3A_783, %mul3A_854 : vector<16xf32>
        %mul3A_856 = vector.broadcast %select_n3A_846 : f32 to vector<16xf32>
        %mul3A_857 = arith.mulf %add3A_643, %mul3A_856 : vector<16xf32>
        %add3A_858 = arith.addf %get3A_787, %mul3A_857 : vector<16xf32>
        %mul3A_859 = vector.broadcast %select_n3A_846 : f32 to vector<16xf32>
        %mul3A_860 = arith.mulf %add3A_646, %mul3A_859 : vector<16xf32>
        %add3A_861 = arith.addf %get3A_791, %mul3A_860 : vector<16xf32>
        %mul3A_862 = vector.broadcast %select_n3A_846 : f32 to vector<16xf32>
        %mul3A_863 = arith.mulf %add3A_649, %mul3A_862 : vector<16xf32>
        %add3A_864 = arith.addf %get3A_795, %mul3A_863 : vector<16xf32>
        %mul3A_865 = vector.broadcast %select_n3A_846 : f32 to vector<16xf32>
        %mul3A_866 = arith.mulf %add3A_652, %mul3A_865 : vector<16xf32>
        %add3A_867 = arith.addf %get3A_799, %mul3A_866 : vector<16xf32>
        %mul3A_868 = vector.broadcast %select_n3A_846 : f32 to vector<16xf32>
        %mul3A_869 = arith.mulf %add3A_655, %mul3A_868 : vector<16xf32>
        %add3A_870 = arith.addf %get3A_803, %mul3A_869 : vector<16xf32>
        %mul3A_871 = vector.broadcast %select_n3A_846 : f32 to vector<16xf32>
        %mul3A_872 = arith.mulf %add3A_658, %mul3A_871 : vector<16xf32>
        %add3A_873 = arith.addf %get3A_807, %mul3A_872 : vector<16xf32>
        %mul3A_874 = vector.broadcast %select_n3A_846 : f32 to vector<16xf32>
        %mul3A_875 = arith.mulf %add3A_661, %mul3A_874 : vector<16xf32>
        %add3A_876 = arith.addf %get3A_811, %mul3A_875 : vector<16xf32>
        %mul3A_877 = vector.broadcast %select_n3A_846 : f32 to vector<16xf32>
        %mul3A_878 = arith.mulf %add3A_664, %mul3A_877 : vector<16xf32>
        %add3A_879 = arith.addf %get3A_815, %mul3A_878 : vector<16xf32>
        %mul3A_880 = vector.broadcast %select_n3A_846 : f32 to vector<16xf32>
        %mul3A_881 = arith.mulf %add3A_667, %mul3A_880 : vector<16xf32>
        %add3A_882 = arith.addf %get3A_819, %mul3A_881 : vector<16xf32>
        %mul3A_883 = vector.broadcast %select_n3A_846 : f32 to vector<16xf32>
        %mul3A_884 = arith.mulf %add3A_670, %mul3A_883 : vector<16xf32>
        %add3A_885 = arith.addf %get3A_823, %mul3A_884 : vector<16xf32>
        %mul3A_886 = vector.broadcast %select_n3A_846 : f32 to vector<16xf32>
        %mul3A_887 = arith.mulf %add3A_673, %mul3A_886 : vector<16xf32>
        %add3A_888 = arith.addf %get3A_827, %mul3A_887 : vector<16xf32>
        %mul3A_889 = vector.broadcast %select_n3A_846 : f32 to vector<16xf32>
        %mul3A_890 = arith.mulf %add3A_676, %mul3A_889 : vector<16xf32>
        %add3A_891 = arith.addf %get3A_831, %mul3A_890 : vector<16xf32>
        %mul3A_892 = vector.broadcast %select_n3A_846 : f32 to vector<16xf32>
        %mul3A_893 = arith.mulf %add3A_679, %mul3A_892 : vector<16xf32>
        %add3A_894 = arith.addf %get3A_835, %mul3A_893 : vector<16xf32>
        %swap3A_895 = arith.index_cast %select_n3A_839 : i32 to index
        %swap3A_896 = arith.constant 0 : index
        %swap3A_897 = tpu.vector_load %arg8[%swap3A_895, %swap3A_896] {strides = array<i32>} : memref<136x256xf32, #tpu.memory_space<vmem>>, vector<1x16xf32>,
        %swap3A_898 = vector.shape_cast %swap3A_897 : vector<1x16xf32> to vector<16xf32>
        %swap3A_899 = vector.shape_cast %add3A_849 : vector<16xf32> to vector<1x16xf32>
        tpu.vector_store %arg8[%swap3A_895, %swap3A_896], %swap3A_899 {strides = array<i32>} : memref<136x256xf32, #tpu.memory_space<vmem>>, vector<1x16xf32>,
        %swap3A_900 = arith.index_cast %select_n3A_839 : i32 to index
        %swap3A_901 = arith.constant 16 : index
        %swap3A_902 = tpu.vector_load %arg8[%swap3A_900, %swap3A_901] {strides = array<i32>} : memref<136x256xf32, #tpu.memory_space<vmem>>, vector<1x16xf32>,
        %swap3A_903 = vector.shape_cast %swap3A_902 : vector<1x16xf32> to vector<16xf32>
        %swap3A_904 = vector.shape_cast %add3A_852 : vector<16xf32> to vector<1x16xf32>
        tpu.vector_store %arg8[%swap3A_900, %swap3A_901], %swap3A_904 {strides = array<i32>} : memref<136x256xf32, #tpu.memory_space<vmem>>, vector<1x16xf32>,
        %swap3A_905 = arith.index_cast %select_n3A_839 : i32 to index
        %swap3A_906 = arith.constant 32 : index
        %swap3A_907 = tpu.vector_load %arg8[%swap3A_905, %swap3A_906] {strides = array<i32>} : memref<136x256xf32, #tpu.memory_space<vmem>>, vector<1x16xf32>,
        %swap3A_908 = vector.shape_cast %swap3A_907 : vector<1x16xf32> to vector<16xf32>
        %swap3A_909 = vector.shape_cast %add3A_855 : vector<16xf32> to vector<1x16xf32>
        tpu.vector_store %arg8[%swap3A_905, %swap3A_906], %swap3A_909 {strides = array<i32>} : memref<136x256xf32, #tpu.memory_space<vmem>>, vector<1x16xf32>,
        %swap3A_910 = arith.index_cast %select_n3A_839 : i32 to index
        %swap3A_911 = arith.constant 48 : index
        %swap3A_912 = tpu.vector_load %arg8[%swap3A_910, %swap3A_911] {strides = array<i32>} : memref<136x256xf32, #tpu.memory_space<vmem>>, vector<1x16xf32>,
        %swap3A_913 = vector.shape_cast %swap3A_912 : vector<1x16xf32> to vector<16xf32>
        %swap3A_914 = vector.shape_cast %add3A_858 : vector<16xf32> to vector<1x16xf32>
        tpu.vector_store %arg8[%swap3A_910, %swap3A_911], %swap3A_914 {strides = array<i32>} : memref<136x256xf32, #tpu.memory_space<vmem>>, vector<1x16xf32>,
        %swap3A_915 = arith.index_cast %select_n3A_839 : i32 to index
        %swap3A_916 = arith.constant 64 : index
        %swap3A_917 = tpu.vector_load %arg8[%swap3A_915, %swap3A_916] {strides = array<i32>} : memref<136x256xf32, #tpu.memory_space<vmem>>, vector<1x16xf32>,
        %swap3A_918 = vector.shape_cast %swap3A_917 : vector<1x16xf32> to vector<16xf32>
        %swap3A_919 = vector.shape_cast %add3A_861 : vector<16xf32> to vector<1x16xf32>
        tpu.vector_store %arg8[%swap3A_915, %swap3A_916], %swap3A_919 {strides = array<i32>} : memref<136x256xf32, #tpu.memory_space<vmem>>, vector<1x16xf32>,
        %swap3A_920 = arith.index_cast %select_n3A_839 : i32 to index
        %swap3A_921 = arith.constant 80 : index
        %swap3A_922 = tpu.vector_load %arg8[%swap3A_920, %swap3A_921] {strides = array<i32>} : memref<136x256xf32, #tpu.memory_space<vmem>>, vector<1x16xf32>,
        %swap3A_923 = vector.shape_cast %swap3A_922 : vector<1x16xf32> to vector<16xf32>
        %swap3A_924 = vector.shape_cast %add3A_864 : vector<16xf32> to vector<1x16xf32>
        tpu.vector_store %arg8[%swap3A_920, %swap3A_921], %swap3A_924 {strides = array<i32>} : memref<136x256xf32, #tpu.memory_space<vmem>>, vector<1x16xf32>,
        %swap3A_925 = arith.index_cast %select_n3A_839 : i32 to index
        %swap3A_926 = arith.constant 96 : index
        %swap3A_927 = tpu.vector_load %arg8[%swap3A_925, %swap3A_926] {strides = array<i32>} : memref<136x256xf32, #tpu.memory_space<vmem>>, vector<1x16xf32>,
        %swap3A_928 = vector.shape_cast %swap3A_927 : vector<1x16xf32> to vector<16xf32>
        %swap3A_929 = vector.shape_cast %add3A_867 : vector<16xf32> to vector<1x16xf32>
        tpu.vector_store %arg8[%swap3A_925, %swap3A_926], %swap3A_929 {strides = array<i32>} : memref<136x256xf32, #tpu.memory_space<vmem>>, vector<1x16xf32>,
        %swap3A_930 = arith.index_cast %select_n3A_839 : i32 to index
        %swap3A_931 = arith.constant 112 : index
        %swap3A_932 = tpu.vector_load %arg8[%swap3A_930, %swap3A_931] {strides = array<i32>} : memref<136x256xf32, #tpu.memory_space<vmem>>, vector<1x16xf32>,
        %swap3A_933 = vector.shape_cast %swap3A_932 : vector<1x16xf32> to vector<16xf32>
        %swap3A_934 = vector.shape_cast %add3A_870 : vector<16xf32> to vector<1x16xf32>
        tpu.vector_store %arg8[%swap3A_930, %swap3A_931], %swap3A_934 {strides = array<i32>} : memref<136x256xf32, #tpu.memory_space<vmem>>, vector<1x16xf32>,
        %swap3A_935 = arith.index_cast %select_n3A_839 : i32 to index
        %swap3A_936 = arith.constant 128 : index
        %swap3A_937 = tpu.vector_load %arg8[%swap3A_935, %swap3A_936] {strides = array<i32>} : memref<136x256xf32, #tpu.memory_space<vmem>>, vector<1x16xf32>,
        %swap3A_938 = vector.shape_cast %swap3A_937 : vector<1x16xf32> to vector<16xf32>
        %swap3A_939 = vector.shape_cast %add3A_873 : vector<16xf32> to vector<1x16xf32>
        tpu.vector_store %arg8[%swap3A_935, %swap3A_936], %swap3A_939 {strides = array<i32>} : memref<136x256xf32, #tpu.memory_space<vmem>>, vector<1x16xf32>,
        %swap3A_940 = arith.index_cast %select_n3A_839 : i32 to index
        %swap3A_941 = arith.constant 144 : index
        %swap3A_942 = tpu.vector_load %arg8[%swap3A_940, %swap3A_941] {strides = array<i32>} : memref<136x256xf32, #tpu.memory_space<vmem>>, vector<1x16xf32>,
        %swap3A_943 = vector.shape_cast %swap3A_942 : vector<1x16xf32> to vector<16xf32>
        %swap3A_944 = vector.shape_cast %add3A_876 : vector<16xf32> to vector<1x16xf32>
        tpu.vector_store %arg8[%swap3A_940, %swap3A_941], %swap3A_944 {strides = array<i32>} : memref<136x256xf32, #tpu.memory_space<vmem>>, vector<1x16xf32>,
        %swap3A_945 = arith.index_cast %select_n3A_839 : i32 to index
        %swap3A_946 = arith.constant 160 : index
        %swap3A_947 = tpu.vector_load %arg8[%swap3A_945, %swap3A_946] {strides = array<i32>} : memref<136x256xf32, #tpu.memory_space<vmem>>, vector<1x16xf32>,
        %swap3A_948 = vector.shape_cast %swap3A_947 : vector<1x16xf32> to vector<16xf32>
        %swap3A_949 = vector.shape_cast %add3A_879 : vector<16xf32> to vector<1x16xf32>
        tpu.vector_store %arg8[%swap3A_945, %swap3A_946], %swap3A_949 {strides = array<i32>} : memref<136x256xf32, #tpu.memory_space<vmem>>, vector<1x16xf32>,
        %swap3A_950 = arith.index_cast %select_n3A_839 : i32 to index
        %swap3A_951 = arith.constant 176 : index
        %swap3A_952 = tpu.vector_load %arg8[%swap3A_950, %swap3A_951] {strides = array<i32>} : memref<136x256xf32, #tpu.memory_space<vmem>>, vector<1x16xf32>,
        %swap3A_953 = vector.shape_cast %swap3A_952 : vector<1x16xf32> to vector<16xf32>
        %swap3A_954 = vector.shape_cast %add3A_882 : vector<16xf32> to vector<1x16xf32>
        tpu.vector_store %arg8[%swap3A_950, %swap3A_951], %swap3A_954 {strides = array<i32>} : memref<136x256xf32, #tpu.memory_space<vmem>>, vector<1x16xf32>,
        %swap3A_955 = arith.index_cast %select_n3A_839 : i32 to index
        %swap3A_956 = arith.constant 192 : index
        %swap3A_957 = tpu.vector_load %arg8[%swap3A_955, %swap3A_956] {strides = array<i32>} : memref<136x256xf32, #tpu.memory_space<vmem>>, vector<1x16xf32>,
        %swap3A_958 = vector.shape_cast %swap3A_957 : vector<1x16xf32> to vector<16xf32>
        %swap3A_959 = vector.shape_cast %add3A_885 : vector<16xf32> to vector<1x16xf32>
        tpu.vector_store %arg8[%swap3A_955, %swap3A_956], %swap3A_959 {strides = array<i32>} : memref<136x256xf32, #tpu.memory_space<vmem>>, vector<1x16xf32>,
        %swap3A_960 = arith.index_cast %select_n3A_839 : i32 to index
        %swap3A_961 = arith.constant 208 : index
        %swap3A_962 = tpu.vector_load %arg8[%swap3A_960, %swap3A_961] {strides = array<i32>} : memref<136x256xf32, #tpu.memory_space<vmem>>, vector<1x16xf32>,
        %swap3A_963 = vector.shape_cast %swap3A_962 : vector<1x16xf32> to vector<16xf32>
        %swap3A_964 = vector.shape_cast %add3A_888 : vector<16xf32> to vector<1x16xf32>
        tpu.vector_store %arg8[%swap3A_960, %swap3A_961], %swap3A_964 {strides = array<i32>} : memref<136x256xf32, #tpu.memory_space<vmem>>, vector<1x16xf32>,
        %swap3A_965 = arith.index_cast %select_n3A_839 : i32 to index
        %swap3A_966 = arith.constant 224 : index
        %swap3A_967 = tpu.vector_load %arg8[%swap3A_965, %swap3A_966] {strides = array<i32>} : memref<136x256xf32, #tpu.memory_space<vmem>>, vector<1x16xf32>,
        %swap3A_968 = vector.shape_cast %swap3A_967 : vector<1x16xf32> to vector<16xf32>
        %swap3A_969 = vector.shape_cast %add3A_891 : vector<16xf32> to vector<1x16xf32>
        tpu.vector_store %arg8[%swap3A_965, %swap3A_966], %swap3A_969 {strides = array<i32>} : memref<136x256xf32, #tpu.memory_space<vmem>>, vector<1x16xf32>,
        %swap3A_970 = arith.index_cast %select_n3A_839 : i32 to index
        %swap3A_971 = arith.constant 240 : index
        %swap3A_972 = tpu.vector_load %arg8[%swap3A_970, %swap3A_971] {strides = array<i32>} : memref<136x256xf32, #tpu.memory_space<vmem>>, vector<1x16xf32>,
        %swap3A_973 = vector.shape_cast %swap3A_972 : vector<1x16xf32> to vector<16xf32>
        %swap3A_974 = vector.shape_cast %add3A_894 : vector<16xf32> to vector<1x16xf32>
        tpu.vector_store %arg8[%swap3A_970, %swap3A_971], %swap3A_974 {strides = array<i32>} : memref<136x256xf32, #tpu.memory_space<vmem>>, vector<1x16xf32>,
        %convert_element_type3A_975 = arith.sitofp %select_n3A_843 : i32 to f32
        %mul3A_976 = vector.broadcast %convert_element_type3A_975 : f32 to vector<16xf32>
        %mul3A_977 = arith.mulf %broadcast_in_dim3A_16, %mul3A_976 : vector<16xf32>
        %swap3A_978 = arith.index_cast %select_n3A_839 : i32 to index
        %swap3A_979 = arith.constant 0 : index
        %swap3A_980 = tpu.vector_load %arg9[%swap3A_978, %swap3A_979] {strides = array<i32>} : memref<136x16xf32, #tpu.memory_space<vmem>>, vector<1x16xf32>,
        %swap3A_981 = vector.shape_cast %swap3A_980 : vector<1x16xf32> to vector<16xf32>
        %swap3A_982 = vector.shape_cast %mul3A_977 : vector<16xf32> to vector<1x16xf32>
        tpu.vector_store %arg9[%swap3A_978, %swap3A_979], %swap3A_982 {strides = array<i32>} : memref<136x16xf32, #tpu.memory_space<vmem>>, vector<1x16xf32>,
        %mul3A_983 = arith.constant 16 : i32
        %mul3A_984 = arith.muli %scan3A_93, %mul3A_983 : i32
        %add3A_985 = arith.constant 4 : i32
        %add3A_986 = arith.addi %mul3A_984, %add3A_985 : i32
        %get3A_987 = arith.index_cast %add3A_986 : i32 to index
        %get3A_988 = arith.constant 0 : index
        %get3A_989 = tpu.vector_load %arg7[%get3A_987, %get3A_988] {strides = array<i32>} : memref<112x256xf32, #tpu.memory_space<vmem>>, vector<1x16xf32>,
        %get3A_990 = vector.shape_cast %get3A_989 : vector<1x16xf32> to vector<16xf32>
        %get3A_991 = arith.index_cast %add3A_986 : i32 to index
        %get3A_992 = arith.constant 16 : index
        %get3A_993 = tpu.vector_load %arg7[%get3A_991, %get3A_992] {strides = array<i32>} : memref<112x256xf32, #tpu.memory_space<vmem>>, vector<1x16xf32>,
        %get3A_994 = vector.shape_cast %get3A_993 : vector<1x16xf32> to vector<16xf32>
        %get3A_995 = arith.index_cast %add3A_986 : i32 to index
        %get3A_996 = arith.constant 32 : index
        %get3A_997 = tpu.vector_load %arg7[%get3A_995, %get3A_996] {strides = array<i32>} : memref<112x256xf32, #tpu.memory_space<vmem>>, vector<1x16xf32>,
        %get3A_998 = vector.shape_cast %get3A_997 : vector<1x16xf32> to vector<16xf32>
        %get3A_999 = arith.index_cast %add3A_986 : i32 to index
        %get3A_1000 = arith.constant 48 : index
        %get3A_1001 = tpu.vector_load %arg7[%get3A_999, %get3A_1000] {strides = array<i32>} : memref<112x256xf32, #tpu.memory_space<vmem>>, vector<1x16xf32>,
        %get3A_1002 = vector.shape_cast %get3A_1001 : vector<1x16xf32> to vector<16xf32>
        %get3A_1003 = arith.index_cast %add3A_986 : i32 to index
        %get3A_1004 = arith.constant 64 : index
        %get3A_1005 = tpu.vector_load %arg7[%get3A_1003, %get3A_1004] {strides = array<i32>} : memref<112x256xf32, #tpu.memory_space<vmem>>, vector<1x16xf32>,
        %get3A_1006 = vector.shape_cast %get3A_1005 : vector<1x16xf32> to vector<16xf32>
        %get3A_1007 = arith.index_cast %add3A_986 : i32 to index
        %get3A_1008 = arith.constant 80 : index
        %get3A_1009 = tpu.vector_load %arg7[%get3A_1007, %get3A_1008] {strides = array<i32>} : memref<112x256xf32, #tpu.memory_space<vmem>>, vector<1x16xf32>,
        %get3A_1010 = vector.shape_cast %get3A_1009 : vector<1x16xf32> to vector<16xf32>
        %get3A_1011 = arith.index_cast %add3A_986 : i32 to index
        %get3A_1012 = arith.constant 96 : index
        %get3A_1013 = tpu.vector_load %arg7[%get3A_1011, %get3A_1012] {strides = array<i32>} : memref<112x256xf32, #tpu.memory_space<vmem>>, vector<1x16xf32>,
        %get3A_1014 = vector.shape_cast %get3A_1013 : vector<1x16xf32> to vector<16xf32>
        %get3A_1015 = arith.index_cast %add3A_986 : i32 to index
        %get3A_1016 = arith.constant 112 : index
        %get3A_1017 = tpu.vector_load %arg7[%get3A_1015, %get3A_1016] {strides = array<i32>} : memref<112x256xf32, #tpu.memory_space<vmem>>, vector<1x16xf32>,
        %get3A_1018 = vector.shape_cast %get3A_1017 : vector<1x16xf32> to vector<16xf32>
        %get3A_1019 = arith.index_cast %add3A_986 : i32 to index
        %get3A_1020 = arith.constant 128 : index
        %get3A_1021 = tpu.vector_load %arg7[%get3A_1019, %get3A_1020] {strides = array<i32>} : memref<112x256xf32, #tpu.memory_space<vmem>>, vector<1x16xf32>,
        %get3A_1022 = vector.shape_cast %get3A_1021 : vector<1x16xf32> to vector<16xf32>
        %get3A_1023 = arith.index_cast %add3A_986 : i32 to index
        %get3A_1024 = arith.constant 144 : index
        %get3A_1025 = tpu.vector_load %arg7[%get3A_1023, %get3A_1024] {strides = array<i32>} : memref<112x256xf32, #tpu.memory_space<vmem>>, vector<1x16xf32>,
        %get3A_1026 = vector.shape_cast %get3A_1025 : vector<1x16xf32> to vector<16xf32>
        %get3A_1027 = arith.index_cast %add3A_986 : i32 to index
        %get3A_1028 = arith.constant 160 : index
        %get3A_1029 = tpu.vector_load %arg7[%get3A_1027, %get3A_1028] {strides = array<i32>} : memref<112x256xf32, #tpu.memory_space<vmem>>, vector<1x16xf32>,
        %get3A_1030 = vector.shape_cast %get3A_1029 : vector<1x16xf32> to vector<16xf32>
        %get3A_1031 = arith.index_cast %add3A_986 : i32 to index
        %get3A_1032 = arith.constant 176 : index
        %get3A_1033 = tpu.vector_load %arg7[%get3A_1031, %get3A_1032] {strides = array<i32>} : memref<112x256xf32, #tpu.memory_space<vmem>>, vector<1x16xf32>,
        %get3A_1034 = vector.shape_cast %get3A_1033 : vector<1x16xf32> to vector<16xf32>
        %get3A_1035 = arith.index_cast %add3A_986 : i32 to index
        %get3A_1036 = arith.constant 192 : index
        %get3A_1037 = tpu.vector_load %arg7[%get3A_1035, %get3A_1036] {strides = array<i32>} : memref<112x256xf32, #tpu.memory_space<vmem>>, vector<1x16xf32>,
        %get3A_1038 = vector.shape_cast %get3A_1037 : vector<1x16xf32> to vector<16xf32>
        %get3A_1039 = arith.index_cast %add3A_986 : i32 to index
        %get3A_1040 = arith.constant 208 : index
        %get3A_1041 = tpu.vector_load %arg7[%get3A_1039, %get3A_1040] {strides = array<i32>} : memref<112x256xf32, #tpu.memory_space<vmem>>, vector<1x16xf32>,
        %get3A_1042 = vector.shape_cast %get3A_1041 : vector<1x16xf32> to vector<16xf32>
        %get3A_1043 = arith.index_cast %add3A_986 : i32 to index
        %get3A_1044 = arith.constant 224 : index
        %get3A_1045 = tpu.vector_load %arg7[%get3A_1043, %get3A_1044] {strides = array<i32>} : memref<112x256xf32, #tpu.memory_space<vmem>>, vector<1x16xf32>,
        %get3A_1046 = vector.shape_cast %get3A_1045 : vector<1x16xf32> to vector<16xf32>
        %get3A_1047 = arith.index_cast %add3A_986 : i32 to index
        %get3A_1048 = arith.constant 240 : index
        %get3A_1049 = tpu.vector_load %arg7[%get3A_1047, %get3A_1048] {strides = array<i32>} : memref<112x256xf32, #tpu.memory_space<vmem>>, vector<1x16xf32>,
        %get3A_1050 = vector.shape_cast %get3A_1049 : vector<1x16xf32> to vector<16xf32>
        %slice3A_1051 = vector.extract_strided_slice %select_n3A_126 {offsets = [4], sizes = [1], strides = [1]} : vector<16xi32> to vector<1xi32>
        %squeeze3A_1052 = vector.extract %slice3A_1051[0] : i32 from vector<1xi32>
        %ne3A_1053 = arith.cmpi ne, %squeeze3A_1052, %select_n3A_839 : i32
        %select_n3A_1054 = arith.select %ne3A_1053, %squeeze3A_1052, %select_n3A_839 : i32
        %add3A_1055 = arith.constant 1 : i32
        %add3A_1056 = arith.addi %select_n3A_843, %add3A_1055 : i32
        %jit3A_1057 = arith.constant 1 : i32
        %select_n3A_1058 = arith.select %ne3A_1053, %jit3A_1057, %add3A_1056 : i32
        %jit3A_1059 = arith.constant 0.000000e+00 : f32
        %jit3A_1060 = arith.constant 1.000000e+00 : f32
        %select_n3A_1061 = arith.select %ne3A_1053, %jit3A_1059, %jit3A_1060 : f32
        %mul3A_1062 = vector.broadcast %select_n3A_1061 : f32 to vector<16xf32>
        %mul3A_1063 = arith.mulf %add3A_849, %mul3A_1062 : vector<16xf32>
        %add3A_1064 = arith.addf %get3A_990, %mul3A_1063 : vector<16xf32>
        %mul3A_1065 = vector.broadcast %select_n3A_1061 : f32 to vector<16xf32>
        %mul3A_1066 = arith.mulf %add3A_852, %mul3A_1065 : vector<16xf32>
        %add3A_1067 = arith.addf %get3A_994, %mul3A_1066 : vector<16xf32>
        %mul3A_1068 = vector.broadcast %select_n3A_1061 : f32 to vector<16xf32>
        %mul3A_1069 = arith.mulf %add3A_855, %mul3A_1068 : vector<16xf32>
        %add3A_1070 = arith.addf %get3A_998, %mul3A_1069 : vector<16xf32>
        %mul3A_1071 = vector.broadcast %select_n3A_1061 : f32 to vector<16xf32>
        %mul3A_1072 = arith.mulf %add3A_858, %mul3A_1071 : vector<16xf32>
        %add3A_1073 = arith.addf %get3A_1002, %mul3A_1072 : vector<16xf32>
        %mul3A_1074 = vector.broadcast %select_n3A_1061 : f32 to vector<16xf32>
        %mul3A_1075 = arith.mulf %add3A_861, %mul3A_1074 : vector<16xf32>
        %add3A_1076 = arith.addf %get3A_1006, %mul3A_1075 : vector<16xf32>
        %mul3A_1077 = vector.broadcast %select_n3A_1061 : f32 to vector<16xf32>
        %mul3A_1078 = arith.mulf %add3A_864, %mul3A_1077 : vector<16xf32>
        %add3A_1079 = arith.addf %get3A_1010, %mul3A_1078 : vector<16xf32>
        %mul3A_1080 = vector.broadcast %select_n3A_1061 : f32 to vector<16xf32>
        %mul3A_1081 = arith.mulf %add3A_867, %mul3A_1080 : vector<16xf32>
        %add3A_1082 = arith.addf %get3A_1014, %mul3A_1081 : vector<16xf32>
        %mul3A_1083 = vector.broadcast %select_n3A_1061 : f32 to vector<16xf32>
        %mul3A_1084 = arith.mulf %add3A_870, %mul3A_1083 : vector<16xf32>
        %add3A_1085 = arith.addf %get3A_1018, %mul3A_1084 : vector<16xf32>
        %mul3A_1086 = vector.broadcast %select_n3A_1061 : f32 to vector<16xf32>
        %mul3A_1087 = arith.mulf %add3A_873, %mul3A_1086 : vector<16xf32>
        %add3A_1088 = arith.addf %get3A_1022, %mul3A_1087 : vector<16xf32>
        %mul3A_1089 = vector.broadcast %select_n3A_1061 : f32 to vector<16xf32>
        %mul3A_1090 = arith.mulf %add3A_876, %mul3A_1089 : vector<16xf32>
        %add3A_1091 = arith.addf %get3A_1026, %mul3A_1090 : vector<16xf32>
        %mul3A_1092 = vector.broadcast %select_n3A_1061 : f32 to vector<16xf32>
        %mul3A_1093 = arith.mulf %add3A_879, %mul3A_1092 : vector<16xf32>
        %add3A_1094 = arith.addf %get3A_1030, %mul3A_1093 : vector<16xf32>
        %mul3A_1095 = vector.broadcast %select_n3A_1061 : f32 to vector<16xf32>
        %mul3A_1096 = arith.mulf %add3A_882, %mul3A_1095 : vector<16xf32>
        %add3A_1097 = arith.addf %get3A_1034, %mul3A_1096 : vector<16xf32>
        %mul3A_1098 = vector.broadcast %select_n3A_1061 : f32 to vector<16xf32>
        %mul3A_1099 = arith.mulf %add3A_885, %mul3A_1098 : vector<16xf32>
        %add3A_1100 = arith.addf %get3A_1038, %mul3A_1099 : vector<16xf32>
        %mul3A_1101 = vector.broadcast %select_n3A_1061 : f32 to vector<16xf32>
        %mul3A_1102 = arith.mulf %add3A_888, %mul3A_1101 : vector<16xf32>
        %add3A_1103 = arith.addf %get3A_1042, %mul3A_1102 : vector<16xf32>
        %mul3A_1104 = vector.broadcast %select_n3A_1061 : f32 to vector<16xf32>
        %mul3A_1105 = arith.mulf %add3A_891, %mul3A_1104 : vector<16xf32>
        %add3A_1106 = arith.addf %get3A_1046, %mul3A_1105 : vector<16xf32>
        %mul3A_1107 = vector.broadcast %select_n3A_1061 : f32 to vector<16xf32>
        %mul3A_1108 = arith.mulf %add3A_894, %mul3A_1107 : vector<16xf32>
        %add3A_1109 = arith.addf %get3A_1050, %mul3A_1108 : vector<16xf32>
        %swap3A_1110 = arith.index_cast %select_n3A_1054 : i32 to index
        %swap3A_1111 = arith.constant 0 : index
        %swap3A_1112 = tpu.vector_load %arg8[%swap3A_1110, %swap3A_1111] {strides = array<i32>} : memref<136x256xf32, #tpu.memory_space<vmem>>, vector<1x16xf32>,
        %swap3A_1113 = vector.shape_cast %swap3A_1112 : vector<1x16xf32> to vector<16xf32>
        %swap3A_1114 = vector.shape_cast %add3A_1064 : vector<16xf32> to vector<1x16xf32>
        tpu.vector_store %arg8[%swap3A_1110, %swap3A_1111], %swap3A_1114 {strides = array<i32>} : memref<136x256xf32, #tpu.memory_space<vmem>>, vector<1x16xf32>,
        %swap3A_1115 = arith.index_cast %select_n3A_1054 : i32 to index
        %swap3A_1116 = arith.constant 16 : index
        %swap3A_1117 = tpu.vector_load %arg8[%swap3A_1115, %swap3A_1116] {strides = array<i32>} : memref<136x256xf32, #tpu.memory_space<vmem>>, vector<1x16xf32>,
        %swap3A_1118 = vector.shape_cast %swap3A_1117 : vector<1x16xf32> to vector<16xf32>
        %swap3A_1119 = vector.shape_cast %add3A_1067 : vector<16xf32> to vector<1x16xf32>
        tpu.vector_store %arg8[%swap3A_1115, %swap3A_1116], %swap3A_1119 {strides = array<i32>} : memref<136x256xf32, #tpu.memory_space<vmem>>, vector<1x16xf32>,
        %swap3A_1120 = arith.index_cast %select_n3A_1054 : i32 to index
        %swap3A_1121 = arith.constant 32 : index
        %swap3A_1122 = tpu.vector_load %arg8[%swap3A_1120, %swap3A_1121] {strides = array<i32>} : memref<136x256xf32, #tpu.memory_space<vmem>>, vector<1x16xf32>,
        %swap3A_1123 = vector.shape_cast %swap3A_1122 : vector<1x16xf32> to vector<16xf32>
        %swap3A_1124 = vector.shape_cast %add3A_1070 : vector<16xf32> to vector<1x16xf32>
        tpu.vector_store %arg8[%swap3A_1120, %swap3A_1121], %swap3A_1124 {strides = array<i32>} : memref<136x256xf32, #tpu.memory_space<vmem>>, vector<1x16xf32>,
        %swap3A_1125 = arith.index_cast %select_n3A_1054 : i32 to index
        %swap3A_1126 = arith.constant 48 : index
        %swap3A_1127 = tpu.vector_load %arg8[%swap3A_1125, %swap3A_1126] {strides = array<i32>} : memref<136x256xf32, #tpu.memory_space<vmem>>, vector<1x16xf32>,
        %swap3A_1128 = vector.shape_cast %swap3A_1127 : vector<1x16xf32> to vector<16xf32>
        %swap3A_1129 = vector.shape_cast %add3A_1073 : vector<16xf32> to vector<1x16xf32>
        tpu.vector_store %arg8[%swap3A_1125, %swap3A_1126], %swap3A_1129 {strides = array<i32>} : memref<136x256xf32, #tpu.memory_space<vmem>>, vector<1x16xf32>,
        %swap3A_1130 = arith.index_cast %select_n3A_1054 : i32 to index
        %swap3A_1131 = arith.constant 64 : index
        %swap3A_1132 = tpu.vector_load %arg8[%swap3A_1130, %swap3A_1131] {strides = array<i32>} : memref<136x256xf32, #tpu.memory_space<vmem>>, vector<1x16xf32>,
        %swap3A_1133 = vector.shape_cast %swap3A_1132 : vector<1x16xf32> to vector<16xf32>
        %swap3A_1134 = vector.shape_cast %add3A_1076 : vector<16xf32> to vector<1x16xf32>
        tpu.vector_store %arg8[%swap3A_1130, %swap3A_1131], %swap3A_1134 {strides = array<i32>} : memref<136x256xf32, #tpu.memory_space<vmem>>, vector<1x16xf32>,
        %swap3A_1135 = arith.index_cast %select_n3A_1054 : i32 to index
        %swap3A_1136 = arith.constant 80 : index
        %swap3A_1137 = tpu.vector_load %arg8[%swap3A_1135, %swap3A_1136] {strides = array<i32>} : memref<136x256xf32, #tpu.memory_space<vmem>>, vector<1x16xf32>,
        %swap3A_1138 = vector.shape_cast %swap3A_1137 : vector<1x16xf32> to vector<16xf32>
        %swap3A_1139 = vector.shape_cast %add3A_1079 : vector<16xf32> to vector<1x16xf32>
        tpu.vector_store %arg8[%swap3A_1135, %swap3A_1136], %swap3A_1139 {strides = array<i32>} : memref<136x256xf32, #tpu.memory_space<vmem>>, vector<1x16xf32>,
        %swap3A_1140 = arith.index_cast %select_n3A_1054 : i32 to index
        %swap3A_1141 = arith.constant 96 : index
        %swap3A_1142 = tpu.vector_load %arg8[%swap3A_1140, %swap3A_1141] {strides = array<i32>} : memref<136x256xf32, #tpu.memory_space<vmem>>, vector<1x16xf32>,
        %swap3A_1143 = vector.shape_cast %swap3A_1142 : vector<1x16xf32> to vector<16xf32>
        %swap3A_1144 = vector.shape_cast %add3A_1082 : vector<16xf32> to vector<1x16xf32>
        tpu.vector_store %arg8[%swap3A_1140, %swap3A_1141], %swap3A_1144 {strides = array<i32>} : memref<136x256xf32, #tpu.memory_space<vmem>>, vector<1x16xf32>,
        %swap3A_1145 = arith.index_cast %select_n3A_1054 : i32 to index
        %swap3A_1146 = arith.constant 112 : index
        %swap3A_1147 = tpu.vector_load %arg8[%swap3A_1145, %swap3A_1146] {strides = array<i32>} : memref<136x256xf32, #tpu.memory_space<vmem>>, vector<1x16xf32>,
        %swap3A_1148 = vector.shape_cast %swap3A_1147 : vector<1x16xf32> to vector<16xf32>
        %swap3A_1149 = vector.shape_cast %add3A_1085 : vector<16xf32> to vector<1x16xf32>
        tpu.vector_store %arg8[%swap3A_1145, %swap3A_1146], %swap3A_1149 {strides = array<i32>} : memref<136x256xf32, #tpu.memory_space<vmem>>, vector<1x16xf32>,
        %swap3A_1150 = arith.index_cast %select_n3A_1054 : i32 to index
        %swap3A_1151 = arith.constant 128 : index
        %swap3A_1152 = tpu.vector_load %arg8[%swap3A_1150, %swap3A_1151] {strides = array<i32>} : memref<136x256xf32, #tpu.memory_space<vmem>>, vector<1x16xf32>,
        %swap3A_1153 = vector.shape_cast %swap3A_1152 : vector<1x16xf32> to vector<16xf32>
        %swap3A_1154 = vector.shape_cast %add3A_1088 : vector<16xf32> to vector<1x16xf32>
        tpu.vector_store %arg8[%swap3A_1150, %swap3A_1151], %swap3A_1154 {strides = array<i32>} : memref<136x256xf32, #tpu.memory_space<vmem>>, vector<1x16xf32>,
        %swap3A_1155 = arith.index_cast %select_n3A_1054 : i32 to index
        %swap3A_1156 = arith.constant 144 : index
        %swap3A_1157 = tpu.vector_load %arg8[%swap3A_1155, %swap3A_1156] {strides = array<i32>} : memref<136x256xf32, #tpu.memory_space<vmem>>, vector<1x16xf32>,
        %swap3A_1158 = vector.shape_cast %swap3A_1157 : vector<1x16xf32> to vector<16xf32>
        %swap3A_1159 = vector.shape_cast %add3A_1091 : vector<16xf32> to vector<1x16xf32>
        tpu.vector_store %arg8[%swap3A_1155, %swap3A_1156], %swap3A_1159 {strides = array<i32>} : memref<136x256xf32, #tpu.memory_space<vmem>>, vector<1x16xf32>,
        %swap3A_1160 = arith.index_cast %select_n3A_1054 : i32 to index
        %swap3A_1161 = arith.constant 160 : index
        %swap3A_1162 = tpu.vector_load %arg8[%swap3A_1160, %swap3A_1161] {strides = array<i32>} : memref<136x256xf32, #tpu.memory_space<vmem>>, vector<1x16xf32>,
        %swap3A_1163 = vector.shape_cast %swap3A_1162 : vector<1x16xf32> to vector<16xf32>
        %swap3A_1164 = vector.shape_cast %add3A_1094 : vector<16xf32> to vector<1x16xf32>
        tpu.vector_store %arg8[%swap3A_1160, %swap3A_1161], %swap3A_1164 {strides = array<i32>} : memref<136x256xf32, #tpu.memory_space<vmem>>, vector<1x16xf32>,
        %swap3A_1165 = arith.index_cast %select_n3A_1054 : i32 to index
        %swap3A_1166 = arith.constant 176 : index
        %swap3A_1167 = tpu.vector_load %arg8[%swap3A_1165, %swap3A_1166] {strides = array<i32>} : memref<136x256xf32, #tpu.memory_space<vmem>>, vector<1x16xf32>,
        %swap3A_1168 = vector.shape_cast %swap3A_1167 : vector<1x16xf32> to vector<16xf32>
        %swap3A_1169 = vector.shape_cast %add3A_1097 : vector<16xf32> to vector<1x16xf32>
        tpu.vector_store %arg8[%swap3A_1165, %swap3A_1166], %swap3A_1169 {strides = array<i32>} : memref<136x256xf32, #tpu.memory_space<vmem>>, vector<1x16xf32>,
        %swap3A_1170 = arith.index_cast %select_n3A_1054 : i32 to index
        %swap3A_1171 = arith.constant 192 : index
        %swap3A_1172 = tpu.vector_load %arg8[%swap3A_1170, %swap3A_1171] {strides = array<i32>} : memref<136x256xf32, #tpu.memory_space<vmem>>, vector<1x16xf32>,
        %swap3A_1173 = vector.shape_cast %swap3A_1172 : vector<1x16xf32> to vector<16xf32>
        %swap3A_1174 = vector.shape_cast %add3A_1100 : vector<16xf32> to vector<1x16xf32>
        tpu.vector_store %arg8[%swap3A_1170, %swap3A_1171], %swap3A_1174 {strides = array<i32>} : memref<136x256xf32, #tpu.memory_space<vmem>>, vector<1x16xf32>,
        %swap3A_1175 = arith.index_cast %select_n3A_1054 : i32 to index
        %swap3A_1176 = arith.constant 208 : index
        %swap3A_1177 = tpu.vector_load %arg8[%swap3A_1175, %swap3A_1176] {strides = array<i32>} : memref<136x256xf32, #tpu.memory_space<vmem>>, vector<1x16xf32>,
        %swap3A_1178 = vector.shape_cast %swap3A_1177 : vector<1x16xf32> to vector<16xf32>
        %swap3A_1179 = vector.shape_cast %add3A_1103 : vector<16xf32> to vector<1x16xf32>
        tpu.vector_store %arg8[%swap3A_1175, %swap3A_1176], %swap3A_1179 {strides = array<i32>} : memref<136x256xf32, #tpu.memory_space<vmem>>, vector<1x16xf32>,
        %swap3A_1180 = arith.index_cast %select_n3A_1054 : i32 to index
        %swap3A_1181 = arith.constant 224 : index
        %swap3A_1182 = tpu.vector_load %arg8[%swap3A_1180, %swap3A_1181] {strides = array<i32>} : memref<136x256xf32, #tpu.memory_space<vmem>>, vector<1x16xf32>,
        %swap3A_1183 = vector.shape_cast %swap3A_1182 : vector<1x16xf32> to vector<16xf32>
        %swap3A_1184 = vector.shape_cast %add3A_1106 : vector<16xf32> to vector<1x16xf32>
        tpu.vector_store %arg8[%swap3A_1180, %swap3A_1181], %swap3A_1184 {strides = array<i32>} : memref<136x256xf32, #tpu.memory_space<vmem>>, vector<1x16xf32>,
        %swap3A_1185 = arith.index_cast %select_n3A_1054 : i32 to index
        %swap3A_1186 = arith.constant 240 : index
        %swap3A_1187 = tpu.vector_load %arg8[%swap3A_1185, %swap3A_1186] {strides = array<i32>} : memref<136x256xf32, #tpu.memory_space<vmem>>, vector<1x16xf32>,
        %swap3A_1188 = vector.shape_cast %swap3A_1187 : vector<1x16xf32> to vector<16xf32>
        %swap3A_1189 = vector.shape_cast %add3A_1109 : vector<16xf32> to vector<1x16xf32>
        tpu.vector_store %arg8[%swap3A_1185, %swap3A_1186], %swap3A_1189 {strides = array<i32>} : memref<136x256xf32, #tpu.memory_space<vmem>>, vector<1x16xf32>,
        %convert_element_type3A_1190 = arith.sitofp %select_n3A_1058 : i32 to f32
        %mul3A_1191 = vector.broadcast %convert_element_type3A_1190 : f32 to vector<16xf32>
        %mul3A_1192 = arith.mulf %broadcast_in_dim3A_16, %mul3A_1191 : vector<16xf32>
        %swap3A_1193 = arith.index_cast %select_n3A_1054 : i32 to index
        %swap3A_1194 = arith.constant 0 : index
        %swap3A_1195 = tpu.vector_load %arg9[%swap3A_1193, %swap3A_1194] {strides = array<i32>} : memref<136x16xf32, #tpu.memory_space<vmem>>, vector<1x16xf32>,
        %swap3A_1196 = vector.shape_cast %swap3A_1195 : vector<1x16xf32> to vector<16xf32>
        %swap3A_1197 = vector.shape_cast %mul3A_1192 : vector<16xf32> to vector<1x16xf32>
        tpu.vector_store %arg9[%swap3A_1193, %swap3A_1194], %swap3A_1197 {strides = array<i32>} : memref<136x16xf32, #tpu.memory_space<vmem>>, vector<1x16xf32>,
        %mul3A_1198 = arith.constant 16 : i32
        %mul3A_1199 = arith.muli %scan3A_93, %mul3A_1198 : i32
        %add3A_1200 = arith.constant 5 : i32
        %add3A_1201 = arith.addi %mul3A_1199, %add3A_1200 : i32
        %get3A_1202 = arith.index_cast %add3A_1201 : i32 to index
        %get3A_1203 = arith.constant 0 : index
        %get3A_1204 = tpu.vector_load %arg7[%get3A_1202, %get3A_1203] {strides = array<i32>} : memref<112x256xf32, #tpu.memory_space<vmem>>, vector<1x16xf32>,
        %get3A_1205 = vector.shape_cast %get3A_1204 : vector<1x16xf32> to vector<16xf32>
        %get3A_1206 = arith.index_cast %add3A_1201 : i32 to index
        %get3A_1207 = arith.constant 16 : index
        %get3A_1208 = tpu.vector_load %arg7[%get3A_1206, %get3A_1207] {strides = array<i32>} : memref<112x256xf32, #tpu.memory_space<vmem>>, vector<1x16xf32>,
        %get3A_1209 = vector.shape_cast %get3A_1208 : vector<1x16xf32> to vector<16xf32>
        %get3A_1210 = arith.index_cast %add3A_1201 : i32 to index
        %get3A_1211 = arith.constant 32 : index
        %get3A_1212 = tpu.vector_load %arg7[%get3A_1210, %get3A_1211] {strides = array<i32>} : memref<112x256xf32, #tpu.memory_space<vmem>>, vector<1x16xf32>,
        %get3A_1213 = vector.shape_cast %get3A_1212 : vector<1x16xf32> to vector<16xf32>
        %get3A_1214 = arith.index_cast %add3A_1201 : i32 to index
        %get3A_1215 = arith.constant 48 : index
        %get3A_1216 = tpu.vector_load %arg7[%get3A_1214, %get3A_1215] {strides = array<i32>} : memref<112x256xf32, #tpu.memory_space<vmem>>, vector<1x16xf32>,
        %get3A_1217 = vector.shape_cast %get3A_1216 : vector<1x16xf32> to vector<16xf32>
        %get3A_1218 = arith.index_cast %add3A_1201 : i32 to index
        %get3A_1219 = arith.constant 64 : index
        %get3A_1220 = tpu.vector_load %arg7[%get3A_1218, %get3A_1219] {strides = array<i32>} : memref<112x256xf32, #tpu.memory_space<vmem>>, vector<1x16xf32>,
        %get3A_1221 = vector.shape_cast %get3A_1220 : vector<1x16xf32> to vector<16xf32>
        %get3A_1222 = arith.index_cast %add3A_1201 : i32 to index
        %get3A_1223 = arith.constant 80 : index
        %get3A_1224 = tpu.vector_load %arg7[%get3A_1222, %get3A_1223] {strides = array<i32>} : memref<112x256xf32, #tpu.memory_space<vmem>>, vector<1x16xf32>,
        %get3A_1225 = vector.shape_cast %get3A_1224 : vector<1x16xf32> to vector<16xf32>
        %get3A_1226 = arith.index_cast %add3A_1201 : i32 to index
        %get3A_1227 = arith.constant 96 : index
        %get3A_1228 = tpu.vector_load %arg7[%get3A_1226, %get3A_1227] {strides = array<i32>} : memref<112x256xf32, #tpu.memory_space<vmem>>, vector<1x16xf32>,
        %get3A_1229 = vector.shape_cast %get3A_1228 : vector<1x16xf32> to vector<16xf32>
        %get3A_1230 = arith.index_cast %add3A_1201 : i32 to index
        %get3A_1231 = arith.constant 112 : index
        %get3A_1232 = tpu.vector_load %arg7[%get3A_1230, %get3A_1231] {strides = array<i32>} : memref<112x256xf32, #tpu.memory_space<vmem>>, vector<1x16xf32>,
        %get3A_1233 = vector.shape_cast %get3A_1232 : vector<1x16xf32> to vector<16xf32>
        %get3A_1234 = arith.index_cast %add3A_1201 : i32 to index
        %get3A_1235 = arith.constant 128 : index
        %get3A_1236 = tpu.vector_load %arg7[%get3A_1234, %get3A_1235] {strides = array<i32>} : memref<112x256xf32, #tpu.memory_space<vmem>>, vector<1x16xf32>,
        %get3A_1237 = vector.shape_cast %get3A_1236 : vector<1x16xf32> to vector<16xf32>
        %get3A_1238 = arith.index_cast %add3A_1201 : i32 to index
        %get3A_1239 = arith.constant 144 : index
        %get3A_1240 = tpu.vector_load %arg7[%get3A_1238, %get3A_1239] {strides = array<i32>} : memref<112x256xf32, #tpu.memory_space<vmem>>, vector<1x16xf32>,
        %get3A_1241 = vector.shape_cast %get3A_1240 : vector<1x16xf32> to vector<16xf32>
        %get3A_1242 = arith.index_cast %add3A_1201 : i32 to index
        %get3A_1243 = arith.constant 160 : index
        %get3A_1244 = tpu.vector_load %arg7[%get3A_1242, %get3A_1243] {strides = array<i32>} : memref<112x256xf32, #tpu.memory_space<vmem>>, vector<1x16xf32>,
        %get3A_1245 = vector.shape_cast %get3A_1244 : vector<1x16xf32> to vector<16xf32>
        %get3A_1246 = arith.index_cast %add3A_1201 : i32 to index
        %get3A_1247 = arith.constant 176 : index
        %get3A_1248 = tpu.vector_load %arg7[%get3A_1246, %get3A_1247] {strides = array<i32>} : memref<112x256xf32, #tpu.memory_space<vmem>>, vector<1x16xf32>,
        %get3A_1249 = vector.shape_cast %get3A_1248 : vector<1x16xf32> to vector<16xf32>
        %get3A_1250 = arith.index_cast %add3A_1201 : i32 to index
        %get3A_1251 = arith.constant 192 : index
        %get3A_1252 = tpu.vector_load %arg7[%get3A_1250, %get3A_1251] {strides = array<i32>} : memref<112x256xf32, #tpu.memory_space<vmem>>, vector<1x16xf32>,
        %get3A_1253 = vector.shape_cast %get3A_1252 : vector<1x16xf32> to vector<16xf32>
        %get3A_1254 = arith.index_cast %add3A_1201 : i32 to index
        %get3A_1255 = arith.constant 208 : index
        %get3A_1256 = tpu.vector_load %arg7[%get3A_1254, %get3A_1255] {strides = array<i32>} : memref<112x256xf32, #tpu.memory_space<vmem>>, vector<1x16xf32>,
        %get3A_1257 = vector.shape_cast %get3A_1256 : vector<1x16xf32> to vector<16xf32>
        %get3A_1258 = arith.index_cast %add3A_1201 : i32 to index
        %get3A_1259 = arith.constant 224 : index
        %get3A_1260 = tpu.vector_load %arg7[%get3A_1258, %get3A_1259] {strides = array<i32>} : memref<112x256xf32, #tpu.memory_space<vmem>>, vector<1x16xf32>,
        %get3A_1261 = vector.shape_cast %get3A_1260 : vector<1x16xf32> to vector<16xf32>
        %get3A_1262 = arith.index_cast %add3A_1201 : i32 to index
        %get3A_1263 = arith.constant 240 : index
        %get3A_1264 = tpu.vector_load %arg7[%get3A_1262, %get3A_1263] {strides = array<i32>} : memref<112x256xf32, #tpu.memory_space<vmem>>, vector<1x16xf32>,
        %get3A_1265 = vector.shape_cast %get3A_1264 : vector<1x16xf32> to vector<16xf32>
        %slice3A_1266 = vector.extract_strided_slice %select_n3A_126 {offsets = [5], sizes = [1], strides = [1]} : vector<16xi32> to vector<1xi32>
        %squeeze3A_1267 = vector.extract %slice3A_1266[0] : i32 from vector<1xi32>
        %ne3A_1268 = arith.cmpi ne, %squeeze3A_1267, %select_n3A_1054 : i32
        %select_n3A_1269 = arith.select %ne3A_1268, %squeeze3A_1267, %select_n3A_1054 : i32
        %add3A_1270 = arith.constant 1 : i32
        %add3A_1271 = arith.addi %select_n3A_1058, %add3A_1270 : i32
        %jit3A_1272 = arith.constant 1 : i32
        %select_n3A_1273 = arith.select %ne3A_1268, %jit3A_1272, %add3A_1271 : i32
        %jit3A_1274 = arith.constant 0.000000e+00 : f32
        %jit3A_1275 = arith.constant 1.000000e+00 : f32
        %select_n3A_1276 = arith.select %ne3A_1268, %jit3A_1274, %jit3A_1275 : f32
        %mul3A_1277 = vector.broadcast %select_n3A_1276 : f32 to vector<16xf32>
        %mul3A_1278 = arith.mulf %add3A_1064, %mul3A_1277 : vector<16xf32>
        %add3A_1279 = arith.addf %get3A_1205, %mul3A_1278 : vector<16xf32>
        %mul3A_1280 = vector.broadcast %select_n3A_1276 : f32 to vector<16xf32>
        %mul3A_1281 = arith.mulf %add3A_1067, %mul3A_1280 : vector<16xf32>
        %add3A_1282 = arith.addf %get3A_1209, %mul3A_1281 : vector<16xf32>
        %mul3A_1283 = vector.broadcast %select_n3A_1276 : f32 to vector<16xf32>
        %mul3A_1284 = arith.mulf %add3A_1070, %mul3A_1283 : vector<16xf32>
        %add3A_1285 = arith.addf %get3A_1213, %mul3A_1284 : vector<16xf32>
        %mul3A_1286 = vector.broadcast %select_n3A_1276 : f32 to vector<16xf32>
        %mul3A_1287 = arith.mulf %add3A_1073, %mul3A_1286 : vector<16xf32>
        %add3A_1288 = arith.addf %get3A_1217, %mul3A_1287 : vector<16xf32>
        %mul3A_1289 = vector.broadcast %select_n3A_1276 : f32 to vector<16xf32>
        %mul3A_1290 = arith.mulf %add3A_1076, %mul3A_1289 : vector<16xf32>
        %add3A_1291 = arith.addf %get3A_1221, %mul3A_1290 : vector<16xf32>
        %mul3A_1292 = vector.broadcast %select_n3A_1276 : f32 to vector<16xf32>
        %mul3A_1293 = arith.mulf %add3A_1079, %mul3A_1292 : vector<16xf32>
        %add3A_1294 = arith.addf %get3A_1225, %mul3A_1293 : vector<16xf32>
        %mul3A_1295 = vector.broadcast %select_n3A_1276 : f32 to vector<16xf32>
        %mul3A_1296 = arith.mulf %add3A_1082, %mul3A_1295 : vector<16xf32>
        %add3A_1297 = arith.addf %get3A_1229, %mul3A_1296 : vector<16xf32>
        %mul3A_1298 = vector.broadcast %select_n3A_1276 : f32 to vector<16xf32>
        %mul3A_1299 = arith.mulf %add3A_1085, %mul3A_1298 : vector<16xf32>
        %add3A_1300 = arith.addf %get3A_1233, %mul3A_1299 : vector<16xf32>
        %mul3A_1301 = vector.broadcast %select_n3A_1276 : f32 to vector<16xf32>
        %mul3A_1302 = arith.mulf %add3A_1088, %mul3A_1301 : vector<16xf32>
        %add3A_1303 = arith.addf %get3A_1237, %mul3A_1302 : vector<16xf32>
        %mul3A_1304 = vector.broadcast %select_n3A_1276 : f32 to vector<16xf32>
        %mul3A_1305 = arith.mulf %add3A_1091, %mul3A_1304 : vector<16xf32>
        %add3A_1306 = arith.addf %get3A_1241, %mul3A_1305 : vector<16xf32>
        %mul3A_1307 = vector.broadcast %select_n3A_1276 : f32 to vector<16xf32>
        %mul3A_1308 = arith.mulf %add3A_1094, %mul3A_1307 : vector<16xf32>
        %add3A_1309 = arith.addf %get3A_1245, %mul3A_1308 : vector<16xf32>
        %mul3A_1310 = vector.broadcast %select_n3A_1276 : f32 to vector<16xf32>
        %mul3A_1311 = arith.mulf %add3A_1097, %mul3A_1310 : vector<16xf32>
        %add3A_1312 = arith.addf %get3A_1249, %mul3A_1311 : vector<16xf32>
        %mul3A_1313 = vector.broadcast %select_n3A_1276 : f32 to vector<16xf32>
        %mul3A_1314 = arith.mulf %add3A_1100, %mul3A_1313 : vector<16xf32>
        %add3A_1315 = arith.addf %get3A_1253, %mul3A_1314 : vector<16xf32>
        %mul3A_1316 = vector.broadcast %select_n3A_1276 : f32 to vector<16xf32>
        %mul3A_1317 = arith.mulf %add3A_1103, %mul3A_1316 : vector<16xf32>
        %add3A_1318 = arith.addf %get3A_1257, %mul3A_1317 : vector<16xf32>
        %mul3A_1319 = vector.broadcast %select_n3A_1276 : f32 to vector<16xf32>
        %mul3A_1320 = arith.mulf %add3A_1106, %mul3A_1319 : vector<16xf32>
        %add3A_1321 = arith.addf %get3A_1261, %mul3A_1320 : vector<16xf32>
        %mul3A_1322 = vector.broadcast %select_n3A_1276 : f32 to vector<16xf32>
        %mul3A_1323 = arith.mulf %add3A_1109, %mul3A_1322 : vector<16xf32>
        %add3A_1324 = arith.addf %get3A_1265, %mul3A_1323 : vector<16xf32>
        %swap3A_1325 = arith.index_cast %select_n3A_1269 : i32 to index
        %swap3A_1326 = arith.constant 0 : index
        %swap3A_1327 = tpu.vector_load %arg8[%swap3A_1325, %swap3A_1326] {strides = array<i32>} : memref<136x256xf32, #tpu.memory_space<vmem>>, vector<1x16xf32>,
        %swap3A_1328 = vector.shape_cast %swap3A_1327 : vector<1x16xf32> to vector<16xf32>
        %swap3A_1329 = vector.shape_cast %add3A_1279 : vector<16xf32> to vector<1x16xf32>
        tpu.vector_store %arg8[%swap3A_1325, %swap3A_1326], %swap3A_1329 {strides = array<i32>} : memref<136x256xf32, #tpu.memory_space<vmem>>, vector<1x16xf32>,
        %swap3A_1330 = arith.index_cast %select_n3A_1269 : i32 to index
        %swap3A_1331 = arith.constant 16 : index
        %swap3A_1332 = tpu.vector_load %arg8[%swap3A_1330, %swap3A_1331] {strides = array<i32>} : memref<136x256xf32, #tpu.memory_space<vmem>>, vector<1x16xf32>,
        %swap3A_1333 = vector.shape_cast %swap3A_1332 : vector<1x16xf32> to vector<16xf32>
        %swap3A_1334 = vector.shape_cast %add3A_1282 : vector<16xf32> to vector<1x16xf32>
        tpu.vector_store %arg8[%swap3A_1330, %swap3A_1331], %swap3A_1334 {strides = array<i32>} : memref<136x256xf32, #tpu.memory_space<vmem>>, vector<1x16xf32>,
        %swap3A_1335 = arith.index_cast %select_n3A_1269 : i32 to index
        %swap3A_1336 = arith.constant 32 : index
        %swap3A_1337 = tpu.vector_load %arg8[%swap3A_1335, %swap3A_1336] {strides = array<i32>} : memref<136x256xf32, #tpu.memory_space<vmem>>, vector<1x16xf32>,
        %swap3A_1338 = vector.shape_cast %swap3A_1337 : vector<1x16xf32> to vector<16xf32>
        %swap3A_1339 = vector.shape_cast %add3A_1285 : vector<16xf32> to vector<1x16xf32>
        tpu.vector_store %arg8[%swap3A_1335, %swap3A_1336], %swap3A_1339 {strides = array<i32>} : memref<136x256xf32, #tpu.memory_space<vmem>>, vector<1x16xf32>,
        %swap3A_1340 = arith.index_cast %select_n3A_1269 : i32 to index
        %swap3A_1341 = arith.constant 48 : index
        %swap3A_1342 = tpu.vector_load %arg8[%swap3A_1340, %swap3A_1341] {strides = array<i32>} : memref<136x256xf32, #tpu.memory_space<vmem>>, vector<1x16xf32>,
        %swap3A_1343 = vector.shape_cast %swap3A_1342 : vector<1x16xf32> to vector<16xf32>
        %swap3A_1344 = vector.shape_cast %add3A_1288 : vector<16xf32> to vector<1x16xf32>
        tpu.vector_store %arg8[%swap3A_1340, %swap3A_1341], %swap3A_1344 {strides = array<i32>} : memref<136x256xf32, #tpu.memory_space<vmem>>, vector<1x16xf32>,
        %swap3A_1345 = arith.index_cast %select_n3A_1269 : i32 to index
        %swap3A_1346 = arith.constant 64 : index
        %swap3A_1347 = tpu.vector_load %arg8[%swap3A_1345, %swap3A_1346] {strides = array<i32>} : memref<136x256xf32, #tpu.memory_space<vmem>>, vector<1x16xf32>,
        %swap3A_1348 = vector.shape_cast %swap3A_1347 : vector<1x16xf32> to vector<16xf32>
        %swap3A_1349 = vector.shape_cast %add3A_1291 : vector<16xf32> to vector<1x16xf32>
        tpu.vector_store %arg8[%swap3A_1345, %swap3A_1346], %swap3A_1349 {strides = array<i32>} : memref<136x256xf32, #tpu.memory_space<vmem>>, vector<1x16xf32>,
        %swap3A_1350 = arith.index_cast %select_n3A_1269 : i32 to index
        %swap3A_1351 = arith.constant 80 : index
        %swap3A_1352 = tpu.vector_load %arg8[%swap3A_1350, %swap3A_1351] {strides = array<i32>} : memref<136x256xf32, #tpu.memory_space<vmem>>, vector<1x16xf32>,
        %swap3A_1353 = vector.shape_cast %swap3A_1352 : vector<1x16xf32> to vector<16xf32>
        %swap3A_1354 = vector.shape_cast %add3A_1294 : vector<16xf32> to vector<1x16xf32>
        tpu.vector_store %arg8[%swap3A_1350, %swap3A_1351], %swap3A_1354 {strides = array<i32>} : memref<136x256xf32, #tpu.memory_space<vmem>>, vector<1x16xf32>,
        %swap3A_1355 = arith.index_cast %select_n3A_1269 : i32 to index
        %swap3A_1356 = arith.constant 96 : index
        %swap3A_1357 = tpu.vector_load %arg8[%swap3A_1355, %swap3A_1356] {strides = array<i32>} : memref<136x256xf32, #tpu.memory_space<vmem>>, vector<1x16xf32>,
        %swap3A_1358 = vector.shape_cast %swap3A_1357 : vector<1x16xf32> to vector<16xf32>
        %swap3A_1359 = vector.shape_cast %add3A_1297 : vector<16xf32> to vector<1x16xf32>
        tpu.vector_store %arg8[%swap3A_1355, %swap3A_1356], %swap3A_1359 {strides = array<i32>} : memref<136x256xf32, #tpu.memory_space<vmem>>, vector<1x16xf32>,
        %swap3A_1360 = arith.index_cast %select_n3A_1269 : i32 to index
        %swap3A_1361 = arith.constant 112 : index
        %swap3A_1362 = tpu.vector_load %arg8[%swap3A_1360, %swap3A_1361] {strides = array<i32>} : memref<136x256xf32, #tpu.memory_space<vmem>>, vector<1x16xf32>,
        %swap3A_1363 = vector.shape_cast %swap3A_1362 : vector<1x16xf32> to vector<16xf32>
        %swap3A_1364 = vector.shape_cast %add3A_1300 : vector<16xf32> to vector<1x16xf32>
        tpu.vector_store %arg8[%swap3A_1360, %swap3A_1361], %swap3A_1364 {strides = array<i32>} : memref<136x256xf32, #tpu.memory_space<vmem>>, vector<1x16xf32>,
        %swap3A_1365 = arith.index_cast %select_n3A_1269 : i32 to index
        %swap3A_1366 = arith.constant 128 : index
        %swap3A_1367 = tpu.vector_load %arg8[%swap3A_1365, %swap3A_1366] {strides = array<i32>} : memref<136x256xf32, #tpu.memory_space<vmem>>, vector<1x16xf32>,
        %swap3A_1368 = vector.shape_cast %swap3A_1367 : vector<1x16xf32> to vector<16xf32>
        %swap3A_1369 = vector.shape_cast %add3A_1303 : vector<16xf32> to vector<1x16xf32>
        tpu.vector_store %arg8[%swap3A_1365, %swap3A_1366], %swap3A_1369 {strides = array<i32>} : memref<136x256xf32, #tpu.memory_space<vmem>>, vector<1x16xf32>,
        %swap3A_1370 = arith.index_cast %select_n3A_1269 : i32 to index
        %swap3A_1371 = arith.constant 144 : index
        %swap3A_1372 = tpu.vector_load %arg8[%swap3A_1370, %swap3A_1371] {strides = array<i32>} : memref<136x256xf32, #tpu.memory_space<vmem>>, vector<1x16xf32>,
        %swap3A_1373 = vector.shape_cast %swap3A_1372 : vector<1x16xf32> to vector<16xf32>
        %swap3A_1374 = vector.shape_cast %add3A_1306 : vector<16xf32> to vector<1x16xf32>
        tpu.vector_store %arg8[%swap3A_1370, %swap3A_1371], %swap3A_1374 {strides = array<i32>} : memref<136x256xf32, #tpu.memory_space<vmem>>, vector<1x16xf32>,
        %swap3A_1375 = arith.index_cast %select_n3A_1269 : i32 to index
        %swap3A_1376 = arith.constant 160 : index
        %swap3A_1377 = tpu.vector_load %arg8[%swap3A_1375, %swap3A_1376] {strides = array<i32>} : memref<136x256xf32, #tpu.memory_space<vmem>>, vector<1x16xf32>,
        %swap3A_1378 = vector.shape_cast %swap3A_1377 : vector<1x16xf32> to vector<16xf32>
        %swap3A_1379 = vector.shape_cast %add3A_1309 : vector<16xf32> to vector<1x16xf32>
        tpu.vector_store %arg8[%swap3A_1375, %swap3A_1376], %swap3A_1379 {strides = array<i32>} : memref<136x256xf32, #tpu.memory_space<vmem>>, vector<1x16xf32>,
        %swap3A_1380 = arith.index_cast %select_n3A_1269 : i32 to index
        %swap3A_1381 = arith.constant 176 : index
        %swap3A_1382 = tpu.vector_load %arg8[%swap3A_1380, %swap3A_1381] {strides = array<i32>} : memref<136x256xf32, #tpu.memory_space<vmem>>, vector<1x16xf32>,
        %swap3A_1383 = vector.shape_cast %swap3A_1382 : vector<1x16xf32> to vector<16xf32>
        %swap3A_1384 = vector.shape_cast %add3A_1312 : vector<16xf32> to vector<1x16xf32>
        tpu.vector_store %arg8[%swap3A_1380, %swap3A_1381], %swap3A_1384 {strides = array<i32>} : memref<136x256xf32, #tpu.memory_space<vmem>>, vector<1x16xf32>,
        %swap3A_1385 = arith.index_cast %select_n3A_1269 : i32 to index
        %swap3A_1386 = arith.constant 192 : index
        %swap3A_1387 = tpu.vector_load %arg8[%swap3A_1385, %swap3A_1386] {strides = array<i32>} : memref<136x256xf32, #tpu.memory_space<vmem>>, vector<1x16xf32>,
        %swap3A_1388 = vector.shape_cast %swap3A_1387 : vector<1x16xf32> to vector<16xf32>
        %swap3A_1389 = vector.shape_cast %add3A_1315 : vector<16xf32> to vector<1x16xf32>
        tpu.vector_store %arg8[%swap3A_1385, %swap3A_1386], %swap3A_1389 {strides = array<i32>} : memref<136x256xf32, #tpu.memory_space<vmem>>, vector<1x16xf32>,
        %swap3A_1390 = arith.index_cast %select_n3A_1269 : i32 to index
        %swap3A_1391 = arith.constant 208 : index
        %swap3A_1392 = tpu.vector_load %arg8[%swap3A_1390, %swap3A_1391] {strides = array<i32>} : memref<136x256xf32, #tpu.memory_space<vmem>>, vector<1x16xf32>,
        %swap3A_1393 = vector.shape_cast %swap3A_1392 : vector<1x16xf32> to vector<16xf32>
        %swap3A_1394 = vector.shape_cast %add3A_1318 : vector<16xf32> to vector<1x16xf32>
        tpu.vector_store %arg8[%swap3A_1390, %swap3A_1391], %swap3A_1394 {strides = array<i32>} : memref<136x256xf32, #tpu.memory_space<vmem>>, vector<1x16xf32>,
        %swap3A_1395 = arith.index_cast %select_n3A_1269 : i32 to index
        %swap3A_1396 = arith.constant 224 : index
        %swap3A_1397 = tpu.vector_load %arg8[%swap3A_1395, %swap3A_1396] {strides = array<i32>} : memref<136x256xf32, #tpu.memory_space<vmem>>, vector<1x16xf32>,
        %swap3A_1398 = vector.shape_cast %swap3A_1397 : vector<1x16xf32> to vector<16xf32>
        %swap3A_1399 = vector.shape_cast %add3A_1321 : vector<16xf32> to vector<1x16xf32>
        tpu.vector_store %arg8[%swap3A_1395, %swap3A_1396], %swap3A_1399 {strides = array<i32>} : memref<136x256xf32, #tpu.memory_space<vmem>>, vector<1x16xf32>,
        %swap3A_1400 = arith.index_cast %select_n3A_1269 : i32 to index
        %swap3A_1401 = arith.constant 240 : index
        %swap3A_1402 = tpu.vector_load %arg8[%swap3A_1400, %swap3A_1401] {strides = array<i32>} : memref<136x256xf32, #tpu.memory_space<vmem>>, vector<1x16xf32>,
        %swap3A_1403 = vector.shape_cast %swap3A_1402 : vector<1x16xf32> to vector<16xf32>
        %swap3A_1404 = vector.shape_cast %add3A_1324 : vector<16xf32> to vector<1x16xf32>
        tpu.vector_store %arg8[%swap3A_1400, %swap3A_1401], %swap3A_1404 {strides = array<i32>} : memref<136x256xf32, #tpu.memory_space<vmem>>, vector<1x16xf32>,
        %convert_element_type3A_1405 = arith.sitofp %select_n3A_1273 : i32 to f32
        %mul3A_1406 = vector.broadcast %convert_element_type3A_1405 : f32 to vector<16xf32>
        %mul3A_1407 = arith.mulf %broadcast_in_dim3A_16, %mul3A_1406 : vector<16xf32>
        %swap3A_1408 = arith.index_cast %select_n3A_1269 : i32 to index
        %swap3A_1409 = arith.constant 0 : index
        %swap3A_1410 = tpu.vector_load %arg9[%swap3A_1408, %swap3A_1409] {strides = array<i32>} : memref<136x16xf32, #tpu.memory_space<vmem>>, vector<1x16xf32>,
        %swap3A_1411 = vector.shape_cast %swap3A_1410 : vector<1x16xf32> to vector<16xf32>
        %swap3A_1412 = vector.shape_cast %mul3A_1407 : vector<16xf32> to vector<1x16xf32>
        tpu.vector_store %arg9[%swap3A_1408, %swap3A_1409], %swap3A_1412 {strides = array<i32>} : memref<136x16xf32, #tpu.memory_space<vmem>>, vector<1x16xf32>,
        %mul3A_1413 = arith.constant 16 : i32
        %mul3A_1414 = arith.muli %scan3A_93, %mul3A_1413 : i32
        %add3A_1415 = arith.constant 6 : i32
        %add3A_1416 = arith.addi %mul3A_1414, %add3A_1415 : i32
        %get3A_1417 = arith.index_cast %add3A_1416 : i32 to index
        %get3A_1418 = arith.constant 0 : index
        %get3A_1419 = tpu.vector_load %arg7[%get3A_1417, %get3A_1418] {strides = array<i32>} : memref<112x256xf32, #tpu.memory_space<vmem>>, vector<1x16xf32>,
        %get3A_1420 = vector.shape_cast %get3A_1419 : vector<1x16xf32> to vector<16xf32>
        %get3A_1421 = arith.index_cast %add3A_1416 : i32 to index
        %get3A_1422 = arith.constant 16 : index
        %get3A_1423 = tpu.vector_load %arg7[%get3A_1421, %get3A_1422] {strides = array<i32>} : memref<112x256xf32, #tpu.memory_space<vmem>>, vector<1x16xf32>,
        %get3A_1424 = vector.shape_cast %get3A_1423 : vector<1x16xf32> to vector<16xf32>
        %get3A_1425 = arith.index_cast %add3A_1416 : i32 to index
        %get3A_1426 = arith.constant 32 : index
        %get3A_1427 = tpu.vector_load %arg7[%get3A_1425, %get3A_1426] {strides = array<i32>} : memref<112x256xf32, #tpu.memory_space<vmem>>, vector<1x16xf32>,
        %get3A_1428 = vector.shape_cast %get3A_1427 : vector<1x16xf32> to vector<16xf32>
        %get3A_1429 = arith.index_cast %add3A_1416 : i32 to index
        %get3A_1430 = arith.constant 48 : index
        %get3A_1431 = tpu.vector_load %arg7[%get3A_1429, %get3A_1430] {strides = array<i32>} : memref<112x256xf32, #tpu.memory_space<vmem>>, vector<1x16xf32>,
        %get3A_1432 = vector.shape_cast %get3A_1431 : vector<1x16xf32> to vector<16xf32>
        %get3A_1433 = arith.index_cast %add3A_1416 : i32 to index
        %get3A_1434 = arith.constant 64 : index
        %get3A_1435 = tpu.vector_load %arg7[%get3A_1433, %get3A_1434] {strides = array<i32>} : memref<112x256xf32, #tpu.memory_space<vmem>>, vector<1x16xf32>,
        %get3A_1436 = vector.shape_cast %get3A_1435 : vector<1x16xf32> to vector<16xf32>
        %get3A_1437 = arith.index_cast %add3A_1416 : i32 to index
        %get3A_1438 = arith.constant 80 : index
        %get3A_1439 = tpu.vector_load %arg7[%get3A_1437, %get3A_1438] {strides = array<i32>} : memref<112x256xf32, #tpu.memory_space<vmem>>, vector<1x16xf32>,
        %get3A_1440 = vector.shape_cast %get3A_1439 : vector<1x16xf32> to vector<16xf32>
        %get3A_1441 = arith.index_cast %add3A_1416 : i32 to index
        %get3A_1442 = arith.constant 96 : index
        %get3A_1443 = tpu.vector_load %arg7[%get3A_1441, %get3A_1442] {strides = array<i32>} : memref<112x256xf32, #tpu.memory_space<vmem>>, vector<1x16xf32>,
        %get3A_1444 = vector.shape_cast %get3A_1443 : vector<1x16xf32> to vector<16xf32>
        %get3A_1445 = arith.index_cast %add3A_1416 : i32 to index
        %get3A_1446 = arith.constant 112 : index
        %get3A_1447 = tpu.vector_load %arg7[%get3A_1445, %get3A_1446] {strides = array<i32>} : memref<112x256xf32, #tpu.memory_space<vmem>>, vector<1x16xf32>,
        %get3A_1448 = vector.shape_cast %get3A_1447 : vector<1x16xf32> to vector<16xf32>
        %get3A_1449 = arith.index_cast %add3A_1416 : i32 to index
        %get3A_1450 = arith.constant 128 : index
        %get3A_1451 = tpu.vector_load %arg7[%get3A_1449, %get3A_1450] {strides = array<i32>} : memref<112x256xf32, #tpu.memory_space<vmem>>, vector<1x16xf32>,
        %get3A_1452 = vector.shape_cast %get3A_1451 : vector<1x16xf32> to vector<16xf32>
        %get3A_1453 = arith.index_cast %add3A_1416 : i32 to index
        %get3A_1454 = arith.constant 144 : index
        %get3A_1455 = tpu.vector_load %arg7[%get3A_1453, %get3A_1454] {strides = array<i32>} : memref<112x256xf32, #tpu.memory_space<vmem>>, vector<1x16xf32>,
        %get3A_1456 = vector.shape_cast %get3A_1455 : vector<1x16xf32> to vector<16xf32>
        %get3A_1457 = arith.index_cast %add3A_1416 : i32 to index
        %get3A_1458 = arith.constant 160 : index
        %get3A_1459 = tpu.vector_load %arg7[%get3A_1457, %get3A_1458] {strides = array<i32>} : memref<112x256xf32, #tpu.memory_space<vmem>>, vector<1x16xf32>,
        %get3A_1460 = vector.shape_cast %get3A_1459 : vector<1x16xf32> to vector<16xf32>
        %get3A_1461 = arith.index_cast %add3A_1416 : i32 to index
        %get3A_1462 = arith.constant 176 : index
        %get3A_1463 = tpu.vector_load %arg7[%get3A_1461, %get3A_1462] {strides = array<i32>} : memref<112x256xf32, #tpu.memory_space<vmem>>, vector<1x16xf32>,
        %get3A_1464 = vector.shape_cast %get3A_1463 : vector<1x16xf32> to vector<16xf32>
        %get3A_1465 = arith.index_cast %add3A_1416 : i32 to index
        %get3A_1466 = arith.constant 192 : index
        %get3A_1467 = tpu.vector_load %arg7[%get3A_1465, %get3A_1466] {strides = array<i32>} : memref<112x256xf32, #tpu.memory_space<vmem>>, vector<1x16xf32>,
        %get3A_1468 = vector.shape_cast %get3A_1467 : vector<1x16xf32> to vector<16xf32>
        %get3A_1469 = arith.index_cast %add3A_1416 : i32 to index
        %get3A_1470 = arith.constant 208 : index
        %get3A_1471 = tpu.vector_load %arg7[%get3A_1469, %get3A_1470] {strides = array<i32>} : memref<112x256xf32, #tpu.memory_space<vmem>>, vector<1x16xf32>,
        %get3A_1472 = vector.shape_cast %get3A_1471 : vector<1x16xf32> to vector<16xf32>
        %get3A_1473 = arith.index_cast %add3A_1416 : i32 to index
        %get3A_1474 = arith.constant 224 : index
        %get3A_1475 = tpu.vector_load %arg7[%get3A_1473, %get3A_1474] {strides = array<i32>} : memref<112x256xf32, #tpu.memory_space<vmem>>, vector<1x16xf32>,
        %get3A_1476 = vector.shape_cast %get3A_1475 : vector<1x16xf32> to vector<16xf32>
        %get3A_1477 = arith.index_cast %add3A_1416 : i32 to index
        %get3A_1478 = arith.constant 240 : index
        %get3A_1479 = tpu.vector_load %arg7[%get3A_1477, %get3A_1478] {strides = array<i32>} : memref<112x256xf32, #tpu.memory_space<vmem>>, vector<1x16xf32>,
        %get3A_1480 = vector.shape_cast %get3A_1479 : vector<1x16xf32> to vector<16xf32>
        %slice3A_1481 = vector.extract_strided_slice %select_n3A_126 {offsets = [6], sizes = [1], strides = [1]} : vector<16xi32> to vector<1xi32>
        %squeeze3A_1482 = vector.extract %slice3A_1481[0] : i32 from vector<1xi32>
        %ne3A_1483 = arith.cmpi ne, %squeeze3A_1482, %select_n3A_1269 : i32
        %select_n3A_1484 = arith.select %ne3A_1483, %squeeze3A_1482, %select_n3A_1269 : i32
        %add3A_1485 = arith.constant 1 : i32
        %add3A_1486 = arith.addi %select_n3A_1273, %add3A_1485 : i32
        %jit3A_1487 = arith.constant 1 : i32
        %select_n3A_1488 = arith.select %ne3A_1483, %jit3A_1487, %add3A_1486 : i32
        %jit3A_1489 = arith.constant 0.000000e+00 : f32
        %jit3A_1490 = arith.constant 1.000000e+00 : f32
        %select_n3A_1491 = arith.select %ne3A_1483, %jit3A_1489, %jit3A_1490 : f32
        %mul3A_1492 = vector.broadcast %select_n3A_1491 : f32 to vector<16xf32>
        %mul3A_1493 = arith.mulf %add3A_1279, %mul3A_1492 : vector<16xf32>
        %add3A_1494 = arith.addf %get3A_1420, %mul3A_1493 : vector<16xf32>
        %mul3A_1495 = vector.broadcast %select_n3A_1491 : f32 to vector<16xf32>
        %mul3A_1496 = arith.mulf %add3A_1282, %mul3A_1495 : vector<16xf32>
        %add3A_1497 = arith.addf %get3A_1424, %mul3A_1496 : vector<16xf32>
        %mul3A_1498 = vector.broadcast %select_n3A_1491 : f32 to vector<16xf32>
        %mul3A_1499 = arith.mulf %add3A_1285, %mul3A_1498 : vector<16xf32>
        %add3A_1500 = arith.addf %get3A_1428, %mul3A_1499 : vector<16xf32>
        %mul3A_1501 = vector.broadcast %select_n3A_1491 : f32 to vector<16xf32>
        %mul3A_1502 = arith.mulf %add3A_1288, %mul3A_1501 : vector<16xf32>
        %add3A_1503 = arith.addf %get3A_1432, %mul3A_1502 : vector<16xf32>
        %mul3A_1504 = vector.broadcast %select_n3A_1491 : f32 to vector<16xf32>
        %mul3A_1505 = arith.mulf %add3A_1291, %mul3A_1504 : vector<16xf32>
        %add3A_1506 = arith.addf %get3A_1436, %mul3A_1505 : vector<16xf32>
        %mul3A_1507 = vector.broadcast %select_n3A_1491 : f32 to vector<16xf32>
        %mul3A_1508 = arith.mulf %add3A_1294, %mul3A_1507 : vector<16xf32>
        %add3A_1509 = arith.addf %get3A_1440, %mul3A_1508 : vector<16xf32>
        %mul3A_1510 = vector.broadcast %select_n3A_1491 : f32 to vector<16xf32>
        %mul3A_1511 = arith.mulf %add3A_1297, %mul3A_1510 : vector<16xf32>
        %add3A_1512 = arith.addf %get3A_1444, %mul3A_1511 : vector<16xf32>
        %mul3A_1513 = vector.broadcast %select_n3A_1491 : f32 to vector<16xf32>
        %mul3A_1514 = arith.mulf %add3A_1300, %mul3A_1513 : vector<16xf32>
        %add3A_1515 = arith.addf %get3A_1448, %mul3A_1514 : vector<16xf32>
        %mul3A_1516 = vector.broadcast %select_n3A_1491 : f32 to vector<16xf32>
        %mul3A_1517 = arith.mulf %add3A_1303, %mul3A_1516 : vector<16xf32>
        %add3A_1518 = arith.addf %get3A_1452, %mul3A_1517 : vector<16xf32>
        %mul3A_1519 = vector.broadcast %select_n3A_1491 : f32 to vector<16xf32>
        %mul3A_1520 = arith.mulf %add3A_1306, %mul3A_1519 : vector<16xf32>
        %add3A_1521 = arith.addf %get3A_1456, %mul3A_1520 : vector<16xf32>
        %mul3A_1522 = vector.broadcast %select_n3A_1491 : f32 to vector<16xf32>
        %mul3A_1523 = arith.mulf %add3A_1309, %mul3A_1522 : vector<16xf32>
        %add3A_1524 = arith.addf %get3A_1460, %mul3A_1523 : vector<16xf32>
        %mul3A_1525 = vector.broadcast %select_n3A_1491 : f32 to vector<16xf32>
        %mul3A_1526 = arith.mulf %add3A_1312, %mul3A_1525 : vector<16xf32>
        %add3A_1527 = arith.addf %get3A_1464, %mul3A_1526 : vector<16xf32>
        %mul3A_1528 = vector.broadcast %select_n3A_1491 : f32 to vector<16xf32>
        %mul3A_1529 = arith.mulf %add3A_1315, %mul3A_1528 : vector<16xf32>
        %add3A_1530 = arith.addf %get3A_1468, %mul3A_1529 : vector<16xf32>
        %mul3A_1531 = vector.broadcast %select_n3A_1491 : f32 to vector<16xf32>
        %mul3A_1532 = arith.mulf %add3A_1318, %mul3A_1531 : vector<16xf32>
        %add3A_1533 = arith.addf %get3A_1472, %mul3A_1532 : vector<16xf32>
        %mul3A_1534 = vector.broadcast %select_n3A_1491 : f32 to vector<16xf32>
        %mul3A_1535 = arith.mulf %add3A_1321, %mul3A_1534 : vector<16xf32>
        %add3A_1536 = arith.addf %get3A_1476, %mul3A_1535 : vector<16xf32>
        %mul3A_1537 = vector.broadcast %select_n3A_1491 : f32 to vector<16xf32>
        %mul3A_1538 = arith.mulf %add3A_1324, %mul3A_1537 : vector<16xf32>
        %add3A_1539 = arith.addf %get3A_1480, %mul3A_1538 : vector<16xf32>
        %swap3A_1540 = arith.index_cast %select_n3A_1484 : i32 to index
        %swap3A_1541 = arith.constant 0 : index
        %swap3A_1542 = tpu.vector_load %arg8[%swap3A_1540, %swap3A_1541] {strides = array<i32>} : memref<136x256xf32, #tpu.memory_space<vmem>>, vector<1x16xf32>,
        %swap3A_1543 = vector.shape_cast %swap3A_1542 : vector<1x16xf32> to vector<16xf32>
        %swap3A_1544 = vector.shape_cast %add3A_1494 : vector<16xf32> to vector<1x16xf32>
        tpu.vector_store %arg8[%swap3A_1540, %swap3A_1541], %swap3A_1544 {strides = array<i32>} : memref<136x256xf32, #tpu.memory_space<vmem>>, vector<1x16xf32>,
        %swap3A_1545 = arith.index_cast %select_n3A_1484 : i32 to index
        %swap3A_1546 = arith.constant 16 : index
        %swap3A_1547 = tpu.vector_load %arg8[%swap3A_1545, %swap3A_1546] {strides = array<i32>} : memref<136x256xf32, #tpu.memory_space<vmem>>, vector<1x16xf32>,
        %swap3A_1548 = vector.shape_cast %swap3A_1547 : vector<1x16xf32> to vector<16xf32>
        %swap3A_1549 = vector.shape_cast %add3A_1497 : vector<16xf32> to vector<1x16xf32>
        tpu.vector_store %arg8[%swap3A_1545, %swap3A_1546], %swap3A_1549 {strides = array<i32>} : memref<136x256xf32, #tpu.memory_space<vmem>>, vector<1x16xf32>,
        %swap3A_1550 = arith.index_cast %select_n3A_1484 : i32 to index
        %swap3A_1551 = arith.constant 32 : index
        %swap3A_1552 = tpu.vector_load %arg8[%swap3A_1550, %swap3A_1551] {strides = array<i32>} : memref<136x256xf32, #tpu.memory_space<vmem>>, vector<1x16xf32>,
        %swap3A_1553 = vector.shape_cast %swap3A_1552 : vector<1x16xf32> to vector<16xf32>
        %swap3A_1554 = vector.shape_cast %add3A_1500 : vector<16xf32> to vector<1x16xf32>
        tpu.vector_store %arg8[%swap3A_1550, %swap3A_1551], %swap3A_1554 {strides = array<i32>} : memref<136x256xf32, #tpu.memory_space<vmem>>, vector<1x16xf32>,
        %swap3A_1555 = arith.index_cast %select_n3A_1484 : i32 to index
        %swap3A_1556 = arith.constant 48 : index
        %swap3A_1557 = tpu.vector_load %arg8[%swap3A_1555, %swap3A_1556] {strides = array<i32>} : memref<136x256xf32, #tpu.memory_space<vmem>>, vector<1x16xf32>,
        %swap3A_1558 = vector.shape_cast %swap3A_1557 : vector<1x16xf32> to vector<16xf32>
        %swap3A_1559 = vector.shape_cast %add3A_1503 : vector<16xf32> to vector<1x16xf32>
        tpu.vector_store %arg8[%swap3A_1555, %swap3A_1556], %swap3A_1559 {strides = array<i32>} : memref<136x256xf32, #tpu.memory_space<vmem>>, vector<1x16xf32>,
        %swap3A_1560 = arith.index_cast %select_n3A_1484 : i32 to index
        %swap3A_1561 = arith.constant 64 : index
        %swap3A_1562 = tpu.vector_load %arg8[%swap3A_1560, %swap3A_1561] {strides = array<i32>} : memref<136x256xf32, #tpu.memory_space<vmem>>, vector<1x16xf32>,
        %swap3A_1563 = vector.shape_cast %swap3A_1562 : vector<1x16xf32> to vector<16xf32>
        %swap3A_1564 = vector.shape_cast %add3A_1506 : vector<16xf32> to vector<1x16xf32>
        tpu.vector_store %arg8[%swap3A_1560, %swap3A_1561], %swap3A_1564 {strides = array<i32>} : memref<136x256xf32, #tpu.memory_space<vmem>>, vector<1x16xf32>,
        %swap3A_1565 = arith.index_cast %select_n3A_1484 : i32 to index
        %swap3A_1566 = arith.constant 80 : index
        %swap3A_1567 = tpu.vector_load %arg8[%swap3A_1565, %swap3A_1566] {strides = array<i32>} : memref<136x256xf32, #tpu.memory_space<vmem>>, vector<1x16xf32>,
        %swap3A_1568 = vector.shape_cast %swap3A_1567 : vector<1x16xf32> to vector<16xf32>
        %swap3A_1569 = vector.shape_cast %add3A_1509 : vector<16xf32> to vector<1x16xf32>
        tpu.vector_store %arg8[%swap3A_1565, %swap3A_1566], %swap3A_1569 {strides = array<i32>} : memref<136x256xf32, #tpu.memory_space<vmem>>, vector<1x16xf32>,
        %swap3A_1570 = arith.index_cast %select_n3A_1484 : i32 to index
        %swap3A_1571 = arith.constant 96 : index
        %swap3A_1572 = tpu.vector_load %arg8[%swap3A_1570, %swap3A_1571] {strides = array<i32>} : memref<136x256xf32, #tpu.memory_space<vmem>>, vector<1x16xf32>,
        %swap3A_1573 = vector.shape_cast %swap3A_1572 : vector<1x16xf32> to vector<16xf32>
        %swap3A_1574 = vector.shape_cast %add3A_1512 : vector<16xf32> to vector<1x16xf32>
        tpu.vector_store %arg8[%swap3A_1570, %swap3A_1571], %swap3A_1574 {strides = array<i32>} : memref<136x256xf32, #tpu.memory_space<vmem>>, vector<1x16xf32>,
        %swap3A_1575 = arith.index_cast %select_n3A_1484 : i32 to index
        %swap3A_1576 = arith.constant 112 : index
        %swap3A_1577 = tpu.vector_load %arg8[%swap3A_1575, %swap3A_1576] {strides = array<i32>} : memref<136x256xf32, #tpu.memory_space<vmem>>, vector<1x16xf32>,
        %swap3A_1578 = vector.shape_cast %swap3A_1577 : vector<1x16xf32> to vector<16xf32>
        %swap3A_1579 = vector.shape_cast %add3A_1515 : vector<16xf32> to vector<1x16xf32>
        tpu.vector_store %arg8[%swap3A_1575, %swap3A_1576], %swap3A_1579 {strides = array<i32>} : memref<136x256xf32, #tpu.memory_space<vmem>>, vector<1x16xf32>,
        %swap3A_1580 = arith.index_cast %select_n3A_1484 : i32 to index
        %swap3A_1581 = arith.constant 128 : index
        %swap3A_1582 = tpu.vector_load %arg8[%swap3A_1580, %swap3A_1581] {strides = array<i32>} : memref<136x256xf32, #tpu.memory_space<vmem>>, vector<1x16xf32>,
        %swap3A_1583 = vector.shape_cast %swap3A_1582 : vector<1x16xf32> to vector<16xf32>
        %swap3A_1584 = vector.shape_cast %add3A_1518 : vector<16xf32> to vector<1x16xf32>
        tpu.vector_store %arg8[%swap3A_1580, %swap3A_1581], %swap3A_1584 {strides = array<i32>} : memref<136x256xf32, #tpu.memory_space<vmem>>, vector<1x16xf32>,
        %swap3A_1585 = arith.index_cast %select_n3A_1484 : i32 to index
        %swap3A_1586 = arith.constant 144 : index
        %swap3A_1587 = tpu.vector_load %arg8[%swap3A_1585, %swap3A_1586] {strides = array<i32>} : memref<136x256xf32, #tpu.memory_space<vmem>>, vector<1x16xf32>,
        %swap3A_1588 = vector.shape_cast %swap3A_1587 : vector<1x16xf32> to vector<16xf32>
        %swap3A_1589 = vector.shape_cast %add3A_1521 : vector<16xf32> to vector<1x16xf32>
        tpu.vector_store %arg8[%swap3A_1585, %swap3A_1586], %swap3A_1589 {strides = array<i32>} : memref<136x256xf32, #tpu.memory_space<vmem>>, vector<1x16xf32>,
        %swap3A_1590 = arith.index_cast %select_n3A_1484 : i32 to index
        %swap3A_1591 = arith.constant 160 : index
        %swap3A_1592 = tpu.vector_load %arg8[%swap3A_1590, %swap3A_1591] {strides = array<i32>} : memref<136x256xf32, #tpu.memory_space<vmem>>, vector<1x16xf32>,
        %swap3A_1593 = vector.shape_cast %swap3A_1592 : vector<1x16xf32> to vector<16xf32>
        %swap3A_1594 = vector.shape_cast %add3A_1524 : vector<16xf32> to vector<1x16xf32>
        tpu.vector_store %arg8[%swap3A_1590, %swap3A_1591], %swap3A_1594 {strides = array<i32>} : memref<136x256xf32, #tpu.memory_space<vmem>>, vector<1x16xf32>,
        %swap3A_1595 = arith.index_cast %select_n3A_1484 : i32 to index
        %swap3A_1596 = arith.constant 176 : index
        %swap3A_1597 = tpu.vector_load %arg8[%swap3A_1595, %swap3A_1596] {strides = array<i32>} : memref<136x256xf32, #tpu.memory_space<vmem>>, vector<1x16xf32>,
        %swap3A_1598 = vector.shape_cast %swap3A_1597 : vector<1x16xf32> to vector<16xf32>
        %swap3A_1599 = vector.shape_cast %add3A_1527 : vector<16xf32> to vector<1x16xf32>
        tpu.vector_store %arg8[%swap3A_1595, %swap3A_1596], %swap3A_1599 {strides = array<i32>} : memref<136x256xf32, #tpu.memory_space<vmem>>, vector<1x16xf32>,
        %swap3A_1600 = arith.index_cast %select_n3A_1484 : i32 to index
        %swap3A_1601 = arith.constant 192 : index
        %swap3A_1602 = tpu.vector_load %arg8[%swap3A_1600, %swap3A_1601] {strides = array<i32>} : memref<136x256xf32, #tpu.memory_space<vmem>>, vector<1x16xf32>,
        %swap3A_1603 = vector.shape_cast %swap3A_1602 : vector<1x16xf32> to vector<16xf32>
        %swap3A_1604 = vector.shape_cast %add3A_1530 : vector<16xf32> to vector<1x16xf32>
        tpu.vector_store %arg8[%swap3A_1600, %swap3A_1601], %swap3A_1604 {strides = array<i32>} : memref<136x256xf32, #tpu.memory_space<vmem>>, vector<1x16xf32>,
        %swap3A_1605 = arith.index_cast %select_n3A_1484 : i32 to index
        %swap3A_1606 = arith.constant 208 : index
        %swap3A_1607 = tpu.vector_load %arg8[%swap3A_1605, %swap3A_1606] {strides = array<i32>} : memref<136x256xf32, #tpu.memory_space<vmem>>, vector<1x16xf32>,
        %swap3A_1608 = vector.shape_cast %swap3A_1607 : vector<1x16xf32> to vector<16xf32>
        %swap3A_1609 = vector.shape_cast %add3A_1533 : vector<16xf32> to vector<1x16xf32>
        tpu.vector_store %arg8[%swap3A_1605, %swap3A_1606], %swap3A_1609 {strides = array<i32>} : memref<136x256xf32, #tpu.memory_space<vmem>>, vector<1x16xf32>,
        %swap3A_1610 = arith.index_cast %select_n3A_1484 : i32 to index
        %swap3A_1611 = arith.constant 224 : index
        %swap3A_1612 = tpu.vector_load %arg8[%swap3A_1610, %swap3A_1611] {strides = array<i32>} : memref<136x256xf32, #tpu.memory_space<vmem>>, vector<1x16xf32>,
        %swap3A_1613 = vector.shape_cast %swap3A_1612 : vector<1x16xf32> to vector<16xf32>
        %swap3A_1614 = vector.shape_cast %add3A_1536 : vector<16xf32> to vector<1x16xf32>
        tpu.vector_store %arg8[%swap3A_1610, %swap3A_1611], %swap3A_1614 {strides = array<i32>} : memref<136x256xf32, #tpu.memory_space<vmem>>, vector<1x16xf32>,
        %swap3A_1615 = arith.index_cast %select_n3A_1484 : i32 to index
        %swap3A_1616 = arith.constant 240 : index
        %swap3A_1617 = tpu.vector_load %arg8[%swap3A_1615, %swap3A_1616] {strides = array<i32>} : memref<136x256xf32, #tpu.memory_space<vmem>>, vector<1x16xf32>,
        %swap3A_1618 = vector.shape_cast %swap3A_1617 : vector<1x16xf32> to vector<16xf32>
        %swap3A_1619 = vector.shape_cast %add3A_1539 : vector<16xf32> to vector<1x16xf32>
        tpu.vector_store %arg8[%swap3A_1615, %swap3A_1616], %swap3A_1619 {strides = array<i32>} : memref<136x256xf32, #tpu.memory_space<vmem>>, vector<1x16xf32>,
        %convert_element_type3A_1620 = arith.sitofp %select_n3A_1488 : i32 to f32
        %mul3A_1621 = vector.broadcast %convert_element_type3A_1620 : f32 to vector<16xf32>
        %mul3A_1622 = arith.mulf %broadcast_in_dim3A_16, %mul3A_1621 : vector<16xf32>
        %swap3A_1623 = arith.index_cast %select_n3A_1484 : i32 to index
        %swap3A_1624 = arith.constant 0 : index
        %swap3A_1625 = tpu.vector_load %arg9[%swap3A_1623, %swap3A_1624] {strides = array<i32>} : memref<136x16xf32, #tpu.memory_space<vmem>>, vector<1x16xf32>,
        %swap3A_1626 = vector.shape_cast %swap3A_1625 : vector<1x16xf32> to vector<16xf32>
        %swap3A_1627 = vector.shape_cast %mul3A_1622 : vector<16xf32> to vector<1x16xf32>
        tpu.vector_store %arg9[%swap3A_1623, %swap3A_1624], %swap3A_1627 {strides = array<i32>} : memref<136x16xf32, #tpu.memory_space<vmem>>, vector<1x16xf32>,
        %mul3A_1628 = arith.constant 16 : i32
        %mul3A_1629 = arith.muli %scan3A_93, %mul3A_1628 : i32
        %add3A_1630 = arith.constant 7 : i32
        %add3A_1631 = arith.addi %mul3A_1629, %add3A_1630 : i32
        %get3A_1632 = arith.index_cast %add3A_1631 : i32 to index
        %get3A_1633 = arith.constant 0 : index
        %get3A_1634 = tpu.vector_load %arg7[%get3A_1632, %get3A_1633] {strides = array<i32>} : memref<112x256xf32, #tpu.memory_space<vmem>>, vector<1x16xf32>,
        %get3A_1635 = vector.shape_cast %get3A_1634 : vector<1x16xf32> to vector<16xf32>
        %get3A_1636 = arith.index_cast %add3A_1631 : i32 to index
        %get3A_1637 = arith.constant 16 : index
        %get3A_1638 = tpu.vector_load %arg7[%get3A_1636, %get3A_1637] {strides = array<i32>} : memref<112x256xf32, #tpu.memory_space<vmem>>, vector<1x16xf32>,
        %get3A_1639 = vector.shape_cast %get3A_1638 : vector<1x16xf32> to vector<16xf32>
        %get3A_1640 = arith.index_cast %add3A_1631 : i32 to index
        %get3A_1641 = arith.constant 32 : index
        %get3A_1642 = tpu.vector_load %arg7[%get3A_1640, %get3A_1641] {strides = array<i32>} : memref<112x256xf32, #tpu.memory_space<vmem>>, vector<1x16xf32>,
        %get3A_1643 = vector.shape_cast %get3A_1642 : vector<1x16xf32> to vector<16xf32>
        %get3A_1644 = arith.index_cast %add3A_1631 : i32 to index
        %get3A_1645 = arith.constant 48 : index
        %get3A_1646 = tpu.vector_load %arg7[%get3A_1644, %get3A_1645] {strides = array<i32>} : memref<112x256xf32, #tpu.memory_space<vmem>>, vector<1x16xf32>,
        %get3A_1647 = vector.shape_cast %get3A_1646 : vector<1x16xf32> to vector<16xf32>
        %get3A_1648 = arith.index_cast %add3A_1631 : i32 to index
        %get3A_1649 = arith.constant 64 : index
        %get3A_1650 = tpu.vector_load %arg7[%get3A_1648, %get3A_1649] {strides = array<i32>} : memref<112x256xf32, #tpu.memory_space<vmem>>, vector<1x16xf32>,
        %get3A_1651 = vector.shape_cast %get3A_1650 : vector<1x16xf32> to vector<16xf32>
        %get3A_1652 = arith.index_cast %add3A_1631 : i32 to index
        %get3A_1653 = arith.constant 80 : index
        %get3A_1654 = tpu.vector_load %arg7[%get3A_1652, %get3A_1653] {strides = array<i32>} : memref<112x256xf32, #tpu.memory_space<vmem>>, vector<1x16xf32>,
        %get3A_1655 = vector.shape_cast %get3A_1654 : vector<1x16xf32> to vector<16xf32>
        %get3A_1656 = arith.index_cast %add3A_1631 : i32 to index
        %get3A_1657 = arith.constant 96 : index
        %get3A_1658 = tpu.vector_load %arg7[%get3A_1656, %get3A_1657] {strides = array<i32>} : memref<112x256xf32, #tpu.memory_space<vmem>>, vector<1x16xf32>,
        %get3A_1659 = vector.shape_cast %get3A_1658 : vector<1x16xf32> to vector<16xf32>
        %get3A_1660 = arith.index_cast %add3A_1631 : i32 to index
        %get3A_1661 = arith.constant 112 : index
        %get3A_1662 = tpu.vector_load %arg7[%get3A_1660, %get3A_1661] {strides = array<i32>} : memref<112x256xf32, #tpu.memory_space<vmem>>, vector<1x16xf32>,
        %get3A_1663 = vector.shape_cast %get3A_1662 : vector<1x16xf32> to vector<16xf32>
        %get3A_1664 = arith.index_cast %add3A_1631 : i32 to index
        %get3A_1665 = arith.constant 128 : index
        %get3A_1666 = tpu.vector_load %arg7[%get3A_1664, %get3A_1665] {strides = array<i32>} : memref<112x256xf32, #tpu.memory_space<vmem>>, vector<1x16xf32>,
        %get3A_1667 = vector.shape_cast %get3A_1666 : vector<1x16xf32> to vector<16xf32>
        %get3A_1668 = arith.index_cast %add3A_1631 : i32 to index
        %get3A_1669 = arith.constant 144 : index
        %get3A_1670 = tpu.vector_load %arg7[%get3A_1668, %get3A_1669] {strides = array<i32>} : memref<112x256xf32, #tpu.memory_space<vmem>>, vector<1x16xf32>,
        %get3A_1671 = vector.shape_cast %get3A_1670 : vector<1x16xf32> to vector<16xf32>
        %get3A_1672 = arith.index_cast %add3A_1631 : i32 to index
        %get3A_1673 = arith.constant 160 : index
        %get3A_1674 = tpu.vector_load %arg7[%get3A_1672, %get3A_1673] {strides = array<i32>} : memref<112x256xf32, #tpu.memory_space<vmem>>, vector<1x16xf32>,
        %get3A_1675 = vector.shape_cast %get3A_1674 : vector<1x16xf32> to vector<16xf32>
        %get3A_1676 = arith.index_cast %add3A_1631 : i32 to index
        %get3A_1677 = arith.constant 176 : index
        %get3A_1678 = tpu.vector_load %arg7[%get3A_1676, %get3A_1677] {strides = array<i32>} : memref<112x256xf32, #tpu.memory_space<vmem>>, vector<1x16xf32>,
        %get3A_1679 = vector.shape_cast %get3A_1678 : vector<1x16xf32> to vector<16xf32>
        %get3A_1680 = arith.index_cast %add3A_1631 : i32 to index
        %get3A_1681 = arith.constant 192 : index
        %get3A_1682 = tpu.vector_load %arg7[%get3A_1680, %get3A_1681] {strides = array<i32>} : memref<112x256xf32, #tpu.memory_space<vmem>>, vector<1x16xf32>,
        %get3A_1683 = vector.shape_cast %get3A_1682 : vector<1x16xf32> to vector<16xf32>
        %get3A_1684 = arith.index_cast %add3A_1631 : i32 to index
        %get3A_1685 = arith.constant 208 : index
        %get3A_1686 = tpu.vector_load %arg7[%get3A_1684, %get3A_1685] {strides = array<i32>} : memref<112x256xf32, #tpu.memory_space<vmem>>, vector<1x16xf32>,
        %get3A_1687 = vector.shape_cast %get3A_1686 : vector<1x16xf32> to vector<16xf32>
        %get3A_1688 = arith.index_cast %add3A_1631 : i32 to index
        %get3A_1689 = arith.constant 224 : index
        %get3A_1690 = tpu.vector_load %arg7[%get3A_1688, %get3A_1689] {strides = array<i32>} : memref<112x256xf32, #tpu.memory_space<vmem>>, vector<1x16xf32>,
        %get3A_1691 = vector.shape_cast %get3A_1690 : vector<1x16xf32> to vector<16xf32>
        %get3A_1692 = arith.index_cast %add3A_1631 : i32 to index
        %get3A_1693 = arith.constant 240 : index
        %get3A_1694 = tpu.vector_load %arg7[%get3A_1692, %get3A_1693] {strides = array<i32>} : memref<112x256xf32, #tpu.memory_space<vmem>>, vector<1x16xf32>,
        %get3A_1695 = vector.shape_cast %get3A_1694 : vector<1x16xf32> to vector<16xf32>
        %slice3A_1696 = vector.extract_strided_slice %select_n3A_126 {offsets = [7], sizes = [1], strides = [1]} : vector<16xi32> to vector<1xi32>
        %squeeze3A_1697 = vector.extract %slice3A_1696[0] : i32 from vector<1xi32>
        %ne3A_1698 = arith.cmpi ne, %squeeze3A_1697, %select_n3A_1484 : i32
        %select_n3A_1699 = arith.select %ne3A_1698, %squeeze3A_1697, %select_n3A_1484 : i32
        %add3A_1700 = arith.constant 1 : i32
        %add3A_1701 = arith.addi %select_n3A_1488, %add3A_1700 : i32
        %jit3A_1702 = arith.constant 1 : i32
        %select_n3A_1703 = arith.select %ne3A_1698, %jit3A_1702, %add3A_1701 : i32
        %jit3A_1704 = arith.constant 0.000000e+00 : f32
        %jit3A_1705 = arith.constant 1.000000e+00 : f32
        %select_n3A_1706 = arith.select %ne3A_1698, %jit3A_1704, %jit3A_1705 : f32
        %mul3A_1707 = vector.broadcast %select_n3A_1706 : f32 to vector<16xf32>
        %mul3A_1708 = arith.mulf %add3A_1494, %mul3A_1707 : vector<16xf32>
        %add3A_1709 = arith.addf %get3A_1635, %mul3A_1708 : vector<16xf32>
        %mul3A_1710 = vector.broadcast %select_n3A_1706 : f32 to vector<16xf32>
        %mul3A_1711 = arith.mulf %add3A_1497, %mul3A_1710 : vector<16xf32>
        %add3A_1712 = arith.addf %get3A_1639, %mul3A_1711 : vector<16xf32>
        %mul3A_1713 = vector.broadcast %select_n3A_1706 : f32 to vector<16xf32>
        %mul3A_1714 = arith.mulf %add3A_1500, %mul3A_1713 : vector<16xf32>
        %add3A_1715 = arith.addf %get3A_1643, %mul3A_1714 : vector<16xf32>
        %mul3A_1716 = vector.broadcast %select_n3A_1706 : f32 to vector<16xf32>
        %mul3A_1717 = arith.mulf %add3A_1503, %mul3A_1716 : vector<16xf32>
        %add3A_1718 = arith.addf %get3A_1647, %mul3A_1717 : vector<16xf32>
        %mul3A_1719 = vector.broadcast %select_n3A_1706 : f32 to vector<16xf32>
        %mul3A_1720 = arith.mulf %add3A_1506, %mul3A_1719 : vector<16xf32>
        %add3A_1721 = arith.addf %get3A_1651, %mul3A_1720 : vector<16xf32>
        %mul3A_1722 = vector.broadcast %select_n3A_1706 : f32 to vector<16xf32>
        %mul3A_1723 = arith.mulf %add3A_1509, %mul3A_1722 : vector<16xf32>
        %add3A_1724 = arith.addf %get3A_1655, %mul3A_1723 : vector<16xf32>
        %mul3A_1725 = vector.broadcast %select_n3A_1706 : f32 to vector<16xf32>
        %mul3A_1726 = arith.mulf %add3A_1512, %mul3A_1725 : vector<16xf32>
        %add3A_1727 = arith.addf %get3A_1659, %mul3A_1726 : vector<16xf32>
        %mul3A_1728 = vector.broadcast %select_n3A_1706 : f32 to vector<16xf32>
        %mul3A_1729 = arith.mulf %add3A_1515, %mul3A_1728 : vector<16xf32>
        %add3A_1730 = arith.addf %get3A_1663, %mul3A_1729 : vector<16xf32>
        %mul3A_1731 = vector.broadcast %select_n3A_1706 : f32 to vector<16xf32>
        %mul3A_1732 = arith.mulf %add3A_1518, %mul3A_1731 : vector<16xf32>
        %add3A_1733 = arith.addf %get3A_1667, %mul3A_1732 : vector<16xf32>
        %mul3A_1734 = vector.broadcast %select_n3A_1706 : f32 to vector<16xf32>
        %mul3A_1735 = arith.mulf %add3A_1521, %mul3A_1734 : vector<16xf32>
        %add3A_1736 = arith.addf %get3A_1671, %mul3A_1735 : vector<16xf32>
        %mul3A_1737 = vector.broadcast %select_n3A_1706 : f32 to vector<16xf32>
        %mul3A_1738 = arith.mulf %add3A_1524, %mul3A_1737 : vector<16xf32>
        %add3A_1739 = arith.addf %get3A_1675, %mul3A_1738 : vector<16xf32>
        %mul3A_1740 = vector.broadcast %select_n3A_1706 : f32 to vector<16xf32>
        %mul3A_1741 = arith.mulf %add3A_1527, %mul3A_1740 : vector<16xf32>
        %add3A_1742 = arith.addf %get3A_1679, %mul3A_1741 : vector<16xf32>
        %mul3A_1743 = vector.broadcast %select_n3A_1706 : f32 to vector<16xf32>
        %mul3A_1744 = arith.mulf %add3A_1530, %mul3A_1743 : vector<16xf32>
        %add3A_1745 = arith.addf %get3A_1683, %mul3A_1744 : vector<16xf32>
        %mul3A_1746 = vector.broadcast %select_n3A_1706 : f32 to vector<16xf32>
        %mul3A_1747 = arith.mulf %add3A_1533, %mul3A_1746 : vector<16xf32>
        %add3A_1748 = arith.addf %get3A_1687, %mul3A_1747 : vector<16xf32>
        %mul3A_1749 = vector.broadcast %select_n3A_1706 : f32 to vector<16xf32>
        %mul3A_1750 = arith.mulf %add3A_1536, %mul3A_1749 : vector<16xf32>
        %add3A_1751 = arith.addf %get3A_1691, %mul3A_1750 : vector<16xf32>
        %mul3A_1752 = vector.broadcast %select_n3A_1706 : f32 to vector<16xf32>
        %mul3A_1753 = arith.mulf %add3A_1539, %mul3A_1752 : vector<16xf32>
        %add3A_1754 = arith.addf %get3A_1695, %mul3A_1753 : vector<16xf32>
        %swap3A_1755 = arith.index_cast %select_n3A_1699 : i32 to index
        %swap3A_1756 = arith.constant 0 : index
        %swap3A_1757 = tpu.vector_load %arg8[%swap3A_1755, %swap3A_1756] {strides = array<i32>} : memref<136x256xf32, #tpu.memory_space<vmem>>, vector<1x16xf32>,
        %swap3A_1758 = vector.shape_cast %swap3A_1757 : vector<1x16xf32> to vector<16xf32>
        %swap3A_1759 = vector.shape_cast %add3A_1709 : vector<16xf32> to vector<1x16xf32>
        tpu.vector_store %arg8[%swap3A_1755, %swap3A_1756], %swap3A_1759 {strides = array<i32>} : memref<136x256xf32, #tpu.memory_space<vmem>>, vector<1x16xf32>,
        %swap3A_1760 = arith.index_cast %select_n3A_1699 : i32 to index
        %swap3A_1761 = arith.constant 16 : index
        %swap3A_1762 = tpu.vector_load %arg8[%swap3A_1760, %swap3A_1761] {strides = array<i32>} : memref<136x256xf32, #tpu.memory_space<vmem>>, vector<1x16xf32>,
        %swap3A_1763 = vector.shape_cast %swap3A_1762 : vector<1x16xf32> to vector<16xf32>
        %swap3A_1764 = vector.shape_cast %add3A_1712 : vector<16xf32> to vector<1x16xf32>
        tpu.vector_store %arg8[%swap3A_1760, %swap3A_1761], %swap3A_1764 {strides = array<i32>} : memref<136x256xf32, #tpu.memory_space<vmem>>, vector<1x16xf32>,
        %swap3A_1765 = arith.index_cast %select_n3A_1699 : i32 to index
        %swap3A_1766 = arith.constant 32 : index
        %swap3A_1767 = tpu.vector_load %arg8[%swap3A_1765, %swap3A_1766] {strides = array<i32>} : memref<136x256xf32, #tpu.memory_space<vmem>>, vector<1x16xf32>,
        %swap3A_1768 = vector.shape_cast %swap3A_1767 : vector<1x16xf32> to vector<16xf32>
        %swap3A_1769 = vector.shape_cast %add3A_1715 : vector<16xf32> to vector<1x16xf32>
        tpu.vector_store %arg8[%swap3A_1765, %swap3A_1766], %swap3A_1769 {strides = array<i32>} : memref<136x256xf32, #tpu.memory_space<vmem>>, vector<1x16xf32>,
        %swap3A_1770 = arith.index_cast %select_n3A_1699 : i32 to index
        %swap3A_1771 = arith.constant 48 : index
        %swap3A_1772 = tpu.vector_load %arg8[%swap3A_1770, %swap3A_1771] {strides = array<i32>} : memref<136x256xf32, #tpu.memory_space<vmem>>, vector<1x16xf32>,
        %swap3A_1773 = vector.shape_cast %swap3A_1772 : vector<1x16xf32> to vector<16xf32>
        %swap3A_1774 = vector.shape_cast %add3A_1718 : vector<16xf32> to vector<1x16xf32>
        tpu.vector_store %arg8[%swap3A_1770, %swap3A_1771], %swap3A_1774 {strides = array<i32>} : memref<136x256xf32, #tpu.memory_space<vmem>>, vector<1x16xf32>,
        %swap3A_1775 = arith.index_cast %select_n3A_1699 : i32 to index
        %swap3A_1776 = arith.constant 64 : index
        %swap3A_1777 = tpu.vector_load %arg8[%swap3A_1775, %swap3A_1776] {strides = array<i32>} : memref<136x256xf32, #tpu.memory_space<vmem>>, vector<1x16xf32>,
        %swap3A_1778 = vector.shape_cast %swap3A_1777 : vector<1x16xf32> to vector<16xf32>
        %swap3A_1779 = vector.shape_cast %add3A_1721 : vector<16xf32> to vector<1x16xf32>
        tpu.vector_store %arg8[%swap3A_1775, %swap3A_1776], %swap3A_1779 {strides = array<i32>} : memref<136x256xf32, #tpu.memory_space<vmem>>, vector<1x16xf32>,
        %swap3A_1780 = arith.index_cast %select_n3A_1699 : i32 to index
        %swap3A_1781 = arith.constant 80 : index
        %swap3A_1782 = tpu.vector_load %arg8[%swap3A_1780, %swap3A_1781] {strides = array<i32>} : memref<136x256xf32, #tpu.memory_space<vmem>>, vector<1x16xf32>,
        %swap3A_1783 = vector.shape_cast %swap3A_1782 : vector<1x16xf32> to vector<16xf32>
        %swap3A_1784 = vector.shape_cast %add3A_1724 : vector<16xf32> to vector<1x16xf32>
        tpu.vector_store %arg8[%swap3A_1780, %swap3A_1781], %swap3A_1784 {strides = array<i32>} : memref<136x256xf32, #tpu.memory_space<vmem>>, vector<1x16xf32>,
        %swap3A_1785 = arith.index_cast %select_n3A_1699 : i32 to index
        %swap3A_1786 = arith.constant 96 : index
        %swap3A_1787 = tpu.vector_load %arg8[%swap3A_1785, %swap3A_1786] {strides = array<i32>} : memref<136x256xf32, #tpu.memory_space<vmem>>, vector<1x16xf32>,
        %swap3A_1788 = vector.shape_cast %swap3A_1787 : vector<1x16xf32> to vector<16xf32>
        %swap3A_1789 = vector.shape_cast %add3A_1727 : vector<16xf32> to vector<1x16xf32>
        tpu.vector_store %arg8[%swap3A_1785, %swap3A_1786], %swap3A_1789 {strides = array<i32>} : memref<136x256xf32, #tpu.memory_space<vmem>>, vector<1x16xf32>,
        %swap3A_1790 = arith.index_cast %select_n3A_1699 : i32 to index
        %swap3A_1791 = arith.constant 112 : index
        %swap3A_1792 = tpu.vector_load %arg8[%swap3A_1790, %swap3A_1791] {strides = array<i32>} : memref<136x256xf32, #tpu.memory_space<vmem>>, vector<1x16xf32>,
        %swap3A_1793 = vector.shape_cast %swap3A_1792 : vector<1x16xf32> to vector<16xf32>
        %swap3A_1794 = vector.shape_cast %add3A_1730 : vector<16xf32> to vector<1x16xf32>
        tpu.vector_store %arg8[%swap3A_1790, %swap3A_1791], %swap3A_1794 {strides = array<i32>} : memref<136x256xf32, #tpu.memory_space<vmem>>, vector<1x16xf32>,
        %swap3A_1795 = arith.index_cast %select_n3A_1699 : i32 to index
        %swap3A_1796 = arith.constant 128 : index
        %swap3A_1797 = tpu.vector_load %arg8[%swap3A_1795, %swap3A_1796] {strides = array<i32>} : memref<136x256xf32, #tpu.memory_space<vmem>>, vector<1x16xf32>,
        %swap3A_1798 = vector.shape_cast %swap3A_1797 : vector<1x16xf32> to vector<16xf32>
        %swap3A_1799 = vector.shape_cast %add3A_1733 : vector<16xf32> to vector<1x16xf32>
        tpu.vector_store %arg8[%swap3A_1795, %swap3A_1796], %swap3A_1799 {strides = array<i32>} : memref<136x256xf32, #tpu.memory_space<vmem>>, vector<1x16xf32>,
        %swap3A_1800 = arith.index_cast %select_n3A_1699 : i32 to index
        %swap3A_1801 = arith.constant 144 : index
        %swap3A_1802 = tpu.vector_load %arg8[%swap3A_1800, %swap3A_1801] {strides = array<i32>} : memref<136x256xf32, #tpu.memory_space<vmem>>, vector<1x16xf32>,
        %swap3A_1803 = vector.shape_cast %swap3A_1802 : vector<1x16xf32> to vector<16xf32>
        %swap3A_1804 = vector.shape_cast %add3A_1736 : vector<16xf32> to vector<1x16xf32>
        tpu.vector_store %arg8[%swap3A_1800, %swap3A_1801], %swap3A_1804 {strides = array<i32>} : memref<136x256xf32, #tpu.memory_space<vmem>>, vector<1x16xf32>,
        %swap3A_1805 = arith.index_cast %select_n3A_1699 : i32 to index
        %swap3A_1806 = arith.constant 160 : index
        %swap3A_1807 = tpu.vector_load %arg8[%swap3A_1805, %swap3A_1806] {strides = array<i32>} : memref<136x256xf32, #tpu.memory_space<vmem>>, vector<1x16xf32>,
        %swap3A_1808 = vector.shape_cast %swap3A_1807 : vector<1x16xf32> to vector<16xf32>
        %swap3A_1809 = vector.shape_cast %add3A_1739 : vector<16xf32> to vector<1x16xf32>
        tpu.vector_store %arg8[%swap3A_1805, %swap3A_1806], %swap3A_1809 {strides = array<i32>} : memref<136x256xf32, #tpu.memory_space<vmem>>, vector<1x16xf32>,
        %swap3A_1810 = arith.index_cast %select_n3A_1699 : i32 to index
        %swap3A_1811 = arith.constant 176 : index
        %swap3A_1812 = tpu.vector_load %arg8[%swap3A_1810, %swap3A_1811] {strides = array<i32>} : memref<136x256xf32, #tpu.memory_space<vmem>>, vector<1x16xf32>,
        %swap3A_1813 = vector.shape_cast %swap3A_1812 : vector<1x16xf32> to vector<16xf32>
        %swap3A_1814 = vector.shape_cast %add3A_1742 : vector<16xf32> to vector<1x16xf32>
        tpu.vector_store %arg8[%swap3A_1810, %swap3A_1811], %swap3A_1814 {strides = array<i32>} : memref<136x256xf32, #tpu.memory_space<vmem>>, vector<1x16xf32>,
        %swap3A_1815 = arith.index_cast %select_n3A_1699 : i32 to index
        %swap3A_1816 = arith.constant 192 : index
        %swap3A_1817 = tpu.vector_load %arg8[%swap3A_1815, %swap3A_1816] {strides = array<i32>} : memref<136x256xf32, #tpu.memory_space<vmem>>, vector<1x16xf32>,
        %swap3A_1818 = vector.shape_cast %swap3A_1817 : vector<1x16xf32> to vector<16xf32>
        %swap3A_1819 = vector.shape_cast %add3A_1745 : vector<16xf32> to vector<1x16xf32>
        tpu.vector_store %arg8[%swap3A_1815, %swap3A_1816], %swap3A_1819 {strides = array<i32>} : memref<136x256xf32, #tpu.memory_space<vmem>>, vector<1x16xf32>,
        %swap3A_1820 = arith.index_cast %select_n3A_1699 : i32 to index
        %swap3A_1821 = arith.constant 208 : index
        %swap3A_1822 = tpu.vector_load %arg8[%swap3A_1820, %swap3A_1821] {strides = array<i32>} : memref<136x256xf32, #tpu.memory_space<vmem>>, vector<1x16xf32>,
        %swap3A_1823 = vector.shape_cast %swap3A_1822 : vector<1x16xf32> to vector<16xf32>
        %swap3A_1824 = vector.shape_cast %add3A_1748 : vector<16xf32> to vector<1x16xf32>
        tpu.vector_store %arg8[%swap3A_1820, %swap3A_1821], %swap3A_1824 {strides = array<i32>} : memref<136x256xf32, #tpu.memory_space<vmem>>, vector<1x16xf32>,
        %swap3A_1825 = arith.index_cast %select_n3A_1699 : i32 to index
        %swap3A_1826 = arith.constant 224 : index
        %swap3A_1827 = tpu.vector_load %arg8[%swap3A_1825, %swap3A_1826] {strides = array<i32>} : memref<136x256xf32, #tpu.memory_space<vmem>>, vector<1x16xf32>,
        %swap3A_1828 = vector.shape_cast %swap3A_1827 : vector<1x16xf32> to vector<16xf32>
        %swap3A_1829 = vector.shape_cast %add3A_1751 : vector<16xf32> to vector<1x16xf32>
        tpu.vector_store %arg8[%swap3A_1825, %swap3A_1826], %swap3A_1829 {strides = array<i32>} : memref<136x256xf32, #tpu.memory_space<vmem>>, vector<1x16xf32>,
        %swap3A_1830 = arith.index_cast %select_n3A_1699 : i32 to index
        %swap3A_1831 = arith.constant 240 : index
        %swap3A_1832 = tpu.vector_load %arg8[%swap3A_1830, %swap3A_1831] {strides = array<i32>} : memref<136x256xf32, #tpu.memory_space<vmem>>, vector<1x16xf32>,
        %swap3A_1833 = vector.shape_cast %swap3A_1832 : vector<1x16xf32> to vector<16xf32>
        %swap3A_1834 = vector.shape_cast %add3A_1754 : vector<16xf32> to vector<1x16xf32>
        tpu.vector_store %arg8[%swap3A_1830, %swap3A_1831], %swap3A_1834 {strides = array<i32>} : memref<136x256xf32, #tpu.memory_space<vmem>>, vector<1x16xf32>,
        %convert_element_type3A_1835 = arith.sitofp %select_n3A_1703 : i32 to f32
        %mul3A_1836 = vector.broadcast %convert_element_type3A_1835 : f32 to vector<16xf32>
        %mul3A_1837 = arith.mulf %broadcast_in_dim3A_16, %mul3A_1836 : vector<16xf32>
        %swap3A_1838 = arith.index_cast %select_n3A_1699 : i32 to index
        %swap3A_1839 = arith.constant 0 : index
        %swap3A_1840 = tpu.vector_load %arg9[%swap3A_1838, %swap3A_1839] {strides = array<i32>} : memref<136x16xf32, #tpu.memory_space<vmem>>, vector<1x16xf32>,
        %swap3A_1841 = vector.shape_cast %swap3A_1840 : vector<1x16xf32> to vector<16xf32>
        %swap3A_1842 = vector.shape_cast %mul3A_1837 : vector<16xf32> to vector<1x16xf32>
        tpu.vector_store %arg9[%swap3A_1838, %swap3A_1839], %swap3A_1842 {strides = array<i32>} : memref<136x16xf32, #tpu.memory_space<vmem>>, vector<1x16xf32>,
        %mul3A_1843 = arith.constant 16 : i32
        %mul3A_1844 = arith.muli %scan3A_93, %mul3A_1843 : i32
        %add3A_1845 = arith.constant 8 : i32
        %add3A_1846 = arith.addi %mul3A_1844, %add3A_1845 : i32
        %get3A_1847 = arith.index_cast %add3A_1846 : i32 to index
        %get3A_1848 = arith.constant 0 : index
        %get3A_1849 = tpu.vector_load %arg7[%get3A_1847, %get3A_1848] {strides = array<i32>} : memref<112x256xf32, #tpu.memory_space<vmem>>, vector<1x16xf32>,
        %get3A_1850 = vector.shape_cast %get3A_1849 : vector<1x16xf32> to vector<16xf32>
        %get3A_1851 = arith.index_cast %add3A_1846 : i32 to index
        %get3A_1852 = arith.constant 16 : index
        %get3A_1853 = tpu.vector_load %arg7[%get3A_1851, %get3A_1852] {strides = array<i32>} : memref<112x256xf32, #tpu.memory_space<vmem>>, vector<1x16xf32>,
        %get3A_1854 = vector.shape_cast %get3A_1853 : vector<1x16xf32> to vector<16xf32>
        %get3A_1855 = arith.index_cast %add3A_1846 : i32 to index
        %get3A_1856 = arith.constant 32 : index
        %get3A_1857 = tpu.vector_load %arg7[%get3A_1855, %get3A_1856] {strides = array<i32>} : memref<112x256xf32, #tpu.memory_space<vmem>>, vector<1x16xf32>,
        %get3A_1858 = vector.shape_cast %get3A_1857 : vector<1x16xf32> to vector<16xf32>
        %get3A_1859 = arith.index_cast %add3A_1846 : i32 to index
        %get3A_1860 = arith.constant 48 : index
        %get3A_1861 = tpu.vector_load %arg7[%get3A_1859, %get3A_1860] {strides = array<i32>} : memref<112x256xf32, #tpu.memory_space<vmem>>, vector<1x16xf32>,
        %get3A_1862 = vector.shape_cast %get3A_1861 : vector<1x16xf32> to vector<16xf32>
        %get3A_1863 = arith.index_cast %add3A_1846 : i32 to index
        %get3A_1864 = arith.constant 64 : index
        %get3A_1865 = tpu.vector_load %arg7[%get3A_1863, %get3A_1864] {strides = array<i32>} : memref<112x256xf32, #tpu.memory_space<vmem>>, vector<1x16xf32>,
        %get3A_1866 = vector.shape_cast %get3A_1865 : vector<1x16xf32> to vector<16xf32>
        %get3A_1867 = arith.index_cast %add3A_1846 : i32 to index
        %get3A_1868 = arith.constant 80 : index
        %get3A_1869 = tpu.vector_load %arg7[%get3A_1867, %get3A_1868] {strides = array<i32>} : memref<112x256xf32, #tpu.memory_space<vmem>>, vector<1x16xf32>,
        %get3A_1870 = vector.shape_cast %get3A_1869 : vector<1x16xf32> to vector<16xf32>
        %get3A_1871 = arith.index_cast %add3A_1846 : i32 to index
        %get3A_1872 = arith.constant 96 : index
        %get3A_1873 = tpu.vector_load %arg7[%get3A_1871, %get3A_1872] {strides = array<i32>} : memref<112x256xf32, #tpu.memory_space<vmem>>, vector<1x16xf32>,
        %get3A_1874 = vector.shape_cast %get3A_1873 : vector<1x16xf32> to vector<16xf32>
        %get3A_1875 = arith.index_cast %add3A_1846 : i32 to index
        %get3A_1876 = arith.constant 112 : index
        %get3A_1877 = tpu.vector_load %arg7[%get3A_1875, %get3A_1876] {strides = array<i32>} : memref<112x256xf32, #tpu.memory_space<vmem>>, vector<1x16xf32>,
        %get3A_1878 = vector.shape_cast %get3A_1877 : vector<1x16xf32> to vector<16xf32>
        %get3A_1879 = arith.index_cast %add3A_1846 : i32 to index
        %get3A_1880 = arith.constant 128 : index
        %get3A_1881 = tpu.vector_load %arg7[%get3A_1879, %get3A_1880] {strides = array<i32>} : memref<112x256xf32, #tpu.memory_space<vmem>>, vector<1x16xf32>,
        %get3A_1882 = vector.shape_cast %get3A_1881 : vector<1x16xf32> to vector<16xf32>
        %get3A_1883 = arith.index_cast %add3A_1846 : i32 to index
        %get3A_1884 = arith.constant 144 : index
        %get3A_1885 = tpu.vector_load %arg7[%get3A_1883, %get3A_1884] {strides = array<i32>} : memref<112x256xf32, #tpu.memory_space<vmem>>, vector<1x16xf32>,
        %get3A_1886 = vector.shape_cast %get3A_1885 : vector<1x16xf32> to vector<16xf32>
        %get3A_1887 = arith.index_cast %add3A_1846 : i32 to index
        %get3A_1888 = arith.constant 160 : index
        %get3A_1889 = tpu.vector_load %arg7[%get3A_1887, %get3A_1888] {strides = array<i32>} : memref<112x256xf32, #tpu.memory_space<vmem>>, vector<1x16xf32>,
        %get3A_1890 = vector.shape_cast %get3A_1889 : vector<1x16xf32> to vector<16xf32>
        %get3A_1891 = arith.index_cast %add3A_1846 : i32 to index
        %get3A_1892 = arith.constant 176 : index
        %get3A_1893 = tpu.vector_load %arg7[%get3A_1891, %get3A_1892] {strides = array<i32>} : memref<112x256xf32, #tpu.memory_space<vmem>>, vector<1x16xf32>,
        %get3A_1894 = vector.shape_cast %get3A_1893 : vector<1x16xf32> to vector<16xf32>
        %get3A_1895 = arith.index_cast %add3A_1846 : i32 to index
        %get3A_1896 = arith.constant 192 : index
        %get3A_1897 = tpu.vector_load %arg7[%get3A_1895, %get3A_1896] {strides = array<i32>} : memref<112x256xf32, #tpu.memory_space<vmem>>, vector<1x16xf32>,
        %get3A_1898 = vector.shape_cast %get3A_1897 : vector<1x16xf32> to vector<16xf32>
        %get3A_1899 = arith.index_cast %add3A_1846 : i32 to index
        %get3A_1900 = arith.constant 208 : index
        %get3A_1901 = tpu.vector_load %arg7[%get3A_1899, %get3A_1900] {strides = array<i32>} : memref<112x256xf32, #tpu.memory_space<vmem>>, vector<1x16xf32>,
        %get3A_1902 = vector.shape_cast %get3A_1901 : vector<1x16xf32> to vector<16xf32>
        %get3A_1903 = arith.index_cast %add3A_1846 : i32 to index
        %get3A_1904 = arith.constant 224 : index
        %get3A_1905 = tpu.vector_load %arg7[%get3A_1903, %get3A_1904] {strides = array<i32>} : memref<112x256xf32, #tpu.memory_space<vmem>>, vector<1x16xf32>,
        %get3A_1906 = vector.shape_cast %get3A_1905 : vector<1x16xf32> to vector<16xf32>
        %get3A_1907 = arith.index_cast %add3A_1846 : i32 to index
        %get3A_1908 = arith.constant 240 : index
        %get3A_1909 = tpu.vector_load %arg7[%get3A_1907, %get3A_1908] {strides = array<i32>} : memref<112x256xf32, #tpu.memory_space<vmem>>, vector<1x16xf32>,
        %get3A_1910 = vector.shape_cast %get3A_1909 : vector<1x16xf32> to vector<16xf32>
        %slice3A_1911 = vector.extract_strided_slice %select_n3A_126 {offsets = [8], sizes = [1], strides = [1]} : vector<16xi32> to vector<1xi32>
        %squeeze3A_1912 = vector.extract %slice3A_1911[0] : i32 from vector<1xi32>
        %ne3A_1913 = arith.cmpi ne, %squeeze3A_1912, %select_n3A_1699 : i32
        %select_n3A_1914 = arith.select %ne3A_1913, %squeeze3A_1912, %select_n3A_1699 : i32
        %add3A_1915 = arith.constant 1 : i32
        %add3A_1916 = arith.addi %select_n3A_1703, %add3A_1915 : i32
        %jit3A_1917 = arith.constant 1 : i32
        %select_n3A_1918 = arith.select %ne3A_1913, %jit3A_1917, %add3A_1916 : i32
        %jit3A_1919 = arith.constant 0.000000e+00 : f32
        %jit3A_1920 = arith.constant 1.000000e+00 : f32
        %select_n3A_1921 = arith.select %ne3A_1913, %jit3A_1919, %jit3A_1920 : f32
        %mul3A_1922 = vector.broadcast %select_n3A_1921 : f32 to vector<16xf32>
        %mul3A_1923 = arith.mulf %add3A_1709, %mul3A_1922 : vector<16xf32>
        %add3A_1924 = arith.addf %get3A_1850, %mul3A_1923 : vector<16xf32>
        %mul3A_1925 = vector.broadcast %select_n3A_1921 : f32 to vector<16xf32>
        %mul3A_1926 = arith.mulf %add3A_1712, %mul3A_1925 : vector<16xf32>
        %add3A_1927 = arith.addf %get3A_1854, %mul3A_1926 : vector<16xf32>
        %mul3A_1928 = vector.broadcast %select_n3A_1921 : f32 to vector<16xf32>
        %mul3A_1929 = arith.mulf %add3A_1715, %mul3A_1928 : vector<16xf32>
        %add3A_1930 = arith.addf %get3A_1858, %mul3A_1929 : vector<16xf32>
        %mul3A_1931 = vector.broadcast %select_n3A_1921 : f32 to vector<16xf32>
        %mul3A_1932 = arith.mulf %add3A_1718, %mul3A_1931 : vector<16xf32>
        %add3A_1933 = arith.addf %get3A_1862, %mul3A_1932 : vector<16xf32>
        %mul3A_1934 = vector.broadcast %select_n3A_1921 : f32 to vector<16xf32>
        %mul3A_1935 = arith.mulf %add3A_1721, %mul3A_1934 : vector<16xf32>
        %add3A_1936 = arith.addf %get3A_1866, %mul3A_1935 : vector<16xf32>
        %mul3A_1937 = vector.broadcast %select_n3A_1921 : f32 to vector<16xf32>
        %mul3A_1938 = arith.mulf %add3A_1724, %mul3A_1937 : vector<16xf32>
        %add3A_1939 = arith.addf %get3A_1870, %mul3A_1938 : vector<16xf32>
        %mul3A_1940 = vector.broadcast %select_n3A_1921 : f32 to vector<16xf32>
        %mul3A_1941 = arith.mulf %add3A_1727, %mul3A_1940 : vector<16xf32>
        %add3A_1942 = arith.addf %get3A_1874, %mul3A_1941 : vector<16xf32>
        %mul3A_1943 = vector.broadcast %select_n3A_1921 : f32 to vector<16xf32>
        %mul3A_1944 = arith.mulf %add3A_1730, %mul3A_1943 : vector<16xf32>
        %add3A_1945 = arith.addf %get3A_1878, %mul3A_1944 : vector<16xf32>
        %mul3A_1946 = vector.broadcast %select_n3A_1921 : f32 to vector<16xf32>
        %mul3A_1947 = arith.mulf %add3A_1733, %mul3A_1946 : vector<16xf32>
        %add3A_1948 = arith.addf %get3A_1882, %mul3A_1947 : vector<16xf32>
        %mul3A_1949 = vector.broadcast %select_n3A_1921 : f32 to vector<16xf32>
        %mul3A_1950 = arith.mulf %add3A_1736, %mul3A_1949 : vector<16xf32>
        %add3A_1951 = arith.addf %get3A_1886, %mul3A_1950 : vector<16xf32>
        %mul3A_1952 = vector.broadcast %select_n3A_1921 : f32 to vector<16xf32>
        %mul3A_1953 = arith.mulf %add3A_1739, %mul3A_1952 : vector<16xf32>
        %add3A_1954 = arith.addf %get3A_1890, %mul3A_1953 : vector<16xf32>
        %mul3A_1955 = vector.broadcast %select_n3A_1921 : f32 to vector<16xf32>
        %mul3A_1956 = arith.mulf %add3A_1742, %mul3A_1955 : vector<16xf32>
        %add3A_1957 = arith.addf %get3A_1894, %mul3A_1956 : vector<16xf32>
        %mul3A_1958 = vector.broadcast %select_n3A_1921 : f32 to vector<16xf32>
        %mul3A_1959 = arith.mulf %add3A_1745, %mul3A_1958 : vector<16xf32>
        %add3A_1960 = arith.addf %get3A_1898, %mul3A_1959 : vector<16xf32>
        %mul3A_1961 = vector.broadcast %select_n3A_1921 : f32 to vector<16xf32>
        %mul3A_1962 = arith.mulf %add3A_1748, %mul3A_1961 : vector<16xf32>
        %add3A_1963 = arith.addf %get3A_1902, %mul3A_1962 : vector<16xf32>
        %mul3A_1964 = vector.broadcast %select_n3A_1921 : f32 to vector<16xf32>
        %mul3A_1965 = arith.mulf %add3A_1751, %mul3A_1964 : vector<16xf32>
        %add3A_1966 = arith.addf %get3A_1906, %mul3A_1965 : vector<16xf32>
        %mul3A_1967 = vector.broadcast %select_n3A_1921 : f32 to vector<16xf32>
        %mul3A_1968 = arith.mulf %add3A_1754, %mul3A_1967 : vector<16xf32>
        %add3A_1969 = arith.addf %get3A_1910, %mul3A_1968 : vector<16xf32>
        %swap3A_1970 = arith.index_cast %select_n3A_1914 : i32 to index
        %swap3A_1971 = arith.constant 0 : index
        %swap3A_1972 = tpu.vector_load %arg8[%swap3A_1970, %swap3A_1971] {strides = array<i32>} : memref<136x256xf32, #tpu.memory_space<vmem>>, vector<1x16xf32>,
        %swap3A_1973 = vector.shape_cast %swap3A_1972 : vector<1x16xf32> to vector<16xf32>
        %swap3A_1974 = vector.shape_cast %add3A_1924 : vector<16xf32> to vector<1x16xf32>
        tpu.vector_store %arg8[%swap3A_1970, %swap3A_1971], %swap3A_1974 {strides = array<i32>} : memref<136x256xf32, #tpu.memory_space<vmem>>, vector<1x16xf32>,
        %swap3A_1975 = arith.index_cast %select_n3A_1914 : i32 to index
        %swap3A_1976 = arith.constant 16 : index
        %swap3A_1977 = tpu.vector_load %arg8[%swap3A_1975, %swap3A_1976] {strides = array<i32>} : memref<136x256xf32, #tpu.memory_space<vmem>>, vector<1x16xf32>,
        %swap3A_1978 = vector.shape_cast %swap3A_1977 : vector<1x16xf32> to vector<16xf32>
        %swap3A_1979 = vector.shape_cast %add3A_1927 : vector<16xf32> to vector<1x16xf32>
        tpu.vector_store %arg8[%swap3A_1975, %swap3A_1976], %swap3A_1979 {strides = array<i32>} : memref<136x256xf32, #tpu.memory_space<vmem>>, vector<1x16xf32>,
        %swap3A_1980 = arith.index_cast %select_n3A_1914 : i32 to index
        %swap3A_1981 = arith.constant 32 : index
        %swap3A_1982 = tpu.vector_load %arg8[%swap3A_1980, %swap3A_1981] {strides = array<i32>} : memref<136x256xf32, #tpu.memory_space<vmem>>, vector<1x16xf32>,
        %swap3A_1983 = vector.shape_cast %swap3A_1982 : vector<1x16xf32> to vector<16xf32>
        %swap3A_1984 = vector.shape_cast %add3A_1930 : vector<16xf32> to vector<1x16xf32>
        tpu.vector_store %arg8[%swap3A_1980, %swap3A_1981], %swap3A_1984 {strides = array<i32>} : memref<136x256xf32, #tpu.memory_space<vmem>>, vector<1x16xf32>,
        %swap3A_1985 = arith.index_cast %select_n3A_1914 : i32 to index
        %swap3A_1986 = arith.constant 48 : index
        %swap3A_1987 = tpu.vector_load %arg8[%swap3A_1985, %swap3A_1986] {strides = array<i32>} : memref<136x256xf32, #tpu.memory_space<vmem>>, vector<1x16xf32>,
        %swap3A_1988 = vector.shape_cast %swap3A_1987 : vector<1x16xf32> to vector<16xf32>
        %swap3A_1989 = vector.shape_cast %add3A_1933 : vector<16xf32> to vector<1x16xf32>
        tpu.vector_store %arg8[%swap3A_1985, %swap3A_1986], %swap3A_1989 {strides = array<i32>} : memref<136x256xf32, #tpu.memory_space<vmem>>, vector<1x16xf32>,
        %swap3A_1990 = arith.index_cast %select_n3A_1914 : i32 to index
        %swap3A_1991 = arith.constant 64 : index
        %swap3A_1992 = tpu.vector_load %arg8[%swap3A_1990, %swap3A_1991] {strides = array<i32>} : memref<136x256xf32, #tpu.memory_space<vmem>>, vector<1x16xf32>,
        %swap3A_1993 = vector.shape_cast %swap3A_1992 : vector<1x16xf32> to vector<16xf32>
        %swap3A_1994 = vector.shape_cast %add3A_1936 : vector<16xf32> to vector<1x16xf32>
        tpu.vector_store %arg8[%swap3A_1990, %swap3A_1991], %swap3A_1994 {strides = array<i32>} : memref<136x256xf32, #tpu.memory_space<vmem>>, vector<1x16xf32>,
        %swap3A_1995 = arith.index_cast %select_n3A_1914 : i32 to index
        %swap3A_1996 = arith.constant 80 : index
        %swap3A_1997 = tpu.vector_load %arg8[%swap3A_1995, %swap3A_1996] {strides = array<i32>} : memref<136x256xf32, #tpu.memory_space<vmem>>, vector<1x16xf32>,
        %swap3A_1998 = vector.shape_cast %swap3A_1997 : vector<1x16xf32> to vector<16xf32>
        %swap3A_1999 = vector.shape_cast %add3A_1939 : vector<16xf32> to vector<1x16xf32>
        tpu.vector_store %arg8[%swap3A_1995, %swap3A_1996], %swap3A_1999 {strides = array<i32>} : memref<136x256xf32, #tpu.memory_space<vmem>>, vector<1x16xf32>,
        %swap3A_2000 = arith.index_cast %select_n3A_1914 : i32 to index
        %swap3A_2001 = arith.constant 96 : index
        %swap3A_2002 = tpu.vector_load %arg8[%swap3A_2000, %swap3A_2001] {strides = array<i32>} : memref<136x256xf32, #tpu.memory_space<vmem>>, vector<1x16xf32>,
        %swap3A_2003 = vector.shape_cast %swap3A_2002 : vector<1x16xf32> to vector<16xf32>
        %swap3A_2004 = vector.shape_cast %add3A_1942 : vector<16xf32> to vector<1x16xf32>
        tpu.vector_store %arg8[%swap3A_2000, %swap3A_2001], %swap3A_2004 {strides = array<i32>} : memref<136x256xf32, #tpu.memory_space<vmem>>, vector<1x16xf32>,
        %swap3A_2005 = arith.index_cast %select_n3A_1914 : i32 to index
        %swap3A_2006 = arith.constant 112 : index
        %swap3A_2007 = tpu.vector_load %arg8[%swap3A_2005, %swap3A_2006] {strides = array<i32>} : memref<136x256xf32, #tpu.memory_space<vmem>>, vector<1x16xf32>,
        %swap3A_2008 = vector.shape_cast %swap3A_2007 : vector<1x16xf32> to vector<16xf32>
        %swap3A_2009 = vector.shape_cast %add3A_1945 : vector<16xf32> to vector<1x16xf32>
        tpu.vector_store %arg8[%swap3A_2005, %swap3A_2006], %swap3A_2009 {strides = array<i32>} : memref<136x256xf32, #tpu.memory_space<vmem>>, vector<1x16xf32>,
        %swap3A_2010 = arith.index_cast %select_n3A_1914 : i32 to index
        %swap3A_2011 = arith.constant 128 : index
        %swap3A_2012 = tpu.vector_load %arg8[%swap3A_2010, %swap3A_2011] {strides = array<i32>} : memref<136x256xf32, #tpu.memory_space<vmem>>, vector<1x16xf32>,
        %swap3A_2013 = vector.shape_cast %swap3A_2012 : vector<1x16xf32> to vector<16xf32>
        %swap3A_2014 = vector.shape_cast %add3A_1948 : vector<16xf32> to vector<1x16xf32>
        tpu.vector_store %arg8[%swap3A_2010, %swap3A_2011], %swap3A_2014 {strides = array<i32>} : memref<136x256xf32, #tpu.memory_space<vmem>>, vector<1x16xf32>,
        %swap3A_2015 = arith.index_cast %select_n3A_1914 : i32 to index
        %swap3A_2016 = arith.constant 144 : index
        %swap3A_2017 = tpu.vector_load %arg8[%swap3A_2015, %swap3A_2016] {strides = array<i32>} : memref<136x256xf32, #tpu.memory_space<vmem>>, vector<1x16xf32>,
        %swap3A_2018 = vector.shape_cast %swap3A_2017 : vector<1x16xf32> to vector<16xf32>
        %swap3A_2019 = vector.shape_cast %add3A_1951 : vector<16xf32> to vector<1x16xf32>
        tpu.vector_store %arg8[%swap3A_2015, %swap3A_2016], %swap3A_2019 {strides = array<i32>} : memref<136x256xf32, #tpu.memory_space<vmem>>, vector<1x16xf32>,
        %swap3A_2020 = arith.index_cast %select_n3A_1914 : i32 to index
        %swap3A_2021 = arith.constant 160 : index
        %swap3A_2022 = tpu.vector_load %arg8[%swap3A_2020, %swap3A_2021] {strides = array<i32>} : memref<136x256xf32, #tpu.memory_space<vmem>>, vector<1x16xf32>,
        %swap3A_2023 = vector.shape_cast %swap3A_2022 : vector<1x16xf32> to vector<16xf32>
        %swap3A_2024 = vector.shape_cast %add3A_1954 : vector<16xf32> to vector<1x16xf32>
        tpu.vector_store %arg8[%swap3A_2020, %swap3A_2021], %swap3A_2024 {strides = array<i32>} : memref<136x256xf32, #tpu.memory_space<vmem>>, vector<1x16xf32>,
        %swap3A_2025 = arith.index_cast %select_n3A_1914 : i32 to index
        %swap3A_2026 = arith.constant 176 : index
        %swap3A_2027 = tpu.vector_load %arg8[%swap3A_2025, %swap3A_2026] {strides = array<i32>} : memref<136x256xf32, #tpu.memory_space<vmem>>, vector<1x16xf32>,
        %swap3A_2028 = vector.shape_cast %swap3A_2027 : vector<1x16xf32> to vector<16xf32>
        %swap3A_2029 = vector.shape_cast %add3A_1957 : vector<16xf32> to vector<1x16xf32>
        tpu.vector_store %arg8[%swap3A_2025, %swap3A_2026], %swap3A_2029 {strides = array<i32>} : memref<136x256xf32, #tpu.memory_space<vmem>>, vector<1x16xf32>,
        %swap3A_2030 = arith.index_cast %select_n3A_1914 : i32 to index
        %swap3A_2031 = arith.constant 192 : index
        %swap3A_2032 = tpu.vector_load %arg8[%swap3A_2030, %swap3A_2031] {strides = array<i32>} : memref<136x256xf32, #tpu.memory_space<vmem>>, vector<1x16xf32>,
        %swap3A_2033 = vector.shape_cast %swap3A_2032 : vector<1x16xf32> to vector<16xf32>
        %swap3A_2034 = vector.shape_cast %add3A_1960 : vector<16xf32> to vector<1x16xf32>
        tpu.vector_store %arg8[%swap3A_2030, %swap3A_2031], %swap3A_2034 {strides = array<i32>} : memref<136x256xf32, #tpu.memory_space<vmem>>, vector<1x16xf32>,
        %swap3A_2035 = arith.index_cast %select_n3A_1914 : i32 to index
        %swap3A_2036 = arith.constant 208 : index
        %swap3A_2037 = tpu.vector_load %arg8[%swap3A_2035, %swap3A_2036] {strides = array<i32>} : memref<136x256xf32, #tpu.memory_space<vmem>>, vector<1x16xf32>,
        %swap3A_2038 = vector.shape_cast %swap3A_2037 : vector<1x16xf32> to vector<16xf32>
        %swap3A_2039 = vector.shape_cast %add3A_1963 : vector<16xf32> to vector<1x16xf32>
        tpu.vector_store %arg8[%swap3A_2035, %swap3A_2036], %swap3A_2039 {strides = array<i32>} : memref<136x256xf32, #tpu.memory_space<vmem>>, vector<1x16xf32>,
        %swap3A_2040 = arith.index_cast %select_n3A_1914 : i32 to index
        %swap3A_2041 = arith.constant 224 : index
        %swap3A_2042 = tpu.vector_load %arg8[%swap3A_2040, %swap3A_2041] {strides = array<i32>} : memref<136x256xf32, #tpu.memory_space<vmem>>, vector<1x16xf32>,
        %swap3A_2043 = vector.shape_cast %swap3A_2042 : vector<1x16xf32> to vector<16xf32>
        %swap3A_2044 = vector.shape_cast %add3A_1966 : vector<16xf32> to vector<1x16xf32>
        tpu.vector_store %arg8[%swap3A_2040, %swap3A_2041], %swap3A_2044 {strides = array<i32>} : memref<136x256xf32, #tpu.memory_space<vmem>>, vector<1x16xf32>,
        %swap3A_2045 = arith.index_cast %select_n3A_1914 : i32 to index
        %swap3A_2046 = arith.constant 240 : index
        %swap3A_2047 = tpu.vector_load %arg8[%swap3A_2045, %swap3A_2046] {strides = array<i32>} : memref<136x256xf32, #tpu.memory_space<vmem>>, vector<1x16xf32>,
        %swap3A_2048 = vector.shape_cast %swap3A_2047 : vector<1x16xf32> to vector<16xf32>
        %swap3A_2049 = vector.shape_cast %add3A_1969 : vector<16xf32> to vector<1x16xf32>
        tpu.vector_store %arg8[%swap3A_2045, %swap3A_2046], %swap3A_2049 {strides = array<i32>} : memref<136x256xf32, #tpu.memory_space<vmem>>, vector<1x16xf32>,
        %convert_element_type3A_2050 = arith.sitofp %select_n3A_1918 : i32 to f32
        %mul3A_2051 = vector.broadcast %convert_element_type3A_2050 : f32 to vector<16xf32>
        %mul3A_2052 = arith.mulf %broadcast_in_dim3A_16, %mul3A_2051 : vector<16xf32>
        %swap3A_2053 = arith.index_cast %select_n3A_1914 : i32 to index
        %swap3A_2054 = arith.constant 0 : index
        %swap3A_2055 = tpu.vector_load %arg9[%swap3A_2053, %swap3A_2054] {strides = array<i32>} : memref<136x16xf32, #tpu.memory_space<vmem>>, vector<1x16xf32>,
        %swap3A_2056 = vector.shape_cast %swap3A_2055 : vector<1x16xf32> to vector<16xf32>
        %swap3A_2057 = vector.shape_cast %mul3A_2052 : vector<16xf32> to vector<1x16xf32>
        tpu.vector_store %arg9[%swap3A_2053, %swap3A_2054], %swap3A_2057 {strides = array<i32>} : memref<136x16xf32, #tpu.memory_space<vmem>>, vector<1x16xf32>,
        %mul3A_2058 = arith.constant 16 : i32
        %mul3A_2059 = arith.muli %scan3A_93, %mul3A_2058 : i32
        %add3A_2060 = arith.constant 9 : i32
        %add3A_2061 = arith.addi %mul3A_2059, %add3A_2060 : i32
        %get3A_2062 = arith.index_cast %add3A_2061 : i32 to index
        %get3A_2063 = arith.constant 0 : index
        %get3A_2064 = tpu.vector_load %arg7[%get3A_2062, %get3A_2063] {strides = array<i32>} : memref<112x256xf32, #tpu.memory_space<vmem>>, vector<1x16xf32>,
        %get3A_2065 = vector.shape_cast %get3A_2064 : vector<1x16xf32> to vector<16xf32>
        %get3A_2066 = arith.index_cast %add3A_2061 : i32 to index
        %get3A_2067 = arith.constant 16 : index
        %get3A_2068 = tpu.vector_load %arg7[%get3A_2066, %get3A_2067] {strides = array<i32>} : memref<112x256xf32, #tpu.memory_space<vmem>>, vector<1x16xf32>,
        %get3A_2069 = vector.shape_cast %get3A_2068 : vector<1x16xf32> to vector<16xf32>
        %get3A_2070 = arith.index_cast %add3A_2061 : i32 to index
        %get3A_2071 = arith.constant 32 : index
        %get3A_2072 = tpu.vector_load %arg7[%get3A_2070, %get3A_2071] {strides = array<i32>} : memref<112x256xf32, #tpu.memory_space<vmem>>, vector<1x16xf32>,
        %get3A_2073 = vector.shape_cast %get3A_2072 : vector<1x16xf32> to vector<16xf32>
        %get3A_2074 = arith.index_cast %add3A_2061 : i32 to index
        %get3A_2075 = arith.constant 48 : index
        %get3A_2076 = tpu.vector_load %arg7[%get3A_2074, %get3A_2075] {strides = array<i32>} : memref<112x256xf32, #tpu.memory_space<vmem>>, vector<1x16xf32>,
        %get3A_2077 = vector.shape_cast %get3A_2076 : vector<1x16xf32> to vector<16xf32>
        %get3A_2078 = arith.index_cast %add3A_2061 : i32 to index
        %get3A_2079 = arith.constant 64 : index
        %get3A_2080 = tpu.vector_load %arg7[%get3A_2078, %get3A_2079] {strides = array<i32>} : memref<112x256xf32, #tpu.memory_space<vmem>>, vector<1x16xf32>,
        %get3A_2081 = vector.shape_cast %get3A_2080 : vector<1x16xf32> to vector<16xf32>
        %get3A_2082 = arith.index_cast %add3A_2061 : i32 to index
        %get3A_2083 = arith.constant 80 : index
        %get3A_2084 = tpu.vector_load %arg7[%get3A_2082, %get3A_2083] {strides = array<i32>} : memref<112x256xf32, #tpu.memory_space<vmem>>, vector<1x16xf32>,
        %get3A_2085 = vector.shape_cast %get3A_2084 : vector<1x16xf32> to vector<16xf32>
        %get3A_2086 = arith.index_cast %add3A_2061 : i32 to index
        %get3A_2087 = arith.constant 96 : index
        %get3A_2088 = tpu.vector_load %arg7[%get3A_2086, %get3A_2087] {strides = array<i32>} : memref<112x256xf32, #tpu.memory_space<vmem>>, vector<1x16xf32>,
        %get3A_2089 = vector.shape_cast %get3A_2088 : vector<1x16xf32> to vector<16xf32>
        %get3A_2090 = arith.index_cast %add3A_2061 : i32 to index
        %get3A_2091 = arith.constant 112 : index
        %get3A_2092 = tpu.vector_load %arg7[%get3A_2090, %get3A_2091] {strides = array<i32>} : memref<112x256xf32, #tpu.memory_space<vmem>>, vector<1x16xf32>,
        %get3A_2093 = vector.shape_cast %get3A_2092 : vector<1x16xf32> to vector<16xf32>
        %get3A_2094 = arith.index_cast %add3A_2061 : i32 to index
        %get3A_2095 = arith.constant 128 : index
        %get3A_2096 = tpu.vector_load %arg7[%get3A_2094, %get3A_2095] {strides = array<i32>} : memref<112x256xf32, #tpu.memory_space<vmem>>, vector<1x16xf32>,
        %get3A_2097 = vector.shape_cast %get3A_2096 : vector<1x16xf32> to vector<16xf32>
        %get3A_2098 = arith.index_cast %add3A_2061 : i32 to index
        %get3A_2099 = arith.constant 144 : index
        %get3A_2100 = tpu.vector_load %arg7[%get3A_2098, %get3A_2099] {strides = array<i32>} : memref<112x256xf32, #tpu.memory_space<vmem>>, vector<1x16xf32>,
        %get3A_2101 = vector.shape_cast %get3A_2100 : vector<1x16xf32> to vector<16xf32>
        %get3A_2102 = arith.index_cast %add3A_2061 : i32 to index
        %get3A_2103 = arith.constant 160 : index
        %get3A_2104 = tpu.vector_load %arg7[%get3A_2102, %get3A_2103] {strides = array<i32>} : memref<112x256xf32, #tpu.memory_space<vmem>>, vector<1x16xf32>,
        %get3A_2105 = vector.shape_cast %get3A_2104 : vector<1x16xf32> to vector<16xf32>
        %get3A_2106 = arith.index_cast %add3A_2061 : i32 to index
        %get3A_2107 = arith.constant 176 : index
        %get3A_2108 = tpu.vector_load %arg7[%get3A_2106, %get3A_2107] {strides = array<i32>} : memref<112x256xf32, #tpu.memory_space<vmem>>, vector<1x16xf32>,
        %get3A_2109 = vector.shape_cast %get3A_2108 : vector<1x16xf32> to vector<16xf32>
        %get3A_2110 = arith.index_cast %add3A_2061 : i32 to index
        %get3A_2111 = arith.constant 192 : index
        %get3A_2112 = tpu.vector_load %arg7[%get3A_2110, %get3A_2111] {strides = array<i32>} : memref<112x256xf32, #tpu.memory_space<vmem>>, vector<1x16xf32>,
        %get3A_2113 = vector.shape_cast %get3A_2112 : vector<1x16xf32> to vector<16xf32>
        %get3A_2114 = arith.index_cast %add3A_2061 : i32 to index
        %get3A_2115 = arith.constant 208 : index
        %get3A_2116 = tpu.vector_load %arg7[%get3A_2114, %get3A_2115] {strides = array<i32>} : memref<112x256xf32, #tpu.memory_space<vmem>>, vector<1x16xf32>,
        %get3A_2117 = vector.shape_cast %get3A_2116 : vector<1x16xf32> to vector<16xf32>
        %get3A_2118 = arith.index_cast %add3A_2061 : i32 to index
        %get3A_2119 = arith.constant 224 : index
        %get3A_2120 = tpu.vector_load %arg7[%get3A_2118, %get3A_2119] {strides = array<i32>} : memref<112x256xf32, #tpu.memory_space<vmem>>, vector<1x16xf32>,
        %get3A_2121 = vector.shape_cast %get3A_2120 : vector<1x16xf32> to vector<16xf32>
        %get3A_2122 = arith.index_cast %add3A_2061 : i32 to index
        %get3A_2123 = arith.constant 240 : index
        %get3A_2124 = tpu.vector_load %arg7[%get3A_2122, %get3A_2123] {strides = array<i32>} : memref<112x256xf32, #tpu.memory_space<vmem>>, vector<1x16xf32>,
        %get3A_2125 = vector.shape_cast %get3A_2124 : vector<1x16xf32> to vector<16xf32>
        %slice3A_2126 = vector.extract_strided_slice %select_n3A_126 {offsets = [9], sizes = [1], strides = [1]} : vector<16xi32> to vector<1xi32>
        %squeeze3A_2127 = vector.extract %slice3A_2126[0] : i32 from vector<1xi32>
        %ne3A_2128 = arith.cmpi ne, %squeeze3A_2127, %select_n3A_1914 : i32
        %select_n3A_2129 = arith.select %ne3A_2128, %squeeze3A_2127, %select_n3A_1914 : i32
        %add3A_2130 = arith.constant 1 : i32
        %add3A_2131 = arith.addi %select_n3A_1918, %add3A_2130 : i32
        %jit3A_2132 = arith.constant 1 : i32
        %select_n3A_2133 = arith.select %ne3A_2128, %jit3A_2132, %add3A_2131 : i32
        %jit3A_2134 = arith.constant 0.000000e+00 : f32
        %jit3A_2135 = arith.constant 1.000000e+00 : f32
        %select_n3A_2136 = arith.select %ne3A_2128, %jit3A_2134, %jit3A_2135 : f32
        %mul3A_2137 = vector.broadcast %select_n3A_2136 : f32 to vector<16xf32>
        %mul3A_2138 = arith.mulf %add3A_1924, %mul3A_2137 : vector<16xf32>
        %add3A_2139 = arith.addf %get3A_2065, %mul3A_2138 : vector<16xf32>
        %mul3A_2140 = vector.broadcast %select_n3A_2136 : f32 to vector<16xf32>
        %mul3A_2141 = arith.mulf %add3A_1927, %mul3A_2140 : vector<16xf32>
        %add3A_2142 = arith.addf %get3A_2069, %mul3A_2141 : vector<16xf32>
        %mul3A_2143 = vector.broadcast %select_n3A_2136 : f32 to vector<16xf32>
        %mul3A_2144 = arith.mulf %add3A_1930, %mul3A_2143 : vector<16xf32>
        %add3A_2145 = arith.addf %get3A_2073, %mul3A_2144 : vector<16xf32>
        %mul3A_2146 = vector.broadcast %select_n3A_2136 : f32 to vector<16xf32>
        %mul3A_2147 = arith.mulf %add3A_1933, %mul3A_2146 : vector<16xf32>
        %add3A_2148 = arith.addf %get3A_2077, %mul3A_2147 : vector<16xf32>
        %mul3A_2149 = vector.broadcast %select_n3A_2136 : f32 to vector<16xf32>
        %mul3A_2150 = arith.mulf %add3A_1936, %mul3A_2149 : vector<16xf32>
        %add3A_2151 = arith.addf %get3A_2081, %mul3A_2150 : vector<16xf32>
        %mul3A_2152 = vector.broadcast %select_n3A_2136 : f32 to vector<16xf32>
        %mul3A_2153 = arith.mulf %add3A_1939, %mul3A_2152 : vector<16xf32>
        %add3A_2154 = arith.addf %get3A_2085, %mul3A_2153 : vector<16xf32>
        %mul3A_2155 = vector.broadcast %select_n3A_2136 : f32 to vector<16xf32>
        %mul3A_2156 = arith.mulf %add3A_1942, %mul3A_2155 : vector<16xf32>
        %add3A_2157 = arith.addf %get3A_2089, %mul3A_2156 : vector<16xf32>
        %mul3A_2158 = vector.broadcast %select_n3A_2136 : f32 to vector<16xf32>
        %mul3A_2159 = arith.mulf %add3A_1945, %mul3A_2158 : vector<16xf32>
        %add3A_2160 = arith.addf %get3A_2093, %mul3A_2159 : vector<16xf32>
        %mul3A_2161 = vector.broadcast %select_n3A_2136 : f32 to vector<16xf32>
        %mul3A_2162 = arith.mulf %add3A_1948, %mul3A_2161 : vector<16xf32>
        %add3A_2163 = arith.addf %get3A_2097, %mul3A_2162 : vector<16xf32>
        %mul3A_2164 = vector.broadcast %select_n3A_2136 : f32 to vector<16xf32>
        %mul3A_2165 = arith.mulf %add3A_1951, %mul3A_2164 : vector<16xf32>
        %add3A_2166 = arith.addf %get3A_2101, %mul3A_2165 : vector<16xf32>
        %mul3A_2167 = vector.broadcast %select_n3A_2136 : f32 to vector<16xf32>
        %mul3A_2168 = arith.mulf %add3A_1954, %mul3A_2167 : vector<16xf32>
        %add3A_2169 = arith.addf %get3A_2105, %mul3A_2168 : vector<16xf32>
        %mul3A_2170 = vector.broadcast %select_n3A_2136 : f32 to vector<16xf32>
        %mul3A_2171 = arith.mulf %add3A_1957, %mul3A_2170 : vector<16xf32>
        %add3A_2172 = arith.addf %get3A_2109, %mul3A_2171 : vector<16xf32>
        %mul3A_2173 = vector.broadcast %select_n3A_2136 : f32 to vector<16xf32>
        %mul3A_2174 = arith.mulf %add3A_1960, %mul3A_2173 : vector<16xf32>
        %add3A_2175 = arith.addf %get3A_2113, %mul3A_2174 : vector<16xf32>
        %mul3A_2176 = vector.broadcast %select_n3A_2136 : f32 to vector<16xf32>
        %mul3A_2177 = arith.mulf %add3A_1963, %mul3A_2176 : vector<16xf32>
        %add3A_2178 = arith.addf %get3A_2117, %mul3A_2177 : vector<16xf32>
        %mul3A_2179 = vector.broadcast %select_n3A_2136 : f32 to vector<16xf32>
        %mul3A_2180 = arith.mulf %add3A_1966, %mul3A_2179 : vector<16xf32>
        %add3A_2181 = arith.addf %get3A_2121, %mul3A_2180 : vector<16xf32>
        %mul3A_2182 = vector.broadcast %select_n3A_2136 : f32 to vector<16xf32>
        %mul3A_2183 = arith.mulf %add3A_1969, %mul3A_2182 : vector<16xf32>
        %add3A_2184 = arith.addf %get3A_2125, %mul3A_2183 : vector<16xf32>
        %swap3A_2185 = arith.index_cast %select_n3A_2129 : i32 to index
        %swap3A_2186 = arith.constant 0 : index
        %swap3A_2187 = tpu.vector_load %arg8[%swap3A_2185, %swap3A_2186] {strides = array<i32>} : memref<136x256xf32, #tpu.memory_space<vmem>>, vector<1x16xf32>,
        %swap3A_2188 = vector.shape_cast %swap3A_2187 : vector<1x16xf32> to vector<16xf32>
        %swap3A_2189 = vector.shape_cast %add3A_2139 : vector<16xf32> to vector<1x16xf32>
        tpu.vector_store %arg8[%swap3A_2185, %swap3A_2186], %swap3A_2189 {strides = array<i32>} : memref<136x256xf32, #tpu.memory_space<vmem>>, vector<1x16xf32>,
        %swap3A_2190 = arith.index_cast %select_n3A_2129 : i32 to index
        %swap3A_2191 = arith.constant 16 : index
        %swap3A_2192 = tpu.vector_load %arg8[%swap3A_2190, %swap3A_2191] {strides = array<i32>} : memref<136x256xf32, #tpu.memory_space<vmem>>, vector<1x16xf32>,
        %swap3A_2193 = vector.shape_cast %swap3A_2192 : vector<1x16xf32> to vector<16xf32>
        %swap3A_2194 = vector.shape_cast %add3A_2142 : vector<16xf32> to vector<1x16xf32>
        tpu.vector_store %arg8[%swap3A_2190, %swap3A_2191], %swap3A_2194 {strides = array<i32>} : memref<136x256xf32, #tpu.memory_space<vmem>>, vector<1x16xf32>,
        %swap3A_2195 = arith.index_cast %select_n3A_2129 : i32 to index
        %swap3A_2196 = arith.constant 32 : index
        %swap3A_2197 = tpu.vector_load %arg8[%swap3A_2195, %swap3A_2196] {strides = array<i32>} : memref<136x256xf32, #tpu.memory_space<vmem>>, vector<1x16xf32>,
        %swap3A_2198 = vector.shape_cast %swap3A_2197 : vector<1x16xf32> to vector<16xf32>
        %swap3A_2199 = vector.shape_cast %add3A_2145 : vector<16xf32> to vector<1x16xf32>
        tpu.vector_store %arg8[%swap3A_2195, %swap3A_2196], %swap3A_2199 {strides = array<i32>} : memref<136x256xf32, #tpu.memory_space<vmem>>, vector<1x16xf32>,
        %swap3A_2200 = arith.index_cast %select_n3A_2129 : i32 to index
        %swap3A_2201 = arith.constant 48 : index
        %swap3A_2202 = tpu.vector_load %arg8[%swap3A_2200, %swap3A_2201] {strides = array<i32>} : memref<136x256xf32, #tpu.memory_space<vmem>>, vector<1x16xf32>,
        %swap3A_2203 = vector.shape_cast %swap3A_2202 : vector<1x16xf32> to vector<16xf32>
        %swap3A_2204 = vector.shape_cast %add3A_2148 : vector<16xf32> to vector<1x16xf32>
        tpu.vector_store %arg8[%swap3A_2200, %swap3A_2201], %swap3A_2204 {strides = array<i32>} : memref<136x256xf32, #tpu.memory_space<vmem>>, vector<1x16xf32>,
        %swap3A_2205 = arith.index_cast %select_n3A_2129 : i32 to index
        %swap3A_2206 = arith.constant 64 : index
        %swap3A_2207 = tpu.vector_load %arg8[%swap3A_2205, %swap3A_2206] {strides = array<i32>} : memref<136x256xf32, #tpu.memory_space<vmem>>, vector<1x16xf32>,
        %swap3A_2208 = vector.shape_cast %swap3A_2207 : vector<1x16xf32> to vector<16xf32>
        %swap3A_2209 = vector.shape_cast %add3A_2151 : vector<16xf32> to vector<1x16xf32>
        tpu.vector_store %arg8[%swap3A_2205, %swap3A_2206], %swap3A_2209 {strides = array<i32>} : memref<136x256xf32, #tpu.memory_space<vmem>>, vector<1x16xf32>,
        %swap3A_2210 = arith.index_cast %select_n3A_2129 : i32 to index
        %swap3A_2211 = arith.constant 80 : index
        %swap3A_2212 = tpu.vector_load %arg8[%swap3A_2210, %swap3A_2211] {strides = array<i32>} : memref<136x256xf32, #tpu.memory_space<vmem>>, vector<1x16xf32>,
        %swap3A_2213 = vector.shape_cast %swap3A_2212 : vector<1x16xf32> to vector<16xf32>
        %swap3A_2214 = vector.shape_cast %add3A_2154 : vector<16xf32> to vector<1x16xf32>
        tpu.vector_store %arg8[%swap3A_2210, %swap3A_2211], %swap3A_2214 {strides = array<i32>} : memref<136x256xf32, #tpu.memory_space<vmem>>, vector<1x16xf32>,
        %swap3A_2215 = arith.index_cast %select_n3A_2129 : i32 to index
        %swap3A_2216 = arith.constant 96 : index
        %swap3A_2217 = tpu.vector_load %arg8[%swap3A_2215, %swap3A_2216] {strides = array<i32>} : memref<136x256xf32, #tpu.memory_space<vmem>>, vector<1x16xf32>,
        %swap3A_2218 = vector.shape_cast %swap3A_2217 : vector<1x16xf32> to vector<16xf32>
        %swap3A_2219 = vector.shape_cast %add3A_2157 : vector<16xf32> to vector<1x16xf32>
        tpu.vector_store %arg8[%swap3A_2215, %swap3A_2216], %swap3A_2219 {strides = array<i32>} : memref<136x256xf32, #tpu.memory_space<vmem>>, vector<1x16xf32>,
        %swap3A_2220 = arith.index_cast %select_n3A_2129 : i32 to index
        %swap3A_2221 = arith.constant 112 : index
        %swap3A_2222 = tpu.vector_load %arg8[%swap3A_2220, %swap3A_2221] {strides = array<i32>} : memref<136x256xf32, #tpu.memory_space<vmem>>, vector<1x16xf32>,
        %swap3A_2223 = vector.shape_cast %swap3A_2222 : vector<1x16xf32> to vector<16xf32>
        %swap3A_2224 = vector.shape_cast %add3A_2160 : vector<16xf32> to vector<1x16xf32>
        tpu.vector_store %arg8[%swap3A_2220, %swap3A_2221], %swap3A_2224 {strides = array<i32>} : memref<136x256xf32, #tpu.memory_space<vmem>>, vector<1x16xf32>,
        %swap3A_2225 = arith.index_cast %select_n3A_2129 : i32 to index
        %swap3A_2226 = arith.constant 128 : index
        %swap3A_2227 = tpu.vector_load %arg8[%swap3A_2225, %swap3A_2226] {strides = array<i32>} : memref<136x256xf32, #tpu.memory_space<vmem>>, vector<1x16xf32>,
        %swap3A_2228 = vector.shape_cast %swap3A_2227 : vector<1x16xf32> to vector<16xf32>
        %swap3A_2229 = vector.shape_cast %add3A_2163 : vector<16xf32> to vector<1x16xf32>
        tpu.vector_store %arg8[%swap3A_2225, %swap3A_2226], %swap3A_2229 {strides = array<i32>} : memref<136x256xf32, #tpu.memory_space<vmem>>, vector<1x16xf32>,
        %swap3A_2230 = arith.index_cast %select_n3A_2129 : i32 to index
        %swap3A_2231 = arith.constant 144 : index
        %swap3A_2232 = tpu.vector_load %arg8[%swap3A_2230, %swap3A_2231] {strides = array<i32>} : memref<136x256xf32, #tpu.memory_space<vmem>>, vector<1x16xf32>,
        %swap3A_2233 = vector.shape_cast %swap3A_2232 : vector<1x16xf32> to vector<16xf32>
        %swap3A_2234 = vector.shape_cast %add3A_2166 : vector<16xf32> to vector<1x16xf32>
        tpu.vector_store %arg8[%swap3A_2230, %swap3A_2231], %swap3A_2234 {strides = array<i32>} : memref<136x256xf32, #tpu.memory_space<vmem>>, vector<1x16xf32>,
        %swap3A_2235 = arith.index_cast %select_n3A_2129 : i32 to index
        %swap3A_2236 = arith.constant 160 : index
        %swap3A_2237 = tpu.vector_load %arg8[%swap3A_2235, %swap3A_2236] {strides = array<i32>} : memref<136x256xf32, #tpu.memory_space<vmem>>, vector<1x16xf32>,
        %swap3A_2238 = vector.shape_cast %swap3A_2237 : vector<1x16xf32> to vector<16xf32>
        %swap3A_2239 = vector.shape_cast %add3A_2169 : vector<16xf32> to vector<1x16xf32>
        tpu.vector_store %arg8[%swap3A_2235, %swap3A_2236], %swap3A_2239 {strides = array<i32>} : memref<136x256xf32, #tpu.memory_space<vmem>>, vector<1x16xf32>,
        %swap3A_2240 = arith.index_cast %select_n3A_2129 : i32 to index
        %swap3A_2241 = arith.constant 176 : index
        %swap3A_2242 = tpu.vector_load %arg8[%swap3A_2240, %swap3A_2241] {strides = array<i32>} : memref<136x256xf32, #tpu.memory_space<vmem>>, vector<1x16xf32>,
        %swap3A_2243 = vector.shape_cast %swap3A_2242 : vector<1x16xf32> to vector<16xf32>
        %swap3A_2244 = vector.shape_cast %add3A_2172 : vector<16xf32> to vector<1x16xf32>
        tpu.vector_store %arg8[%swap3A_2240, %swap3A_2241], %swap3A_2244 {strides = array<i32>} : memref<136x256xf32, #tpu.memory_space<vmem>>, vector<1x16xf32>,
        %swap3A_2245 = arith.index_cast %select_n3A_2129 : i32 to index
        %swap3A_2246 = arith.constant 192 : index
        %swap3A_2247 = tpu.vector_load %arg8[%swap3A_2245, %swap3A_2246] {strides = array<i32>} : memref<136x256xf32, #tpu.memory_space<vmem>>, vector<1x16xf32>,
        %swap3A_2248 = vector.shape_cast %swap3A_2247 : vector<1x16xf32> to vector<16xf32>
        %swap3A_2249 = vector.shape_cast %add3A_2175 : vector<16xf32> to vector<1x16xf32>
        tpu.vector_store %arg8[%swap3A_2245, %swap3A_2246], %swap3A_2249 {strides = array<i32>} : memref<136x256xf32, #tpu.memory_space<vmem>>, vector<1x16xf32>,
        %swap3A_2250 = arith.index_cast %select_n3A_2129 : i32 to index
        %swap3A_2251 = arith.constant 208 : index
        %swap3A_2252 = tpu.vector_load %arg8[%swap3A_2250, %swap3A_2251] {strides = array<i32>} : memref<136x256xf32, #tpu.memory_space<vmem>>, vector<1x16xf32>,
        %swap3A_2253 = vector.shape_cast %swap3A_2252 : vector<1x16xf32> to vector<16xf32>
        %swap3A_2254 = vector.shape_cast %add3A_2178 : vector<16xf32> to vector<1x16xf32>
        tpu.vector_store %arg8[%swap3A_2250, %swap3A_2251], %swap3A_2254 {strides = array<i32>} : memref<136x256xf32, #tpu.memory_space<vmem>>, vector<1x16xf32>,
        %swap3A_2255 = arith.index_cast %select_n3A_2129 : i32 to index
        %swap3A_2256 = arith.constant 224 : index
        %swap3A_2257 = tpu.vector_load %arg8[%swap3A_2255, %swap3A_2256] {strides = array<i32>} : memref<136x256xf32, #tpu.memory_space<vmem>>, vector<1x16xf32>,
        %swap3A_2258 = vector.shape_cast %swap3A_2257 : vector<1x16xf32> to vector<16xf32>
        %swap3A_2259 = vector.shape_cast %add3A_2181 : vector<16xf32> to vector<1x16xf32>
        tpu.vector_store %arg8[%swap3A_2255, %swap3A_2256], %swap3A_2259 {strides = array<i32>} : memref<136x256xf32, #tpu.memory_space<vmem>>, vector<1x16xf32>,
        %swap3A_2260 = arith.index_cast %select_n3A_2129 : i32 to index
        %swap3A_2261 = arith.constant 240 : index
        %swap3A_2262 = tpu.vector_load %arg8[%swap3A_2260, %swap3A_2261] {strides = array<i32>} : memref<136x256xf32, #tpu.memory_space<vmem>>, vector<1x16xf32>,
        %swap3A_2263 = vector.shape_cast %swap3A_2262 : vector<1x16xf32> to vector<16xf32>
        %swap3A_2264 = vector.shape_cast %add3A_2184 : vector<16xf32> to vector<1x16xf32>
        tpu.vector_store %arg8[%swap3A_2260, %swap3A_2261], %swap3A_2264 {strides = array<i32>} : memref<136x256xf32, #tpu.memory_space<vmem>>, vector<1x16xf32>,
        %convert_element_type3A_2265 = arith.sitofp %select_n3A_2133 : i32 to f32
        %mul3A_2266 = vector.broadcast %convert_element_type3A_2265 : f32 to vector<16xf32>
        %mul3A_2267 = arith.mulf %broadcast_in_dim3A_16, %mul3A_2266 : vector<16xf32>
        %swap3A_2268 = arith.index_cast %select_n3A_2129 : i32 to index
        %swap3A_2269 = arith.constant 0 : index
        %swap3A_2270 = tpu.vector_load %arg9[%swap3A_2268, %swap3A_2269] {strides = array<i32>} : memref<136x16xf32, #tpu.memory_space<vmem>>, vector<1x16xf32>,
        %swap3A_2271 = vector.shape_cast %swap3A_2270 : vector<1x16xf32> to vector<16xf32>
        %swap3A_2272 = vector.shape_cast %mul3A_2267 : vector<16xf32> to vector<1x16xf32>
        tpu.vector_store %arg9[%swap3A_2268, %swap3A_2269], %swap3A_2272 {strides = array<i32>} : memref<136x16xf32, #tpu.memory_space<vmem>>, vector<1x16xf32>,
        %mul3A_2273 = arith.constant 16 : i32
        %mul3A_2274 = arith.muli %scan3A_93, %mul3A_2273 : i32
        %add3A_2275 = arith.constant 10 : i32
        %add3A_2276 = arith.addi %mul3A_2274, %add3A_2275 : i32
        %get3A_2277 = arith.index_cast %add3A_2276 : i32 to index
        %get3A_2278 = arith.constant 0 : index
        %get3A_2279 = tpu.vector_load %arg7[%get3A_2277, %get3A_2278] {strides = array<i32>} : memref<112x256xf32, #tpu.memory_space<vmem>>, vector<1x16xf32>,
        %get3A_2280 = vector.shape_cast %get3A_2279 : vector<1x16xf32> to vector<16xf32>
        %get3A_2281 = arith.index_cast %add3A_2276 : i32 to index
        %get3A_2282 = arith.constant 16 : index
        %get3A_2283 = tpu.vector_load %arg7[%get3A_2281, %get3A_2282] {strides = array<i32>} : memref<112x256xf32, #tpu.memory_space<vmem>>, vector<1x16xf32>,
        %get3A_2284 = vector.shape_cast %get3A_2283 : vector<1x16xf32> to vector<16xf32>
        %get3A_2285 = arith.index_cast %add3A_2276 : i32 to index
        %get3A_2286 = arith.constant 32 : index
        %get3A_2287 = tpu.vector_load %arg7[%get3A_2285, %get3A_2286] {strides = array<i32>} : memref<112x256xf32, #tpu.memory_space<vmem>>, vector<1x16xf32>,
        %get3A_2288 = vector.shape_cast %get3A_2287 : vector<1x16xf32> to vector<16xf32>
        %get3A_2289 = arith.index_cast %add3A_2276 : i32 to index
        %get3A_2290 = arith.constant 48 : index
        %get3A_2291 = tpu.vector_load %arg7[%get3A_2289, %get3A_2290] {strides = array<i32>} : memref<112x256xf32, #tpu.memory_space<vmem>>, vector<1x16xf32>,
        %get3A_2292 = vector.shape_cast %get3A_2291 : vector<1x16xf32> to vector<16xf32>
        %get3A_2293 = arith.index_cast %add3A_2276 : i32 to index
        %get3A_2294 = arith.constant 64 : index
        %get3A_2295 = tpu.vector_load %arg7[%get3A_2293, %get3A_2294] {strides = array<i32>} : memref<112x256xf32, #tpu.memory_space<vmem>>, vector<1x16xf32>,
        %get3A_2296 = vector.shape_cast %get3A_2295 : vector<1x16xf32> to vector<16xf32>
        %get3A_2297 = arith.index_cast %add3A_2276 : i32 to index
        %get3A_2298 = arith.constant 80 : index
        %get3A_2299 = tpu.vector_load %arg7[%get3A_2297, %get3A_2298] {strides = array<i32>} : memref<112x256xf32, #tpu.memory_space<vmem>>, vector<1x16xf32>,
        %get3A_2300 = vector.shape_cast %get3A_2299 : vector<1x16xf32> to vector<16xf32>
        %get3A_2301 = arith.index_cast %add3A_2276 : i32 to index
        %get3A_2302 = arith.constant 96 : index
        %get3A_2303 = tpu.vector_load %arg7[%get3A_2301, %get3A_2302] {strides = array<i32>} : memref<112x256xf32, #tpu.memory_space<vmem>>, vector<1x16xf32>,
        %get3A_2304 = vector.shape_cast %get3A_2303 : vector<1x16xf32> to vector<16xf32>
        %get3A_2305 = arith.index_cast %add3A_2276 : i32 to index
        %get3A_2306 = arith.constant 112 : index
        %get3A_2307 = tpu.vector_load %arg7[%get3A_2305, %get3A_2306] {strides = array<i32>} : memref<112x256xf32, #tpu.memory_space<vmem>>, vector<1x16xf32>,
        %get3A_2308 = vector.shape_cast %get3A_2307 : vector<1x16xf32> to vector<16xf32>
        %get3A_2309 = arith.index_cast %add3A_2276 : i32 to index
        %get3A_2310 = arith.constant 128 : index
        %get3A_2311 = tpu.vector_load %arg7[%get3A_2309, %get3A_2310] {strides = array<i32>} : memref<112x256xf32, #tpu.memory_space<vmem>>, vector<1x16xf32>,
        %get3A_2312 = vector.shape_cast %get3A_2311 : vector<1x16xf32> to vector<16xf32>
        %get3A_2313 = arith.index_cast %add3A_2276 : i32 to index
        %get3A_2314 = arith.constant 144 : index
        %get3A_2315 = tpu.vector_load %arg7[%get3A_2313, %get3A_2314] {strides = array<i32>} : memref<112x256xf32, #tpu.memory_space<vmem>>, vector<1x16xf32>,
        %get3A_2316 = vector.shape_cast %get3A_2315 : vector<1x16xf32> to vector<16xf32>
        %get3A_2317 = arith.index_cast %add3A_2276 : i32 to index
        %get3A_2318 = arith.constant 160 : index
        %get3A_2319 = tpu.vector_load %arg7[%get3A_2317, %get3A_2318] {strides = array<i32>} : memref<112x256xf32, #tpu.memory_space<vmem>>, vector<1x16xf32>,
        %get3A_2320 = vector.shape_cast %get3A_2319 : vector<1x16xf32> to vector<16xf32>
        %get3A_2321 = arith.index_cast %add3A_2276 : i32 to index
        %get3A_2322 = arith.constant 176 : index
        %get3A_2323 = tpu.vector_load %arg7[%get3A_2321, %get3A_2322] {strides = array<i32>} : memref<112x256xf32, #tpu.memory_space<vmem>>, vector<1x16xf32>,
        %get3A_2324 = vector.shape_cast %get3A_2323 : vector<1x16xf32> to vector<16xf32>
        %get3A_2325 = arith.index_cast %add3A_2276 : i32 to index
        %get3A_2326 = arith.constant 192 : index
        %get3A_2327 = tpu.vector_load %arg7[%get3A_2325, %get3A_2326] {strides = array<i32>} : memref<112x256xf32, #tpu.memory_space<vmem>>, vector<1x16xf32>,
        %get3A_2328 = vector.shape_cast %get3A_2327 : vector<1x16xf32> to vector<16xf32>
        %get3A_2329 = arith.index_cast %add3A_2276 : i32 to index
        %get3A_2330 = arith.constant 208 : index
        %get3A_2331 = tpu.vector_load %arg7[%get3A_2329, %get3A_2330] {strides = array<i32>} : memref<112x256xf32, #tpu.memory_space<vmem>>, vector<1x16xf32>,
        %get3A_2332 = vector.shape_cast %get3A_2331 : vector<1x16xf32> to vector<16xf32>
        %get3A_2333 = arith.index_cast %add3A_2276 : i32 to index
        %get3A_2334 = arith.constant 224 : index
        %get3A_2335 = tpu.vector_load %arg7[%get3A_2333, %get3A_2334] {strides = array<i32>} : memref<112x256xf32, #tpu.memory_space<vmem>>, vector<1x16xf32>,
        %get3A_2336 = vector.shape_cast %get3A_2335 : vector<1x16xf32> to vector<16xf32>
        %get3A_2337 = arith.index_cast %add3A_2276 : i32 to index
        %get3A_2338 = arith.constant 240 : index
        %get3A_2339 = tpu.vector_load %arg7[%get3A_2337, %get3A_2338] {strides = array<i32>} : memref<112x256xf32, #tpu.memory_space<vmem>>, vector<1x16xf32>,
        %get3A_2340 = vector.shape_cast %get3A_2339 : vector<1x16xf32> to vector<16xf32>
        %slice3A_2341 = vector.extract_strided_slice %select_n3A_126 {offsets = [10], sizes = [1], strides = [1]} : vector<16xi32> to vector<1xi32>
        %squeeze3A_2342 = vector.extract %slice3A_2341[0] : i32 from vector<1xi32>
        %ne3A_2343 = arith.cmpi ne, %squeeze3A_2342, %select_n3A_2129 : i32
        %select_n3A_2344 = arith.select %ne3A_2343, %squeeze3A_2342, %select_n3A_2129 : i32
        %add3A_2345 = arith.constant 1 : i32
        %add3A_2346 = arith.addi %select_n3A_2133, %add3A_2345 : i32
        %jit3A_2347 = arith.constant 1 : i32
        %select_n3A_2348 = arith.select %ne3A_2343, %jit3A_2347, %add3A_2346 : i32
        %jit3A_2349 = arith.constant 0.000000e+00 : f32
        %jit3A_2350 = arith.constant 1.000000e+00 : f32
        %select_n3A_2351 = arith.select %ne3A_2343, %jit3A_2349, %jit3A_2350 : f32
        %mul3A_2352 = vector.broadcast %select_n3A_2351 : f32 to vector<16xf32>
        %mul3A_2353 = arith.mulf %add3A_2139, %mul3A_2352 : vector<16xf32>
        %add3A_2354 = arith.addf %get3A_2280, %mul3A_2353 : vector<16xf32>
        %mul3A_2355 = vector.broadcast %select_n3A_2351 : f32 to vector<16xf32>
        %mul3A_2356 = arith.mulf %add3A_2142, %mul3A_2355 : vector<16xf32>
        %add3A_2357 = arith.addf %get3A_2284, %mul3A_2356 : vector<16xf32>
        %mul3A_2358 = vector.broadcast %select_n3A_2351 : f32 to vector<16xf32>
        %mul3A_2359 = arith.mulf %add3A_2145, %mul3A_2358 : vector<16xf32>
        %add3A_2360 = arith.addf %get3A_2288, %mul3A_2359 : vector<16xf32>
        %mul3A_2361 = vector.broadcast %select_n3A_2351 : f32 to vector<16xf32>
        %mul3A_2362 = arith.mulf %add3A_2148, %mul3A_2361 : vector<16xf32>
        %add3A_2363 = arith.addf %get3A_2292, %mul3A_2362 : vector<16xf32>
        %mul3A_2364 = vector.broadcast %select_n3A_2351 : f32 to vector<16xf32>
        %mul3A_2365 = arith.mulf %add3A_2151, %mul3A_2364 : vector<16xf32>
        %add3A_2366 = arith.addf %get3A_2296, %mul3A_2365 : vector<16xf32>
        %mul3A_2367 = vector.broadcast %select_n3A_2351 : f32 to vector<16xf32>
        %mul3A_2368 = arith.mulf %add3A_2154, %mul3A_2367 : vector<16xf32>
        %add3A_2369 = arith.addf %get3A_2300, %mul3A_2368 : vector<16xf32>
        %mul3A_2370 = vector.broadcast %select_n3A_2351 : f32 to vector<16xf32>
        %mul3A_2371 = arith.mulf %add3A_2157, %mul3A_2370 : vector<16xf32>
        %add3A_2372 = arith.addf %get3A_2304, %mul3A_2371 : vector<16xf32>
        %mul3A_2373 = vector.broadcast %select_n3A_2351 : f32 to vector<16xf32>
        %mul3A_2374 = arith.mulf %add3A_2160, %mul3A_2373 : vector<16xf32>
        %add3A_2375 = arith.addf %get3A_2308, %mul3A_2374 : vector<16xf32>
        %mul3A_2376 = vector.broadcast %select_n3A_2351 : f32 to vector<16xf32>
        %mul3A_2377 = arith.mulf %add3A_2163, %mul3A_2376 : vector<16xf32>
        %add3A_2378 = arith.addf %get3A_2312, %mul3A_2377 : vector<16xf32>
        %mul3A_2379 = vector.broadcast %select_n3A_2351 : f32 to vector<16xf32>
        %mul3A_2380 = arith.mulf %add3A_2166, %mul3A_2379 : vector<16xf32>
        %add3A_2381 = arith.addf %get3A_2316, %mul3A_2380 : vector<16xf32>
        %mul3A_2382 = vector.broadcast %select_n3A_2351 : f32 to vector<16xf32>
        %mul3A_2383 = arith.mulf %add3A_2169, %mul3A_2382 : vector<16xf32>
        %add3A_2384 = arith.addf %get3A_2320, %mul3A_2383 : vector<16xf32>
        %mul3A_2385 = vector.broadcast %select_n3A_2351 : f32 to vector<16xf32>
        %mul3A_2386 = arith.mulf %add3A_2172, %mul3A_2385 : vector<16xf32>
        %add3A_2387 = arith.addf %get3A_2324, %mul3A_2386 : vector<16xf32>
        %mul3A_2388 = vector.broadcast %select_n3A_2351 : f32 to vector<16xf32>
        %mul3A_2389 = arith.mulf %add3A_2175, %mul3A_2388 : vector<16xf32>
        %add3A_2390 = arith.addf %get3A_2328, %mul3A_2389 : vector<16xf32>
        %mul3A_2391 = vector.broadcast %select_n3A_2351 : f32 to vector<16xf32>
        %mul3A_2392 = arith.mulf %add3A_2178, %mul3A_2391 : vector<16xf32>
        %add3A_2393 = arith.addf %get3A_2332, %mul3A_2392 : vector<16xf32>
        %mul3A_2394 = vector.broadcast %select_n3A_2351 : f32 to vector<16xf32>
        %mul3A_2395 = arith.mulf %add3A_2181, %mul3A_2394 : vector<16xf32>
        %add3A_2396 = arith.addf %get3A_2336, %mul3A_2395 : vector<16xf32>
        %mul3A_2397 = vector.broadcast %select_n3A_2351 : f32 to vector<16xf32>
        %mul3A_2398 = arith.mulf %add3A_2184, %mul3A_2397 : vector<16xf32>
        %add3A_2399 = arith.addf %get3A_2340, %mul3A_2398 : vector<16xf32>
        %swap3A_2400 = arith.index_cast %select_n3A_2344 : i32 to index
        %swap3A_2401 = arith.constant 0 : index
        %swap3A_2402 = tpu.vector_load %arg8[%swap3A_2400, %swap3A_2401] {strides = array<i32>} : memref<136x256xf32, #tpu.memory_space<vmem>>, vector<1x16xf32>,
        %swap3A_2403 = vector.shape_cast %swap3A_2402 : vector<1x16xf32> to vector<16xf32>
        %swap3A_2404 = vector.shape_cast %add3A_2354 : vector<16xf32> to vector<1x16xf32>
        tpu.vector_store %arg8[%swap3A_2400, %swap3A_2401], %swap3A_2404 {strides = array<i32>} : memref<136x256xf32, #tpu.memory_space<vmem>>, vector<1x16xf32>,
        %swap3A_2405 = arith.index_cast %select_n3A_2344 : i32 to index
        %swap3A_2406 = arith.constant 16 : index
        %swap3A_2407 = tpu.vector_load %arg8[%swap3A_2405, %swap3A_2406] {strides = array<i32>} : memref<136x256xf32, #tpu.memory_space<vmem>>, vector<1x16xf32>,
        %swap3A_2408 = vector.shape_cast %swap3A_2407 : vector<1x16xf32> to vector<16xf32>
        %swap3A_2409 = vector.shape_cast %add3A_2357 : vector<16xf32> to vector<1x16xf32>
        tpu.vector_store %arg8[%swap3A_2405, %swap3A_2406], %swap3A_2409 {strides = array<i32>} : memref<136x256xf32, #tpu.memory_space<vmem>>, vector<1x16xf32>,
        %swap3A_2410 = arith.index_cast %select_n3A_2344 : i32 to index
        %swap3A_2411 = arith.constant 32 : index
        %swap3A_2412 = tpu.vector_load %arg8[%swap3A_2410, %swap3A_2411] {strides = array<i32>} : memref<136x256xf32, #tpu.memory_space<vmem>>, vector<1x16xf32>,
        %swap3A_2413 = vector.shape_cast %swap3A_2412 : vector<1x16xf32> to vector<16xf32>
        %swap3A_2414 = vector.shape_cast %add3A_2360 : vector<16xf32> to vector<1x16xf32>
        tpu.vector_store %arg8[%swap3A_2410, %swap3A_2411], %swap3A_2414 {strides = array<i32>} : memref<136x256xf32, #tpu.memory_space<vmem>>, vector<1x16xf32>,
        %swap3A_2415 = arith.index_cast %select_n3A_2344 : i32 to index
        %swap3A_2416 = arith.constant 48 : index
        %swap3A_2417 = tpu.vector_load %arg8[%swap3A_2415, %swap3A_2416] {strides = array<i32>} : memref<136x256xf32, #tpu.memory_space<vmem>>, vector<1x16xf32>,
        %swap3A_2418 = vector.shape_cast %swap3A_2417 : vector<1x16xf32> to vector<16xf32>
        %swap3A_2419 = vector.shape_cast %add3A_2363 : vector<16xf32> to vector<1x16xf32>
        tpu.vector_store %arg8[%swap3A_2415, %swap3A_2416], %swap3A_2419 {strides = array<i32>} : memref<136x256xf32, #tpu.memory_space<vmem>>, vector<1x16xf32>,
        %swap3A_2420 = arith.index_cast %select_n3A_2344 : i32 to index
        %swap3A_2421 = arith.constant 64 : index
        %swap3A_2422 = tpu.vector_load %arg8[%swap3A_2420, %swap3A_2421] {strides = array<i32>} : memref<136x256xf32, #tpu.memory_space<vmem>>, vector<1x16xf32>,
        %swap3A_2423 = vector.shape_cast %swap3A_2422 : vector<1x16xf32> to vector<16xf32>
        %swap3A_2424 = vector.shape_cast %add3A_2366 : vector<16xf32> to vector<1x16xf32>
        tpu.vector_store %arg8[%swap3A_2420, %swap3A_2421], %swap3A_2424 {strides = array<i32>} : memref<136x256xf32, #tpu.memory_space<vmem>>, vector<1x16xf32>,
        %swap3A_2425 = arith.index_cast %select_n3A_2344 : i32 to index
        %swap3A_2426 = arith.constant 80 : index
        %swap3A_2427 = tpu.vector_load %arg8[%swap3A_2425, %swap3A_2426] {strides = array<i32>} : memref<136x256xf32, #tpu.memory_space<vmem>>, vector<1x16xf32>,
        %swap3A_2428 = vector.shape_cast %swap3A_2427 : vector<1x16xf32> to vector<16xf32>
        %swap3A_2429 = vector.shape_cast %add3A_2369 : vector<16xf32> to vector<1x16xf32>
        tpu.vector_store %arg8[%swap3A_2425, %swap3A_2426], %swap3A_2429 {strides = array<i32>} : memref<136x256xf32, #tpu.memory_space<vmem>>, vector<1x16xf32>,
        %swap3A_2430 = arith.index_cast %select_n3A_2344 : i32 to index
        %swap3A_2431 = arith.constant 96 : index
        %swap3A_2432 = tpu.vector_load %arg8[%swap3A_2430, %swap3A_2431] {strides = array<i32>} : memref<136x256xf32, #tpu.memory_space<vmem>>, vector<1x16xf32>,
        %swap3A_2433 = vector.shape_cast %swap3A_2432 : vector<1x16xf32> to vector<16xf32>
        %swap3A_2434 = vector.shape_cast %add3A_2372 : vector<16xf32> to vector<1x16xf32>
        tpu.vector_store %arg8[%swap3A_2430, %swap3A_2431], %swap3A_2434 {strides = array<i32>} : memref<136x256xf32, #tpu.memory_space<vmem>>, vector<1x16xf32>,
        %swap3A_2435 = arith.index_cast %select_n3A_2344 : i32 to index
        %swap3A_2436 = arith.constant 112 : index
        %swap3A_2437 = tpu.vector_load %arg8[%swap3A_2435, %swap3A_2436] {strides = array<i32>} : memref<136x256xf32, #tpu.memory_space<vmem>>, vector<1x16xf32>,
        %swap3A_2438 = vector.shape_cast %swap3A_2437 : vector<1x16xf32> to vector<16xf32>
        %swap3A_2439 = vector.shape_cast %add3A_2375 : vector<16xf32> to vector<1x16xf32>
        tpu.vector_store %arg8[%swap3A_2435, %swap3A_2436], %swap3A_2439 {strides = array<i32>} : memref<136x256xf32, #tpu.memory_space<vmem>>, vector<1x16xf32>,
        %swap3A_2440 = arith.index_cast %select_n3A_2344 : i32 to index
        %swap3A_2441 = arith.constant 128 : index
        %swap3A_2442 = tpu.vector_load %arg8[%swap3A_2440, %swap3A_2441] {strides = array<i32>} : memref<136x256xf32, #tpu.memory_space<vmem>>, vector<1x16xf32>,
        %swap3A_2443 = vector.shape_cast %swap3A_2442 : vector<1x16xf32> to vector<16xf32>
        %swap3A_2444 = vector.shape_cast %add3A_2378 : vector<16xf32> to vector<1x16xf32>
        tpu.vector_store %arg8[%swap3A_2440, %swap3A_2441], %swap3A_2444 {strides = array<i32>} : memref<136x256xf32, #tpu.memory_space<vmem>>, vector<1x16xf32>,
        %swap3A_2445 = arith.index_cast %select_n3A_2344 : i32 to index
        %swap3A_2446 = arith.constant 144 : index
        %swap3A_2447 = tpu.vector_load %arg8[%swap3A_2445, %swap3A_2446] {strides = array<i32>} : memref<136x256xf32, #tpu.memory_space<vmem>>, vector<1x16xf32>,
        %swap3A_2448 = vector.shape_cast %swap3A_2447 : vector<1x16xf32> to vector<16xf32>
        %swap3A_2449 = vector.shape_cast %add3A_2381 : vector<16xf32> to vector<1x16xf32>
        tpu.vector_store %arg8[%swap3A_2445, %swap3A_2446], %swap3A_2449 {strides = array<i32>} : memref<136x256xf32, #tpu.memory_space<vmem>>, vector<1x16xf32>,
        %swap3A_2450 = arith.index_cast %select_n3A_2344 : i32 to index
        %swap3A_2451 = arith.constant 160 : index
        %swap3A_2452 = tpu.vector_load %arg8[%swap3A_2450, %swap3A_2451] {strides = array<i32>} : memref<136x256xf32, #tpu.memory_space<vmem>>, vector<1x16xf32>,
        %swap3A_2453 = vector.shape_cast %swap3A_2452 : vector<1x16xf32> to vector<16xf32>
        %swap3A_2454 = vector.shape_cast %add3A_2384 : vector<16xf32> to vector<1x16xf32>
        tpu.vector_store %arg8[%swap3A_2450, %swap3A_2451], %swap3A_2454 {strides = array<i32>} : memref<136x256xf32, #tpu.memory_space<vmem>>, vector<1x16xf32>,
        %swap3A_2455 = arith.index_cast %select_n3A_2344 : i32 to index
        %swap3A_2456 = arith.constant 176 : index
        %swap3A_2457 = tpu.vector_load %arg8[%swap3A_2455, %swap3A_2456] {strides = array<i32>} : memref<136x256xf32, #tpu.memory_space<vmem>>, vector<1x16xf32>,
        %swap3A_2458 = vector.shape_cast %swap3A_2457 : vector<1x16xf32> to vector<16xf32>
        %swap3A_2459 = vector.shape_cast %add3A_2387 : vector<16xf32> to vector<1x16xf32>
        tpu.vector_store %arg8[%swap3A_2455, %swap3A_2456], %swap3A_2459 {strides = array<i32>} : memref<136x256xf32, #tpu.memory_space<vmem>>, vector<1x16xf32>,
        %swap3A_2460 = arith.index_cast %select_n3A_2344 : i32 to index
        %swap3A_2461 = arith.constant 192 : index
        %swap3A_2462 = tpu.vector_load %arg8[%swap3A_2460, %swap3A_2461] {strides = array<i32>} : memref<136x256xf32, #tpu.memory_space<vmem>>, vector<1x16xf32>,
        %swap3A_2463 = vector.shape_cast %swap3A_2462 : vector<1x16xf32> to vector<16xf32>
        %swap3A_2464 = vector.shape_cast %add3A_2390 : vector<16xf32> to vector<1x16xf32>
        tpu.vector_store %arg8[%swap3A_2460, %swap3A_2461], %swap3A_2464 {strides = array<i32>} : memref<136x256xf32, #tpu.memory_space<vmem>>, vector<1x16xf32>,
        %swap3A_2465 = arith.index_cast %select_n3A_2344 : i32 to index
        %swap3A_2466 = arith.constant 208 : index
        %swap3A_2467 = tpu.vector_load %arg8[%swap3A_2465, %swap3A_2466] {strides = array<i32>} : memref<136x256xf32, #tpu.memory_space<vmem>>, vector<1x16xf32>,
        %swap3A_2468 = vector.shape_cast %swap3A_2467 : vector<1x16xf32> to vector<16xf32>
        %swap3A_2469 = vector.shape_cast %add3A_2393 : vector<16xf32> to vector<1x16xf32>
        tpu.vector_store %arg8[%swap3A_2465, %swap3A_2466], %swap3A_2469 {strides = array<i32>} : memref<136x256xf32, #tpu.memory_space<vmem>>, vector<1x16xf32>,
        %swap3A_2470 = arith.index_cast %select_n3A_2344 : i32 to index
        %swap3A_2471 = arith.constant 224 : index
        %swap3A_2472 = tpu.vector_load %arg8[%swap3A_2470, %swap3A_2471] {strides = array<i32>} : memref<136x256xf32, #tpu.memory_space<vmem>>, vector<1x16xf32>,
        %swap3A_2473 = vector.shape_cast %swap3A_2472 : vector<1x16xf32> to vector<16xf32>
        %swap3A_2474 = vector.shape_cast %add3A_2396 : vector<16xf32> to vector<1x16xf32>
        tpu.vector_store %arg8[%swap3A_2470, %swap3A_2471], %swap3A_2474 {strides = array<i32>} : memref<136x256xf32, #tpu.memory_space<vmem>>, vector<1x16xf32>,
        %swap3A_2475 = arith.index_cast %select_n3A_2344 : i32 to index
        %swap3A_2476 = arith.constant 240 : index
        %swap3A_2477 = tpu.vector_load %arg8[%swap3A_2475, %swap3A_2476] {strides = array<i32>} : memref<136x256xf32, #tpu.memory_space<vmem>>, vector<1x16xf32>,
        %swap3A_2478 = vector.shape_cast %swap3A_2477 : vector<1x16xf32> to vector<16xf32>
        %swap3A_2479 = vector.shape_cast %add3A_2399 : vector<16xf32> to vector<1x16xf32>
        tpu.vector_store %arg8[%swap3A_2475, %swap3A_2476], %swap3A_2479 {strides = array<i32>} : memref<136x256xf32, #tpu.memory_space<vmem>>, vector<1x16xf32>,
        %convert_element_type3A_2480 = arith.sitofp %select_n3A_2348 : i32 to f32
        %mul3A_2481 = vector.broadcast %convert_element_type3A_2480 : f32 to vector<16xf32>
        %mul3A_2482 = arith.mulf %broadcast_in_dim3A_16, %mul3A_2481 : vector<16xf32>
        %swap3A_2483 = arith.index_cast %select_n3A_2344 : i32 to index
        %swap3A_2484 = arith.constant 0 : index
        %swap3A_2485 = tpu.vector_load %arg9[%swap3A_2483, %swap3A_2484] {strides = array<i32>} : memref<136x16xf32, #tpu.memory_space<vmem>>, vector<1x16xf32>,
        %swap3A_2486 = vector.shape_cast %swap3A_2485 : vector<1x16xf32> to vector<16xf32>
        %swap3A_2487 = vector.shape_cast %mul3A_2482 : vector<16xf32> to vector<1x16xf32>
        tpu.vector_store %arg9[%swap3A_2483, %swap3A_2484], %swap3A_2487 {strides = array<i32>} : memref<136x16xf32, #tpu.memory_space<vmem>>, vector<1x16xf32>,
        %mul3A_2488 = arith.constant 16 : i32
        %mul3A_2489 = arith.muli %scan3A_93, %mul3A_2488 : i32
        %add3A_2490 = arith.constant 11 : i32
        %add3A_2491 = arith.addi %mul3A_2489, %add3A_2490 : i32
        %get3A_2492 = arith.index_cast %add3A_2491 : i32 to index
        %get3A_2493 = arith.constant 0 : index
        %get3A_2494 = tpu.vector_load %arg7[%get3A_2492, %get3A_2493] {strides = array<i32>} : memref<112x256xf32, #tpu.memory_space<vmem>>, vector<1x16xf32>,
        %get3A_2495 = vector.shape_cast %get3A_2494 : vector<1x16xf32> to vector<16xf32>
        %get3A_2496 = arith.index_cast %add3A_2491 : i32 to index
        %get3A_2497 = arith.constant 16 : index
        %get3A_2498 = tpu.vector_load %arg7[%get3A_2496, %get3A_2497] {strides = array<i32>} : memref<112x256xf32, #tpu.memory_space<vmem>>, vector<1x16xf32>,
        %get3A_2499 = vector.shape_cast %get3A_2498 : vector<1x16xf32> to vector<16xf32>
        %get3A_2500 = arith.index_cast %add3A_2491 : i32 to index
        %get3A_2501 = arith.constant 32 : index
        %get3A_2502 = tpu.vector_load %arg7[%get3A_2500, %get3A_2501] {strides = array<i32>} : memref<112x256xf32, #tpu.memory_space<vmem>>, vector<1x16xf32>,
        %get3A_2503 = vector.shape_cast %get3A_2502 : vector<1x16xf32> to vector<16xf32>
        %get3A_2504 = arith.index_cast %add3A_2491 : i32 to index
        %get3A_2505 = arith.constant 48 : index
        %get3A_2506 = tpu.vector_load %arg7[%get3A_2504, %get3A_2505] {strides = array<i32>} : memref<112x256xf32, #tpu.memory_space<vmem>>, vector<1x16xf32>,
        %get3A_2507 = vector.shape_cast %get3A_2506 : vector<1x16xf32> to vector<16xf32>
        %get3A_2508 = arith.index_cast %add3A_2491 : i32 to index
        %get3A_2509 = arith.constant 64 : index
        %get3A_2510 = tpu.vector_load %arg7[%get3A_2508, %get3A_2509] {strides = array<i32>} : memref<112x256xf32, #tpu.memory_space<vmem>>, vector<1x16xf32>,
        %get3A_2511 = vector.shape_cast %get3A_2510 : vector<1x16xf32> to vector<16xf32>
        %get3A_2512 = arith.index_cast %add3A_2491 : i32 to index
        %get3A_2513 = arith.constant 80 : index
        %get3A_2514 = tpu.vector_load %arg7[%get3A_2512, %get3A_2513] {strides = array<i32>} : memref<112x256xf32, #tpu.memory_space<vmem>>, vector<1x16xf32>,
        %get3A_2515 = vector.shape_cast %get3A_2514 : vector<1x16xf32> to vector<16xf32>
        %get3A_2516 = arith.index_cast %add3A_2491 : i32 to index
        %get3A_2517 = arith.constant 96 : index
        %get3A_2518 = tpu.vector_load %arg7[%get3A_2516, %get3A_2517] {strides = array<i32>} : memref<112x256xf32, #tpu.memory_space<vmem>>, vector<1x16xf32>,
        %get3A_2519 = vector.shape_cast %get3A_2518 : vector<1x16xf32> to vector<16xf32>
        %get3A_2520 = arith.index_cast %add3A_2491 : i32 to index
        %get3A_2521 = arith.constant 112 : index
        %get3A_2522 = tpu.vector_load %arg7[%get3A_2520, %get3A_2521] {strides = array<i32>} : memref<112x256xf32, #tpu.memory_space<vmem>>, vector<1x16xf32>,
        %get3A_2523 = vector.shape_cast %get3A_2522 : vector<1x16xf32> to vector<16xf32>
        %get3A_2524 = arith.index_cast %add3A_2491 : i32 to index
        %get3A_2525 = arith.constant 128 : index
        %get3A_2526 = tpu.vector_load %arg7[%get3A_2524, %get3A_2525] {strides = array<i32>} : memref<112x256xf32, #tpu.memory_space<vmem>>, vector<1x16xf32>,
        %get3A_2527 = vector.shape_cast %get3A_2526 : vector<1x16xf32> to vector<16xf32>
        %get3A_2528 = arith.index_cast %add3A_2491 : i32 to index
        %get3A_2529 = arith.constant 144 : index
        %get3A_2530 = tpu.vector_load %arg7[%get3A_2528, %get3A_2529] {strides = array<i32>} : memref<112x256xf32, #tpu.memory_space<vmem>>, vector<1x16xf32>,
        %get3A_2531 = vector.shape_cast %get3A_2530 : vector<1x16xf32> to vector<16xf32>
        %get3A_2532 = arith.index_cast %add3A_2491 : i32 to index
        %get3A_2533 = arith.constant 160 : index
        %get3A_2534 = tpu.vector_load %arg7[%get3A_2532, %get3A_2533] {strides = array<i32>} : memref<112x256xf32, #tpu.memory_space<vmem>>, vector<1x16xf32>,
        %get3A_2535 = vector.shape_cast %get3A_2534 : vector<1x16xf32> to vector<16xf32>
        %get3A_2536 = arith.index_cast %add3A_2491 : i32 to index
        %get3A_2537 = arith.constant 176 : index
        %get3A_2538 = tpu.vector_load %arg7[%get3A_2536, %get3A_2537] {strides = array<i32>} : memref<112x256xf32, #tpu.memory_space<vmem>>, vector<1x16xf32>,
        %get3A_2539 = vector.shape_cast %get3A_2538 : vector<1x16xf32> to vector<16xf32>
        %get3A_2540 = arith.index_cast %add3A_2491 : i32 to index
        %get3A_2541 = arith.constant 192 : index
        %get3A_2542 = tpu.vector_load %arg7[%get3A_2540, %get3A_2541] {strides = array<i32>} : memref<112x256xf32, #tpu.memory_space<vmem>>, vector<1x16xf32>,
        %get3A_2543 = vector.shape_cast %get3A_2542 : vector<1x16xf32> to vector<16xf32>
        %get3A_2544 = arith.index_cast %add3A_2491 : i32 to index
        %get3A_2545 = arith.constant 208 : index
        %get3A_2546 = tpu.vector_load %arg7[%get3A_2544, %get3A_2545] {strides = array<i32>} : memref<112x256xf32, #tpu.memory_space<vmem>>, vector<1x16xf32>,
        %get3A_2547 = vector.shape_cast %get3A_2546 : vector<1x16xf32> to vector<16xf32>
        %get3A_2548 = arith.index_cast %add3A_2491 : i32 to index
        %get3A_2549 = arith.constant 224 : index
        %get3A_2550 = tpu.vector_load %arg7[%get3A_2548, %get3A_2549] {strides = array<i32>} : memref<112x256xf32, #tpu.memory_space<vmem>>, vector<1x16xf32>,
        %get3A_2551 = vector.shape_cast %get3A_2550 : vector<1x16xf32> to vector<16xf32>
        %get3A_2552 = arith.index_cast %add3A_2491 : i32 to index
        %get3A_2553 = arith.constant 240 : index
        %get3A_2554 = tpu.vector_load %arg7[%get3A_2552, %get3A_2553] {strides = array<i32>} : memref<112x256xf32, #tpu.memory_space<vmem>>, vector<1x16xf32>,
        %get3A_2555 = vector.shape_cast %get3A_2554 : vector<1x16xf32> to vector<16xf32>
        %slice3A_2556 = vector.extract_strided_slice %select_n3A_126 {offsets = [11], sizes = [1], strides = [1]} : vector<16xi32> to vector<1xi32>
        %squeeze3A_2557 = vector.extract %slice3A_2556[0] : i32 from vector<1xi32>
        %ne3A_2558 = arith.cmpi ne, %squeeze3A_2557, %select_n3A_2344 : i32
        %select_n3A_2559 = arith.select %ne3A_2558, %squeeze3A_2557, %select_n3A_2344 : i32
        %add3A_2560 = arith.constant 1 : i32
        %add3A_2561 = arith.addi %select_n3A_2348, %add3A_2560 : i32
        %jit3A_2562 = arith.constant 1 : i32
        %select_n3A_2563 = arith.select %ne3A_2558, %jit3A_2562, %add3A_2561 : i32
        %jit3A_2564 = arith.constant 0.000000e+00 : f32
        %jit3A_2565 = arith.constant 1.000000e+00 : f32
        %select_n3A_2566 = arith.select %ne3A_2558, %jit3A_2564, %jit3A_2565 : f32
        %mul3A_2567 = vector.broadcast %select_n3A_2566 : f32 to vector<16xf32>
        %mul3A_2568 = arith.mulf %add3A_2354, %mul3A_2567 : vector<16xf32>
        %add3A_2569 = arith.addf %get3A_2495, %mul3A_2568 : vector<16xf32>
        %mul3A_2570 = vector.broadcast %select_n3A_2566 : f32 to vector<16xf32>
        %mul3A_2571 = arith.mulf %add3A_2357, %mul3A_2570 : vector<16xf32>
        %add3A_2572 = arith.addf %get3A_2499, %mul3A_2571 : vector<16xf32>
        %mul3A_2573 = vector.broadcast %select_n3A_2566 : f32 to vector<16xf32>
        %mul3A_2574 = arith.mulf %add3A_2360, %mul3A_2573 : vector<16xf32>
        %add3A_2575 = arith.addf %get3A_2503, %mul3A_2574 : vector<16xf32>
        %mul3A_2576 = vector.broadcast %select_n3A_2566 : f32 to vector<16xf32>
        %mul3A_2577 = arith.mulf %add3A_2363, %mul3A_2576 : vector<16xf32>
        %add3A_2578 = arith.addf %get3A_2507, %mul3A_2577 : vector<16xf32>
        %mul3A_2579 = vector.broadcast %select_n3A_2566 : f32 to vector<16xf32>
        %mul3A_2580 = arith.mulf %add3A_2366, %mul3A_2579 : vector<16xf32>
        %add3A_2581 = arith.addf %get3A_2511, %mul3A_2580 : vector<16xf32>
        %mul3A_2582 = vector.broadcast %select_n3A_2566 : f32 to vector<16xf32>
        %mul3A_2583 = arith.mulf %add3A_2369, %mul3A_2582 : vector<16xf32>
        %add3A_2584 = arith.addf %get3A_2515, %mul3A_2583 : vector<16xf32>
        %mul3A_2585 = vector.broadcast %select_n3A_2566 : f32 to vector<16xf32>
        %mul3A_2586 = arith.mulf %add3A_2372, %mul3A_2585 : vector<16xf32>
        %add3A_2587 = arith.addf %get3A_2519, %mul3A_2586 : vector<16xf32>
        %mul3A_2588 = vector.broadcast %select_n3A_2566 : f32 to vector<16xf32>
        %mul3A_2589 = arith.mulf %add3A_2375, %mul3A_2588 : vector<16xf32>
        %add3A_2590 = arith.addf %get3A_2523, %mul3A_2589 : vector<16xf32>
        %mul3A_2591 = vector.broadcast %select_n3A_2566 : f32 to vector<16xf32>
        %mul3A_2592 = arith.mulf %add3A_2378, %mul3A_2591 : vector<16xf32>
        %add3A_2593 = arith.addf %get3A_2527, %mul3A_2592 : vector<16xf32>
        %mul3A_2594 = vector.broadcast %select_n3A_2566 : f32 to vector<16xf32>
        %mul3A_2595 = arith.mulf %add3A_2381, %mul3A_2594 : vector<16xf32>
        %add3A_2596 = arith.addf %get3A_2531, %mul3A_2595 : vector<16xf32>
        %mul3A_2597 = vector.broadcast %select_n3A_2566 : f32 to vector<16xf32>
        %mul3A_2598 = arith.mulf %add3A_2384, %mul3A_2597 : vector<16xf32>
        %add3A_2599 = arith.addf %get3A_2535, %mul3A_2598 : vector<16xf32>
        %mul3A_2600 = vector.broadcast %select_n3A_2566 : f32 to vector<16xf32>
        %mul3A_2601 = arith.mulf %add3A_2387, %mul3A_2600 : vector<16xf32>
        %add3A_2602 = arith.addf %get3A_2539, %mul3A_2601 : vector<16xf32>
        %mul3A_2603 = vector.broadcast %select_n3A_2566 : f32 to vector<16xf32>
        %mul3A_2604 = arith.mulf %add3A_2390, %mul3A_2603 : vector<16xf32>
        %add3A_2605 = arith.addf %get3A_2543, %mul3A_2604 : vector<16xf32>
        %mul3A_2606 = vector.broadcast %select_n3A_2566 : f32 to vector<16xf32>
        %mul3A_2607 = arith.mulf %add3A_2393, %mul3A_2606 : vector<16xf32>
        %add3A_2608 = arith.addf %get3A_2547, %mul3A_2607 : vector<16xf32>
        %mul3A_2609 = vector.broadcast %select_n3A_2566 : f32 to vector<16xf32>
        %mul3A_2610 = arith.mulf %add3A_2396, %mul3A_2609 : vector<16xf32>
        %add3A_2611 = arith.addf %get3A_2551, %mul3A_2610 : vector<16xf32>
        %mul3A_2612 = vector.broadcast %select_n3A_2566 : f32 to vector<16xf32>
        %mul3A_2613 = arith.mulf %add3A_2399, %mul3A_2612 : vector<16xf32>
        %add3A_2614 = arith.addf %get3A_2555, %mul3A_2613 : vector<16xf32>
        %swap3A_2615 = arith.index_cast %select_n3A_2559 : i32 to index
        %swap3A_2616 = arith.constant 0 : index
        %swap3A_2617 = tpu.vector_load %arg8[%swap3A_2615, %swap3A_2616] {strides = array<i32>} : memref<136x256xf32, #tpu.memory_space<vmem>>, vector<1x16xf32>,
        %swap3A_2618 = vector.shape_cast %swap3A_2617 : vector<1x16xf32> to vector<16xf32>
        %swap3A_2619 = vector.shape_cast %add3A_2569 : vector<16xf32> to vector<1x16xf32>
        tpu.vector_store %arg8[%swap3A_2615, %swap3A_2616], %swap3A_2619 {strides = array<i32>} : memref<136x256xf32, #tpu.memory_space<vmem>>, vector<1x16xf32>,
        %swap3A_2620 = arith.index_cast %select_n3A_2559 : i32 to index
        %swap3A_2621 = arith.constant 16 : index
        %swap3A_2622 = tpu.vector_load %arg8[%swap3A_2620, %swap3A_2621] {strides = array<i32>} : memref<136x256xf32, #tpu.memory_space<vmem>>, vector<1x16xf32>,
        %swap3A_2623 = vector.shape_cast %swap3A_2622 : vector<1x16xf32> to vector<16xf32>
        %swap3A_2624 = vector.shape_cast %add3A_2572 : vector<16xf32> to vector<1x16xf32>
        tpu.vector_store %arg8[%swap3A_2620, %swap3A_2621], %swap3A_2624 {strides = array<i32>} : memref<136x256xf32, #tpu.memory_space<vmem>>, vector<1x16xf32>,
        %swap3A_2625 = arith.index_cast %select_n3A_2559 : i32 to index
        %swap3A_2626 = arith.constant 32 : index
        %swap3A_2627 = tpu.vector_load %arg8[%swap3A_2625, %swap3A_2626] {strides = array<i32>} : memref<136x256xf32, #tpu.memory_space<vmem>>, vector<1x16xf32>,
        %swap3A_2628 = vector.shape_cast %swap3A_2627 : vector<1x16xf32> to vector<16xf32>
        %swap3A_2629 = vector.shape_cast %add3A_2575 : vector<16xf32> to vector<1x16xf32>
        tpu.vector_store %arg8[%swap3A_2625, %swap3A_2626], %swap3A_2629 {strides = array<i32>} : memref<136x256xf32, #tpu.memory_space<vmem>>, vector<1x16xf32>,
        %swap3A_2630 = arith.index_cast %select_n3A_2559 : i32 to index
        %swap3A_2631 = arith.constant 48 : index
        %swap3A_2632 = tpu.vector_load %arg8[%swap3A_2630, %swap3A_2631] {strides = array<i32>} : memref<136x256xf32, #tpu.memory_space<vmem>>, vector<1x16xf32>,
        %swap3A_2633 = vector.shape_cast %swap3A_2632 : vector<1x16xf32> to vector<16xf32>
        %swap3A_2634 = vector.shape_cast %add3A_2578 : vector<16xf32> to vector<1x16xf32>
        tpu.vector_store %arg8[%swap3A_2630, %swap3A_2631], %swap3A_2634 {strides = array<i32>} : memref<136x256xf32, #tpu.memory_space<vmem>>, vector<1x16xf32>,
        %swap3A_2635 = arith.index_cast %select_n3A_2559 : i32 to index
        %swap3A_2636 = arith.constant 64 : index
        %swap3A_2637 = tpu.vector_load %arg8[%swap3A_2635, %swap3A_2636] {strides = array<i32>} : memref<136x256xf32, #tpu.memory_space<vmem>>, vector<1x16xf32>,
        %swap3A_2638 = vector.shape_cast %swap3A_2637 : vector<1x16xf32> to vector<16xf32>
        %swap3A_2639 = vector.shape_cast %add3A_2581 : vector<16xf32> to vector<1x16xf32>
        tpu.vector_store %arg8[%swap3A_2635, %swap3A_2636], %swap3A_2639 {strides = array<i32>} : memref<136x256xf32, #tpu.memory_space<vmem>>, vector<1x16xf32>,
        %swap3A_2640 = arith.index_cast %select_n3A_2559 : i32 to index
        %swap3A_2641 = arith.constant 80 : index
        %swap3A_2642 = tpu.vector_load %arg8[%swap3A_2640, %swap3A_2641] {strides = array<i32>} : memref<136x256xf32, #tpu.memory_space<vmem>>, vector<1x16xf32>,
        %swap3A_2643 = vector.shape_cast %swap3A_2642 : vector<1x16xf32> to vector<16xf32>
        %swap3A_2644 = vector.shape_cast %add3A_2584 : vector<16xf32> to vector<1x16xf32>
        tpu.vector_store %arg8[%swap3A_2640, %swap3A_2641], %swap3A_2644 {strides = array<i32>} : memref<136x256xf32, #tpu.memory_space<vmem>>, vector<1x16xf32>,
        %swap3A_2645 = arith.index_cast %select_n3A_2559 : i32 to index
        %swap3A_2646 = arith.constant 96 : index
        %swap3A_2647 = tpu.vector_load %arg8[%swap3A_2645, %swap3A_2646] {strides = array<i32>} : memref<136x256xf32, #tpu.memory_space<vmem>>, vector<1x16xf32>,
        %swap3A_2648 = vector.shape_cast %swap3A_2647 : vector<1x16xf32> to vector<16xf32>
        %swap3A_2649 = vector.shape_cast %add3A_2587 : vector<16xf32> to vector<1x16xf32>
        tpu.vector_store %arg8[%swap3A_2645, %swap3A_2646], %swap3A_2649 {strides = array<i32>} : memref<136x256xf32, #tpu.memory_space<vmem>>, vector<1x16xf32>,
        %swap3A_2650 = arith.index_cast %select_n3A_2559 : i32 to index
        %swap3A_2651 = arith.constant 112 : index
        %swap3A_2652 = tpu.vector_load %arg8[%swap3A_2650, %swap3A_2651] {strides = array<i32>} : memref<136x256xf32, #tpu.memory_space<vmem>>, vector<1x16xf32>,
        %swap3A_2653 = vector.shape_cast %swap3A_2652 : vector<1x16xf32> to vector<16xf32>
        %swap3A_2654 = vector.shape_cast %add3A_2590 : vector<16xf32> to vector<1x16xf32>
        tpu.vector_store %arg8[%swap3A_2650, %swap3A_2651], %swap3A_2654 {strides = array<i32>} : memref<136x256xf32, #tpu.memory_space<vmem>>, vector<1x16xf32>,
        %swap3A_2655 = arith.index_cast %select_n3A_2559 : i32 to index
        %swap3A_2656 = arith.constant 128 : index
        %swap3A_2657 = tpu.vector_load %arg8[%swap3A_2655, %swap3A_2656] {strides = array<i32>} : memref<136x256xf32, #tpu.memory_space<vmem>>, vector<1x16xf32>,
        %swap3A_2658 = vector.shape_cast %swap3A_2657 : vector<1x16xf32> to vector<16xf32>
        %swap3A_2659 = vector.shape_cast %add3A_2593 : vector<16xf32> to vector<1x16xf32>
        tpu.vector_store %arg8[%swap3A_2655, %swap3A_2656], %swap3A_2659 {strides = array<i32>} : memref<136x256xf32, #tpu.memory_space<vmem>>, vector<1x16xf32>,
        %swap3A_2660 = arith.index_cast %select_n3A_2559 : i32 to index
        %swap3A_2661 = arith.constant 144 : index
        %swap3A_2662 = tpu.vector_load %arg8[%swap3A_2660, %swap3A_2661] {strides = array<i32>} : memref<136x256xf32, #tpu.memory_space<vmem>>, vector<1x16xf32>,
        %swap3A_2663 = vector.shape_cast %swap3A_2662 : vector<1x16xf32> to vector<16xf32>
        %swap3A_2664 = vector.shape_cast %add3A_2596 : vector<16xf32> to vector<1x16xf32>
        tpu.vector_store %arg8[%swap3A_2660, %swap3A_2661], %swap3A_2664 {strides = array<i32>} : memref<136x256xf32, #tpu.memory_space<vmem>>, vector<1x16xf32>,
        %swap3A_2665 = arith.index_cast %select_n3A_2559 : i32 to index
        %swap3A_2666 = arith.constant 160 : index
        %swap3A_2667 = tpu.vector_load %arg8[%swap3A_2665, %swap3A_2666] {strides = array<i32>} : memref<136x256xf32, #tpu.memory_space<vmem>>, vector<1x16xf32>,
        %swap3A_2668 = vector.shape_cast %swap3A_2667 : vector<1x16xf32> to vector<16xf32>
        %swap3A_2669 = vector.shape_cast %add3A_2599 : vector<16xf32> to vector<1x16xf32>
        tpu.vector_store %arg8[%swap3A_2665, %swap3A_2666], %swap3A_2669 {strides = array<i32>} : memref<136x256xf32, #tpu.memory_space<vmem>>, vector<1x16xf32>,
        %swap3A_2670 = arith.index_cast %select_n3A_2559 : i32 to index
        %swap3A_2671 = arith.constant 176 : index
        %swap3A_2672 = tpu.vector_load %arg8[%swap3A_2670, %swap3A_2671] {strides = array<i32>} : memref<136x256xf32, #tpu.memory_space<vmem>>, vector<1x16xf32>,
        %swap3A_2673 = vector.shape_cast %swap3A_2672 : vector<1x16xf32> to vector<16xf32>
        %swap3A_2674 = vector.shape_cast %add3A_2602 : vector<16xf32> to vector<1x16xf32>
        tpu.vector_store %arg8[%swap3A_2670, %swap3A_2671], %swap3A_2674 {strides = array<i32>} : memref<136x256xf32, #tpu.memory_space<vmem>>, vector<1x16xf32>,
        %swap3A_2675 = arith.index_cast %select_n3A_2559 : i32 to index
        %swap3A_2676 = arith.constant 192 : index
        %swap3A_2677 = tpu.vector_load %arg8[%swap3A_2675, %swap3A_2676] {strides = array<i32>} : memref<136x256xf32, #tpu.memory_space<vmem>>, vector<1x16xf32>,
        %swap3A_2678 = vector.shape_cast %swap3A_2677 : vector<1x16xf32> to vector<16xf32>
        %swap3A_2679 = vector.shape_cast %add3A_2605 : vector<16xf32> to vector<1x16xf32>
        tpu.vector_store %arg8[%swap3A_2675, %swap3A_2676], %swap3A_2679 {strides = array<i32>} : memref<136x256xf32, #tpu.memory_space<vmem>>, vector<1x16xf32>,
        %swap3A_2680 = arith.index_cast %select_n3A_2559 : i32 to index
        %swap3A_2681 = arith.constant 208 : index
        %swap3A_2682 = tpu.vector_load %arg8[%swap3A_2680, %swap3A_2681] {strides = array<i32>} : memref<136x256xf32, #tpu.memory_space<vmem>>, vector<1x16xf32>,
        %swap3A_2683 = vector.shape_cast %swap3A_2682 : vector<1x16xf32> to vector<16xf32>
        %swap3A_2684 = vector.shape_cast %add3A_2608 : vector<16xf32> to vector<1x16xf32>
        tpu.vector_store %arg8[%swap3A_2680, %swap3A_2681], %swap3A_2684 {strides = array<i32>} : memref<136x256xf32, #tpu.memory_space<vmem>>, vector<1x16xf32>,
        %swap3A_2685 = arith.index_cast %select_n3A_2559 : i32 to index
        %swap3A_2686 = arith.constant 224 : index
        %swap3A_2687 = tpu.vector_load %arg8[%swap3A_2685, %swap3A_2686] {strides = array<i32>} : memref<136x256xf32, #tpu.memory_space<vmem>>, vector<1x16xf32>,
        %swap3A_2688 = vector.shape_cast %swap3A_2687 : vector<1x16xf32> to vector<16xf32>
        %swap3A_2689 = vector.shape_cast %add3A_2611 : vector<16xf32> to vector<1x16xf32>
        tpu.vector_store %arg8[%swap3A_2685, %swap3A_2686], %swap3A_2689 {strides = array<i32>} : memref<136x256xf32, #tpu.memory_space<vmem>>, vector<1x16xf32>,
        %swap3A_2690 = arith.index_cast %select_n3A_2559 : i32 to index
        %swap3A_2691 = arith.constant 240 : index
        %swap3A_2692 = tpu.vector_load %arg8[%swap3A_2690, %swap3A_2691] {strides = array<i32>} : memref<136x256xf32, #tpu.memory_space<vmem>>, vector<1x16xf32>,
        %swap3A_2693 = vector.shape_cast %swap3A_2692 : vector<1x16xf32> to vector<16xf32>
        %swap3A_2694 = vector.shape_cast %add3A_2614 : vector<16xf32> to vector<1x16xf32>
        tpu.vector_store %arg8[%swap3A_2690, %swap3A_2691], %swap3A_2694 {strides = array<i32>} : memref<136x256xf32, #tpu.memory_space<vmem>>, vector<1x16xf32>,
        %convert_element_type3A_2695 = arith.sitofp %select_n3A_2563 : i32 to f32
        %mul3A_2696 = vector.broadcast %convert_element_type3A_2695 : f32 to vector<16xf32>
        %mul3A_2697 = arith.mulf %broadcast_in_dim3A_16, %mul3A_2696 : vector<16xf32>
        %swap3A_2698 = arith.index_cast %select_n3A_2559 : i32 to index
        %swap3A_2699 = arith.constant 0 : index
        %swap3A_2700 = tpu.vector_load %arg9[%swap3A_2698, %swap3A_2699] {strides = array<i32>} : memref<136x16xf32, #tpu.memory_space<vmem>>, vector<1x16xf32>,
        %swap3A_2701 = vector.shape_cast %swap3A_2700 : vector<1x16xf32> to vector<16xf32>
        %swap3A_2702 = vector.shape_cast %mul3A_2697 : vector<16xf32> to vector<1x16xf32>
        tpu.vector_store %arg9[%swap3A_2698, %swap3A_2699], %swap3A_2702 {strides = array<i32>} : memref<136x16xf32, #tpu.memory_space<vmem>>, vector<1x16xf32>,
        %mul3A_2703 = arith.constant 16 : i32
        %mul3A_2704 = arith.muli %scan3A_93, %mul3A_2703 : i32
        %add3A_2705 = arith.constant 12 : i32
        %add3A_2706 = arith.addi %mul3A_2704, %add3A_2705 : i32
        %get3A_2707 = arith.index_cast %add3A_2706 : i32 to index
        %get3A_2708 = arith.constant 0 : index
        %get3A_2709 = tpu.vector_load %arg7[%get3A_2707, %get3A_2708] {strides = array<i32>} : memref<112x256xf32, #tpu.memory_space<vmem>>, vector<1x16xf32>,
        %get3A_2710 = vector.shape_cast %get3A_2709 : vector<1x16xf32> to vector<16xf32>
        %get3A_2711 = arith.index_cast %add3A_2706 : i32 to index
        %get3A_2712 = arith.constant 16 : index
        %get3A_2713 = tpu.vector_load %arg7[%get3A_2711, %get3A_2712] {strides = array<i32>} : memref<112x256xf32, #tpu.memory_space<vmem>>, vector<1x16xf32>,
        %get3A_2714 = vector.shape_cast %get3A_2713 : vector<1x16xf32> to vector<16xf32>
        %get3A_2715 = arith.index_cast %add3A_2706 : i32 to index
        %get3A_2716 = arith.constant 32 : index
        %get3A_2717 = tpu.vector_load %arg7[%get3A_2715, %get3A_2716] {strides = array<i32>} : memref<112x256xf32, #tpu.memory_space<vmem>>, vector<1x16xf32>,
        %get3A_2718 = vector.shape_cast %get3A_2717 : vector<1x16xf32> to vector<16xf32>
        %get3A_2719 = arith.index_cast %add3A_2706 : i32 to index
        %get3A_2720 = arith.constant 48 : index
        %get3A_2721 = tpu.vector_load %arg7[%get3A_2719, %get3A_2720] {strides = array<i32>} : memref<112x256xf32, #tpu.memory_space<vmem>>, vector<1x16xf32>,
        %get3A_2722 = vector.shape_cast %get3A_2721 : vector<1x16xf32> to vector<16xf32>
        %get3A_2723 = arith.index_cast %add3A_2706 : i32 to index
        %get3A_2724 = arith.constant 64 : index
        %get3A_2725 = tpu.vector_load %arg7[%get3A_2723, %get3A_2724] {strides = array<i32>} : memref<112x256xf32, #tpu.memory_space<vmem>>, vector<1x16xf32>,
        %get3A_2726 = vector.shape_cast %get3A_2725 : vector<1x16xf32> to vector<16xf32>
        %get3A_2727 = arith.index_cast %add3A_2706 : i32 to index
        %get3A_2728 = arith.constant 80 : index
        %get3A_2729 = tpu.vector_load %arg7[%get3A_2727, %get3A_2728] {strides = array<i32>} : memref<112x256xf32, #tpu.memory_space<vmem>>, vector<1x16xf32>,
        %get3A_2730 = vector.shape_cast %get3A_2729 : vector<1x16xf32> to vector<16xf32>
        %get3A_2731 = arith.index_cast %add3A_2706 : i32 to index
        %get3A_2732 = arith.constant 96 : index
        %get3A_2733 = tpu.vector_load %arg7[%get3A_2731, %get3A_2732] {strides = array<i32>} : memref<112x256xf32, #tpu.memory_space<vmem>>, vector<1x16xf32>,
        %get3A_2734 = vector.shape_cast %get3A_2733 : vector<1x16xf32> to vector<16xf32>
        %get3A_2735 = arith.index_cast %add3A_2706 : i32 to index
        %get3A_2736 = arith.constant 112 : index
        %get3A_2737 = tpu.vector_load %arg7[%get3A_2735, %get3A_2736] {strides = array<i32>} : memref<112x256xf32, #tpu.memory_space<vmem>>, vector<1x16xf32>,
        %get3A_2738 = vector.shape_cast %get3A_2737 : vector<1x16xf32> to vector<16xf32>
        %get3A_2739 = arith.index_cast %add3A_2706 : i32 to index
        %get3A_2740 = arith.constant 128 : index
        %get3A_2741 = tpu.vector_load %arg7[%get3A_2739, %get3A_2740] {strides = array<i32>} : memref<112x256xf32, #tpu.memory_space<vmem>>, vector<1x16xf32>,
        %get3A_2742 = vector.shape_cast %get3A_2741 : vector<1x16xf32> to vector<16xf32>
        %get3A_2743 = arith.index_cast %add3A_2706 : i32 to index
        %get3A_2744 = arith.constant 144 : index
        %get3A_2745 = tpu.vector_load %arg7[%get3A_2743, %get3A_2744] {strides = array<i32>} : memref<112x256xf32, #tpu.memory_space<vmem>>, vector<1x16xf32>,
        %get3A_2746 = vector.shape_cast %get3A_2745 : vector<1x16xf32> to vector<16xf32>
        %get3A_2747 = arith.index_cast %add3A_2706 : i32 to index
        %get3A_2748 = arith.constant 160 : index
        %get3A_2749 = tpu.vector_load %arg7[%get3A_2747, %get3A_2748] {strides = array<i32>} : memref<112x256xf32, #tpu.memory_space<vmem>>, vector<1x16xf32>,
        %get3A_2750 = vector.shape_cast %get3A_2749 : vector<1x16xf32> to vector<16xf32>
        %get3A_2751 = arith.index_cast %add3A_2706 : i32 to index
        %get3A_2752 = arith.constant 176 : index
        %get3A_2753 = tpu.vector_load %arg7[%get3A_2751, %get3A_2752] {strides = array<i32>} : memref<112x256xf32, #tpu.memory_space<vmem>>, vector<1x16xf32>,
        %get3A_2754 = vector.shape_cast %get3A_2753 : vector<1x16xf32> to vector<16xf32>
        %get3A_2755 = arith.index_cast %add3A_2706 : i32 to index
        %get3A_2756 = arith.constant 192 : index
        %get3A_2757 = tpu.vector_load %arg7[%get3A_2755, %get3A_2756] {strides = array<i32>} : memref<112x256xf32, #tpu.memory_space<vmem>>, vector<1x16xf32>,
        %get3A_2758 = vector.shape_cast %get3A_2757 : vector<1x16xf32> to vector<16xf32>
        %get3A_2759 = arith.index_cast %add3A_2706 : i32 to index
        %get3A_2760 = arith.constant 208 : index
        %get3A_2761 = tpu.vector_load %arg7[%get3A_2759, %get3A_2760] {strides = array<i32>} : memref<112x256xf32, #tpu.memory_space<vmem>>, vector<1x16xf32>,
        %get3A_2762 = vector.shape_cast %get3A_2761 : vector<1x16xf32> to vector<16xf32>
        %get3A_2763 = arith.index_cast %add3A_2706 : i32 to index
        %get3A_2764 = arith.constant 224 : index
        %get3A_2765 = tpu.vector_load %arg7[%get3A_2763, %get3A_2764] {strides = array<i32>} : memref<112x256xf32, #tpu.memory_space<vmem>>, vector<1x16xf32>,
        %get3A_2766 = vector.shape_cast %get3A_2765 : vector<1x16xf32> to vector<16xf32>
        %get3A_2767 = arith.index_cast %add3A_2706 : i32 to index
        %get3A_2768 = arith.constant 240 : index
        %get3A_2769 = tpu.vector_load %arg7[%get3A_2767, %get3A_2768] {strides = array<i32>} : memref<112x256xf32, #tpu.memory_space<vmem>>, vector<1x16xf32>,
        %get3A_2770 = vector.shape_cast %get3A_2769 : vector<1x16xf32> to vector<16xf32>
        %slice3A_2771 = vector.extract_strided_slice %select_n3A_126 {offsets = [12], sizes = [1], strides = [1]} : vector<16xi32> to vector<1xi32>
        %squeeze3A_2772 = vector.extract %slice3A_2771[0] : i32 from vector<1xi32>
        %ne3A_2773 = arith.cmpi ne, %squeeze3A_2772, %select_n3A_2559 : i32
        %select_n3A_2774 = arith.select %ne3A_2773, %squeeze3A_2772, %select_n3A_2559 : i32
        %add3A_2775 = arith.constant 1 : i32
        %add3A_2776 = arith.addi %select_n3A_2563, %add3A_2775 : i32
        %jit3A_2777 = arith.constant 1 : i32
        %select_n3A_2778 = arith.select %ne3A_2773, %jit3A_2777, %add3A_2776 : i32
        %jit3A_2779 = arith.constant 0.000000e+00 : f32
        %jit3A_2780 = arith.constant 1.000000e+00 : f32
        %select_n3A_2781 = arith.select %ne3A_2773, %jit3A_2779, %jit3A_2780 : f32
        %mul3A_2782 = vector.broadcast %select_n3A_2781 : f32 to vector<16xf32>
        %mul3A_2783 = arith.mulf %add3A_2569, %mul3A_2782 : vector<16xf32>
        %add3A_2784 = arith.addf %get3A_2710, %mul3A_2783 : vector<16xf32>
        %mul3A_2785 = vector.broadcast %select_n3A_2781 : f32 to vector<16xf32>
        %mul3A_2786 = arith.mulf %add3A_2572, %mul3A_2785 : vector<16xf32>
        %add3A_2787 = arith.addf %get3A_2714, %mul3A_2786 : vector<16xf32>
        %mul3A_2788 = vector.broadcast %select_n3A_2781 : f32 to vector<16xf32>
        %mul3A_2789 = arith.mulf %add3A_2575, %mul3A_2788 : vector<16xf32>
        %add3A_2790 = arith.addf %get3A_2718, %mul3A_2789 : vector<16xf32>
        %mul3A_2791 = vector.broadcast %select_n3A_2781 : f32 to vector<16xf32>
        %mul3A_2792 = arith.mulf %add3A_2578, %mul3A_2791 : vector<16xf32>
        %add3A_2793 = arith.addf %get3A_2722, %mul3A_2792 : vector<16xf32>
        %mul3A_2794 = vector.broadcast %select_n3A_2781 : f32 to vector<16xf32>
        %mul3A_2795 = arith.mulf %add3A_2581, %mul3A_2794 : vector<16xf32>
        %add3A_2796 = arith.addf %get3A_2726, %mul3A_2795 : vector<16xf32>
        %mul3A_2797 = vector.broadcast %select_n3A_2781 : f32 to vector<16xf32>
        %mul3A_2798 = arith.mulf %add3A_2584, %mul3A_2797 : vector<16xf32>
        %add3A_2799 = arith.addf %get3A_2730, %mul3A_2798 : vector<16xf32>
        %mul3A_2800 = vector.broadcast %select_n3A_2781 : f32 to vector<16xf32>
        %mul3A_2801 = arith.mulf %add3A_2587, %mul3A_2800 : vector<16xf32>
        %add3A_2802 = arith.addf %get3A_2734, %mul3A_2801 : vector<16xf32>
        %mul3A_2803 = vector.broadcast %select_n3A_2781 : f32 to vector<16xf32>
        %mul3A_2804 = arith.mulf %add3A_2590, %mul3A_2803 : vector<16xf32>
        %add3A_2805 = arith.addf %get3A_2738, %mul3A_2804 : vector<16xf32>
        %mul3A_2806 = vector.broadcast %select_n3A_2781 : f32 to vector<16xf32>
        %mul3A_2807 = arith.mulf %add3A_2593, %mul3A_2806 : vector<16xf32>
        %add3A_2808 = arith.addf %get3A_2742, %mul3A_2807 : vector<16xf32>
        %mul3A_2809 = vector.broadcast %select_n3A_2781 : f32 to vector<16xf32>
        %mul3A_2810 = arith.mulf %add3A_2596, %mul3A_2809 : vector<16xf32>
        %add3A_2811 = arith.addf %get3A_2746, %mul3A_2810 : vector<16xf32>
        %mul3A_2812 = vector.broadcast %select_n3A_2781 : f32 to vector<16xf32>
        %mul3A_2813 = arith.mulf %add3A_2599, %mul3A_2812 : vector<16xf32>
        %add3A_2814 = arith.addf %get3A_2750, %mul3A_2813 : vector<16xf32>
        %mul3A_2815 = vector.broadcast %select_n3A_2781 : f32 to vector<16xf32>
        %mul3A_2816 = arith.mulf %add3A_2602, %mul3A_2815 : vector<16xf32>
        %add3A_2817 = arith.addf %get3A_2754, %mul3A_2816 : vector<16xf32>
        %mul3A_2818 = vector.broadcast %select_n3A_2781 : f32 to vector<16xf32>
        %mul3A_2819 = arith.mulf %add3A_2605, %mul3A_2818 : vector<16xf32>
        %add3A_2820 = arith.addf %get3A_2758, %mul3A_2819 : vector<16xf32>
        %mul3A_2821 = vector.broadcast %select_n3A_2781 : f32 to vector<16xf32>
        %mul3A_2822 = arith.mulf %add3A_2608, %mul3A_2821 : vector<16xf32>
        %add3A_2823 = arith.addf %get3A_2762, %mul3A_2822 : vector<16xf32>
        %mul3A_2824 = vector.broadcast %select_n3A_2781 : f32 to vector<16xf32>
        %mul3A_2825 = arith.mulf %add3A_2611, %mul3A_2824 : vector<16xf32>
        %add3A_2826 = arith.addf %get3A_2766, %mul3A_2825 : vector<16xf32>
        %mul3A_2827 = vector.broadcast %select_n3A_2781 : f32 to vector<16xf32>
        %mul3A_2828 = arith.mulf %add3A_2614, %mul3A_2827 : vector<16xf32>
        %add3A_2829 = arith.addf %get3A_2770, %mul3A_2828 : vector<16xf32>
        %swap3A_2830 = arith.index_cast %select_n3A_2774 : i32 to index
        %swap3A_2831 = arith.constant 0 : index
        %swap3A_2832 = tpu.vector_load %arg8[%swap3A_2830, %swap3A_2831] {strides = array<i32>} : memref<136x256xf32, #tpu.memory_space<vmem>>, vector<1x16xf32>,
        %swap3A_2833 = vector.shape_cast %swap3A_2832 : vector<1x16xf32> to vector<16xf32>
        %swap3A_2834 = vector.shape_cast %add3A_2784 : vector<16xf32> to vector<1x16xf32>
        tpu.vector_store %arg8[%swap3A_2830, %swap3A_2831], %swap3A_2834 {strides = array<i32>} : memref<136x256xf32, #tpu.memory_space<vmem>>, vector<1x16xf32>,
        %swap3A_2835 = arith.index_cast %select_n3A_2774 : i32 to index
        %swap3A_2836 = arith.constant 16 : index
        %swap3A_2837 = tpu.vector_load %arg8[%swap3A_2835, %swap3A_2836] {strides = array<i32>} : memref<136x256xf32, #tpu.memory_space<vmem>>, vector<1x16xf32>,
        %swap3A_2838 = vector.shape_cast %swap3A_2837 : vector<1x16xf32> to vector<16xf32>
        %swap3A_2839 = vector.shape_cast %add3A_2787 : vector<16xf32> to vector<1x16xf32>
        tpu.vector_store %arg8[%swap3A_2835, %swap3A_2836], %swap3A_2839 {strides = array<i32>} : memref<136x256xf32, #tpu.memory_space<vmem>>, vector<1x16xf32>,
        %swap3A_2840 = arith.index_cast %select_n3A_2774 : i32 to index
        %swap3A_2841 = arith.constant 32 : index
        %swap3A_2842 = tpu.vector_load %arg8[%swap3A_2840, %swap3A_2841] {strides = array<i32>} : memref<136x256xf32, #tpu.memory_space<vmem>>, vector<1x16xf32>,
        %swap3A_2843 = vector.shape_cast %swap3A_2842 : vector<1x16xf32> to vector<16xf32>
        %swap3A_2844 = vector.shape_cast %add3A_2790 : vector<16xf32> to vector<1x16xf32>
        tpu.vector_store %arg8[%swap3A_2840, %swap3A_2841], %swap3A_2844 {strides = array<i32>} : memref<136x256xf32, #tpu.memory_space<vmem>>, vector<1x16xf32>,
        %swap3A_2845 = arith.index_cast %select_n3A_2774 : i32 to index
        %swap3A_2846 = arith.constant 48 : index
        %swap3A_2847 = tpu.vector_load %arg8[%swap3A_2845, %swap3A_2846] {strides = array<i32>} : memref<136x256xf32, #tpu.memory_space<vmem>>, vector<1x16xf32>,
        %swap3A_2848 = vector.shape_cast %swap3A_2847 : vector<1x16xf32> to vector<16xf32>
        %swap3A_2849 = vector.shape_cast %add3A_2793 : vector<16xf32> to vector<1x16xf32>
        tpu.vector_store %arg8[%swap3A_2845, %swap3A_2846], %swap3A_2849 {strides = array<i32>} : memref<136x256xf32, #tpu.memory_space<vmem>>, vector<1x16xf32>,
        %swap3A_2850 = arith.index_cast %select_n3A_2774 : i32 to index
        %swap3A_2851 = arith.constant 64 : index
        %swap3A_2852 = tpu.vector_load %arg8[%swap3A_2850, %swap3A_2851] {strides = array<i32>} : memref<136x256xf32, #tpu.memory_space<vmem>>, vector<1x16xf32>,
        %swap3A_2853 = vector.shape_cast %swap3A_2852 : vector<1x16xf32> to vector<16xf32>
        %swap3A_2854 = vector.shape_cast %add3A_2796 : vector<16xf32> to vector<1x16xf32>
        tpu.vector_store %arg8[%swap3A_2850, %swap3A_2851], %swap3A_2854 {strides = array<i32>} : memref<136x256xf32, #tpu.memory_space<vmem>>, vector<1x16xf32>,
        %swap3A_2855 = arith.index_cast %select_n3A_2774 : i32 to index
        %swap3A_2856 = arith.constant 80 : index
        %swap3A_2857 = tpu.vector_load %arg8[%swap3A_2855, %swap3A_2856] {strides = array<i32>} : memref<136x256xf32, #tpu.memory_space<vmem>>, vector<1x16xf32>,
        %swap3A_2858 = vector.shape_cast %swap3A_2857 : vector<1x16xf32> to vector<16xf32>
        %swap3A_2859 = vector.shape_cast %add3A_2799 : vector<16xf32> to vector<1x16xf32>
        tpu.vector_store %arg8[%swap3A_2855, %swap3A_2856], %swap3A_2859 {strides = array<i32>} : memref<136x256xf32, #tpu.memory_space<vmem>>, vector<1x16xf32>,
        %swap3A_2860 = arith.index_cast %select_n3A_2774 : i32 to index
        %swap3A_2861 = arith.constant 96 : index
        %swap3A_2862 = tpu.vector_load %arg8[%swap3A_2860, %swap3A_2861] {strides = array<i32>} : memref<136x256xf32, #tpu.memory_space<vmem>>, vector<1x16xf32>,
        %swap3A_2863 = vector.shape_cast %swap3A_2862 : vector<1x16xf32> to vector<16xf32>
        %swap3A_2864 = vector.shape_cast %add3A_2802 : vector<16xf32> to vector<1x16xf32>
        tpu.vector_store %arg8[%swap3A_2860, %swap3A_2861], %swap3A_2864 {strides = array<i32>} : memref<136x256xf32, #tpu.memory_space<vmem>>, vector<1x16xf32>,
        %swap3A_2865 = arith.index_cast %select_n3A_2774 : i32 to index
        %swap3A_2866 = arith.constant 112 : index
        %swap3A_2867 = tpu.vector_load %arg8[%swap3A_2865, %swap3A_2866] {strides = array<i32>} : memref<136x256xf32, #tpu.memory_space<vmem>>, vector<1x16xf32>,
        %swap3A_2868 = vector.shape_cast %swap3A_2867 : vector<1x16xf32> to vector<16xf32>
        %swap3A_2869 = vector.shape_cast %add3A_2805 : vector<16xf32> to vector<1x16xf32>
        tpu.vector_store %arg8[%swap3A_2865, %swap3A_2866], %swap3A_2869 {strides = array<i32>} : memref<136x256xf32, #tpu.memory_space<vmem>>, vector<1x16xf32>,
        %swap3A_2870 = arith.index_cast %select_n3A_2774 : i32 to index
        %swap3A_2871 = arith.constant 128 : index
        %swap3A_2872 = tpu.vector_load %arg8[%swap3A_2870, %swap3A_2871] {strides = array<i32>} : memref<136x256xf32, #tpu.memory_space<vmem>>, vector<1x16xf32>,
        %swap3A_2873 = vector.shape_cast %swap3A_2872 : vector<1x16xf32> to vector<16xf32>
        %swap3A_2874 = vector.shape_cast %add3A_2808 : vector<16xf32> to vector<1x16xf32>
        tpu.vector_store %arg8[%swap3A_2870, %swap3A_2871], %swap3A_2874 {strides = array<i32>} : memref<136x256xf32, #tpu.memory_space<vmem>>, vector<1x16xf32>,
        %swap3A_2875 = arith.index_cast %select_n3A_2774 : i32 to index
        %swap3A_2876 = arith.constant 144 : index
        %swap3A_2877 = tpu.vector_load %arg8[%swap3A_2875, %swap3A_2876] {strides = array<i32>} : memref<136x256xf32, #tpu.memory_space<vmem>>, vector<1x16xf32>,
        %swap3A_2878 = vector.shape_cast %swap3A_2877 : vector<1x16xf32> to vector<16xf32>
        %swap3A_2879 = vector.shape_cast %add3A_2811 : vector<16xf32> to vector<1x16xf32>
        tpu.vector_store %arg8[%swap3A_2875, %swap3A_2876], %swap3A_2879 {strides = array<i32>} : memref<136x256xf32, #tpu.memory_space<vmem>>, vector<1x16xf32>,
        %swap3A_2880 = arith.index_cast %select_n3A_2774 : i32 to index
        %swap3A_2881 = arith.constant 160 : index
        %swap3A_2882 = tpu.vector_load %arg8[%swap3A_2880, %swap3A_2881] {strides = array<i32>} : memref<136x256xf32, #tpu.memory_space<vmem>>, vector<1x16xf32>,
        %swap3A_2883 = vector.shape_cast %swap3A_2882 : vector<1x16xf32> to vector<16xf32>
        %swap3A_2884 = vector.shape_cast %add3A_2814 : vector<16xf32> to vector<1x16xf32>
        tpu.vector_store %arg8[%swap3A_2880, %swap3A_2881], %swap3A_2884 {strides = array<i32>} : memref<136x256xf32, #tpu.memory_space<vmem>>, vector<1x16xf32>,
        %swap3A_2885 = arith.index_cast %select_n3A_2774 : i32 to index
        %swap3A_2886 = arith.constant 176 : index
        %swap3A_2887 = tpu.vector_load %arg8[%swap3A_2885, %swap3A_2886] {strides = array<i32>} : memref<136x256xf32, #tpu.memory_space<vmem>>, vector<1x16xf32>,
        %swap3A_2888 = vector.shape_cast %swap3A_2887 : vector<1x16xf32> to vector<16xf32>
        %swap3A_2889 = vector.shape_cast %add3A_2817 : vector<16xf32> to vector<1x16xf32>
        tpu.vector_store %arg8[%swap3A_2885, %swap3A_2886], %swap3A_2889 {strides = array<i32>} : memref<136x256xf32, #tpu.memory_space<vmem>>, vector<1x16xf32>,
        %swap3A_2890 = arith.index_cast %select_n3A_2774 : i32 to index
        %swap3A_2891 = arith.constant 192 : index
        %swap3A_2892 = tpu.vector_load %arg8[%swap3A_2890, %swap3A_2891] {strides = array<i32>} : memref<136x256xf32, #tpu.memory_space<vmem>>, vector<1x16xf32>,
        %swap3A_2893 = vector.shape_cast %swap3A_2892 : vector<1x16xf32> to vector<16xf32>
        %swap3A_2894 = vector.shape_cast %add3A_2820 : vector<16xf32> to vector<1x16xf32>
        tpu.vector_store %arg8[%swap3A_2890, %swap3A_2891], %swap3A_2894 {strides = array<i32>} : memref<136x256xf32, #tpu.memory_space<vmem>>, vector<1x16xf32>,
        %swap3A_2895 = arith.index_cast %select_n3A_2774 : i32 to index
        %swap3A_2896 = arith.constant 208 : index
        %swap3A_2897 = tpu.vector_load %arg8[%swap3A_2895, %swap3A_2896] {strides = array<i32>} : memref<136x256xf32, #tpu.memory_space<vmem>>, vector<1x16xf32>,
        %swap3A_2898 = vector.shape_cast %swap3A_2897 : vector<1x16xf32> to vector<16xf32>
        %swap3A_2899 = vector.shape_cast %add3A_2823 : vector<16xf32> to vector<1x16xf32>
        tpu.vector_store %arg8[%swap3A_2895, %swap3A_2896], %swap3A_2899 {strides = array<i32>} : memref<136x256xf32, #tpu.memory_space<vmem>>, vector<1x16xf32>,
        %swap3A_2900 = arith.index_cast %select_n3A_2774 : i32 to index
        %swap3A_2901 = arith.constant 224 : index
        %swap3A_2902 = tpu.vector_load %arg8[%swap3A_2900, %swap3A_2901] {strides = array<i32>} : memref<136x256xf32, #tpu.memory_space<vmem>>, vector<1x16xf32>,
        %swap3A_2903 = vector.shape_cast %swap3A_2902 : vector<1x16xf32> to vector<16xf32>
        %swap3A_2904 = vector.shape_cast %add3A_2826 : vector<16xf32> to vector<1x16xf32>
        tpu.vector_store %arg8[%swap3A_2900, %swap3A_2901], %swap3A_2904 {strides = array<i32>} : memref<136x256xf32, #tpu.memory_space<vmem>>, vector<1x16xf32>,
        %swap3A_2905 = arith.index_cast %select_n3A_2774 : i32 to index
        %swap3A_2906 = arith.constant 240 : index
        %swap3A_2907 = tpu.vector_load %arg8[%swap3A_2905, %swap3A_2906] {strides = array<i32>} : memref<136x256xf32, #tpu.memory_space<vmem>>, vector<1x16xf32>,
        %swap3A_2908 = vector.shape_cast %swap3A_2907 : vector<1x16xf32> to vector<16xf32>
        %swap3A_2909 = vector.shape_cast %add3A_2829 : vector<16xf32> to vector<1x16xf32>
        tpu.vector_store %arg8[%swap3A_2905, %swap3A_2906], %swap3A_2909 {strides = array<i32>} : memref<136x256xf32, #tpu.memory_space<vmem>>, vector<1x16xf32>,
        %convert_element_type3A_2910 = arith.sitofp %select_n3A_2778 : i32 to f32
        %mul3A_2911 = vector.broadcast %convert_element_type3A_2910 : f32 to vector<16xf32>
        %mul3A_2912 = arith.mulf %broadcast_in_dim3A_16, %mul3A_2911 : vector<16xf32>
        %swap3A_2913 = arith.index_cast %select_n3A_2774 : i32 to index
        %swap3A_2914 = arith.constant 0 : index
        %swap3A_2915 = tpu.vector_load %arg9[%swap3A_2913, %swap3A_2914] {strides = array<i32>} : memref<136x16xf32, #tpu.memory_space<vmem>>, vector<1x16xf32>,
        %swap3A_2916 = vector.shape_cast %swap3A_2915 : vector<1x16xf32> to vector<16xf32>
        %swap3A_2917 = vector.shape_cast %mul3A_2912 : vector<16xf32> to vector<1x16xf32>
        tpu.vector_store %arg9[%swap3A_2913, %swap3A_2914], %swap3A_2917 {strides = array<i32>} : memref<136x16xf32, #tpu.memory_space<vmem>>, vector<1x16xf32>,
        %mul3A_2918 = arith.constant 16 : i32
        %mul3A_2919 = arith.muli %scan3A_93, %mul3A_2918 : i32
        %add3A_2920 = arith.constant 13 : i32
        %add3A_2921 = arith.addi %mul3A_2919, %add3A_2920 : i32
        %get3A_2922 = arith.index_cast %add3A_2921 : i32 to index
        %get3A_2923 = arith.constant 0 : index
        %get3A_2924 = tpu.vector_load %arg7[%get3A_2922, %get3A_2923] {strides = array<i32>} : memref<112x256xf32, #tpu.memory_space<vmem>>, vector<1x16xf32>,
        %get3A_2925 = vector.shape_cast %get3A_2924 : vector<1x16xf32> to vector<16xf32>
        %get3A_2926 = arith.index_cast %add3A_2921 : i32 to index
        %get3A_2927 = arith.constant 16 : index
        %get3A_2928 = tpu.vector_load %arg7[%get3A_2926, %get3A_2927] {strides = array<i32>} : memref<112x256xf32, #tpu.memory_space<vmem>>, vector<1x16xf32>,
        %get3A_2929 = vector.shape_cast %get3A_2928 : vector<1x16xf32> to vector<16xf32>
        %get3A_2930 = arith.index_cast %add3A_2921 : i32 to index
        %get3A_2931 = arith.constant 32 : index
        %get3A_2932 = tpu.vector_load %arg7[%get3A_2930, %get3A_2931] {strides = array<i32>} : memref<112x256xf32, #tpu.memory_space<vmem>>, vector<1x16xf32>,
        %get3A_2933 = vector.shape_cast %get3A_2932 : vector<1x16xf32> to vector<16xf32>
        %get3A_2934 = arith.index_cast %add3A_2921 : i32 to index
        %get3A_2935 = arith.constant 48 : index
        %get3A_2936 = tpu.vector_load %arg7[%get3A_2934, %get3A_2935] {strides = array<i32>} : memref<112x256xf32, #tpu.memory_space<vmem>>, vector<1x16xf32>,
        %get3A_2937 = vector.shape_cast %get3A_2936 : vector<1x16xf32> to vector<16xf32>
        %get3A_2938 = arith.index_cast %add3A_2921 : i32 to index
        %get3A_2939 = arith.constant 64 : index
        %get3A_2940 = tpu.vector_load %arg7[%get3A_2938, %get3A_2939] {strides = array<i32>} : memref<112x256xf32, #tpu.memory_space<vmem>>, vector<1x16xf32>,
        %get3A_2941 = vector.shape_cast %get3A_2940 : vector<1x16xf32> to vector<16xf32>
        %get3A_2942 = arith.index_cast %add3A_2921 : i32 to index
        %get3A_2943 = arith.constant 80 : index
        %get3A_2944 = tpu.vector_load %arg7[%get3A_2942, %get3A_2943] {strides = array<i32>} : memref<112x256xf32, #tpu.memory_space<vmem>>, vector<1x16xf32>,
        %get3A_2945 = vector.shape_cast %get3A_2944 : vector<1x16xf32> to vector<16xf32>
        %get3A_2946 = arith.index_cast %add3A_2921 : i32 to index
        %get3A_2947 = arith.constant 96 : index
        %get3A_2948 = tpu.vector_load %arg7[%get3A_2946, %get3A_2947] {strides = array<i32>} : memref<112x256xf32, #tpu.memory_space<vmem>>, vector<1x16xf32>,
        %get3A_2949 = vector.shape_cast %get3A_2948 : vector<1x16xf32> to vector<16xf32>
        %get3A_2950 = arith.index_cast %add3A_2921 : i32 to index
        %get3A_2951 = arith.constant 112 : index
        %get3A_2952 = tpu.vector_load %arg7[%get3A_2950, %get3A_2951] {strides = array<i32>} : memref<112x256xf32, #tpu.memory_space<vmem>>, vector<1x16xf32>,
        %get3A_2953 = vector.shape_cast %get3A_2952 : vector<1x16xf32> to vector<16xf32>
        %get3A_2954 = arith.index_cast %add3A_2921 : i32 to index
        %get3A_2955 = arith.constant 128 : index
        %get3A_2956 = tpu.vector_load %arg7[%get3A_2954, %get3A_2955] {strides = array<i32>} : memref<112x256xf32, #tpu.memory_space<vmem>>, vector<1x16xf32>,
        %get3A_2957 = vector.shape_cast %get3A_2956 : vector<1x16xf32> to vector<16xf32>
        %get3A_2958 = arith.index_cast %add3A_2921 : i32 to index
        %get3A_2959 = arith.constant 144 : index
        %get3A_2960 = tpu.vector_load %arg7[%get3A_2958, %get3A_2959] {strides = array<i32>} : memref<112x256xf32, #tpu.memory_space<vmem>>, vector<1x16xf32>,
        %get3A_2961 = vector.shape_cast %get3A_2960 : vector<1x16xf32> to vector<16xf32>
        %get3A_2962 = arith.index_cast %add3A_2921 : i32 to index
        %get3A_2963 = arith.constant 160 : index
        %get3A_2964 = tpu.vector_load %arg7[%get3A_2962, %get3A_2963] {strides = array<i32>} : memref<112x256xf32, #tpu.memory_space<vmem>>, vector<1x16xf32>,
        %get3A_2965 = vector.shape_cast %get3A_2964 : vector<1x16xf32> to vector<16xf32>
        %get3A_2966 = arith.index_cast %add3A_2921 : i32 to index
        %get3A_2967 = arith.constant 176 : index
        %get3A_2968 = tpu.vector_load %arg7[%get3A_2966, %get3A_2967] {strides = array<i32>} : memref<112x256xf32, #tpu.memory_space<vmem>>, vector<1x16xf32>,
        %get3A_2969 = vector.shape_cast %get3A_2968 : vector<1x16xf32> to vector<16xf32>
        %get3A_2970 = arith.index_cast %add3A_2921 : i32 to index
        %get3A_2971 = arith.constant 192 : index
        %get3A_2972 = tpu.vector_load %arg7[%get3A_2970, %get3A_2971] {strides = array<i32>} : memref<112x256xf32, #tpu.memory_space<vmem>>, vector<1x16xf32>,
        %get3A_2973 = vector.shape_cast %get3A_2972 : vector<1x16xf32> to vector<16xf32>
        %get3A_2974 = arith.index_cast %add3A_2921 : i32 to index
        %get3A_2975 = arith.constant 208 : index
        %get3A_2976 = tpu.vector_load %arg7[%get3A_2974, %get3A_2975] {strides = array<i32>} : memref<112x256xf32, #tpu.memory_space<vmem>>, vector<1x16xf32>,
        %get3A_2977 = vector.shape_cast %get3A_2976 : vector<1x16xf32> to vector<16xf32>
        %get3A_2978 = arith.index_cast %add3A_2921 : i32 to index
        %get3A_2979 = arith.constant 224 : index
        %get3A_2980 = tpu.vector_load %arg7[%get3A_2978, %get3A_2979] {strides = array<i32>} : memref<112x256xf32, #tpu.memory_space<vmem>>, vector<1x16xf32>,
        %get3A_2981 = vector.shape_cast %get3A_2980 : vector<1x16xf32> to vector<16xf32>
        %get3A_2982 = arith.index_cast %add3A_2921 : i32 to index
        %get3A_2983 = arith.constant 240 : index
        %get3A_2984 = tpu.vector_load %arg7[%get3A_2982, %get3A_2983] {strides = array<i32>} : memref<112x256xf32, #tpu.memory_space<vmem>>, vector<1x16xf32>,
        %get3A_2985 = vector.shape_cast %get3A_2984 : vector<1x16xf32> to vector<16xf32>
        %slice3A_2986 = vector.extract_strided_slice %select_n3A_126 {offsets = [13], sizes = [1], strides = [1]} : vector<16xi32> to vector<1xi32>
        %squeeze3A_2987 = vector.extract %slice3A_2986[0] : i32 from vector<1xi32>
        %ne3A_2988 = arith.cmpi ne, %squeeze3A_2987, %select_n3A_2774 : i32
        %select_n3A_2989 = arith.select %ne3A_2988, %squeeze3A_2987, %select_n3A_2774 : i32
        %add3A_2990 = arith.constant 1 : i32
        %add3A_2991 = arith.addi %select_n3A_2778, %add3A_2990 : i32
        %jit3A_2992 = arith.constant 1 : i32
        %select_n3A_2993 = arith.select %ne3A_2988, %jit3A_2992, %add3A_2991 : i32
        %jit3A_2994 = arith.constant 0.000000e+00 : f32
        %jit3A_2995 = arith.constant 1.000000e+00 : f32
        %select_n3A_2996 = arith.select %ne3A_2988, %jit3A_2994, %jit3A_2995 : f32
        %mul3A_2997 = vector.broadcast %select_n3A_2996 : f32 to vector<16xf32>
        %mul3A_2998 = arith.mulf %add3A_2784, %mul3A_2997 : vector<16xf32>
        %add3A_2999 = arith.addf %get3A_2925, %mul3A_2998 : vector<16xf32>
        %mul3A_3000 = vector.broadcast %select_n3A_2996 : f32 to vector<16xf32>
        %mul3A_3001 = arith.mulf %add3A_2787, %mul3A_3000 : vector<16xf32>
        %add3A_3002 = arith.addf %get3A_2929, %mul3A_3001 : vector<16xf32>
        %mul3A_3003 = vector.broadcast %select_n3A_2996 : f32 to vector<16xf32>
        %mul3A_3004 = arith.mulf %add3A_2790, %mul3A_3003 : vector<16xf32>
        %add3A_3005 = arith.addf %get3A_2933, %mul3A_3004 : vector<16xf32>
        %mul3A_3006 = vector.broadcast %select_n3A_2996 : f32 to vector<16xf32>
        %mul3A_3007 = arith.mulf %add3A_2793, %mul3A_3006 : vector<16xf32>
        %add3A_3008 = arith.addf %get3A_2937, %mul3A_3007 : vector<16xf32>
        %mul3A_3009 = vector.broadcast %select_n3A_2996 : f32 to vector<16xf32>
        %mul3A_3010 = arith.mulf %add3A_2796, %mul3A_3009 : vector<16xf32>
        %add3A_3011 = arith.addf %get3A_2941, %mul3A_3010 : vector<16xf32>
        %mul3A_3012 = vector.broadcast %select_n3A_2996 : f32 to vector<16xf32>
        %mul3A_3013 = arith.mulf %add3A_2799, %mul3A_3012 : vector<16xf32>
        %add3A_3014 = arith.addf %get3A_2945, %mul3A_3013 : vector<16xf32>
        %mul3A_3015 = vector.broadcast %select_n3A_2996 : f32 to vector<16xf32>
        %mul3A_3016 = arith.mulf %add3A_2802, %mul3A_3015 : vector<16xf32>
        %add3A_3017 = arith.addf %get3A_2949, %mul3A_3016 : vector<16xf32>
        %mul3A_3018 = vector.broadcast %select_n3A_2996 : f32 to vector<16xf32>
        %mul3A_3019 = arith.mulf %add3A_2805, %mul3A_3018 : vector<16xf32>
        %add3A_3020 = arith.addf %get3A_2953, %mul3A_3019 : vector<16xf32>
        %mul3A_3021 = vector.broadcast %select_n3A_2996 : f32 to vector<16xf32>
        %mul3A_3022 = arith.mulf %add3A_2808, %mul3A_3021 : vector<16xf32>
        %add3A_3023 = arith.addf %get3A_2957, %mul3A_3022 : vector<16xf32>
        %mul3A_3024 = vector.broadcast %select_n3A_2996 : f32 to vector<16xf32>
        %mul3A_3025 = arith.mulf %add3A_2811, %mul3A_3024 : vector<16xf32>
        %add3A_3026 = arith.addf %get3A_2961, %mul3A_3025 : vector<16xf32>
        %mul3A_3027 = vector.broadcast %select_n3A_2996 : f32 to vector<16xf32>
        %mul3A_3028 = arith.mulf %add3A_2814, %mul3A_3027 : vector<16xf32>
        %add3A_3029 = arith.addf %get3A_2965, %mul3A_3028 : vector<16xf32>
        %mul3A_3030 = vector.broadcast %select_n3A_2996 : f32 to vector<16xf32>
        %mul3A_3031 = arith.mulf %add3A_2817, %mul3A_3030 : vector<16xf32>
        %add3A_3032 = arith.addf %get3A_2969, %mul3A_3031 : vector<16xf32>
        %mul3A_3033 = vector.broadcast %select_n3A_2996 : f32 to vector<16xf32>
        %mul3A_3034 = arith.mulf %add3A_2820, %mul3A_3033 : vector<16xf32>
        %add3A_3035 = arith.addf %get3A_2973, %mul3A_3034 : vector<16xf32>
        %mul3A_3036 = vector.broadcast %select_n3A_2996 : f32 to vector<16xf32>
        %mul3A_3037 = arith.mulf %add3A_2823, %mul3A_3036 : vector<16xf32>
        %add3A_3038 = arith.addf %get3A_2977, %mul3A_3037 : vector<16xf32>
        %mul3A_3039 = vector.broadcast %select_n3A_2996 : f32 to vector<16xf32>
        %mul3A_3040 = arith.mulf %add3A_2826, %mul3A_3039 : vector<16xf32>
        %add3A_3041 = arith.addf %get3A_2981, %mul3A_3040 : vector<16xf32>
        %mul3A_3042 = vector.broadcast %select_n3A_2996 : f32 to vector<16xf32>
        %mul3A_3043 = arith.mulf %add3A_2829, %mul3A_3042 : vector<16xf32>
        %add3A_3044 = arith.addf %get3A_2985, %mul3A_3043 : vector<16xf32>
        %swap3A_3045 = arith.index_cast %select_n3A_2989 : i32 to index
        %swap3A_3046 = arith.constant 0 : index
        %swap3A_3047 = tpu.vector_load %arg8[%swap3A_3045, %swap3A_3046] {strides = array<i32>} : memref<136x256xf32, #tpu.memory_space<vmem>>, vector<1x16xf32>,
        %swap3A_3048 = vector.shape_cast %swap3A_3047 : vector<1x16xf32> to vector<16xf32>
        %swap3A_3049 = vector.shape_cast %add3A_2999 : vector<16xf32> to vector<1x16xf32>
        tpu.vector_store %arg8[%swap3A_3045, %swap3A_3046], %swap3A_3049 {strides = array<i32>} : memref<136x256xf32, #tpu.memory_space<vmem>>, vector<1x16xf32>,
        %swap3A_3050 = arith.index_cast %select_n3A_2989 : i32 to index
        %swap3A_3051 = arith.constant 16 : index
        %swap3A_3052 = tpu.vector_load %arg8[%swap3A_3050, %swap3A_3051] {strides = array<i32>} : memref<136x256xf32, #tpu.memory_space<vmem>>, vector<1x16xf32>,
        %swap3A_3053 = vector.shape_cast %swap3A_3052 : vector<1x16xf32> to vector<16xf32>
        %swap3A_3054 = vector.shape_cast %add3A_3002 : vector<16xf32> to vector<1x16xf32>
        tpu.vector_store %arg8[%swap3A_3050, %swap3A_3051], %swap3A_3054 {strides = array<i32>} : memref<136x256xf32, #tpu.memory_space<vmem>>, vector<1x16xf32>,
        %swap3A_3055 = arith.index_cast %select_n3A_2989 : i32 to index
        %swap3A_3056 = arith.constant 32 : index
        %swap3A_3057 = tpu.vector_load %arg8[%swap3A_3055, %swap3A_3056] {strides = array<i32>} : memref<136x256xf32, #tpu.memory_space<vmem>>, vector<1x16xf32>,
        %swap3A_3058 = vector.shape_cast %swap3A_3057 : vector<1x16xf32> to vector<16xf32>
        %swap3A_3059 = vector.shape_cast %add3A_3005 : vector<16xf32> to vector<1x16xf32>
        tpu.vector_store %arg8[%swap3A_3055, %swap3A_3056], %swap3A_3059 {strides = array<i32>} : memref<136x256xf32, #tpu.memory_space<vmem>>, vector<1x16xf32>,
        %swap3A_3060 = arith.index_cast %select_n3A_2989 : i32 to index
        %swap3A_3061 = arith.constant 48 : index
        %swap3A_3062 = tpu.vector_load %arg8[%swap3A_3060, %swap3A_3061] {strides = array<i32>} : memref<136x256xf32, #tpu.memory_space<vmem>>, vector<1x16xf32>,
        %swap3A_3063 = vector.shape_cast %swap3A_3062 : vector<1x16xf32> to vector<16xf32>
        %swap3A_3064 = vector.shape_cast %add3A_3008 : vector<16xf32> to vector<1x16xf32>
        tpu.vector_store %arg8[%swap3A_3060, %swap3A_3061], %swap3A_3064 {strides = array<i32>} : memref<136x256xf32, #tpu.memory_space<vmem>>, vector<1x16xf32>,
        %swap3A_3065 = arith.index_cast %select_n3A_2989 : i32 to index
        %swap3A_3066 = arith.constant 64 : index
        %swap3A_3067 = tpu.vector_load %arg8[%swap3A_3065, %swap3A_3066] {strides = array<i32>} : memref<136x256xf32, #tpu.memory_space<vmem>>, vector<1x16xf32>,
        %swap3A_3068 = vector.shape_cast %swap3A_3067 : vector<1x16xf32> to vector<16xf32>
        %swap3A_3069 = vector.shape_cast %add3A_3011 : vector<16xf32> to vector<1x16xf32>
        tpu.vector_store %arg8[%swap3A_3065, %swap3A_3066], %swap3A_3069 {strides = array<i32>} : memref<136x256xf32, #tpu.memory_space<vmem>>, vector<1x16xf32>,
        %swap3A_3070 = arith.index_cast %select_n3A_2989 : i32 to index
        %swap3A_3071 = arith.constant 80 : index
        %swap3A_3072 = tpu.vector_load %arg8[%swap3A_3070, %swap3A_3071] {strides = array<i32>} : memref<136x256xf32, #tpu.memory_space<vmem>>, vector<1x16xf32>,
        %swap3A_3073 = vector.shape_cast %swap3A_3072 : vector<1x16xf32> to vector<16xf32>
        %swap3A_3074 = vector.shape_cast %add3A_3014 : vector<16xf32> to vector<1x16xf32>
        tpu.vector_store %arg8[%swap3A_3070, %swap3A_3071], %swap3A_3074 {strides = array<i32>} : memref<136x256xf32, #tpu.memory_space<vmem>>, vector<1x16xf32>,
        %swap3A_3075 = arith.index_cast %select_n3A_2989 : i32 to index
        %swap3A_3076 = arith.constant 96 : index
        %swap3A_3077 = tpu.vector_load %arg8[%swap3A_3075, %swap3A_3076] {strides = array<i32>} : memref<136x256xf32, #tpu.memory_space<vmem>>, vector<1x16xf32>,
        %swap3A_3078 = vector.shape_cast %swap3A_3077 : vector<1x16xf32> to vector<16xf32>
        %swap3A_3079 = vector.shape_cast %add3A_3017 : vector<16xf32> to vector<1x16xf32>
        tpu.vector_store %arg8[%swap3A_3075, %swap3A_3076], %swap3A_3079 {strides = array<i32>} : memref<136x256xf32, #tpu.memory_space<vmem>>, vector<1x16xf32>,
        %swap3A_3080 = arith.index_cast %select_n3A_2989 : i32 to index
        %swap3A_3081 = arith.constant 112 : index
        %swap3A_3082 = tpu.vector_load %arg8[%swap3A_3080, %swap3A_3081] {strides = array<i32>} : memref<136x256xf32, #tpu.memory_space<vmem>>, vector<1x16xf32>,
        %swap3A_3083 = vector.shape_cast %swap3A_3082 : vector<1x16xf32> to vector<16xf32>
        %swap3A_3084 = vector.shape_cast %add3A_3020 : vector<16xf32> to vector<1x16xf32>
        tpu.vector_store %arg8[%swap3A_3080, %swap3A_3081], %swap3A_3084 {strides = array<i32>} : memref<136x256xf32, #tpu.memory_space<vmem>>, vector<1x16xf32>,
        %swap3A_3085 = arith.index_cast %select_n3A_2989 : i32 to index
        %swap3A_3086 = arith.constant 128 : index
        %swap3A_3087 = tpu.vector_load %arg8[%swap3A_3085, %swap3A_3086] {strides = array<i32>} : memref<136x256xf32, #tpu.memory_space<vmem>>, vector<1x16xf32>,
        %swap3A_3088 = vector.shape_cast %swap3A_3087 : vector<1x16xf32> to vector<16xf32>
        %swap3A_3089 = vector.shape_cast %add3A_3023 : vector<16xf32> to vector<1x16xf32>
        tpu.vector_store %arg8[%swap3A_3085, %swap3A_3086], %swap3A_3089 {strides = array<i32>} : memref<136x256xf32, #tpu.memory_space<vmem>>, vector<1x16xf32>,
        %swap3A_3090 = arith.index_cast %select_n3A_2989 : i32 to index
        %swap3A_3091 = arith.constant 144 : index
        %swap3A_3092 = tpu.vector_load %arg8[%swap3A_3090, %swap3A_3091] {strides = array<i32>} : memref<136x256xf32, #tpu.memory_space<vmem>>, vector<1x16xf32>,
        %swap3A_3093 = vector.shape_cast %swap3A_3092 : vector<1x16xf32> to vector<16xf32>
        %swap3A_3094 = vector.shape_cast %add3A_3026 : vector<16xf32> to vector<1x16xf32>
        tpu.vector_store %arg8[%swap3A_3090, %swap3A_3091], %swap3A_3094 {strides = array<i32>} : memref<136x256xf32, #tpu.memory_space<vmem>>, vector<1x16xf32>,
        %swap3A_3095 = arith.index_cast %select_n3A_2989 : i32 to index
        %swap3A_3096 = arith.constant 160 : index
        %swap3A_3097 = tpu.vector_load %arg8[%swap3A_3095, %swap3A_3096] {strides = array<i32>} : memref<136x256xf32, #tpu.memory_space<vmem>>, vector<1x16xf32>,
        %swap3A_3098 = vector.shape_cast %swap3A_3097 : vector<1x16xf32> to vector<16xf32>
        %swap3A_3099 = vector.shape_cast %add3A_3029 : vector<16xf32> to vector<1x16xf32>
        tpu.vector_store %arg8[%swap3A_3095, %swap3A_3096], %swap3A_3099 {strides = array<i32>} : memref<136x256xf32, #tpu.memory_space<vmem>>, vector<1x16xf32>,
        %swap3A_3100 = arith.index_cast %select_n3A_2989 : i32 to index
        %swap3A_3101 = arith.constant 176 : index
        %swap3A_3102 = tpu.vector_load %arg8[%swap3A_3100, %swap3A_3101] {strides = array<i32>} : memref<136x256xf32, #tpu.memory_space<vmem>>, vector<1x16xf32>,
        %swap3A_3103 = vector.shape_cast %swap3A_3102 : vector<1x16xf32> to vector<16xf32>
        %swap3A_3104 = vector.shape_cast %add3A_3032 : vector<16xf32> to vector<1x16xf32>
        tpu.vector_store %arg8[%swap3A_3100, %swap3A_3101], %swap3A_3104 {strides = array<i32>} : memref<136x256xf32, #tpu.memory_space<vmem>>, vector<1x16xf32>,
        %swap3A_3105 = arith.index_cast %select_n3A_2989 : i32 to index
        %swap3A_3106 = arith.constant 192 : index
        %swap3A_3107 = tpu.vector_load %arg8[%swap3A_3105, %swap3A_3106] {strides = array<i32>} : memref<136x256xf32, #tpu.memory_space<vmem>>, vector<1x16xf32>,
        %swap3A_3108 = vector.shape_cast %swap3A_3107 : vector<1x16xf32> to vector<16xf32>
        %swap3A_3109 = vector.shape_cast %add3A_3035 : vector<16xf32> to vector<1x16xf32>
        tpu.vector_store %arg8[%swap3A_3105, %swap3A_3106], %swap3A_3109 {strides = array<i32>} : memref<136x256xf32, #tpu.memory_space<vmem>>, vector<1x16xf32>,
        %swap3A_3110 = arith.index_cast %select_n3A_2989 : i32 to index
        %swap3A_3111 = arith.constant 208 : index
        %swap3A_3112 = tpu.vector_load %arg8[%swap3A_3110, %swap3A_3111] {strides = array<i32>} : memref<136x256xf32, #tpu.memory_space<vmem>>, vector<1x16xf32>,
        %swap3A_3113 = vector.shape_cast %swap3A_3112 : vector<1x16xf32> to vector<16xf32>
        %swap3A_3114 = vector.shape_cast %add3A_3038 : vector<16xf32> to vector<1x16xf32>
        tpu.vector_store %arg8[%swap3A_3110, %swap3A_3111], %swap3A_3114 {strides = array<i32>} : memref<136x256xf32, #tpu.memory_space<vmem>>, vector<1x16xf32>,
        %swap3A_3115 = arith.index_cast %select_n3A_2989 : i32 to index
        %swap3A_3116 = arith.constant 224 : index
        %swap3A_3117 = tpu.vector_load %arg8[%swap3A_3115, %swap3A_3116] {strides = array<i32>} : memref<136x256xf32, #tpu.memory_space<vmem>>, vector<1x16xf32>,
        %swap3A_3118 = vector.shape_cast %swap3A_3117 : vector<1x16xf32> to vector<16xf32>
        %swap3A_3119 = vector.shape_cast %add3A_3041 : vector<16xf32> to vector<1x16xf32>
        tpu.vector_store %arg8[%swap3A_3115, %swap3A_3116], %swap3A_3119 {strides = array<i32>} : memref<136x256xf32, #tpu.memory_space<vmem>>, vector<1x16xf32>,
        %swap3A_3120 = arith.index_cast %select_n3A_2989 : i32 to index
        %swap3A_3121 = arith.constant 240 : index
        %swap3A_3122 = tpu.vector_load %arg8[%swap3A_3120, %swap3A_3121] {strides = array<i32>} : memref<136x256xf32, #tpu.memory_space<vmem>>, vector<1x16xf32>,
        %swap3A_3123 = vector.shape_cast %swap3A_3122 : vector<1x16xf32> to vector<16xf32>
        %swap3A_3124 = vector.shape_cast %add3A_3044 : vector<16xf32> to vector<1x16xf32>
        tpu.vector_store %arg8[%swap3A_3120, %swap3A_3121], %swap3A_3124 {strides = array<i32>} : memref<136x256xf32, #tpu.memory_space<vmem>>, vector<1x16xf32>,
        %convert_element_type3A_3125 = arith.sitofp %select_n3A_2993 : i32 to f32
        %mul3A_3126 = vector.broadcast %convert_element_type3A_3125 : f32 to vector<16xf32>
        %mul3A_3127 = arith.mulf %broadcast_in_dim3A_16, %mul3A_3126 : vector<16xf32>
        %swap3A_3128 = arith.index_cast %select_n3A_2989 : i32 to index
        %swap3A_3129 = arith.constant 0 : index
        %swap3A_3130 = tpu.vector_load %arg9[%swap3A_3128, %swap3A_3129] {strides = array<i32>} : memref<136x16xf32, #tpu.memory_space<vmem>>, vector<1x16xf32>,
        %swap3A_3131 = vector.shape_cast %swap3A_3130 : vector<1x16xf32> to vector<16xf32>
        %swap3A_3132 = vector.shape_cast %mul3A_3127 : vector<16xf32> to vector<1x16xf32>
        tpu.vector_store %arg9[%swap3A_3128, %swap3A_3129], %swap3A_3132 {strides = array<i32>} : memref<136x16xf32, #tpu.memory_space<vmem>>, vector<1x16xf32>,
        %mul3A_3133 = arith.constant 16 : i32
        %mul3A_3134 = arith.muli %scan3A_93, %mul3A_3133 : i32
        %add3A_3135 = arith.constant 14 : i32
        %add3A_3136 = arith.addi %mul3A_3134, %add3A_3135 : i32
        %get3A_3137 = arith.index_cast %add3A_3136 : i32 to index
        %get3A_3138 = arith.constant 0 : index
        %get3A_3139 = tpu.vector_load %arg7[%get3A_3137, %get3A_3138] {strides = array<i32>} : memref<112x256xf32, #tpu.memory_space<vmem>>, vector<1x16xf32>,
        %get3A_3140 = vector.shape_cast %get3A_3139 : vector<1x16xf32> to vector<16xf32>
        %get3A_3141 = arith.index_cast %add3A_3136 : i32 to index
        %get3A_3142 = arith.constant 16 : index
        %get3A_3143 = tpu.vector_load %arg7[%get3A_3141, %get3A_3142] {strides = array<i32>} : memref<112x256xf32, #tpu.memory_space<vmem>>, vector<1x16xf32>,
        %get3A_3144 = vector.shape_cast %get3A_3143 : vector<1x16xf32> to vector<16xf32>
        %get3A_3145 = arith.index_cast %add3A_3136 : i32 to index
        %get3A_3146 = arith.constant 32 : index
        %get3A_3147 = tpu.vector_load %arg7[%get3A_3145, %get3A_3146] {strides = array<i32>} : memref<112x256xf32, #tpu.memory_space<vmem>>, vector<1x16xf32>,
        %get3A_3148 = vector.shape_cast %get3A_3147 : vector<1x16xf32> to vector<16xf32>
        %get3A_3149 = arith.index_cast %add3A_3136 : i32 to index
        %get3A_3150 = arith.constant 48 : index
        %get3A_3151 = tpu.vector_load %arg7[%get3A_3149, %get3A_3150] {strides = array<i32>} : memref<112x256xf32, #tpu.memory_space<vmem>>, vector<1x16xf32>,
        %get3A_3152 = vector.shape_cast %get3A_3151 : vector<1x16xf32> to vector<16xf32>
        %get3A_3153 = arith.index_cast %add3A_3136 : i32 to index
        %get3A_3154 = arith.constant 64 : index
        %get3A_3155 = tpu.vector_load %arg7[%get3A_3153, %get3A_3154] {strides = array<i32>} : memref<112x256xf32, #tpu.memory_space<vmem>>, vector<1x16xf32>,
        %get3A_3156 = vector.shape_cast %get3A_3155 : vector<1x16xf32> to vector<16xf32>
        %get3A_3157 = arith.index_cast %add3A_3136 : i32 to index
        %get3A_3158 = arith.constant 80 : index
        %get3A_3159 = tpu.vector_load %arg7[%get3A_3157, %get3A_3158] {strides = array<i32>} : memref<112x256xf32, #tpu.memory_space<vmem>>, vector<1x16xf32>,
        %get3A_3160 = vector.shape_cast %get3A_3159 : vector<1x16xf32> to vector<16xf32>
        %get3A_3161 = arith.index_cast %add3A_3136 : i32 to index
        %get3A_3162 = arith.constant 96 : index
        %get3A_3163 = tpu.vector_load %arg7[%get3A_3161, %get3A_3162] {strides = array<i32>} : memref<112x256xf32, #tpu.memory_space<vmem>>, vector<1x16xf32>,
        %get3A_3164 = vector.shape_cast %get3A_3163 : vector<1x16xf32> to vector<16xf32>
        %get3A_3165 = arith.index_cast %add3A_3136 : i32 to index
        %get3A_3166 = arith.constant 112 : index
        %get3A_3167 = tpu.vector_load %arg7[%get3A_3165, %get3A_3166] {strides = array<i32>} : memref<112x256xf32, #tpu.memory_space<vmem>>, vector<1x16xf32>,
        %get3A_3168 = vector.shape_cast %get3A_3167 : vector<1x16xf32> to vector<16xf32>
        %get3A_3169 = arith.index_cast %add3A_3136 : i32 to index
        %get3A_3170 = arith.constant 128 : index
        %get3A_3171 = tpu.vector_load %arg7[%get3A_3169, %get3A_3170] {strides = array<i32>} : memref<112x256xf32, #tpu.memory_space<vmem>>, vector<1x16xf32>,
        %get3A_3172 = vector.shape_cast %get3A_3171 : vector<1x16xf32> to vector<16xf32>
        %get3A_3173 = arith.index_cast %add3A_3136 : i32 to index
        %get3A_3174 = arith.constant 144 : index
        %get3A_3175 = tpu.vector_load %arg7[%get3A_3173, %get3A_3174] {strides = array<i32>} : memref<112x256xf32, #tpu.memory_space<vmem>>, vector<1x16xf32>,
        %get3A_3176 = vector.shape_cast %get3A_3175 : vector<1x16xf32> to vector<16xf32>
        %get3A_3177 = arith.index_cast %add3A_3136 : i32 to index
        %get3A_3178 = arith.constant 160 : index
        %get3A_3179 = tpu.vector_load %arg7[%get3A_3177, %get3A_3178] {strides = array<i32>} : memref<112x256xf32, #tpu.memory_space<vmem>>, vector<1x16xf32>,
        %get3A_3180 = vector.shape_cast %get3A_3179 : vector<1x16xf32> to vector<16xf32>
        %get3A_3181 = arith.index_cast %add3A_3136 : i32 to index
        %get3A_3182 = arith.constant 176 : index
        %get3A_3183 = tpu.vector_load %arg7[%get3A_3181, %get3A_3182] {strides = array<i32>} : memref<112x256xf32, #tpu.memory_space<vmem>>, vector<1x16xf32>,
        %get3A_3184 = vector.shape_cast %get3A_3183 : vector<1x16xf32> to vector<16xf32>
        %get3A_3185 = arith.index_cast %add3A_3136 : i32 to index
        %get3A_3186 = arith.constant 192 : index
        %get3A_3187 = tpu.vector_load %arg7[%get3A_3185, %get3A_3186] {strides = array<i32>} : memref<112x256xf32, #tpu.memory_space<vmem>>, vector<1x16xf32>,
        %get3A_3188 = vector.shape_cast %get3A_3187 : vector<1x16xf32> to vector<16xf32>
        %get3A_3189 = arith.index_cast %add3A_3136 : i32 to index
        %get3A_3190 = arith.constant 208 : index
        %get3A_3191 = tpu.vector_load %arg7[%get3A_3189, %get3A_3190] {strides = array<i32>} : memref<112x256xf32, #tpu.memory_space<vmem>>, vector<1x16xf32>,
        %get3A_3192 = vector.shape_cast %get3A_3191 : vector<1x16xf32> to vector<16xf32>
        %get3A_3193 = arith.index_cast %add3A_3136 : i32 to index
        %get3A_3194 = arith.constant 224 : index
        %get3A_3195 = tpu.vector_load %arg7[%get3A_3193, %get3A_3194] {strides = array<i32>} : memref<112x256xf32, #tpu.memory_space<vmem>>, vector<1x16xf32>,
        %get3A_3196 = vector.shape_cast %get3A_3195 : vector<1x16xf32> to vector<16xf32>
        %get3A_3197 = arith.index_cast %add3A_3136 : i32 to index
        %get3A_3198 = arith.constant 240 : index
        %get3A_3199 = tpu.vector_load %arg7[%get3A_3197, %get3A_3198] {strides = array<i32>} : memref<112x256xf32, #tpu.memory_space<vmem>>, vector<1x16xf32>,
        %get3A_3200 = vector.shape_cast %get3A_3199 : vector<1x16xf32> to vector<16xf32>
        %slice3A_3201 = vector.extract_strided_slice %select_n3A_126 {offsets = [14], sizes = [1], strides = [1]} : vector<16xi32> to vector<1xi32>
        %squeeze3A_3202 = vector.extract %slice3A_3201[0] : i32 from vector<1xi32>
        %ne3A_3203 = arith.cmpi ne, %squeeze3A_3202, %select_n3A_2989 : i32
        %select_n3A_3204 = arith.select %ne3A_3203, %squeeze3A_3202, %select_n3A_2989 : i32
        %add3A_3205 = arith.constant 1 : i32
        %add3A_3206 = arith.addi %select_n3A_2993, %add3A_3205 : i32
        %jit3A_3207 = arith.constant 1 : i32
        %select_n3A_3208 = arith.select %ne3A_3203, %jit3A_3207, %add3A_3206 : i32
        %jit3A_3209 = arith.constant 0.000000e+00 : f32
        %jit3A_3210 = arith.constant 1.000000e+00 : f32
        %select_n3A_3211 = arith.select %ne3A_3203, %jit3A_3209, %jit3A_3210 : f32
        %mul3A_3212 = vector.broadcast %select_n3A_3211 : f32 to vector<16xf32>
        %mul3A_3213 = arith.mulf %add3A_2999, %mul3A_3212 : vector<16xf32>
        %add3A_3214 = arith.addf %get3A_3140, %mul3A_3213 : vector<16xf32>
        %mul3A_3215 = vector.broadcast %select_n3A_3211 : f32 to vector<16xf32>
        %mul3A_3216 = arith.mulf %add3A_3002, %mul3A_3215 : vector<16xf32>
        %add3A_3217 = arith.addf %get3A_3144, %mul3A_3216 : vector<16xf32>
        %mul3A_3218 = vector.broadcast %select_n3A_3211 : f32 to vector<16xf32>
        %mul3A_3219 = arith.mulf %add3A_3005, %mul3A_3218 : vector<16xf32>
        %add3A_3220 = arith.addf %get3A_3148, %mul3A_3219 : vector<16xf32>
        %mul3A_3221 = vector.broadcast %select_n3A_3211 : f32 to vector<16xf32>
        %mul3A_3222 = arith.mulf %add3A_3008, %mul3A_3221 : vector<16xf32>
        %add3A_3223 = arith.addf %get3A_3152, %mul3A_3222 : vector<16xf32>
        %mul3A_3224 = vector.broadcast %select_n3A_3211 : f32 to vector<16xf32>
        %mul3A_3225 = arith.mulf %add3A_3011, %mul3A_3224 : vector<16xf32>
        %add3A_3226 = arith.addf %get3A_3156, %mul3A_3225 : vector<16xf32>
        %mul3A_3227 = vector.broadcast %select_n3A_3211 : f32 to vector<16xf32>
        %mul3A_3228 = arith.mulf %add3A_3014, %mul3A_3227 : vector<16xf32>
        %add3A_3229 = arith.addf %get3A_3160, %mul3A_3228 : vector<16xf32>
        %mul3A_3230 = vector.broadcast %select_n3A_3211 : f32 to vector<16xf32>
        %mul3A_3231 = arith.mulf %add3A_3017, %mul3A_3230 : vector<16xf32>
        %add3A_3232 = arith.addf %get3A_3164, %mul3A_3231 : vector<16xf32>
        %mul3A_3233 = vector.broadcast %select_n3A_3211 : f32 to vector<16xf32>
        %mul3A_3234 = arith.mulf %add3A_3020, %mul3A_3233 : vector<16xf32>
        %add3A_3235 = arith.addf %get3A_3168, %mul3A_3234 : vector<16xf32>
        %mul3A_3236 = vector.broadcast %select_n3A_3211 : f32 to vector<16xf32>
        %mul3A_3237 = arith.mulf %add3A_3023, %mul3A_3236 : vector<16xf32>
        %add3A_3238 = arith.addf %get3A_3172, %mul3A_3237 : vector<16xf32>
        %mul3A_3239 = vector.broadcast %select_n3A_3211 : f32 to vector<16xf32>
        %mul3A_3240 = arith.mulf %add3A_3026, %mul3A_3239 : vector<16xf32>
        %add3A_3241 = arith.addf %get3A_3176, %mul3A_3240 : vector<16xf32>
        %mul3A_3242 = vector.broadcast %select_n3A_3211 : f32 to vector<16xf32>
        %mul3A_3243 = arith.mulf %add3A_3029, %mul3A_3242 : vector<16xf32>
        %add3A_3244 = arith.addf %get3A_3180, %mul3A_3243 : vector<16xf32>
        %mul3A_3245 = vector.broadcast %select_n3A_3211 : f32 to vector<16xf32>
        %mul3A_3246 = arith.mulf %add3A_3032, %mul3A_3245 : vector<16xf32>
        %add3A_3247 = arith.addf %get3A_3184, %mul3A_3246 : vector<16xf32>
        %mul3A_3248 = vector.broadcast %select_n3A_3211 : f32 to vector<16xf32>
        %mul3A_3249 = arith.mulf %add3A_3035, %mul3A_3248 : vector<16xf32>
        %add3A_3250 = arith.addf %get3A_3188, %mul3A_3249 : vector<16xf32>
        %mul3A_3251 = vector.broadcast %select_n3A_3211 : f32 to vector<16xf32>
        %mul3A_3252 = arith.mulf %add3A_3038, %mul3A_3251 : vector<16xf32>
        %add3A_3253 = arith.addf %get3A_3192, %mul3A_3252 : vector<16xf32>
        %mul3A_3254 = vector.broadcast %select_n3A_3211 : f32 to vector<16xf32>
        %mul3A_3255 = arith.mulf %add3A_3041, %mul3A_3254 : vector<16xf32>
        %add3A_3256 = arith.addf %get3A_3196, %mul3A_3255 : vector<16xf32>
        %mul3A_3257 = vector.broadcast %select_n3A_3211 : f32 to vector<16xf32>
        %mul3A_3258 = arith.mulf %add3A_3044, %mul3A_3257 : vector<16xf32>
        %add3A_3259 = arith.addf %get3A_3200, %mul3A_3258 : vector<16xf32>
        %swap3A_3260 = arith.index_cast %select_n3A_3204 : i32 to index
        %swap3A_3261 = arith.constant 0 : index
        %swap3A_3262 = tpu.vector_load %arg8[%swap3A_3260, %swap3A_3261] {strides = array<i32>} : memref<136x256xf32, #tpu.memory_space<vmem>>, vector<1x16xf32>,
        %swap3A_3263 = vector.shape_cast %swap3A_3262 : vector<1x16xf32> to vector<16xf32>
        %swap3A_3264 = vector.shape_cast %add3A_3214 : vector<16xf32> to vector<1x16xf32>
        tpu.vector_store %arg8[%swap3A_3260, %swap3A_3261], %swap3A_3264 {strides = array<i32>} : memref<136x256xf32, #tpu.memory_space<vmem>>, vector<1x16xf32>,
        %swap3A_3265 = arith.index_cast %select_n3A_3204 : i32 to index
        %swap3A_3266 = arith.constant 16 : index
        %swap3A_3267 = tpu.vector_load %arg8[%swap3A_3265, %swap3A_3266] {strides = array<i32>} : memref<136x256xf32, #tpu.memory_space<vmem>>, vector<1x16xf32>,
        %swap3A_3268 = vector.shape_cast %swap3A_3267 : vector<1x16xf32> to vector<16xf32>
        %swap3A_3269 = vector.shape_cast %add3A_3217 : vector<16xf32> to vector<1x16xf32>
        tpu.vector_store %arg8[%swap3A_3265, %swap3A_3266], %swap3A_3269 {strides = array<i32>} : memref<136x256xf32, #tpu.memory_space<vmem>>, vector<1x16xf32>,
        %swap3A_3270 = arith.index_cast %select_n3A_3204 : i32 to index
        %swap3A_3271 = arith.constant 32 : index
        %swap3A_3272 = tpu.vector_load %arg8[%swap3A_3270, %swap3A_3271] {strides = array<i32>} : memref<136x256xf32, #tpu.memory_space<vmem>>, vector<1x16xf32>,
        %swap3A_3273 = vector.shape_cast %swap3A_3272 : vector<1x16xf32> to vector<16xf32>
        %swap3A_3274 = vector.shape_cast %add3A_3220 : vector<16xf32> to vector<1x16xf32>
        tpu.vector_store %arg8[%swap3A_3270, %swap3A_3271], %swap3A_3274 {strides = array<i32>} : memref<136x256xf32, #tpu.memory_space<vmem>>, vector<1x16xf32>,
        %swap3A_3275 = arith.index_cast %select_n3A_3204 : i32 to index
        %swap3A_3276 = arith.constant 48 : index
        %swap3A_3277 = tpu.vector_load %arg8[%swap3A_3275, %swap3A_3276] {strides = array<i32>} : memref<136x256xf32, #tpu.memory_space<vmem>>, vector<1x16xf32>,
        %swap3A_3278 = vector.shape_cast %swap3A_3277 : vector<1x16xf32> to vector<16xf32>
        %swap3A_3279 = vector.shape_cast %add3A_3223 : vector<16xf32> to vector<1x16xf32>
        tpu.vector_store %arg8[%swap3A_3275, %swap3A_3276], %swap3A_3279 {strides = array<i32>} : memref<136x256xf32, #tpu.memory_space<vmem>>, vector<1x16xf32>,
        %swap3A_3280 = arith.index_cast %select_n3A_3204 : i32 to index
        %swap3A_3281 = arith.constant 64 : index
        %swap3A_3282 = tpu.vector_load %arg8[%swap3A_3280, %swap3A_3281] {strides = array<i32>} : memref<136x256xf32, #tpu.memory_space<vmem>>, vector<1x16xf32>,
        %swap3A_3283 = vector.shape_cast %swap3A_3282 : vector<1x16xf32> to vector<16xf32>
        %swap3A_3284 = vector.shape_cast %add3A_3226 : vector<16xf32> to vector<1x16xf32>
        tpu.vector_store %arg8[%swap3A_3280, %swap3A_3281], %swap3A_3284 {strides = array<i32>} : memref<136x256xf32, #tpu.memory_space<vmem>>, vector<1x16xf32>,
        %swap3A_3285 = arith.index_cast %select_n3A_3204 : i32 to index
        %swap3A_3286 = arith.constant 80 : index
        %swap3A_3287 = tpu.vector_load %arg8[%swap3A_3285, %swap3A_3286] {strides = array<i32>} : memref<136x256xf32, #tpu.memory_space<vmem>>, vector<1x16xf32>,
        %swap3A_3288 = vector.shape_cast %swap3A_3287 : vector<1x16xf32> to vector<16xf32>
        %swap3A_3289 = vector.shape_cast %add3A_3229 : vector<16xf32> to vector<1x16xf32>
        tpu.vector_store %arg8[%swap3A_3285, %swap3A_3286], %swap3A_3289 {strides = array<i32>} : memref<136x256xf32, #tpu.memory_space<vmem>>, vector<1x16xf32>,
        %swap3A_3290 = arith.index_cast %select_n3A_3204 : i32 to index
        %swap3A_3291 = arith.constant 96 : index
        %swap3A_3292 = tpu.vector_load %arg8[%swap3A_3290, %swap3A_3291] {strides = array<i32>} : memref<136x256xf32, #tpu.memory_space<vmem>>, vector<1x16xf32>,
        %swap3A_3293 = vector.shape_cast %swap3A_3292 : vector<1x16xf32> to vector<16xf32>
        %swap3A_3294 = vector.shape_cast %add3A_3232 : vector<16xf32> to vector<1x16xf32>
        tpu.vector_store %arg8[%swap3A_3290, %swap3A_3291], %swap3A_3294 {strides = array<i32>} : memref<136x256xf32, #tpu.memory_space<vmem>>, vector<1x16xf32>,
        %swap3A_3295 = arith.index_cast %select_n3A_3204 : i32 to index
        %swap3A_3296 = arith.constant 112 : index
        %swap3A_3297 = tpu.vector_load %arg8[%swap3A_3295, %swap3A_3296] {strides = array<i32>} : memref<136x256xf32, #tpu.memory_space<vmem>>, vector<1x16xf32>,
        %swap3A_3298 = vector.shape_cast %swap3A_3297 : vector<1x16xf32> to vector<16xf32>
        %swap3A_3299 = vector.shape_cast %add3A_3235 : vector<16xf32> to vector<1x16xf32>
        tpu.vector_store %arg8[%swap3A_3295, %swap3A_3296], %swap3A_3299 {strides = array<i32>} : memref<136x256xf32, #tpu.memory_space<vmem>>, vector<1x16xf32>,
        %swap3A_3300 = arith.index_cast %select_n3A_3204 : i32 to index
        %swap3A_3301 = arith.constant 128 : index
        %swap3A_3302 = tpu.vector_load %arg8[%swap3A_3300, %swap3A_3301] {strides = array<i32>} : memref<136x256xf32, #tpu.memory_space<vmem>>, vector<1x16xf32>,
        %swap3A_3303 = vector.shape_cast %swap3A_3302 : vector<1x16xf32> to vector<16xf32>
        %swap3A_3304 = vector.shape_cast %add3A_3238 : vector<16xf32> to vector<1x16xf32>
        tpu.vector_store %arg8[%swap3A_3300, %swap3A_3301], %swap3A_3304 {strides = array<i32>} : memref<136x256xf32, #tpu.memory_space<vmem>>, vector<1x16xf32>,
        %swap3A_3305 = arith.index_cast %select_n3A_3204 : i32 to index
        %swap3A_3306 = arith.constant 144 : index
        %swap3A_3307 = tpu.vector_load %arg8[%swap3A_3305, %swap3A_3306] {strides = array<i32>} : memref<136x256xf32, #tpu.memory_space<vmem>>, vector<1x16xf32>,
        %swap3A_3308 = vector.shape_cast %swap3A_3307 : vector<1x16xf32> to vector<16xf32>
        %swap3A_3309 = vector.shape_cast %add3A_3241 : vector<16xf32> to vector<1x16xf32>
        tpu.vector_store %arg8[%swap3A_3305, %swap3A_3306], %swap3A_3309 {strides = array<i32>} : memref<136x256xf32, #tpu.memory_space<vmem>>, vector<1x16xf32>,
        %swap3A_3310 = arith.index_cast %select_n3A_3204 : i32 to index
        %swap3A_3311 = arith.constant 160 : index
        %swap3A_3312 = tpu.vector_load %arg8[%swap3A_3310, %swap3A_3311] {strides = array<i32>} : memref<136x256xf32, #tpu.memory_space<vmem>>, vector<1x16xf32>,
        %swap3A_3313 = vector.shape_cast %swap3A_3312 : vector<1x16xf32> to vector<16xf32>
        %swap3A_3314 = vector.shape_cast %add3A_3244 : vector<16xf32> to vector<1x16xf32>
        tpu.vector_store %arg8[%swap3A_3310, %swap3A_3311], %swap3A_3314 {strides = array<i32>} : memref<136x256xf32, #tpu.memory_space<vmem>>, vector<1x16xf32>,
        %swap3A_3315 = arith.index_cast %select_n3A_3204 : i32 to index
        %swap3A_3316 = arith.constant 176 : index
        %swap3A_3317 = tpu.vector_load %arg8[%swap3A_3315, %swap3A_3316] {strides = array<i32>} : memref<136x256xf32, #tpu.memory_space<vmem>>, vector<1x16xf32>,
        %swap3A_3318 = vector.shape_cast %swap3A_3317 : vector<1x16xf32> to vector<16xf32>
        %swap3A_3319 = vector.shape_cast %add3A_3247 : vector<16xf32> to vector<1x16xf32>
        tpu.vector_store %arg8[%swap3A_3315, %swap3A_3316], %swap3A_3319 {strides = array<i32>} : memref<136x256xf32, #tpu.memory_space<vmem>>, vector<1x16xf32>,
        %swap3A_3320 = arith.index_cast %select_n3A_3204 : i32 to index
        %swap3A_3321 = arith.constant 192 : index
        %swap3A_3322 = tpu.vector_load %arg8[%swap3A_3320, %swap3A_3321] {strides = array<i32>} : memref<136x256xf32, #tpu.memory_space<vmem>>, vector<1x16xf32>,
        %swap3A_3323 = vector.shape_cast %swap3A_3322 : vector<1x16xf32> to vector<16xf32>
        %swap3A_3324 = vector.shape_cast %add3A_3250 : vector<16xf32> to vector<1x16xf32>
        tpu.vector_store %arg8[%swap3A_3320, %swap3A_3321], %swap3A_3324 {strides = array<i32>} : memref<136x256xf32, #tpu.memory_space<vmem>>, vector<1x16xf32>,
        %swap3A_3325 = arith.index_cast %select_n3A_3204 : i32 to index
        %swap3A_3326 = arith.constant 208 : index
        %swap3A_3327 = tpu.vector_load %arg8[%swap3A_3325, %swap3A_3326] {strides = array<i32>} : memref<136x256xf32, #tpu.memory_space<vmem>>, vector<1x16xf32>,
        %swap3A_3328 = vector.shape_cast %swap3A_3327 : vector<1x16xf32> to vector<16xf32>
        %swap3A_3329 = vector.shape_cast %add3A_3253 : vector<16xf32> to vector<1x16xf32>
        tpu.vector_store %arg8[%swap3A_3325, %swap3A_3326], %swap3A_3329 {strides = array<i32>} : memref<136x256xf32, #tpu.memory_space<vmem>>, vector<1x16xf32>,
        %swap3A_3330 = arith.index_cast %select_n3A_3204 : i32 to index
        %swap3A_3331 = arith.constant 224 : index
        %swap3A_3332 = tpu.vector_load %arg8[%swap3A_3330, %swap3A_3331] {strides = array<i32>} : memref<136x256xf32, #tpu.memory_space<vmem>>, vector<1x16xf32>,
        %swap3A_3333 = vector.shape_cast %swap3A_3332 : vector<1x16xf32> to vector<16xf32>
        %swap3A_3334 = vector.shape_cast %add3A_3256 : vector<16xf32> to vector<1x16xf32>
        tpu.vector_store %arg8[%swap3A_3330, %swap3A_3331], %swap3A_3334 {strides = array<i32>} : memref<136x256xf32, #tpu.memory_space<vmem>>, vector<1x16xf32>,
        %swap3A_3335 = arith.index_cast %select_n3A_3204 : i32 to index
        %swap3A_3336 = arith.constant 240 : index
        %swap3A_3337 = tpu.vector_load %arg8[%swap3A_3335, %swap3A_3336] {strides = array<i32>} : memref<136x256xf32, #tpu.memory_space<vmem>>, vector<1x16xf32>,
        %swap3A_3338 = vector.shape_cast %swap3A_3337 : vector<1x16xf32> to vector<16xf32>
        %swap3A_3339 = vector.shape_cast %add3A_3259 : vector<16xf32> to vector<1x16xf32>
        tpu.vector_store %arg8[%swap3A_3335, %swap3A_3336], %swap3A_3339 {strides = array<i32>} : memref<136x256xf32, #tpu.memory_space<vmem>>, vector<1x16xf32>,
        %convert_element_type3A_3340 = arith.sitofp %select_n3A_3208 : i32 to f32
        %mul3A_3341 = vector.broadcast %convert_element_type3A_3340 : f32 to vector<16xf32>
        %mul3A_3342 = arith.mulf %broadcast_in_dim3A_16, %mul3A_3341 : vector<16xf32>
        %swap3A_3343 = arith.index_cast %select_n3A_3204 : i32 to index
        %swap3A_3344 = arith.constant 0 : index
        %swap3A_3345 = tpu.vector_load %arg9[%swap3A_3343, %swap3A_3344] {strides = array<i32>} : memref<136x16xf32, #tpu.memory_space<vmem>>, vector<1x16xf32>,
        %swap3A_3346 = vector.shape_cast %swap3A_3345 : vector<1x16xf32> to vector<16xf32>
        %swap3A_3347 = vector.shape_cast %mul3A_3342 : vector<16xf32> to vector<1x16xf32>
        tpu.vector_store %arg9[%swap3A_3343, %swap3A_3344], %swap3A_3347 {strides = array<i32>} : memref<136x16xf32, #tpu.memory_space<vmem>>, vector<1x16xf32>,
        %mul3A_3348 = arith.constant 16 : i32
        %mul3A_3349 = arith.muli %scan3A_93, %mul3A_3348 : i32
        %add3A_3350 = arith.constant 15 : i32
        %add3A_3351 = arith.addi %mul3A_3349, %add3A_3350 : i32
        %get3A_3352 = arith.index_cast %add3A_3351 : i32 to index
        %get3A_3353 = arith.constant 0 : index
        %get3A_3354 = tpu.vector_load %arg7[%get3A_3352, %get3A_3353] {strides = array<i32>} : memref<112x256xf32, #tpu.memory_space<vmem>>, vector<1x16xf32>,
        %get3A_3355 = vector.shape_cast %get3A_3354 : vector<1x16xf32> to vector<16xf32>
        %get3A_3356 = arith.index_cast %add3A_3351 : i32 to index
        %get3A_3357 = arith.constant 16 : index
        %get3A_3358 = tpu.vector_load %arg7[%get3A_3356, %get3A_3357] {strides = array<i32>} : memref<112x256xf32, #tpu.memory_space<vmem>>, vector<1x16xf32>,
        %get3A_3359 = vector.shape_cast %get3A_3358 : vector<1x16xf32> to vector<16xf32>
        %get3A_3360 = arith.index_cast %add3A_3351 : i32 to index
        %get3A_3361 = arith.constant 32 : index
        %get3A_3362 = tpu.vector_load %arg7[%get3A_3360, %get3A_3361] {strides = array<i32>} : memref<112x256xf32, #tpu.memory_space<vmem>>, vector<1x16xf32>,
        %get3A_3363 = vector.shape_cast %get3A_3362 : vector<1x16xf32> to vector<16xf32>
        %get3A_3364 = arith.index_cast %add3A_3351 : i32 to index
        %get3A_3365 = arith.constant 48 : index
        %get3A_3366 = tpu.vector_load %arg7[%get3A_3364, %get3A_3365] {strides = array<i32>} : memref<112x256xf32, #tpu.memory_space<vmem>>, vector<1x16xf32>,
        %get3A_3367 = vector.shape_cast %get3A_3366 : vector<1x16xf32> to vector<16xf32>
        %get3A_3368 = arith.index_cast %add3A_3351 : i32 to index
        %get3A_3369 = arith.constant 64 : index
        %get3A_3370 = tpu.vector_load %arg7[%get3A_3368, %get3A_3369] {strides = array<i32>} : memref<112x256xf32, #tpu.memory_space<vmem>>, vector<1x16xf32>,
        %get3A_3371 = vector.shape_cast %get3A_3370 : vector<1x16xf32> to vector<16xf32>
        %get3A_3372 = arith.index_cast %add3A_3351 : i32 to index
        %get3A_3373 = arith.constant 80 : index
        %get3A_3374 = tpu.vector_load %arg7[%get3A_3372, %get3A_3373] {strides = array<i32>} : memref<112x256xf32, #tpu.memory_space<vmem>>, vector<1x16xf32>,
        %get3A_3375 = vector.shape_cast %get3A_3374 : vector<1x16xf32> to vector<16xf32>
        %get3A_3376 = arith.index_cast %add3A_3351 : i32 to index
        %get3A_3377 = arith.constant 96 : index
        %get3A_3378 = tpu.vector_load %arg7[%get3A_3376, %get3A_3377] {strides = array<i32>} : memref<112x256xf32, #tpu.memory_space<vmem>>, vector<1x16xf32>,
        %get3A_3379 = vector.shape_cast %get3A_3378 : vector<1x16xf32> to vector<16xf32>
        %get3A_3380 = arith.index_cast %add3A_3351 : i32 to index
        %get3A_3381 = arith.constant 112 : index
        %get3A_3382 = tpu.vector_load %arg7[%get3A_3380, %get3A_3381] {strides = array<i32>} : memref<112x256xf32, #tpu.memory_space<vmem>>, vector<1x16xf32>,
        %get3A_3383 = vector.shape_cast %get3A_3382 : vector<1x16xf32> to vector<16xf32>
        %get3A_3384 = arith.index_cast %add3A_3351 : i32 to index
        %get3A_3385 = arith.constant 128 : index
        %get3A_3386 = tpu.vector_load %arg7[%get3A_3384, %get3A_3385] {strides = array<i32>} : memref<112x256xf32, #tpu.memory_space<vmem>>, vector<1x16xf32>,
        %get3A_3387 = vector.shape_cast %get3A_3386 : vector<1x16xf32> to vector<16xf32>
        %get3A_3388 = arith.index_cast %add3A_3351 : i32 to index
        %get3A_3389 = arith.constant 144 : index
        %get3A_3390 = tpu.vector_load %arg7[%get3A_3388, %get3A_3389] {strides = array<i32>} : memref<112x256xf32, #tpu.memory_space<vmem>>, vector<1x16xf32>,
        %get3A_3391 = vector.shape_cast %get3A_3390 : vector<1x16xf32> to vector<16xf32>
        %get3A_3392 = arith.index_cast %add3A_3351 : i32 to index
        %get3A_3393 = arith.constant 160 : index
        %get3A_3394 = tpu.vector_load %arg7[%get3A_3392, %get3A_3393] {strides = array<i32>} : memref<112x256xf32, #tpu.memory_space<vmem>>, vector<1x16xf32>,
        %get3A_3395 = vector.shape_cast %get3A_3394 : vector<1x16xf32> to vector<16xf32>
        %get3A_3396 = arith.index_cast %add3A_3351 : i32 to index
        %get3A_3397 = arith.constant 176 : index
        %get3A_3398 = tpu.vector_load %arg7[%get3A_3396, %get3A_3397] {strides = array<i32>} : memref<112x256xf32, #tpu.memory_space<vmem>>, vector<1x16xf32>,
        %get3A_3399 = vector.shape_cast %get3A_3398 : vector<1x16xf32> to vector<16xf32>
        %get3A_3400 = arith.index_cast %add3A_3351 : i32 to index
        %get3A_3401 = arith.constant 192 : index
        %get3A_3402 = tpu.vector_load %arg7[%get3A_3400, %get3A_3401] {strides = array<i32>} : memref<112x256xf32, #tpu.memory_space<vmem>>, vector<1x16xf32>,
        %get3A_3403 = vector.shape_cast %get3A_3402 : vector<1x16xf32> to vector<16xf32>
        %get3A_3404 = arith.index_cast %add3A_3351 : i32 to index
        %get3A_3405 = arith.constant 208 : index
        %get3A_3406 = tpu.vector_load %arg7[%get3A_3404, %get3A_3405] {strides = array<i32>} : memref<112x256xf32, #tpu.memory_space<vmem>>, vector<1x16xf32>,
        %get3A_3407 = vector.shape_cast %get3A_3406 : vector<1x16xf32> to vector<16xf32>
        %get3A_3408 = arith.index_cast %add3A_3351 : i32 to index
        %get3A_3409 = arith.constant 224 : index
        %get3A_3410 = tpu.vector_load %arg7[%get3A_3408, %get3A_3409] {strides = array<i32>} : memref<112x256xf32, #tpu.memory_space<vmem>>, vector<1x16xf32>,
        %get3A_3411 = vector.shape_cast %get3A_3410 : vector<1x16xf32> to vector<16xf32>
        %get3A_3412 = arith.index_cast %add3A_3351 : i32 to index
        %get3A_3413 = arith.constant 240 : index
        %get3A_3414 = tpu.vector_load %arg7[%get3A_3412, %get3A_3413] {strides = array<i32>} : memref<112x256xf32, #tpu.memory_space<vmem>>, vector<1x16xf32>,
        %get3A_3415 = vector.shape_cast %get3A_3414 : vector<1x16xf32> to vector<16xf32>
        %slice3A_3416 = vector.extract_strided_slice %select_n3A_126 {offsets = [15], sizes = [1], strides = [1]} : vector<16xi32> to vector<1xi32>
        %squeeze3A_3417 = vector.extract %slice3A_3416[0] : i32 from vector<1xi32>
        %ne3A_3418 = arith.cmpi ne, %squeeze3A_3417, %select_n3A_3204 : i32
        %select_n3A_3419 = arith.select %ne3A_3418, %squeeze3A_3417, %select_n3A_3204 : i32
        %add3A_3420 = arith.constant 1 : i32
        %add3A_3421 = arith.addi %select_n3A_3208, %add3A_3420 : i32
        %jit3A_3422 = arith.constant 1 : i32
        %select_n3A_3423 = arith.select %ne3A_3418, %jit3A_3422, %add3A_3421 : i32
        %jit3A_3424 = arith.constant 0.000000e+00 : f32
        %jit3A_3425 = arith.constant 1.000000e+00 : f32
        %select_n3A_3426 = arith.select %ne3A_3418, %jit3A_3424, %jit3A_3425 : f32
        %mul3A_3427 = vector.broadcast %select_n3A_3426 : f32 to vector<16xf32>
        %mul3A_3428 = arith.mulf %add3A_3214, %mul3A_3427 : vector<16xf32>
        %add3A_3429 = arith.addf %get3A_3355, %mul3A_3428 : vector<16xf32>
        %mul3A_3430 = vector.broadcast %select_n3A_3426 : f32 to vector<16xf32>
        %mul3A_3431 = arith.mulf %add3A_3217, %mul3A_3430 : vector<16xf32>
        %add3A_3432 = arith.addf %get3A_3359, %mul3A_3431 : vector<16xf32>
        %mul3A_3433 = vector.broadcast %select_n3A_3426 : f32 to vector<16xf32>
        %mul3A_3434 = arith.mulf %add3A_3220, %mul3A_3433 : vector<16xf32>
        %add3A_3435 = arith.addf %get3A_3363, %mul3A_3434 : vector<16xf32>
        %mul3A_3436 = vector.broadcast %select_n3A_3426 : f32 to vector<16xf32>
        %mul3A_3437 = arith.mulf %add3A_3223, %mul3A_3436 : vector<16xf32>
        %add3A_3438 = arith.addf %get3A_3367, %mul3A_3437 : vector<16xf32>
        %mul3A_3439 = vector.broadcast %select_n3A_3426 : f32 to vector<16xf32>
        %mul3A_3440 = arith.mulf %add3A_3226, %mul3A_3439 : vector<16xf32>
        %add3A_3441 = arith.addf %get3A_3371, %mul3A_3440 : vector<16xf32>
        %mul3A_3442 = vector.broadcast %select_n3A_3426 : f32 to vector<16xf32>
        %mul3A_3443 = arith.mulf %add3A_3229, %mul3A_3442 : vector<16xf32>
        %add3A_3444 = arith.addf %get3A_3375, %mul3A_3443 : vector<16xf32>
        %mul3A_3445 = vector.broadcast %select_n3A_3426 : f32 to vector<16xf32>
        %mul3A_3446 = arith.mulf %add3A_3232, %mul3A_3445 : vector<16xf32>
        %add3A_3447 = arith.addf %get3A_3379, %mul3A_3446 : vector<16xf32>
        %mul3A_3448 = vector.broadcast %select_n3A_3426 : f32 to vector<16xf32>
        %mul3A_3449 = arith.mulf %add3A_3235, %mul3A_3448 : vector<16xf32>
        %add3A_3450 = arith.addf %get3A_3383, %mul3A_3449 : vector<16xf32>
        %mul3A_3451 = vector.broadcast %select_n3A_3426 : f32 to vector<16xf32>
        %mul3A_3452 = arith.mulf %add3A_3238, %mul3A_3451 : vector<16xf32>
        %add3A_3453 = arith.addf %get3A_3387, %mul3A_3452 : vector<16xf32>
        %mul3A_3454 = vector.broadcast %select_n3A_3426 : f32 to vector<16xf32>
        %mul3A_3455 = arith.mulf %add3A_3241, %mul3A_3454 : vector<16xf32>
        %add3A_3456 = arith.addf %get3A_3391, %mul3A_3455 : vector<16xf32>
        %mul3A_3457 = vector.broadcast %select_n3A_3426 : f32 to vector<16xf32>
        %mul3A_3458 = arith.mulf %add3A_3244, %mul3A_3457 : vector<16xf32>
        %add3A_3459 = arith.addf %get3A_3395, %mul3A_3458 : vector<16xf32>
        %mul3A_3460 = vector.broadcast %select_n3A_3426 : f32 to vector<16xf32>
        %mul3A_3461 = arith.mulf %add3A_3247, %mul3A_3460 : vector<16xf32>
        %add3A_3462 = arith.addf %get3A_3399, %mul3A_3461 : vector<16xf32>
        %mul3A_3463 = vector.broadcast %select_n3A_3426 : f32 to vector<16xf32>
        %mul3A_3464 = arith.mulf %add3A_3250, %mul3A_3463 : vector<16xf32>
        %add3A_3465 = arith.addf %get3A_3403, %mul3A_3464 : vector<16xf32>
        %mul3A_3466 = vector.broadcast %select_n3A_3426 : f32 to vector<16xf32>
        %mul3A_3467 = arith.mulf %add3A_3253, %mul3A_3466 : vector<16xf32>
        %add3A_3468 = arith.addf %get3A_3407, %mul3A_3467 : vector<16xf32>
        %mul3A_3469 = vector.broadcast %select_n3A_3426 : f32 to vector<16xf32>
        %mul3A_3470 = arith.mulf %add3A_3256, %mul3A_3469 : vector<16xf32>
        %add3A_3471 = arith.addf %get3A_3411, %mul3A_3470 : vector<16xf32>
        %mul3A_3472 = vector.broadcast %select_n3A_3426 : f32 to vector<16xf32>
        %mul3A_3473 = arith.mulf %add3A_3259, %mul3A_3472 : vector<16xf32>
        %add3A_3474 = arith.addf %get3A_3415, %mul3A_3473 : vector<16xf32>
        %swap3A_3475 = arith.index_cast %select_n3A_3419 : i32 to index
        %swap3A_3476 = arith.constant 0 : index
        %swap3A_3477 = tpu.vector_load %arg8[%swap3A_3475, %swap3A_3476] {strides = array<i32>} : memref<136x256xf32, #tpu.memory_space<vmem>>, vector<1x16xf32>,
        %swap3A_3478 = vector.shape_cast %swap3A_3477 : vector<1x16xf32> to vector<16xf32>
        %swap3A_3479 = vector.shape_cast %add3A_3429 : vector<16xf32> to vector<1x16xf32>
        tpu.vector_store %arg8[%swap3A_3475, %swap3A_3476], %swap3A_3479 {strides = array<i32>} : memref<136x256xf32, #tpu.memory_space<vmem>>, vector<1x16xf32>,
        %swap3A_3480 = arith.index_cast %select_n3A_3419 : i32 to index
        %swap3A_3481 = arith.constant 16 : index
        %swap3A_3482 = tpu.vector_load %arg8[%swap3A_3480, %swap3A_3481] {strides = array<i32>} : memref<136x256xf32, #tpu.memory_space<vmem>>, vector<1x16xf32>,
        %swap3A_3483 = vector.shape_cast %swap3A_3482 : vector<1x16xf32> to vector<16xf32>
        %swap3A_3484 = vector.shape_cast %add3A_3432 : vector<16xf32> to vector<1x16xf32>
        tpu.vector_store %arg8[%swap3A_3480, %swap3A_3481], %swap3A_3484 {strides = array<i32>} : memref<136x256xf32, #tpu.memory_space<vmem>>, vector<1x16xf32>,
        %swap3A_3485 = arith.index_cast %select_n3A_3419 : i32 to index
        %swap3A_3486 = arith.constant 32 : index
        %swap3A_3487 = tpu.vector_load %arg8[%swap3A_3485, %swap3A_3486] {strides = array<i32>} : memref<136x256xf32, #tpu.memory_space<vmem>>, vector<1x16xf32>,
        %swap3A_3488 = vector.shape_cast %swap3A_3487 : vector<1x16xf32> to vector<16xf32>
        %swap3A_3489 = vector.shape_cast %add3A_3435 : vector<16xf32> to vector<1x16xf32>
        tpu.vector_store %arg8[%swap3A_3485, %swap3A_3486], %swap3A_3489 {strides = array<i32>} : memref<136x256xf32, #tpu.memory_space<vmem>>, vector<1x16xf32>,
        %swap3A_3490 = arith.index_cast %select_n3A_3419 : i32 to index
        %swap3A_3491 = arith.constant 48 : index
        %swap3A_3492 = tpu.vector_load %arg8[%swap3A_3490, %swap3A_3491] {strides = array<i32>} : memref<136x256xf32, #tpu.memory_space<vmem>>, vector<1x16xf32>,
        %swap3A_3493 = vector.shape_cast %swap3A_3492 : vector<1x16xf32> to vector<16xf32>
        %swap3A_3494 = vector.shape_cast %add3A_3438 : vector<16xf32> to vector<1x16xf32>
        tpu.vector_store %arg8[%swap3A_3490, %swap3A_3491], %swap3A_3494 {strides = array<i32>} : memref<136x256xf32, #tpu.memory_space<vmem>>, vector<1x16xf32>,
        %swap3A_3495 = arith.index_cast %select_n3A_3419 : i32 to index
        %swap3A_3496 = arith.constant 64 : index
        %swap3A_3497 = tpu.vector_load %arg8[%swap3A_3495, %swap3A_3496] {strides = array<i32>} : memref<136x256xf32, #tpu.memory_space<vmem>>, vector<1x16xf32>,
        %swap3A_3498 = vector.shape_cast %swap3A_3497 : vector<1x16xf32> to vector<16xf32>
        %swap3A_3499 = vector.shape_cast %add3A_3441 : vector<16xf32> to vector<1x16xf32>
        tpu.vector_store %arg8[%swap3A_3495, %swap3A_3496], %swap3A_3499 {strides = array<i32>} : memref<136x256xf32, #tpu.memory_space<vmem>>, vector<1x16xf32>,
        %swap3A_3500 = arith.index_cast %select_n3A_3419 : i32 to index
        %swap3A_3501 = arith.constant 80 : index
        %swap3A_3502 = tpu.vector_load %arg8[%swap3A_3500, %swap3A_3501] {strides = array<i32>} : memref<136x256xf32, #tpu.memory_space<vmem>>, vector<1x16xf32>,
        %swap3A_3503 = vector.shape_cast %swap3A_3502 : vector<1x16xf32> to vector<16xf32>
        %swap3A_3504 = vector.shape_cast %add3A_3444 : vector<16xf32> to vector<1x16xf32>
        tpu.vector_store %arg8[%swap3A_3500, %swap3A_3501], %swap3A_3504 {strides = array<i32>} : memref<136x256xf32, #tpu.memory_space<vmem>>, vector<1x16xf32>,
        %swap3A_3505 = arith.index_cast %select_n3A_3419 : i32 to index
        %swap3A_3506 = arith.constant 96 : index
        %swap3A_3507 = tpu.vector_load %arg8[%swap3A_3505, %swap3A_3506] {strides = array<i32>} : memref<136x256xf32, #tpu.memory_space<vmem>>, vector<1x16xf32>,
        %swap3A_3508 = vector.shape_cast %swap3A_3507 : vector<1x16xf32> to vector<16xf32>
        %swap3A_3509 = vector.shape_cast %add3A_3447 : vector<16xf32> to vector<1x16xf32>
        tpu.vector_store %arg8[%swap3A_3505, %swap3A_3506], %swap3A_3509 {strides = array<i32>} : memref<136x256xf32, #tpu.memory_space<vmem>>, vector<1x16xf32>,
        %swap3A_3510 = arith.index_cast %select_n3A_3419 : i32 to index
        %swap3A_3511 = arith.constant 112 : index
        %swap3A_3512 = tpu.vector_load %arg8[%swap3A_3510, %swap3A_3511] {strides = array<i32>} : memref<136x256xf32, #tpu.memory_space<vmem>>, vector<1x16xf32>,
        %swap3A_3513 = vector.shape_cast %swap3A_3512 : vector<1x16xf32> to vector<16xf32>
        %swap3A_3514 = vector.shape_cast %add3A_3450 : vector<16xf32> to vector<1x16xf32>
        tpu.vector_store %arg8[%swap3A_3510, %swap3A_3511], %swap3A_3514 {strides = array<i32>} : memref<136x256xf32, #tpu.memory_space<vmem>>, vector<1x16xf32>,
        %swap3A_3515 = arith.index_cast %select_n3A_3419 : i32 to index
        %swap3A_3516 = arith.constant 128 : index
        %swap3A_3517 = tpu.vector_load %arg8[%swap3A_3515, %swap3A_3516] {strides = array<i32>} : memref<136x256xf32, #tpu.memory_space<vmem>>, vector<1x16xf32>,
        %swap3A_3518 = vector.shape_cast %swap3A_3517 : vector<1x16xf32> to vector<16xf32>
        %swap3A_3519 = vector.shape_cast %add3A_3453 : vector<16xf32> to vector<1x16xf32>
        tpu.vector_store %arg8[%swap3A_3515, %swap3A_3516], %swap3A_3519 {strides = array<i32>} : memref<136x256xf32, #tpu.memory_space<vmem>>, vector<1x16xf32>,
        %swap3A_3520 = arith.index_cast %select_n3A_3419 : i32 to index
        %swap3A_3521 = arith.constant 144 : index
        %swap3A_3522 = tpu.vector_load %arg8[%swap3A_3520, %swap3A_3521] {strides = array<i32>} : memref<136x256xf32, #tpu.memory_space<vmem>>, vector<1x16xf32>,
        %swap3A_3523 = vector.shape_cast %swap3A_3522 : vector<1x16xf32> to vector<16xf32>
        %swap3A_3524 = vector.shape_cast %add3A_3456 : vector<16xf32> to vector<1x16xf32>
        tpu.vector_store %arg8[%swap3A_3520, %swap3A_3521], %swap3A_3524 {strides = array<i32>} : memref<136x256xf32, #tpu.memory_space<vmem>>, vector<1x16xf32>,
        %swap3A_3525 = arith.index_cast %select_n3A_3419 : i32 to index
        %swap3A_3526 = arith.constant 160 : index
        %swap3A_3527 = tpu.vector_load %arg8[%swap3A_3525, %swap3A_3526] {strides = array<i32>} : memref<136x256xf32, #tpu.memory_space<vmem>>, vector<1x16xf32>,
        %swap3A_3528 = vector.shape_cast %swap3A_3527 : vector<1x16xf32> to vector<16xf32>
        %swap3A_3529 = vector.shape_cast %add3A_3459 : vector<16xf32> to vector<1x16xf32>
        tpu.vector_store %arg8[%swap3A_3525, %swap3A_3526], %swap3A_3529 {strides = array<i32>} : memref<136x256xf32, #tpu.memory_space<vmem>>, vector<1x16xf32>,
        %swap3A_3530 = arith.index_cast %select_n3A_3419 : i32 to index
        %swap3A_3531 = arith.constant 176 : index
        %swap3A_3532 = tpu.vector_load %arg8[%swap3A_3530, %swap3A_3531] {strides = array<i32>} : memref<136x256xf32, #tpu.memory_space<vmem>>, vector<1x16xf32>,
        %swap3A_3533 = vector.shape_cast %swap3A_3532 : vector<1x16xf32> to vector<16xf32>
        %swap3A_3534 = vector.shape_cast %add3A_3462 : vector<16xf32> to vector<1x16xf32>
        tpu.vector_store %arg8[%swap3A_3530, %swap3A_3531], %swap3A_3534 {strides = array<i32>} : memref<136x256xf32, #tpu.memory_space<vmem>>, vector<1x16xf32>,
        %swap3A_3535 = arith.index_cast %select_n3A_3419 : i32 to index
        %swap3A_3536 = arith.constant 192 : index
        %swap3A_3537 = tpu.vector_load %arg8[%swap3A_3535, %swap3A_3536] {strides = array<i32>} : memref<136x256xf32, #tpu.memory_space<vmem>>, vector<1x16xf32>,
        %swap3A_3538 = vector.shape_cast %swap3A_3537 : vector<1x16xf32> to vector<16xf32>
        %swap3A_3539 = vector.shape_cast %add3A_3465 : vector<16xf32> to vector<1x16xf32>
        tpu.vector_store %arg8[%swap3A_3535, %swap3A_3536], %swap3A_3539 {strides = array<i32>} : memref<136x256xf32, #tpu.memory_space<vmem>>, vector<1x16xf32>,
        %swap3A_3540 = arith.index_cast %select_n3A_3419 : i32 to index
        %swap3A_3541 = arith.constant 208 : index
        %swap3A_3542 = tpu.vector_load %arg8[%swap3A_3540, %swap3A_3541] {strides = array<i32>} : memref<136x256xf32, #tpu.memory_space<vmem>>, vector<1x16xf32>,
        %swap3A_3543 = vector.shape_cast %swap3A_3542 : vector<1x16xf32> to vector<16xf32>
        %swap3A_3544 = vector.shape_cast %add3A_3468 : vector<16xf32> to vector<1x16xf32>
        tpu.vector_store %arg8[%swap3A_3540, %swap3A_3541], %swap3A_3544 {strides = array<i32>} : memref<136x256xf32, #tpu.memory_space<vmem>>, vector<1x16xf32>,
        %swap3A_3545 = arith.index_cast %select_n3A_3419 : i32 to index
        %swap3A_3546 = arith.constant 224 : index
        %swap3A_3547 = tpu.vector_load %arg8[%swap3A_3545, %swap3A_3546] {strides = array<i32>} : memref<136x256xf32, #tpu.memory_space<vmem>>, vector<1x16xf32>,
        %swap3A_3548 = vector.shape_cast %swap3A_3547 : vector<1x16xf32> to vector<16xf32>
        %swap3A_3549 = vector.shape_cast %add3A_3471 : vector<16xf32> to vector<1x16xf32>
        tpu.vector_store %arg8[%swap3A_3545, %swap3A_3546], %swap3A_3549 {strides = array<i32>} : memref<136x256xf32, #tpu.memory_space<vmem>>, vector<1x16xf32>,
        %swap3A_3550 = arith.index_cast %select_n3A_3419 : i32 to index
        %swap3A_3551 = arith.constant 240 : index
        %swap3A_3552 = tpu.vector_load %arg8[%swap3A_3550, %swap3A_3551] {strides = array<i32>} : memref<136x256xf32, #tpu.memory_space<vmem>>, vector<1x16xf32>,
        %swap3A_3553 = vector.shape_cast %swap3A_3552 : vector<1x16xf32> to vector<16xf32>
        %swap3A_3554 = vector.shape_cast %add3A_3474 : vector<16xf32> to vector<1x16xf32>
        tpu.vector_store %arg8[%swap3A_3550, %swap3A_3551], %swap3A_3554 {strides = array<i32>} : memref<136x256xf32, #tpu.memory_space<vmem>>, vector<1x16xf32>,
        %convert_element_type3A_3555 = arith.sitofp %select_n3A_3423 : i32 to f32
        %mul3A_3556 = vector.broadcast %convert_element_type3A_3555 : f32 to vector<16xf32>
        %mul3A_3557 = arith.mulf %broadcast_in_dim3A_16, %mul3A_3556 : vector<16xf32>
        %swap3A_3558 = arith.index_cast %select_n3A_3419 : i32 to index
        %swap3A_3559 = arith.constant 0 : index
        %swap3A_3560 = tpu.vector_load %arg9[%swap3A_3558, %swap3A_3559] {strides = array<i32>} : memref<136x16xf32, #tpu.memory_space<vmem>>, vector<1x16xf32>,
        %swap3A_3561 = vector.shape_cast %swap3A_3560 : vector<1x16xf32> to vector<16xf32>
        %swap3A_3562 = vector.shape_cast %mul3A_3557 : vector<16xf32> to vector<1x16xf32>
        tpu.vector_store %arg9[%swap3A_3558, %swap3A_3559], %swap3A_3562 {strides = array<i32>} : memref<136x16xf32, #tpu.memory_space<vmem>>, vector<1x16xf32>,
        scf.yield %select_n3A_3419, %select_n3A_3423, %add3A_3429, %add3A_3432, %add3A_3435, %add3A_3438, %add3A_3441, %add3A_3444, %add3A_3447, %add3A_3450, %add3A_3453, %add3A_3456, %add3A_3459, %add3A_3462, %add3A_3465, %add3A_3468, %add3A_3471, %add3A_3474 : i32, i32, vector<16xf32>, vector<16xf32>, vector<16xf32>, vector<16xf32>, vector<16xf32>, vector<16xf32>, vector<16xf32>, vector<16xf32>, vector<16xf32>, vector<16xf32>, vector<16xf32>, vector<16xf32>, vector<16xf32>, vector<16xf32>, vector<16xf32>, vector<16xf32>
      }
      %scan3A_92 = arith.constant 7 : i32
      scf.yield %scan3A_91#0, %scan3A_91#1, %scan3A_91#2, %scan3A_91#3, %scan3A_91#4, %scan3A_91#5, %scan3A_91#6, %scan3A_91#7, %scan3A_91#8, %scan3A_91#9, %scan3A_91#10, %scan3A_91#11, %scan3A_91#12, %scan3A_91#13, %scan3A_91#14, %scan3A_91#15, %scan3A_91#16, %scan3A_91#17 : i32, i32, vector<16xf32>, vector<16xf32>, vector<16xf32>, vector<16xf32>, vector<16xf32>, vector<16xf32>, vector<16xf32>, vector<16xf32>, vector<16xf32>, vector<16xf32>, vector<16xf32>, vector<16xf32>, vector<16xf32>, vector<16xf32>, vector<16xf32>, vector<16xf32>
    }
    %scan3A_56 = arith.constant 3 : i32
    "tpu.region"() ({
      %run_scoped3A = tpu.sem_alloc : memref<!tpu.dma_semaphore, #tpu.memory_space<semaphore_mem>>
      %dma_start3A = arith.constant 0 : i32
      %dma_start3A_57 = arith.constant 0 : i32
      %dma_start3A_58 = tpu.memref_slice %arg8[%dma_start3A, %dma_start3A_57] : memref<136x256xf32, #tpu.memory_space<vmem>> -> memref<128x256xf32, #tpu.memory_space<vmem>>
      %dma_start3A_59 = arith.constant 0 : i32
      %dma_start3A_60 = arith.constant 0 : i32
      %dma_start3A_61 = tpu.memref_slice %arg4[%add3A, %dma_start3A_59, %dma_start3A_60] : memref<32x128x256xf32, #tpu.memory_space<hbm>> -> memref<1x128x256xf32, #tpu.memory_space<hbm>>
      %dma_start3A_62 = tpu.memref_squeeze %dma_start3A_61 : memref<1x128x256xf32, #tpu.memory_space<hbm>> -> memref<128x256xf32, #tpu.memory_space<hbm>>
      %dma_start3A_63 = arith.constant 0 : i32
      %dma_start3A_64 = arith.constant 0 : i32
      %dma_start3A_65 = tpu.memref_slice %arg4[%add3A, %dma_start3A_63, %dma_start3A_64] : memref<32x128x256xf32, #tpu.memory_space<hbm>> -> memref<1x128x256xf32, #tpu.memory_space<hbm>>
      %dma_start3A_66 = tpu.memref_squeeze %dma_start3A_65 : memref<1x128x256xf32, #tpu.memory_space<hbm>> -> memref<128x256xf32, #tpu.memory_space<hbm>>
      %dma_start3A_67 = arith.constant 0 : i32
      %dma_start3A_68 = arith.constant 0 : i32
      %dma_start3A_69 = tpu.memref_slice %arg8[%dma_start3A_67, %dma_start3A_68] : memref<136x256xf32, #tpu.memory_space<vmem>> -> memref<128x256xf32, #tpu.memory_space<vmem>>
      tpu.enqueue_dma source(%dma_start3A_69 : memref<128x256xf32, #tpu.memory_space<vmem>>) target(%dma_start3A_66 : memref<128x256xf32, #tpu.memory_space<hbm>>) target_semaphore(%run_scoped3A : memref<!tpu.dma_semaphore, #tpu.memory_space<semaphore_mem>>)
      %dma_wait3A = arith.constant 0 : i32
      %dma_wait3A_70 = arith.constant 0 : i32
      %dma_wait3A_71 = tpu.memref_slice %arg8[%dma_wait3A, %dma_wait3A_70] : memref<136x256xf32, #tpu.memory_space<vmem>> -> memref<128x256xf32, #tpu.memory_space<vmem>>
      %dma_wait3A_72 = arith.constant 0 : i32
      %dma_wait3A_73 = arith.constant 0 : i32
      %dma_wait3A_74 = tpu.memref_slice %arg4[%add3A, %dma_wait3A_72, %dma_wait3A_73] : memref<32x128x256xf32, #tpu.memory_space<hbm>> -> memref<1x128x256xf32, #tpu.memory_space<hbm>>
      %dma_wait3A_75 = tpu.memref_squeeze %dma_wait3A_74 : memref<1x128x256xf32, #tpu.memory_space<hbm>> -> memref<128x256xf32, #tpu.memory_space<hbm>>
      %dma_wait3A_76 = arith.constant 0 : i32
      %dma_wait3A_77 = arith.constant 0 : i32
      %dma_wait3A_78 = tpu.memref_slice %arg4[%add3A, %dma_wait3A_76, %dma_wait3A_77] : memref<32x128x256xf32, #tpu.memory_space<hbm>> -> memref<1x128x256xf32, #tpu.memory_space<hbm>>
      %dma_wait3A_79 = tpu.memref_squeeze %dma_wait3A_78 : memref<1x128x256xf32, #tpu.memory_space<hbm>> -> memref<128x256xf32, #tpu.memory_space<hbm>>
      %dma_wait3A_80 = arith.constant 0 : i32
      %dma_wait3A_81 = arith.constant 0 : i32
      %dma_wait3A_82 = tpu.memref_slice %arg8[%dma_wait3A_80, %dma_wait3A_81] : memref<136x256xf32, #tpu.memory_space<vmem>> -> memref<128x256xf32, #tpu.memory_space<vmem>>
      tpu.wait_dma2 semaphore(%run_scoped3A : memref<!tpu.dma_semaphore, #tpu.memory_space<semaphore_mem>>) src(%dma_wait3A_82 : memref<128x256xf32, #tpu.memory_space<vmem>>) dst(%dma_wait3A_79 : memref<128x256xf32, #tpu.memory_space<hbm>>)
      tpu.yield
    }) : () -> ()
    "tpu.region"() ({
      %run_scoped3A = tpu.sem_alloc : memref<!tpu.dma_semaphore, #tpu.memory_space<semaphore_mem>>
      %dma_start3A = arith.constant 0 : i32
      %dma_start3A_57 = arith.constant 0 : i32
      %dma_start3A_58 = tpu.memref_slice %arg9[%dma_start3A, %dma_start3A_57] : memref<136x16xf32, #tpu.memory_space<vmem>> -> memref<128x16xf32, #tpu.memory_space<vmem>>
      %dma_start3A_59 = arith.constant 0 : i32
      %dma_start3A_60 = arith.constant 0 : i32
      %dma_start3A_61 = tpu.memref_slice %arg5[%add3A, %dma_start3A_59, %dma_start3A_60] : memref<32x128x16xf32, #tpu.memory_space<hbm>> -> memref<1x128x16xf32, #tpu.memory_space<hbm>>
      %dma_start3A_62 = tpu.memref_squeeze %dma_start3A_61 : memref<1x128x16xf32, #tpu.memory_space<hbm>> -> memref<128x16xf32, #tpu.memory_space<hbm>>
      %dma_start3A_63 = arith.constant 0 : i32
      %dma_start3A_64 = arith.constant 0 : i32
      %dma_start3A_65 = tpu.memref_slice %arg5[%add3A, %dma_start3A_63, %dma_start3A_64] : memref<32x128x16xf32, #tpu.memory_space<hbm>> -> memref<1x128x16xf32, #tpu.memory_space<hbm>>
      %dma_start3A_66 = tpu.memref_squeeze %dma_start3A_65 : memref<1x128x16xf32, #tpu.memory_space<hbm>> -> memref<128x16xf32, #tpu.memory_space<hbm>>
      %dma_start3A_67 = arith.constant 0 : i32
      %dma_start3A_68 = arith.constant 0 : i32
      %dma_start3A_69 = tpu.memref_slice %arg9[%dma_start3A_67, %dma_start3A_68] : memref<136x16xf32, #tpu.memory_space<vmem>> -> memref<128x16xf32, #tpu.memory_space<vmem>>
      tpu.enqueue_dma source(%dma_start3A_69 : memref<128x16xf32, #tpu.memory_space<vmem>>) target(%dma_start3A_66 : memref<128x16xf32, #tpu.memory_space<hbm>>) target_semaphore(%run_scoped3A : memref<!tpu.dma_semaphore, #tpu.memory_space<semaphore_mem>>)
      %dma_wait3A = arith.constant 0 : i32
      %dma_wait3A_70 = arith.constant 0 : i32
      %dma_wait3A_71 = tpu.memref_slice %arg9[%dma_wait3A, %dma_wait3A_70] : memref<136x16xf32, #tpu.memory_space<vmem>> -> memref<128x16xf32, #tpu.memory_space<vmem>>
      %dma_wait3A_72 = arith.constant 0 : i32
      %dma_wait3A_73 = arith.constant 0 : i32
      %dma_wait3A_74 = tpu.memref_slice %arg5[%add3A, %dma_wait3A_72, %dma_wait3A_73] : memref<32x128x16xf32, #tpu.memory_space<hbm>> -> memref<1x128x16xf32, #tpu.memory_space<hbm>>
      %dma_wait3A_75 = tpu.memref_squeeze %dma_wait3A_74 : memref<1x128x16xf32, #tpu.memory_space<hbm>> -> memref<128x16xf32, #tpu.memory_space<hbm>>
      %dma_wait3A_76 = arith.constant 0 : i32
      %dma_wait3A_77 = arith.constant 0 : i32
      %dma_wait3A_78 = tpu.memref_slice %arg5[%add3A, %dma_wait3A_76, %dma_wait3A_77] : memref<32x128x16xf32, #tpu.memory_space<hbm>> -> memref<1x128x16xf32, #tpu.memory_space<hbm>>
      %dma_wait3A_79 = tpu.memref_squeeze %dma_wait3A_78 : memref<1x128x16xf32, #tpu.memory_space<hbm>> -> memref<128x16xf32, #tpu.memory_space<hbm>>
      %dma_wait3A_80 = arith.constant 0 : i32
      %dma_wait3A_81 = arith.constant 0 : i32
      %dma_wait3A_82 = tpu.memref_slice %arg9[%dma_wait3A_80, %dma_wait3A_81] : memref<136x16xf32, #tpu.memory_space<vmem>> -> memref<128x16xf32, #tpu.memory_space<vmem>>
      tpu.wait_dma2 semaphore(%run_scoped3A : memref<!tpu.dma_semaphore, #tpu.memory_space<semaphore_mem>>) src(%dma_wait3A_82 : memref<128x16xf32, #tpu.memory_space<vmem>>) dst(%dma_wait3A_79 : memref<128x16xf32, #tpu.memory_space<hbm>>)
      tpu.yield
    }) : () -> ()
    return
  }
}

module attributes {stable_mosaic.version = 14 : i64} {
  func.func @_tc_mlp_body(%arg0: memref<32x128x256xf32, #tpu.memory_space<vmem>>, %arg1: memref<32x128x16xf32, #tpu.memory_space<vmem>>, %arg2: memref<128x64xf32, #tpu.memory_space<vmem>>, %arg3: memref<64x256xf32, #tpu.memory_space<vmem>>, %arg4: memref<256x256xf32, #tpu.memory_space<vmem>>, %arg5: memref<1x256xf32, #tpu.memory_space<vmem>>, %arg6: memref<256x256xf32, #tpu.memory_space<vmem>>, %arg7: memref<1x256xf32, #tpu.memory_space<vmem>>, %arg8: memref<256x256xf32, #tpu.memory_space<vmem>>, %arg9: memref<1x256xf32, #tpu.memory_space<vmem>>, %arg10: memref<128x256xf32, #tpu.memory_space<vmem>>) attributes {dimension_semantics = [], scalar_prefetch = 0 : i64, scratch_operands = 0 : i64, tpu.core_type = #tpu.core_type<tc>} {
    %get3A = arith.constant 0 : index
    %get3A_0 = arith.constant 0 : index
    %get3A_1 = arith.constant 0 : index
    %get3A_2 = vector.load %arg1[%get3A, %get3A_0, %get3A_1] : memref<32x128x16xf32, #tpu.memory_space<vmem>>, vector<32x128x16xf32>
    %concatenate3A = tpu.concatenate %get3A_2, %get3A_2, %get3A_2, %get3A_2, %get3A_2, %get3A_2, %get3A_2, %get3A_2, %get3A_2, %get3A_2, %get3A_2, %get3A_2, %get3A_2, %get3A_2, %get3A_2, %get3A_2 in 2 : vector<32x128x16xf32>, vector<32x128x16xf32>, vector<32x128x16xf32>, vector<32x128x16xf32>, vector<32x128x16xf32>, vector<32x128x16xf32>, vector<32x128x16xf32>, vector<32x128x16xf32>, vector<32x128x16xf32>, vector<32x128x16xf32>, vector<32x128x16xf32>, vector<32x128x16xf32>, vector<32x128x16xf32>, vector<32x128x16xf32>, vector<32x128x16xf32>, vector<32x128x16xf32> -> vector<32x128x256xf32>
    %gt3A = arith.constant 0.000000e+00 : f32
    %gt3A_3 = vector.broadcast %gt3A : f32 to vector<32x128x256xf32>
    %gt3A_4 = arith.cmpf ogt, %concatenate3A, %gt3A_3 : vector<32x128x256xf32>
    %get3A_5 = arith.constant 0 : index
    %get3A_6 = arith.constant 0 : index
    %get3A_7 = arith.constant 0 : index
    %get3A_8 = vector.load %arg0[%get3A_5, %get3A_6, %get3A_7] : memref<32x128x256xf32, #tpu.memory_space<vmem>>, vector<32x128x256xf32>
    %jit3A = arith.constant 0.000000e+00 : f32
    %broadcast_in_dim3A = vector.broadcast %jit3A : f32 to vector<32x128x256xf32>
    %select_n3A = arith.select %gt3A_4, %get3A_8, %broadcast_in_dim3A : vector<32x128x256xi1>, vector<32x128x256xf32>
    %reduce_sum3A = arith.constant dense<0.000000e+00> : vector<128x256xf32>
    %reduce_sum3A_9 = vector.multi_reduction <add>, %select_n3A, %reduce_sum3A [0] : vector<32x128x256xf32> to vector<128x256xf32>
    %reduce_sum3A_10 = arith.constant dense<0.000000e+00> : vector<128xf32>
    %reduce_sum3A_11 = vector.multi_reduction <add>, %get3A_2, %reduce_sum3A_10 [0, 2] : vector<32x128x16xf32> to vector<128xf32>
    %mul3A = arith.constant 6.250000e-02 : f32
    %mul3A_12 = vector.broadcast %mul3A : f32 to vector<128xf32>
    %mul3A_13 = arith.mulf %reduce_sum3A_11, %mul3A_12 : vector<128xf32>
    %max3A = arith.constant 1.000000e+00 : f32
    %max3A_14 = vector.broadcast %max3A : f32 to vector<128xf32>
    %max3A_15 = arith.maximumf %mul3A_13, %max3A_14 : vector<128xf32>
    %div3A = arith.constant 1.000000e+00 : f32
    %div3A_16 = vector.broadcast %div3A : f32 to vector<128xf32>
    %div3A_17 = arith.divf %div3A_16, %max3A_15 : vector<128xf32>
    %broadcast_in_dim3A_18 = vector.shape_cast %div3A_17 : vector<128xf32> to vector<128x1xf32>
    %mul3A_19 = vector.broadcast %broadcast_in_dim3A_18 : vector<128x1xf32> to vector<128x256xf32>
    %mul3A_20 = arith.mulf %reduce_sum3A_9, %mul3A_19 : vector<128x256xf32>
    %get3A_21 = arith.constant 0 : index
    %get3A_22 = arith.constant 0 : index
    %get3A_23 = vector.load %arg2[%get3A_21, %get3A_22] : memref<128x64xf32, #tpu.memory_space<vmem>>, vector<128x64xf32>
    %get3A_24 = arith.constant 0 : index
    %get3A_25 = arith.constant 0 : index
    %get3A_26 = vector.load %arg3[%get3A_24, %get3A_25] : memref<64x256xf32, #tpu.memory_space<vmem>>, vector<64x256xf32>
    %dot_general3A = arith.constant dense<0.000000e+00> : vector<128x256xf32>
    %dot_general3A_27 = tpu.matmul %get3A_23, %get3A_26, %dot_general3A {dimension_numbers = #tpu.dot_dimension_numbers<[1], [0], [0], [1], [0, 0, 1, 1], [], []>, transpose_lhs_hint = false} : vector<128x64xf32>, vector<64x256xf32>, vector<128x256xf32> -> vector<128x256xf32>
    %get3A_28 = arith.constant 0 : index
    %get3A_29 = arith.constant 0 : index
    %get3A_30 = vector.load %arg4[%get3A_28, %get3A_29] : memref<256x256xf32, #tpu.memory_space<vmem>>, vector<256x256xf32>
    %dot_general3A_31 = arith.constant dense<0.000000e+00> : vector<128x256xf32>
    %dot_general3A_32 = tpu.matmul %mul3A_20, %get3A_30, %dot_general3A_31 {dimension_numbers = #tpu.dot_dimension_numbers<[1], [0], [0], [1], [0, 0, 1, 1], [], []>, transpose_lhs_hint = false} : vector<128x256xf32>, vector<256x256xf32>, vector<128x256xf32> -> vector<128x256xf32>
    %add3A = arith.addf %dot_general3A_27, %dot_general3A_32 : vector<128x256xf32>
    %get3A_33 = arith.constant 0 : index
    %get3A_34 = arith.constant 0 : index
    %get3A_35 = vector.load %arg5[%get3A_33, %get3A_34] : memref<1x256xf32, #tpu.memory_space<vmem>>, vector<1x256xf32>
    %add3A_36 = vector.broadcast %get3A_35 : vector<1x256xf32> to vector<128x256xf32>
    %add3A_37 = arith.addf %add3A, %add3A_36 : vector<128x256xf32>
    %max3A_38 = arith.constant 0.000000e+00 : f32
    %max3A_39 = vector.broadcast %max3A_38 : f32 to vector<128x256xf32>
    %max3A_40 = arith.maximumf %add3A_37, %max3A_39 : vector<128x256xf32>
    %get3A_41 = arith.constant 0 : index
    %get3A_42 = arith.constant 0 : index
    %get3A_43 = vector.load %arg6[%get3A_41, %get3A_42] : memref<256x256xf32, #tpu.memory_space<vmem>>, vector<256x256xf32>
    %dot_general3A_44 = arith.constant dense<0.000000e+00> : vector<128x256xf32>
    %dot_general3A_45 = tpu.matmul %max3A_40, %get3A_43, %dot_general3A_44 {dimension_numbers = #tpu.dot_dimension_numbers<[1], [0], [0], [1], [0, 0, 1, 1], [], []>, transpose_lhs_hint = false} : vector<128x256xf32>, vector<256x256xf32>, vector<128x256xf32> -> vector<128x256xf32>
    %get3A_46 = arith.constant 0 : index
    %get3A_47 = arith.constant 0 : index
    %get3A_48 = vector.load %arg7[%get3A_46, %get3A_47] : memref<1x256xf32, #tpu.memory_space<vmem>>, vector<1x256xf32>
    %add3A_49 = vector.broadcast %get3A_48 : vector<1x256xf32> to vector<128x256xf32>
    %add3A_50 = arith.addf %dot_general3A_45, %add3A_49 : vector<128x256xf32>
    %max3A_51 = arith.constant 0.000000e+00 : f32
    %max3A_52 = vector.broadcast %max3A_51 : f32 to vector<128x256xf32>
    %max3A_53 = arith.maximumf %add3A_50, %max3A_52 : vector<128x256xf32>
    %get3A_54 = arith.constant 0 : index
    %get3A_55 = arith.constant 0 : index
    %get3A_56 = vector.load %arg8[%get3A_54, %get3A_55] : memref<256x256xf32, #tpu.memory_space<vmem>>, vector<256x256xf32>
    %dot_general3A_57 = arith.constant dense<0.000000e+00> : vector<128x256xf32>
    %dot_general3A_58 = tpu.matmul %max3A_53, %get3A_56, %dot_general3A_57 {dimension_numbers = #tpu.dot_dimension_numbers<[1], [0], [0], [1], [0, 0, 1, 1], [], []>, transpose_lhs_hint = false} : vector<128x256xf32>, vector<256x256xf32>, vector<128x256xf32> -> vector<128x256xf32>
    %get3A_59 = arith.constant 0 : index
    %get3A_60 = arith.constant 0 : index
    %get3A_61 = vector.load %arg9[%get3A_59, %get3A_60] : memref<1x256xf32, #tpu.memory_space<vmem>>, vector<1x256xf32>
    %add3A_62 = vector.broadcast %get3A_61 : vector<1x256xf32> to vector<128x256xf32>
    %add3A_63 = arith.addf %dot_general3A_58, %add3A_62 : vector<128x256xf32>
    %swap3A = arith.constant 0 : index
    %swap3A_64 = arith.constant 0 : index
    %swap3A_65 = vector.load %arg10[%swap3A, %swap3A_64] : memref<128x256xf32, #tpu.memory_space<vmem>>, vector<128x256xf32>
    tpu.vector_store %arg10[%swap3A, %swap3A_64], %add3A_63 {strides = array<i32>} : memref<128x256xf32, #tpu.memory_space<vmem>>, vector<128x256xf32>,
    return
  }
}

</mosaic_0001>

<sc_bundles>
// kernel: _run.4.cloned.1.call-start
scs
__scs_entry_jumppad:
0x0: {  	(pc) =	sbr.rel $0x88, $3  }
0x1: {  	(tag) =	ssettag $0x0;
	lr =	simm.s32 $0x1  }
0x2: {  	[smem:$0x3F97] =	sst lr;
	_ =	strace $0xD0000000  }
0x3: {  	_ = 	snop  }
0x4: {  	_ = 	snop  }
0x5: {  	_ = 	snop  }
0x6: {  	_ = 	snop  }
0x7: {  	_ = 	snop  }
__scs_overlays_trampoline_lowered:
0x8: {  	[smem:$0x3FA6] =	sst s0  }
0x9: {  	[smem:$0x3FA7] =	sst s1  }
0xa: {  	[smem:$0x3FA8] =	sst s2  }
0xb: {  	[smem:$0x3FA9] =	sst s3  }
0xc: {  	[smem:$0x3FAA] =	sst s4  }
0xd: {  	[smem:$0x3FAB] =	sst s5  }
0xe: {  	[smem:$0x3FAC] =	sst s6  }
0xf: {  	[smem:$0x3FAD] =	sst s7  }
0x10: {  	[smem:$0x3FAE] =	sst s8  }
0x11: {  	[smem:$0x3FAF] =	sst s9;
	s0 =	simm.s32 @!p0 $0x0  }
0x12: {  	s1 =	sld [smem:$0x3F95];
	s0 =	simm.s32 @p0 $0x1  }
0x13: {  	[smem:$0x3FB0] =	sst s0;
	s0 =	simm.s32 @!p1 $0x0  }
0x14: {  	s2 =	sld [smem:$0x3F94];
	s0 =	simm.s32 @p1 $0x1  }
0x15: {  	[smem:$0x3FB1] =	sst s0;
	s0 =	simm.s32 @!p2 $0x0  }
0x16: {  	s3 =	sld [smem:$0x3FDB];
	s0 =	simm.s32 @p2 $0x1  }
0x17: {  	s4 =	simm.s32 $0x1BF5;
	[smem:$0x3FB3] =	sst s0  }
0x18: {  	s0 =	sld [smem:$0x3F96];
	_ =	swait.ge [sflag:s4], $0x0  }
0x19: {  	s7 =	sld [smem:$0x3F97]  }
0x1a: {  	s8 =	sadd.s32 $0xFFFFE003, lr  }
0x1b: {  	s9 =	sadd.s32 $0xFFFFFEF7, lr;
	s5 =	simm.s32 $0xFFFFFFFF;
	p2 =	slt.u32 s8, $0xFFFFF086  }
0x1c: {  	p1 =	slt.u32 s9, $0xF7A;
	s5 =	simm.s32 @!p2 $0x0  }
0x1d: {  	s5 =	simm.s32 @p1 $0x1;
	p0 =	seq.s32 s7, s2  }
0x1e: {  	s7 =	smul.u32 @!p0 $0xF7A, s2;
	p2 =	seq.s32 @!p0 s5, $0x0  }
0x1f: {  	s9 =	smul.u32 $0xF7A, s1;
	s8 =	simm.s32 @!p0 $0x1BF5;
	p2 =	por !p2, p0  }
0x20: {  	[sflag:s8] =	ssyncset.s32 @!p0 $0xFFFFF086;
	s6 =	sadd.s32 @!p0 s3, s7;
	s7 =	simm.s32 @!p0 $0x108  }
0x21: {  	s3 =	sadd.s32 s3, s9;
	s6 =	sadd.s32 @!p0 $0x88, s6;
	s7 =	simm.s32 @p2 $0x1082  }
0x22: {  	[simem:s7], [sflag:s8] =	dma.local @!p0 [hbm:s6], $0xF7A  }
0x23: {  	s9 =	sor.u32 $0xD0000000, s2;
	s6 =	simm.s32 $0x108;
	_ =	swait.ge @!p0 [sflag:s8], $0x0  }
0x24: {  	s3 =	sadd.s32 $0x88, s3;
	s6 =	simm.s32 @!p1 $0x1082;
	[sflag:s4] =	ssyncset.s32 $0xFFFFF086  }
0x25: {  	[simem:s6], [sflag:s4] =	dma.local [hbm:s3], $0xF7A  }
0x26: {  	[smem:$0x3F97] =	sst s1;
	(tag) =	ssettag s2;
	_ =	strace s9  }
0x27: {  	s1 =	sld [smem:$0x3FA7]  }
0x28: {  	s2 =	sld [smem:$0x3FA8]  }
0x29: {  	s4 =	sld [smem:$0x3FAA]  }
0x2a: {  	p0 =	seq.s32 s5, $0x0;
	s5 =	sld [smem:$0x3FAB]  }
0x2b: {  	s6 =	sld [smem:$0x3FAC]  }
0x2c: {  	s7 =	sld [smem:$0x3FAD]  }
0x2d: {  	s3 =	simm.s32 $0x108;
	s8 =	sld [smem:$0x3FAE]  }
0x2e: {  	s3 =	simm.s32 @!p0 $0x1082;
	s9 =	sld [smem:$0x3FAF]  }
0x2f: {  	lr =	sadd.s32 s0, s3;
	s0 =	sld [smem:$0x3FA6]  }
0x30: {  	s3 =	sld [smem:$0x3FA9]  }
0x31: {  	[smem:$0x3FB2] =	sst s10  }
0x32: {  	s10 =	sld [smem:$0x3FB0];
	_ =	sdelay $0x3  }
0x33: {  	p0 =	seq.s32 s10, $0x1;
	s10 =	sld [smem:$0x3FB2];
	_ =	sdelay $0x3  }
0x34: {  	[smem:$0x3FB2] =	sst s10  }
0x35: {  	s10 =	sld [smem:$0x3FB1];
	_ =	sdelay $0x3  }
0x36: {  	p1 =	seq.s32 s10, $0x1;
	s10 =	sld [smem:$0x3FB2];
	_ =	sdelay $0x3  }
0x37: {  	[smem:$0x3FB2] =	sst s10  }
0x38: {  	s10 =	sld [smem:$0x3FB3]  }
0x39: {  	_ = 	snop;
	(pc) =	sbr.ind lr, $3  }
0x3a: {  	_ = 	snop  }
0x3b: {  	_ = 	snop  }
0x3c: {  	p2 =	seq.s32 s10, $0x1;
	s10 =	sld [smem:$0x3FB2]  }
0x3d: {  	_ =	shalt  }
0x3e: {  	_ =	shalt  }
0x3f: {  	_ =	shalt  }
0x40: {  	_ =	shalt  }
0x41: {  	_ =	shalt  }
0x42: {  	_ =	shalt  }
0x43: {  	_ =	shalt  }
0x44: {  	_ =	shalt  }
0x45: {  	_ =	shalt  }
0x46: {  	_ =	shalt  }
0x47: {  	_ =	shalt  }
0x48: {  	_ =	shalt  }
0x49: {  	_ =	shalt  }
0x4a: {  	_ =	shalt  }
0x4b: {  	_ =	shalt  }
0x4c: {  	_ =	shalt  }
0x4d: {  	_ =	shalt  }
0x4e: {  	_ =	shalt  }
0x4f: {  	_ =	shalt  }
0x50: {  	_ =	shalt  }
0x51: {  	_ =	shalt  }
0x52: {  	_ =	shalt  }
0x53: {  	_ =	shalt  }
0x54: {  	_ =	shalt  }
0x55: {  	_ =	shalt  }
0x56: {  	_ =	shalt  }
0x57: {  	_ =	shalt  }
0x58: {  	_ =	shalt  }
0x59: {  	_ =	shalt  }
0x5a: {  	_ =	shalt  }
0x5b: {  	_ =	shalt  }
0x5c: {  	_ =	shalt  }
0x5d: {  	_ =	shalt  }
0x5e: {  	_ =	shalt  }
0x5f: {  	_ =	shalt  }
0x60: {  	_ =	shalt  }
0x61: {  	_ =	shalt  }
0x62: {  	_ =	shalt  }
0x63: {  	_ =	shalt  }
0x64: {  	_ =	shalt  }
0x65: {  	_ =	shalt  }
0x66: {  	_ =	shalt  }
0x67: {  	_ =	shalt  }
0x68: {  	_ =	shalt  }
0x69: {  	_ =	shalt  }
0x6a: {  	_ =	shalt  }
0x6b: {  	_ =	shalt  }
0x6c: {  	_ =	shalt  }
0x6d: {  	_ =	shalt  }
0x6e: {  	_ =	shalt  }
0x6f: {  	_ =	shalt  }
0x70: {  	_ =	shalt  }
0x71: {  	_ =	shalt  }
0x72: {  	_ =	shalt  }
0x73: {  	_ =	shalt  }
0x74: {  	_ =	shalt  }
0x75: {  	_ =	shalt  }
0x76: {  	_ =	shalt  }
0x77: {  	_ =	shalt  }
0x78: {  	_ =	shalt  }
0x79: {  	_ =	shalt  }
0x7a: {  	_ =	shalt  }
0x7b: {  	_ =	shalt  }
0x7c: {  	_ =	shalt  }
0x7d: {  	_ =	shalt  }
0x7e: {  	_ =	shalt  }
0x7f: {  	_ =	shalt  }
0x80: {  	_ =	shalt  }
0x81: {  	_ =	shalt  }
0x82: {  	_ =	shalt  }
0x83: {  	_ =	shalt  }
0x84: {  	_ =	shalt  }
0x85: {  	_ =	shalt  }
0x86: {  	_ =	shalt  }
0x87: {  	_ =	shalt  }
.Lfunc_end0:
.L_simem_size_0:
called_computation_lowered:
.L_overlay_start_0:
0x88: {  	s2 =	sld [smem:$0x3FD9]  }
0x89: {  	s3 =	sld [smem:$0x3FFE];
	_ =	sdelay $0x1  }
0x8a: {  	s1 =	srdreg.scid  }
0x8b: {  	s0 =	sand.u32 $0x1, s1  }
0x8c: {  	s17 =	sshll.u32 s0, $0xA;
	s2 =	sadd.s32 s3, s2  }
0x8d: {  	s2 =	sadd.s32 s2, s17  }
0x8e: {  	[smem:$0x3FBE] =	sst s2  }
0x8f: {  	_ = 	snop  }
0x90: {  	s2 =	sld [smem:$0x3FC9]  }
0x91: {  	s18 =	sld [smem:$0x3FC8];
	(tm) =	ssettm $0x1  }
0x92: {  	s4 =	sld [smem:$0x3FFB];
	_ =	sdelay $0x3  }
0x93: {  	_ =	strace s4  }
0x94: {  	s4 =	sld [smem:$0x3FFC];
	_ =	sdelay $0x3  }
0x95: {  	_ =	strace s4  }
0x96: {  	s4 =	sld [smem:$0x3FFD];
	_ =	sdelay $0x3  }
0x97: {  	_ =	strace s4  }
0x98: {  	_ =	strace $0x8FFFFFFF  }
0x99: {  	s19 =	sld [smem:$0x3FDB];
	_ =	sdelay $0x1  }
0x9a: {  	s5 =	simm.s32 $_scs_section_size  }
0x9b: {  	s6 =	simm.s32 $_size__tile_overlayer_lowered;
	s7 =	simm.s32 $_tile_overlayer_lowered  }
0x9c: {  	s22 =	simm.s32 $0x1BFF;
	s21 =	sshll.u32 s7, $0x1;
	s4 =	sadd.s32 s5, s19  }
0x9d: {  	s8 =	simm.s32 $0x0;
	s20 =	sshll.u32 s6, $0x1;
	s6 =	sadd.s32 s21, s4  }
0x9e: {  	[timem:s8], [sflag:s22] =	dma.local [hbm:s6], s20  }
0x9f: {  	_ =	swait.ge [sflag:s22], s20  }
0xa0: {  	s5 =	ssub.s32 $0x0, s20;
	[sflag:s22] =	ssyncset.done $0x0  }
0xa1: {  	[sflag:s22] =	ssyncadd.s32 s5;
	_ =	sdelay $0x1  }
0xa2: {  	s23 =	simm.s32 $0x1B8B  }
0xa3: {  	_ =	swait.ge [sflag:s23], $0x1  }
0xa4: {  	[sflag:s23] =	ssyncset.done $0x0  }
0xa5: {  	s25 =	simm.s32 $0x1B8E;
	s24 =	sld [smem:$0x3FFE];
	[sflag:s23] =	ssyncadd.s32 $0xFFFFFFFF  }
0xa6: {  	s26 =	simm.s32 $execute0_lowered;
	[smem:$0x3FD2] =	sst s25  }
0xa7: {  	s6 =	sshll.u32 s26, $0x1;
	_ =	strace $0x80000046;
	[dreg:$0x1] =	wrdreg $0xFFFFFFFF  }
0xa8: {  	s28 =	simm.s32 $_size_execute0_lowered;
	s4 =	sadd.s32 s4, s6;
	[dreg:$0x0] =	wrdreg $0x0  }
0xa9: {  	s6 =	sshll.u32 s28, $0x1;
	[dreg:$0x2] =	wrdreg s4  }
0xaa: {  	[dreg:$0x3] =	wrdreg s6  }
0xab: {  	[dreg:$0x4] =	wrdreg $0xC0  }
0xac: {  	_ =	task [dreg:s8], $0x5FFFF  }
0xad: {  	[dreg:$0x1] =	wrdreg $0xFFFFFFFF  }
0xae: {  	[dreg:$0x0] =	wrdreg $0x60  }
0xaf: {  	[dreg:$0x2] =	wrdreg s2  }
0xb0: {  	[dreg:$0x3] =	wrdreg s18  }
0xb1: {  	[dreg:$0x4] =	wrdreg s24  }
0xb2: {  	[dreg:$0x5] =	wrdreg $0x9  }
0xb3: {  	_ =	task.clear_ibuf [dreg:s8], $0x6FFFF;
	_ =	strace $0x90000046  }
0xb4: {  	s29 =	simm.s32 $0x9;
	_ =	strace $0x80000048  }
0xb5: {  	_ =	swait.ge [sflag:s29], $0x1  }
0xb6: {  	[sflag:s29] =	ssyncadd.s32 $0xFFFFFFFF  }
0xb7: {  	_ =	strace $0x90000048  }
0xb8: {  	_ =	sfence  }
0xb9: {  	s30 =	sld [smem:$0x0];
	_ =	sdelay $0x2  }
0xba: {  	s31 =	sshll.u32 s1, $0xD;
	s1 =	sshrl.u32 s1, $0x2  }
0xbb: {  	s3 =	sand.u32 $0x4000, s31;
	s1 =	sadd.s32 s1, s30  }
0xbc: {  	s0 =	sor.u32 s3, s0;
	s1 =	sshll.u32 s1, $0x11  }
0xbd: {  	s0 =	sor.u32 s1, s0  }
0xbe: {  	s0 =	sadd.s32 $0x8F2B, s0  }
0xbf: {  	[sflag:s0] =	ssyncadd.remote.s32 $0x1  }
0xc0: {  	_ =	sfence.sel $0xFFFF  }
0xc1: {  	[dreg:$0x0] =	wrdreg $0xFFFFFFFF;
	(pc) =	sbr.abs _section_cstart, $3  }
0xc2: {  	[dreg:$0x1] =	wrdreg $0xFFFFFFFF  }
0xc3: {  	_ =	task.clear_ibuf [dreg:s8], $0x2FFFF;
	_ =	strace $0x9FFFFFFF  }
0xc4: {  	(tm) =	ssettm $0x7FFFFFFF  }
0xc5: {  	_ =	shalt  }
tec
execute0_lowered:
.L_overlay_start_1:
0x0: {  	(tag) =	ssettag $0x1  }
0x1: {  	s1 =	rddreg [dreg:$0x0]  }
0x2: {  	s7 =	rddreg [dreg:$0x1];
	s2 =	srdreg.scid  }
0x3: {  	s0 =	stileid.u32;
	s5 =	rddreg [dreg:$0x2];
	s3 =	simm.s32 $0x0  }
0x4: {  	s14 =	simm.s32 $0x148;
	s15 =	simm.s32 $0xF980;
	s16 =	simm.s32 $0x0  }
0x5: {  	s6 =	sand.u32 $0x1, s2;
	s4 =	sshll.u32 s0, $0x1;
	[smem:$0x7FF] =	sst s3  }
0x6: {  	s2 =	rddreg [dreg:$0x3];
	s4 =	sor.u32 s6, s4;
	_ =	strace $0x80000047  }
0x7: {  	s6 =	ssub.s32 $0x2, s6;
	s8 =	sshll.u32 s4, $0xC;
	s28 =	sshll.u32 s4, $0xB  }
0x8: {  	s9 =	sshrl.u32 s6, $0x1;
	s11 =	smul.u32 $0x13800, s4;
	p0 =	seq.s32 s4, $0x1F  }
0x9: {  	s10 =	sadd.s32 s8, s5;
	s12 =	sadd.s32 s28, s5;
	s13 =	ssub.s32 s6, s9  }
0xa: {  	v0 =	vlaneseq.u32;
	s5 =	smul.u32 $0x138, s4;
	s14 =	simm.s32 @!p0 $0x138;
	s9 =	sadd.s32 $0x4E000, s1  }
0xb: {  	v0 =	vmul.u32 $0xFFFFFFFF, v0;
	p0 =	sne.s32 s4, $0x1F;
	s29 =	sshrl.u32 s11, $0x3;
	s10 =	sadd.s32 $0x1C00, s10  }
0xc: {  	s11 =	sadd.s32 $0x21C00, s12;
	s12 =	smax.u32 s13, $0x1;
	s13 =	simm.s32 $0x1  }
0xd: {  	v0 =	vadd.s32 s14, v0;
	s14 =	simm.s32 $0x7180;
	s30 =	sshrl.u32 s5, $0x3;
	s31 =	sadd.s32 s1, s29  }
0xe: {  	s6 =	sadd.s32 s7, s30;
	s7 =	sadd.s32 $0x4E0, s7;
	s8 =	sadd.s32 $0x1C00, s31  }
.LBB2_1:
0xf: {  	[tilespmem:s3], [sflag:$0x1] =	stream.linear.gather [hbm4b:s6+s3], $0x138, $0x38;
	[tilespmem:$0x13D80] =	vst v63  }
0x10: {  	_ =	swait.ge [sflag:s13], $0x138  }
0x11: {  	[sflag:s13] =	ssyncset.done $0x0  }
0x12: {  	s17 =	simm.s32 @!p0 $0x0;
	s18 =	simm.s32 @!p0 $0x138;
	[sflag:s13] =	ssyncadd.s32 $0xFFFFFEC8  }
0x13: {  	[tilespmem:s18], [sflag:$0x1] =	stream.linear.gather @!p0 [hbm4b:s7+s17], $0x10, $0x38;
	[tilespmem:$0x13D80] =	vst v63  }
0x14: {  	s17 =	simm.s32 @!p0 $0x1  }
0x15: {  	_ =	swait.ge @!p0 [sflag:s17], $0x10  }
0x16: {  	[sflag:s17] =	ssyncset.done @!p0 $0x0  }
0x17: {  	v3 =	vimm.f32 $0.0e+00;
	[sflag:s17] =	ssyncadd.s32 @!p0 $0xFFFFFFF0;
	s17 =	simm.s32 $0xFB80  }
0x18: {  	[tilespmem:s17+$0x180] =	vst v3  }
0x19: {  	[tilespmem:s17+$0xFFFFFE00] =	vst v3  }
0x1a: {  	[tilespmem:s17+$0xFFFFFE80] =	vst v3  }
0x1b: {  	[tilespmem:s17+$0xFFFFFF00] =	vst v3  }
0x1c: {  	[tilespmem:s17+$0xFFFFFF80] =	vst v3  }
0x1d: {  	[tilespmem:s17+$0x0] =	vst v3  }
0x1e: {  	s21 =	simm.s32 $0x80;
	s18 =	simm.s32 $0x0;
	[tilespmem:s17+$0x80] =	vst v3  }
.LBB2_2:
0x1f: {  	s18 =	sadd.s32 $0x8, s18;
	[tilespmem:s17+$0x100] =	vst v3;
	s17 =	sadd.s32 $0x400, s17  }
0x20: {  	s22 =	simm.s32 $0x0;
	[tilespmem:s17+$0x180] =	vst v3;
	p1 =	slt.u32 s18, $0x80  }
0x21: {  	[tilespmem:s17+$0xFFFFFE00] =	vst v3  }
.Ltmp0:
0x22: {  	[tilespmem:s17+$0xFFFFFE80] =	vst v3;
	(pc) =	sbr.rel @p1 .LBB2_2-.Ltmp0, $4  }
0x23: {  	[tilespmem:s17+$0xFFFFFF00] =	vst v3  }
0x24: {  	[tilespmem:s17+$0xFFFFFF80] =	vst v3  }
0x25: {  	[tilespmem:s17+$0x0] =	vst v3  }
0x26: {  	[tilespmem:s17+$0x80] =	vst v3  }
0x27: {  	v4 =	vmovc v3;
	v5 =	vmovc v3;
	v6 =	vmov v3;
	v7 =	vmov v3;
	v8 =	vmov v3  }
0x28: {  	v9 =	vmovc v3;
	v10 =	vmovc v3;
	v11 =	vmov v3;
	v12 =	vmov v3;
	v13 =	vmov v3  }
0x29: {  	[tilespmem:s17+$0x100] =	vst v3;
	v14 =	vmovc v3;
	v15 =	vmovc v3;
	v16 =	vmov v3;
	v18 =	vmov v3;
	v17 =	vmov v3;
	s17 =	simm.s32 $0x0  }
.LBB2_4:
0x2a: {  	p1 =	seq.s32 s17, $0x2  }
0x2b: {  	s18 =	simm.s32 @p1 $0x0;
	s19 =	simm.s32 @p1 $0x180  }
0x2c: {  	[tilespmem:s19], [sflag:$0x1] =	stream.linear.gather @p1 [hbm4b:s8+s18], $0x5800, $0x38;
	[tilespmem:$0x13D80] =	vst v63  }
0x2d: {  	s18 =	simm.s32 @p1 $0x1  }
0x2e: {  	p2 =	sne.s32 @p1 s4, $0x1F;
	_ =	swait.ge @p1 [sflag:s18], $0x5800  }
0x2f: {  	p2 =	por p2, !p1;
	[sflag:s18] =	ssyncset.done @p1 $0x0  }
0x30: {  	s19 =	simm.s32 @!p2 $0x5980;
	[sflag:s18] =	ssyncadd.s32 @p1 $0xFFFFA800;
	s18 =	simm.s32 @!p2 $0x0  }
0x31: {  	[tilespmem:s19], [sflag:$0x1] =	stream.linear.gather @!p2 [hbm4b:s9+s18], $0x1000, $0x38;
	[tilespmem:$0x13D80] =	vst v63  }
0x32: {  	s18 =	smul.u32 $0x70, s17;
	s19 =	simm.s32 @!p2 $0x1  }
0x33: {  	_ =	swait.ge @!p2 [sflag:s19], $0x1000  }
0x34: {  	[sflag:s19] =	ssyncset.done @!p2 $0x0;
	s20 =	sadd.s32 @!p1 s5, s18  }
0x35: {  	[sflag:s19] =	ssyncadd.s32 @!p2 $0xFFFFF000;
	s19 =	sshll.u32 @!p1 s20, $0x5  }
0x36: {  	s23 =	simm.s32 @!p1 $0x180;
	s20 =	simm.s32 @!p1 $0x0;
	s19 =	sadd.s32 @!p1 s1, s19  }
0x37: {  	[tilespmem:s23], [sflag:$0x1] =	stream.linear.gather @!p1 [hbm4b:s19+s20], $0x7000, $0x38;
	[tilespmem:$0x13D80] =	vst v63  }
0x38: {  	v1 =	vmov s18;
	s19 =	simm.s32 @!p1 $0x1  }
0x39: {  	_ =	swait.ge @!p1 [sflag:s19], $0x7000  }
0x3a: {  	[sflag:s19] =	ssyncset.done @!p1 $0x0  }
0x3b: {  	[sflag:s19] =	ssyncadd.s32 @!p1 $0xFFFF9000;
	s19 =	simm.s32 $0x0  }
.LBB2_5:
0x3c: {  	s20 =	sshll.u32 s19, $0x4  }
0x3d: {  	v2 =	vld.idx.msk [tilespmem:v1+s20+$0x0 ss:$0x1], $0xffff;
	_ =	sdelay $0x1  }
0x3e: {  	s20 =	sadd.s32 s18, s20  }
0x3f: {  	v19 =	vmov s20  }
0x40: {  	vm0 =	vlt.u32 v19, v0  }
0x41: {  	v2 =	vnsel vm0, $0x80, v2  }
0x42: {  	(v2sf) =	vpush v2, $0x0;
	_ =	sdelay $0x4  }
0x43: {  	s29 =	sshll.u32 s19, $0xC  }
0x44: {  	s20 =	sand.u32 $0x3FFFF000, s29  }
0x45: {  	v19 =	vld [tilespmem:s20+$0x180]  }
0x46: {  	v20 =	vld [tilespmem:s20+$0x190]  }
0x47: {  	v21 =	vld [tilespmem:s20+$0x1A0]  }
0x48: {  	v22 =	vld [tilespmem:s20+$0x1B0]  }
0x49: {  	v23 =	vld [tilespmem:s20+$0x1C0]  }
0x4a: {  	v24 =	vld [tilespmem:s20+$0x1D0]  }
0x4b: {  	v25 =	vld [tilespmem:s20+$0x1E0]  }
0x4c: {  	v26 =	vld [tilespmem:s20+$0x1F0]  }
0x4d: {  	v27 =	vld [tilespmem:s20+$0x580];
	s23 =	spop (v2sf)  }
0x4e: {  	v28 =	vld [tilespmem:s20+$0x590];
	p1 =	seq.s32 s23, s21;
	s21 =	simm.f32 $1.000000000e+00  }
0x4f: {  	v29 =	vld [tilespmem:s20+$0x5A0];
	s21 =	simm.s32 @!p1 $0x0  }
0x50: {  	v30 =	vld [tilespmem:s20+$0x5B0];
	v17 =	vmul.f32 s21, v17  }
0x51: {  	v31 =	vld [tilespmem:s20+$0x5C0];
	s24 =	sshll.u32 s23, $0x8;
	s25 =	sshll.u32 s23, $0x7;
	v18 =	vmul.f32 s21, v18  }
0x52: {  	v32 =	vld [tilespmem:s20+$0x5D0];
	s24 =	sand.u32 $0xFFFFF800, s24;
	s25 =	sand.u32 $0x380, s25;
	v16 =	vmul.f32 s21, v16;
	v17 =	vadd.f32 v17, v19  }
0x53: {  	v33 =	vld [tilespmem:s20+$0x5E0];
	v15 =	vmul.f32 s21, v15;
	s24 =	sor.u32 s25, s24;
	v18 =	vadd.f32 v18, v20  }
0x54: {  	v14 =	vmul.f32 s21, v14;
	v19 =	vld [tilespmem:s20+$0x5F0];
	v16 =	vadd.f32 v16, v21;
	[tilespmem:s24+$0x7180] =	vst v17  }
0x55: {  	v13 =	vmul.f32 s21, v13;
	v15 =	vadd.f32 v15, v22;
	[tilespmem:s24+$0x7190] =	vst v18  }
0x56: {  	v12 =	vmul.f32 s21, v12;
	v14 =	vadd.f32 v14, v23;
	[tilespmem:s24+$0x71A0] =	vst v16  }
0x57: {  	v11 =	vmul.f32 s21, v11;
	v13 =	vadd.f32 v13, v24;
	[tilespmem:s24+$0x71B0] =	vst v15  }
0x58: {  	v10 =	vmul.f32 s21, v10;
	v12 =	vadd.f32 v12, v25;
	[tilespmem:s24+$0x71C0] =	vst v14  }
0x59: {  	v9 =	vmul.f32 s21, v9;
	v11 =	vadd.f32 v26, v11;
	[tilespmem:s24+$0x71D0] =	vst v13  }
0x5a: {  	v8 =	vmul.f32 s21, v8;
	v10 =	vadd.f32 v27, v10;
	[tilespmem:s24+$0x71E0] =	vst v12  }
0x5b: {  	v7 =	vmul.f32 s21, v7;
	v9 =	vadd.f32 v28, v9;
	[tilespmem:s24+$0x71F0] =	vst v11  }
0x5c: {  	v6 =	vmul.f32 s21, v6;
	v8 =	vadd.f32 v29, v8;
	[tilespmem:s24+$0x7580] =	vst v10  }
0x5d: {  	v5 =	vmul.f32 s21, v5;
	v7 =	vadd.f32 v30, v7;
	[tilespmem:s24+$0x7590] =	vst v9  }
0x5e: {  	(v2sf) =	vpush v2, $0x1;
	v4 =	vmul.f32 s21, v4;
	v6 =	vadd.f32 v31, v6;
	[tilespmem:s24+$0x75A0] =	vst v8  }
0x5f: {  	s22 =	sadd.s32 $0x1, s22;
	v3 =	vmul.f32 s21, v3;
	v5 =	vadd.f32 v32, v5;
	[tilespmem:s24+$0x75B0] =	vst v7  }
0x60: {  	s22 =	simm.s32 @!p1 $0x1;
	v4 =	vadd.f32 v33, v4;
	[tilespmem:s24+$0x75C0] =	vst v6  }
0x61: {  	s30 =	scvt.s32.f32 s22;
	[tilespmem:s24+$0x75D0] =	vst v5;
	v3 =	vadd.f32 v19, v3  }
0x62: {  	s31 =	sshll.u32 s23, $0x9;
	[tilespmem:s24+$0x75E0] =	vst v4  }
0x63: {  	s26 =	sshra.s32 s31, $0x2;
	v19 =	vmov s30;
	[tilespmem:s24+$0x75F0] =	vst v3  }
0x64: {  	[tilespmem:s26+$0xF980] =	vst v19  }
0x65: {  	v19 =	vld [tilespmem:s20+$0x200]  }
0x66: {  	v20 =	vld [tilespmem:s20+$0x210]  }
0x67: {  	v37 =	vld [tilespmem:s20+$0x220]  }
0x68: {  	v38 =	vld [tilespmem:s20+$0x230]  }
0x69: {  	v39 =	vld [tilespmem:s20+$0x240]  }
0x6a: {  	v40 =	vld [tilespmem:s20+$0x250]  }
0x6b: {  	v41 =	vld [tilespmem:s20+$0x260]  }
0x6c: {  	v42 =	vld [tilespmem:s20+$0x270]  }
0x6d: {  	v43 =	vld [tilespmem:s20+$0x600];
	s21 =	spop (v2sf)  }
0x6e: {  	s24 =	simm.f32 $1.000000000e+00;
	v44 =	vld [tilespmem:s20+$0x610];
	p1 =	seq.s32 s21, s23  }
0x6f: {  	v45 =	vld [tilespmem:s20+$0x620];
	s24 =	simm.s32 @!p1 $0x0  }
0x70: {  	v46 =	vld [tilespmem:s20+$0x630];
	v17 =	vmul.f32 s24, v17  }
0x71: {  	v47 =	vld [tilespmem:s20+$0x640];
	s28 =	sshll.u32 s21, $0x8;
	s29 =	sshll.u32 s21, $0x7;
	v18 =	vmul.f32 s24, v18  }
0x72: {  	v48 =	vld [tilespmem:s20+$0x650];
	s23 =	sand.u32 $0xFFFFF800, s28;
	s25 =	sand.u32 $0x380, s29;
	v16 =	vmul.f32 s24, v16;
	v17 =	vadd.f32 v19, v17  }
0x73: {  	v49 =	vld [tilespmem:s20+$0x660];
	v15 =	vmul.f32 s24, v15;
	s25 =	sor.u32 s25, s23;
	v18 =	vadd.f32 v20, v18  }
0x74: {  	v14 =	vmul.f32 s24, v14;
	v19 =	vld [tilespmem:s20+$0x670];
	v16 =	vadd.f32 v37, v16;
	[tilespmem:s25+$0x7180] =	vst v17  }
0x75: {  	v13 =	vmul.f32 s24, v13;
	v15 =	vadd.f32 v38, v15;
	[tilespmem:s25+$0x7190] =	vst v18  }
0x76: {  	v12 =	vmul.f32 s24, v12;
	v14 =	vadd.f32 v39, v14;
	[tilespmem:s25+$0x71A0] =	vst v16  }
0x77: {  	v11 =	vmul.f32 s24, v11;
	v13 =	vadd.f32 v40, v13;
	[tilespmem:s25+$0x71B0] =	vst v15  }
0x78: {  	v10 =	vmul.f32 s24, v10;
	v12 =	vadd.f32 v41, v12;
	[tilespmem:s25+$0x71C0] =	vst v14  }
0x79: {  	v9 =	vmul.f32 s24, v9;
	v11 =	vadd.f32 v42, v11;
	[tilespmem:s25+$0x71D0] =	vst v13  }
0x7a: {  	v8 =	vmul.f32 s24, v8;
	v10 =	vadd.f32 v43, v10;
	[tilespmem:s25+$0x71E0] =	vst v12  }
0x7b: {  	v7 =	vmul.f32 s24, v7;
	v9 =	vadd.f32 v44, v9;
	[tilespmem:s25+$0x71F0] =	vst v11  }
0x7c: {  	v6 =	vmul.f32 s24, v6;
	v8 =	vadd.f32 v45, v8;
	[tilespmem:s25+$0x7580] =	vst v10  }
0x7d: {  	v5 =	vmul.f32 s24, v5;
	v7 =	vadd.f32 v46, v7;
	[tilespmem:s25+$0x7590] =	vst v9  }
0x7e: {  	v4 =	vmul.f32 s24, v4;
	v6 =	vadd.f32 v47, v6;
	[tilespmem:s25+$0x75A0] =	vst v8;
	(v2sf) =	vpush v2, $0x2  }
0x7f: {  	s23 =	sadd.s32 $0x1, s22;
	v3 =	vmul.f32 s24, v3;
	v5 =	vadd.f32 v48, v5;
	[tilespmem:s25+$0x75B0] =	vst v7  }
0x80: {  	s23 =	simm.s32 @!p1 $0x1;
	v4 =	vadd.f32 v49, v4;
	[tilespmem:s25+$0x75C0] =	vst v6  }
0x81: {  	s30 =	scvt.s32.f32 s23;
	[tilespmem:s25+$0x75D0] =	vst v5;
	v3 =	vadd.f32 v19, v3  }
0x82: {  	s31 =	sshll.u32 s21, $0x9;
	[tilespmem:s25+$0x75E0] =	vst v4  }
0x83: {  	s26 =	sshra.s32 s31, $0x2;
	v19 =	vmov s30;
	[tilespmem:s25+$0x75F0] =	vst v3  }
0x84: {  	[tilespmem:s26+$0xF980] =	vst v19  }
0x85: {  	v19 =	vld [tilespmem:s20+$0x280]  }
0x86: {  	v20 =	vld [tilespmem:s20+$0x290]  }
0x87: {  	v50 =	vld [tilespmem:s20+$0x2A0]  }
0x88: {  	v51 =	vld [tilespmem:s20+$0x2B0]  }
0x89: {  	v52 =	vld [tilespmem:s20+$0x2C0]  }
0x8a: {  	v53 =	vld [tilespmem:s20+$0x2D0]  }
0x8b: {  	v54 =	vld [tilespmem:s20+$0x2E0]  }
0x8c: {  	v55 =	vld [tilespmem:s20+$0x2F0]  }
0x8d: {  	v56 =	vld [tilespmem:s20+$0x680];
	s22 =	spop (v2sf)  }
0x8e: {  	v57 =	vld [tilespmem:s20+$0x690];
	p1 =	seq.s32 s22, s21;
	s21 =	simm.f32 $1.000000000e+00  }
0x8f: {  	v58 =	vld [tilespmem:s20+$0x6A0];
	s21 =	simm.s32 @!p1 $0x0  }
0x90: {  	v59 =	vld [tilespmem:s20+$0x6B0];
	v17 =	vmul.f32 s21, v17  }
0x91: {  	v60 =	vld [tilespmem:s20+$0x6C0];
	s28 =	sshll.u32 s22, $0x8;
	s29 =	sshll.u32 s22, $0x7;
	v18 =	vmul.f32 s21, v18  }
0x92: {  	v61 =	vld [tilespmem:s20+$0x6D0];
	s24 =	sand.u32 $0xFFFFF800, s28;
	s25 =	sand.u32 $0x380, s29;
	v16 =	vmul.f32 s21, v16;
	v17 =	vadd.f32 v19, v17  }
0x93: {  	v62 =	vld [tilespmem:s20+$0x6E0];
	v15 =	vmul.f32 s21, v15;
	s24 =	sor.u32 s25, s24;
	v18 =	vadd.f32 v20, v18  }
0x94: {  	v14 =	vmul.f32 s21, v14;
	v19 =	vld [tilespmem:s20+$0x6F0];
	v16 =	vadd.f32 v50, v16;
	[tilespmem:s24+$0x7180] =	vst v17  }
0x95: {  	v13 =	vmul.f32 s21, v13;
	v15 =	vadd.f32 v51, v15;
	[tilespmem:s24+$0x7190] =	vst v18  }
0x96: {  	v12 =	vmul.f32 s21, v12;
	v14 =	vadd.f32 v52, v14;
	[tilespmem:s24+$0x71A0] =	vst v16  }
0x97: {  	v11 =	vmul.f32 s21, v11;
	v13 =	vadd.f32 v53, v13;
	[tilespmem:s24+$0x71B0] =	vst v15  }
0x98: {  	v10 =	vmul.f32 s21, v10;
	v12 =	vadd.f32 v54, v12;
	[tilespmem:s24+$0x71C0] =	vst v14  }
0x99: {  	v9 =	vmul.f32 s21, v9;
	v11 =	vadd.f32 v55, v11;
	[tilespmem:s24+$0x71D0] =	vst v13  }
0x9a: {  	v8 =	vmul.f32 s21, v8;
	v10 =	vadd.f32 v56, v10;
	[tilespmem:s24+$0x71E0] =	vst v12  }
0x9b: {  	v7 =	vmul.f32 s21, v7;
	v9 =	vadd.f32 v57, v9;
	[tilespmem:s24+$0x71F0] =	vst v11  }
0x9c: {  	v6 =	vmul.f32 s21, v6;
	v8 =	vadd.f32 v58, v8;
	[tilespmem:s24+$0x7580] =	vst v10  }
0x9d: {  	v5 =	vmul.f32 s21, v5;
	v7 =	vadd.f32 v59, v7;
	[tilespmem:s24+$0x7590] =	vst v9  }
0x9e: {  	(v2sf) =	vpush v2, $0x3;
	v4 =	vmul.f32 s21, v4;
	v6 =	vadd.f32 v60, v6;
	[tilespmem:s24+$0x75A0] =	vst v8  }
0x9f: {  	s23 =	sadd.s32 $0x1, s23;
	v3 =	vmul.f32 s21, v3;
	v5 =	vadd.f32 v61, v5;
	[tilespmem:s24+$0x75B0] =	vst v7  }
0xa0: {  	s23 =	simm.s32 @!p1 $0x1;
	v4 =	vadd.f32 v62, v4;
	[tilespmem:s24+$0x75C0] =	vst v6  }
0xa1: {  	s30 =	scvt.s32.f32 s23;
	[tilespmem:s24+$0x75D0] =	vst v5;
	v3 =	vadd.f32 v19, v3  }
0xa2: {  	s31 =	sshll.u32 s22, $0x9;
	[tilespmem:s24+$0x75E0] =	vst v4  }
0xa3: {  	s26 =	sshra.s32 s31, $0x2;
	v19 =	vmov s30;
	[tilespmem:s24+$0x75F0] =	vst v3  }
0xa4: {  	[tilespmem:s26+$0xF980] =	vst v19  }
0xa5: {  	v19 =	vld [tilespmem:s20+$0x300]  }
0xa6: {  	v20 =	vld [tilespmem:s20+$0x310]  }
0xa7: {  	v63 =	vld [tilespmem:s20+$0x320]  }
0xa8: {  	v36 =	vld [tilespmem:s20+$0x330]  }
0xa9: {  	v37 =	vld [tilespmem:s20+$0x340]  }
0xaa: {  	v38 =	vld [tilespmem:s20+$0x350]  }
0xab: {  	v39 =	vld [tilespmem:s20+$0x360]  }
0xac: {  	v40 =	vld [tilespmem:s20+$0x370]  }
0xad: {  	v41 =	vld [tilespmem:s20+$0x700];
	s21 =	spop (v2sf)  }
0xae: {  	v42 =	vld [tilespmem:s20+$0x710];
	p1 =	seq.s32 s21, s22;
	s22 =	simm.f32 $1.000000000e+00  }
0xaf: {  	v43 =	vld [tilespmem:s20+$0x720];
	s22 =	simm.s32 @!p1 $0x0  }
0xb0: {  	v44 =	vld [tilespmem:s20+$0x730];
	v17 =	vmul.f32 s22, v17  }
0xb1: {  	v45 =	vld [tilespmem:s20+$0x740];
	s28 =	sshll.u32 s21, $0x8;
	s29 =	sshll.u32 s21, $0x7;
	v18 =	vmul.f32 s22, v18  }
0xb2: {  	v46 =	vld [tilespmem:s20+$0x750];
	s24 =	sand.u32 $0xFFFFF800, s28;
	s25 =	sand.u32 $0x380, s29;
	v16 =	vmul.f32 s22, v16;
	v17 =	vadd.f32 v19, v17  }
0xb3: {  	v47 =	vld [tilespmem:s20+$0x760];
	v15 =	vmul.f32 s22, v15;
	s24 =	sor.u32 s25, s24;
	v18 =	vadd.f32 v20, v18  }
0xb4: {  	v14 =	vmul.f32 s22, v14;
	v19 =	vld [tilespmem:s20+$0x770];
	v16 =	vadd.f32 v63, v16;
	[tilespmem:s24+$0x7180] =	vst v17  }
0xb5: {  	v13 =	vmul.f32 s22, v13;
	v15 =	vadd.f32 v36, v15;
	[tilespmem:s24+$0x7190] =	vst v18  }
0xb6: {  	v12 =	vmul.f32 s22, v12;
	v14 =	vadd.f32 v37, v14;
	[tilespmem:s24+$0x71A0] =	vst v16  }
0xb7: {  	v11 =	vmul.f32 s22, v11;
	v13 =	vadd.f32 v38, v13;
	[tilespmem:s24+$0x71B0] =	vst v15  }
0xb8: {  	v10 =	vmul.f32 s22, v10;
	v12 =	vadd.f32 v39, v12;
	[tilespmem:s24+$0x71C0] =	vst v14  }
0xb9: {  	v9 =	vmul.f32 s22, v9;
	v11 =	vadd.f32 v40, v11;
	[tilespmem:s24+$0x71D0] =	vst v13  }
0xba: {  	v8 =	vmul.f32 s22, v8;
	v10 =	vadd.f32 v41, v10;
	[tilespmem:s24+$0x71E0] =	vst v12  }
0xbb: {  	v7 =	vmul.f32 s22, v7;
	v9 =	vadd.f32 v42, v9;
	[tilespmem:s24+$0x71F0] =	vst v11  }
0xbc: {  	v6 =	vmul.f32 s22, v6;
	v8 =	vadd.f32 v43, v8;
	[tilespmem:s24+$0x7580] =	vst v10  }
0xbd: {  	v5 =	vmul.f32 s22, v5;
	v7 =	vadd.f32 v44, v7;
	[tilespmem:s24+$0x7590] =	vst v9  }
0xbe: {  	(v2sf) =	vpush v2, $0x4;
	v4 =	vmul.f32 s22, v4;
	v6 =	vadd.f32 v45, v6;
	[tilespmem:s24+$0x75A0] =	vst v8  }
0xbf: {  	s23 =	sadd.s32 $0x1, s23;
	v3 =	vmul.f32 s22, v3;
	v5 =	vadd.f32 v46, v5;
	[tilespmem:s24+$0x75B0] =	vst v7  }
0xc0: {  	s23 =	simm.s32 @!p1 $0x1;
	v4 =	vadd.f32 v47, v4;
	[tilespmem:s24+$0x75C0] =	vst v6  }
0xc1: {  	s30 =	scvt.s32.f32 s23;
	[tilespmem:s24+$0x75D0] =	vst v5;
	v3 =	vadd.f32 v19, v3  }
0xc2: {  	s31 =	sshll.u32 s21, $0x9;
	[tilespmem:s24+$0x75E0] =	vst v4  }
0xc3: {  	s26 =	sshra.s32 s31, $0x2;
	v19 =	vmov s30;
	[tilespmem:s24+$0x75F0] =	vst v3  }
0xc4: {  	[tilespmem:s26+$0xF980] =	vst v19  }
0xc5: {  	v19 =	vld [tilespmem:s20+$0x380]  }
0xc6: {  	v20 =	vld [tilespmem:s20+$0x390]  }
0xc7: {  	v48 =	vld [tilespmem:s20+$0x3A0]  }
0xc8: {  	v49 =	vld [tilespmem:s20+$0x3B0]  }
0xc9: {  	v50 =	vld [tilespmem:s20+$0x3C0]  }
0xca: {  	v51 =	vld [tilespmem:s20+$0x3D0]  }
0xcb: {  	v52 =	vld [tilespmem:s20+$0x3E0]  }
0xcc: {  	v53 =	vld [tilespmem:s20+$0x3F0]  }
0xcd: {  	v54 =	vld [tilespmem:s20+$0x780];
	s22 =	spop (v2sf)  }
0xce: {  	v55 =	vld [tilespmem:s20+$0x790];
	p1 =	seq.s32 s22, s21;
	s21 =	simm.f32 $1.000000000e+00  }
0xcf: {  	v56 =	vld [tilespmem:s20+$0x7A0];
	s21 =	simm.s32 @!p1 $0x0  }
0xd0: {  	v57 =	vld [tilespmem:s20+$0x7B0];
	v17 =	vmul.f32 s21, v17  }
0xd1: {  	v58 =	vld [tilespmem:s20+$0x7C0];
	s28 =	sshll.u32 s22, $0x8;
	s29 =	sshll.u32 s22, $0x7;
	v18 =	vmul.f32 s21, v18  }
0xd2: {  	v59 =	vld [tilespmem:s20+$0x7D0];
	s24 =	sand.u32 $0xFFFFF800, s28;
	s25 =	sand.u32 $0x380, s29;
	v16 =	vmul.f32 s21, v16;
	v17 =	vadd.f32 v19, v17  }
0xd3: {  	v60 =	vld [tilespmem:s20+$0x7E0];
	v15 =	vmul.f32 s21, v15;
	s24 =	sor.u32 s25, s24;
	v18 =	vadd.f32 v20, v18  }
0xd4: {  	v14 =	vmul.f32 s21, v14;
	v19 =	vld [tilespmem:s20+$0x7F0];
	v16 =	vadd.f32 v48, v16;
	[tilespmem:s24+$0x7180] =	vst v17  }
0xd5: {  	v13 =	vmul.f32 s21, v13;
	v15 =	vadd.f32 v49, v15;
	[tilespmem:s24+$0x7190] =	vst v18  }
0xd6: {  	v12 =	vmul.f32 s21, v12;
	v14 =	vadd.f32 v50, v14;
	[tilespmem:s24+$0x71A0] =	vst v16  }
0xd7: {  	v11 =	vmul.f32 s21, v11;
	v13 =	vadd.f32 v51, v13;
	[tilespmem:s24+$0x71B0] =	vst v15  }
0xd8: {  	v10 =	vmul.f32 s21, v10;
	v12 =	vadd.f32 v52, v12;
	[tilespmem:s24+$0x71C0] =	vst v14  }
0xd9: {  	v9 =	vmul.f32 s21, v9;
	v11 =	vadd.f32 v53, v11;
	[tilespmem:s24+$0x71D0] =	vst v13  }
0xda: {  	v8 =	vmul.f32 s21, v8;
	v10 =	vadd.f32 v54, v10;
	[tilespmem:s24+$0x71E0] =	vst v12  }
0xdb: {  	v7 =	vmul.f32 s21, v7;
	v9 =	vadd.f32 v55, v9;
	[tilespmem:s24+$0x71F0] =	vst v11  }
0xdc: {  	v6 =	vmul.f32 s21, v6;
	v8 =	vadd.f32 v56, v8;
	[tilespmem:s24+$0x7580] =	vst v10  }
0xdd: {  	v5 =	vmul.f32 s21, v5;
	v7 =	vadd.f32 v57, v7;
	[tilespmem:s24+$0x7590] =	vst v9  }
0xde: {  	(v2sf) =	vpush v2, $0x5;
	v4 =	vmul.f32 s21, v4;
	v6 =	vadd.f32 v58, v6;
	[tilespmem:s24+$0x75A0] =	vst v8  }
0xdf: {  	s23 =	sadd.s32 $0x1, s23;
	v3 =	vmul.f32 s21, v3;
	v5 =	vadd.f32 v59, v5;
	[tilespmem:s24+$0x75B0] =	vst v7  }
0xe0: {  	s23 =	simm.s32 @!p1 $0x1;
	v4 =	vadd.f32 v60, v4;
	[tilespmem:s24+$0x75C0] =	vst v6  }
0xe1: {  	s30 =	scvt.s32.f32 s23;
	[tilespmem:s24+$0x75D0] =	vst v5;
	v3 =	vadd.f32 v19, v3  }
0xe2: {  	s31 =	sshll.u32 s22, $0x9;
	[tilespmem:s24+$0x75E0] =	vst v4  }
0xe3: {  	s26 =	sshra.s32 s31, $0x2;
	v19 =	vmov s30;
	[tilespmem:s24+$0x75F0] =	vst v3  }
0xe4: {  	[tilespmem:s26+$0xF980] =	vst v19  }
0xe5: {  	v19 =	vld [tilespmem:s20+$0x400]  }
0xe6: {  	v20 =	vld [tilespmem:s20+$0x410]  }
0xe7: {  	v61 =	vld [tilespmem:s20+$0x420]  }
0xe8: {  	v62 =	vld [tilespmem:s20+$0x430]  }
0xe9: {  	v63 =	vld [tilespmem:s20+$0x440]  }
0xea: {  	v36 =	vld [tilespmem:s20+$0x450]  }
0xeb: {  	v37 =	vld [tilespmem:s20+$0x460]  }
0xec: {  	v38 =	vld [tilespmem:s20+$0x470]  }
0xed: {  	v39 =	vld [tilespmem:s20+$0x800];
	s21 =	spop (v2sf)  }
0xee: {  	v40 =	vld [tilespmem:s20+$0x810];
	p1 =	seq.s32 s21, s22;
	s22 =	simm.f32 $1.000000000e+00  }
0xef: {  	v41 =	vld [tilespmem:s20+$0x820];
	s22 =	simm.s32 @!p1 $0x0  }
0xf0: {  	v42 =	vld [tilespmem:s20+$0x830];
	v17 =	vmul.f32 s22, v17  }
0xf1: {  	v43 =	vld [tilespmem:s20+$0x840];
	s28 =	sshll.u32 s21, $0x8;
	s29 =	sshll.u32 s21, $0x7;
	v18 =	vmul.f32 s22, v18  }
0xf2: {  	v44 =	vld [tilespmem:s20+$0x850];
	s24 =	sand.u32 $0xFFFFF800, s28;
	s25 =	sand.u32 $0x380, s29;
	v16 =	vmul.f32 s22, v16;
	v17 =	vadd.f32 v19, v17  }
0xf3: {  	v45 =	vld [tilespmem:s20+$0x860];
	v15 =	vmul.f32 s22, v15;
	s24 =	sor.u32 s25, s24;
	v18 =	vadd.f32 v20, v18  }
0xf4: {  	v14 =	vmul.f32 s22, v14;
	v19 =	vld [tilespmem:s20+$0x870];
	v16 =	vadd.f32 v61, v16;
	[tilespmem:s24+$0x7180] =	vst v17  }
0xf5: {  	v13 =	vmul.f32 s22, v13;
	v15 =	vadd.f32 v62, v15;
	[tilespmem:s24+$0x7190] =	vst v18  }
0xf6: {  	v12 =	vmul.f32 s22, v12;
	v14 =	vadd.f32 v63, v14;
	[tilespmem:s24+$0x71A0] =	vst v16  }
0xf7: {  	v11 =	vmul.f32 s22, v11;
	v13 =	vadd.f32 v36, v13;
	[tilespmem:s24+$0x71B0] =	vst v15  }
0xf8: {  	v10 =	vmul.f32 s22, v10;
	v12 =	vadd.f32 v37, v12;
	[tilespmem:s24+$0x71C0] =	vst v14  }
0xf9: {  	v9 =	vmul.f32 s22, v9;
	v11 =	vadd.f32 v38, v11;
	[tilespmem:s24+$0x71D0] =	vst v13  }
0xfa: {  	v8 =	vmul.f32 s22, v8;
	v10 =	vadd.f32 v39, v10;
	[tilespmem:s24+$0x71E0] =	vst v12  }
0xfb: {  	v7 =	vmul.f32 s22, v7;
	v9 =	vadd.f32 v40, v9;
	[tilespmem:s24+$0x71F0] =	vst v11  }
0xfc: {  	v6 =	vmul.f32 s22, v6;
	v8 =	vadd.f32 v41, v8;
	[tilespmem:s24+$0x7580] =	vst v10  }
0xfd: {  	v5 =	vmul.f32 s22, v5;
	v7 =	vadd.f32 v42, v7;
	[tilespmem:s24+$0x7590] =	vst v9  }
0xfe: {  	(v2sf) =	vpush v2, $0x6;
	v4 =	vmul.f32 s22, v4;
	v6 =	vadd.f32 v43, v6;
	[tilespmem:s24+$0x75A0] =	vst v8  }
0xff: {  	s23 =	sadd.s32 $0x1, s23;
	v3 =	vmul.f32 s22, v3;
	v5 =	vadd.f32 v44, v5;
	[tilespmem:s24+$0x75B0] =	vst v7  }
0x100: {  	s23 =	simm.s32 @!p1 $0x1;
	v4 =	vadd.f32 v45, v4;
	[tilespmem:s24+$0x75C0] =	vst v6  }
0x101: {  	s30 =	scvt.s32.f32 s23;
	[tilespmem:s24+$0x75D0] =	vst v5;
	v3 =	vadd.f32 v19, v3  }
0x102: {  	s31 =	sshll.u32 s21, $0x9;
	[tilespmem:s24+$0x75E0] =	vst v4  }
0x103: {  	s26 =	sshra.s32 s31, $0x2;
	v19 =	vmov s30;
	[tilespmem:s24+$0x75F0] =	vst v3  }
0x104: {  	[tilespmem:s26+$0xF980] =	vst v19  }
0x105: {  	v19 =	vld [tilespmem:s20+$0x480]  }
0x106: {  	v20 =	vld [tilespmem:s20+$0x490]  }
0x107: {  	v46 =	vld [tilespmem:s20+$0x4A0]  }
0x108: {  	v47 =	vld [tilespmem:s20+$0x4B0]  }
0x109: {  	v48 =	vld [tilespmem:s20+$0x4C0]  }
0x10a: {  	v49 =	vld [tilespmem:s20+$0x4D0]  }
0x10b: {  	v50 =	vld [tilespmem:s20+$0x4E0]  }
0x10c: {  	v51 =	vld [tilespmem:s20+$0x4F0]  }
0x10d: {  	v52 =	vld [tilespmem:s20+$0x880];
	s22 =	spop (v2sf)  }
0x10e: {  	v53 =	vld [tilespmem:s20+$0x890];
	p1 =	seq.s32 s22, s21;
	s21 =	simm.f32 $1.000000000e+00  }
0x10f: {  	v54 =	vld [tilespmem:s20+$0x8A0];
	s21 =	simm.s32 @!p1 $0x0  }
0x110: {  	v55 =	vld [tilespmem:s20+$0x8B0];
	v17 =	vmul.f32 s21, v17  }
0x111: {  	v56 =	vld [tilespmem:s20+$0x8C0];
	s28 =	sshll.u32 s22, $0x8;
	s29 =	sshll.u32 s22, $0x7;
	v18 =	vmul.f32 s21, v18  }
0x112: {  	v57 =	vld [tilespmem:s20+$0x8D0];
	s24 =	sand.u32 $0xFFFFF800, s28;
	s25 =	sand.u32 $0x380, s29;
	v16 =	vmul.f32 s21, v16;
	v17 =	vadd.f32 v19, v17  }
0x113: {  	v58 =	vld [tilespmem:s20+$0x8E0];
	v15 =	vmul.f32 s21, v15;
	s24 =	sor.u32 s25, s24;
	v18 =	vadd.f32 v20, v18  }
0x114: {  	v14 =	vmul.f32 s21, v14;
	v19 =	vld [tilespmem:s20+$0x8F0];
	v16 =	vadd.f32 v46, v16;
	[tilespmem:s24+$0x7180] =	vst v17  }
0x115: {  	v13 =	vmul.f32 s21, v13;
	v15 =	vadd.f32 v47, v15;
	[tilespmem:s24+$0x7190] =	vst v18  }
0x116: {  	v12 =	vmul.f32 s21, v12;
	v14 =	vadd.f32 v48, v14;
	[tilespmem:s24+$0x71A0] =	vst v16  }
0x117: {  	v11 =	vmul.f32 s21, v11;
	v13 =	vadd.f32 v49, v13;
	[tilespmem:s24+$0x71B0] =	vst v15  }
0x118: {  	v10 =	vmul.f32 s21, v10;
	v12 =	vadd.f32 v50, v12;
	[tilespmem:s24+$0x71C0] =	vst v14  }
0x119: {  	v9 =	vmul.f32 s21, v9;
	v11 =	vadd.f32 v51, v11;
	[tilespmem:s24+$0x71D0] =	vst v13  }
0x11a: {  	v8 =	vmul.f32 s21, v8;
	v10 =	vadd.f32 v52, v10;
	[tilespmem:s24+$0x71E0] =	vst v12  }
0x11b: {  	v7 =	vmul.f32 s21, v7;
	v9 =	vadd.f32 v53, v9;
	[tilespmem:s24+$0x71F0] =	vst v11  }
0x11c: {  	v6 =	vmul.f32 s21, v6;
	v8 =	vadd.f32 v54, v8;
	[tilespmem:s24+$0x7580] =	vst v10  }
0x11d: {  	v5 =	vmul.f32 s21, v5;
	v7 =	vadd.f32 v55, v7;
	[tilespmem:s24+$0x7590] =	vst v9  }
0x11e: {  	(v2sf) =	vpush v2, $0x7;
	v4 =	vmul.f32 s21, v4;
	v6 =	vadd.f32 v56, v6;
	[tilespmem:s24+$0x75A0] =	vst v8  }
0x11f: {  	s23 =	sadd.s32 $0x1, s23;
	v3 =	vmul.f32 s21, v3;
	v5 =	vadd.f32 v57, v5;
	[tilespmem:s24+$0x75B0] =	vst v7  }
0x120: {  	s23 =	simm.s32 @!p1 $0x1;
	v4 =	vadd.f32 v58, v4;
	[tilespmem:s24+$0x75C0] =	vst v6  }
0x121: {  	s30 =	scvt.s32.f32 s23;
	[tilespmem:s24+$0x75D0] =	vst v5;
	v3 =	vadd.f32 v19, v3  }
0x122: {  	s31 =	sshll.u32 s22, $0x9;
	[tilespmem:s24+$0x75E0] =	vst v4  }
0x123: {  	s26 =	sshra.s32 s31, $0x2;
	v19 =	vmov s30;
	[tilespmem:s24+$0x75F0] =	vst v3  }
0x124: {  	[tilespmem:s26+$0xF980] =	vst v19  }
0x125: {  	v19 =	vld [tilespmem:s20+$0x500]  }
0x126: {  	v20 =	vld [tilespmem:s20+$0x510]  }
0x127: {  	v59 =	vld [tilespmem:s20+$0x520]  }
0x128: {  	v60 =	vld [tilespmem:s20+$0x530]  }
0x129: {  	v61 =	vld [tilespmem:s20+$0x540]  }
0x12a: {  	v62 =	vld [tilespmem:s20+$0x550]  }
0x12b: {  	v63 =	vld [tilespmem:s20+$0x560]  }
0x12c: {  	v36 =	vld [tilespmem:s20+$0x570]  }
0x12d: {  	v37 =	vld [tilespmem:s20+$0x900];
	s21 =	spop (v2sf)  }
0x12e: {  	v38 =	vld [tilespmem:s20+$0x910];
	p1 =	seq.s32 s21, s22;
	s22 =	simm.f32 $1.000000000e+00  }
0x12f: {  	v39 =	vld [tilespmem:s20+$0x920];
	s22 =	simm.s32 @!p1 $0x0  }
0x130: {  	v40 =	vld [tilespmem:s20+$0x930];
	v17 =	vmul.f32 s22, v17  }
0x131: {  	v41 =	vld [tilespmem:s20+$0x940];
	s28 =	sshll.u32 s21, $0x8;
	s29 =	sshll.u32 s21, $0x7;
	v18 =	vmul.f32 s22, v18  }
0x132: {  	v42 =	vld [tilespmem:s20+$0x950];
	s24 =	sand.u32 $0xFFFFF800, s28;
	s25 =	sand.u32 $0x380, s29;
	v16 =	vmul.f32 s22, v16;
	v17 =	vadd.f32 v19, v17  }
0x133: {  	v43 =	vld [tilespmem:s20+$0x960];
	v15 =	vmul.f32 s22, v15;
	s24 =	sor.u32 s25, s24;
	v18 =	vadd.f32 v20, v18  }
0x134: {  	v14 =	vmul.f32 s22, v14;
	v19 =	vld [tilespmem:s20+$0x970];
	v16 =	vadd.f32 v59, v16;
	[tilespmem:s24+$0x7180] =	vst v17  }
0x135: {  	v13 =	vmul.f32 s22, v13;
	v15 =	vadd.f32 v60, v15;
	[tilespmem:s24+$0x7190] =	vst v18  }
0x136: {  	v12 =	vmul.f32 s22, v12;
	v14 =	vadd.f32 v61, v14;
	[tilespmem:s24+$0x71A0] =	vst v16  }
0x137: {  	v11 =	vmul.f32 s22, v11;
	v13 =	vadd.f32 v62, v13;
	[tilespmem:s24+$0x71B0] =	vst v15  }
0x138: {  	v10 =	vmul.f32 s22, v10;
	v12 =	vadd.f32 v63, v12;
	[tilespmem:s24+$0x71C0] =	vst v14  }
0x139: {  	v9 =	vmul.f32 s22, v9;
	v11 =	vadd.f32 v36, v11;
	[tilespmem:s24+$0x71D0] =	vst v13  }
0x13a: {  	v8 =	vmul.f32 s22, v8;
	v10 =	vadd.f32 v37, v10;
	[tilespmem:s24+$0x71E0] =	vst v12  }
0x13b: {  	v7 =	vmul.f32 s22, v7;
	v9 =	vadd.f32 v38, v9;
	[tilespmem:s24+$0x71F0] =	vst v11  }
0x13c: {  	v6 =	vmul.f32 s22, v6;
	v8 =	vadd.f32 v39, v8;
	[tilespmem:s24+$0x7580] =	vst v10  }
0x13d: {  	v5 =	vmul.f32 s22, v5;
	v7 =	vadd.f32 v40, v7;
	[tilespmem:s24+$0x7590] =	vst v9  }
0x13e: {  	(v2sf) =	vpush v2, $0x8;
	v4 =	vmul.f32 s22, v4;
	v6 =	vadd.f32 v41, v6;
	[tilespmem:s24+$0x75A0] =	vst v8  }
0x13f: {  	s23 =	sadd.s32 $0x1, s23;
	v3 =	vmul.f32 s22, v3;
	v5 =	vadd.f32 v42, v5;
	[tilespmem:s24+$0x75B0] =	vst v7  }
0x140: {  	s23 =	simm.s32 @!p1 $0x1;
	v4 =	vadd.f32 v43, v4;
	[tilespmem:s24+$0x75C0] =	vst v6  }
0x141: {  	s30 =	scvt.s32.f32 s23;
	[tilespmem:s24+$0x75D0] =	vst v5;
	v3 =	vadd.f32 v19, v3  }
0x142: {  	s31 =	sshll.u32 s21, $0x9;
	[tilespmem:s24+$0x75E0] =	vst v4  }
0x143: {  	s26 =	sshra.s32 s31, $0x2;
	v19 =	vmov s30;
	[tilespmem:s24+$0x75F0] =	vst v3  }
0x144: {  	[tilespmem:s26+$0xF980] =	vst v19  }
0x145: {  	v19 =	vld [tilespmem:s20+$0x980]  }
0x146: {  	v20 =	vld [tilespmem:s20+$0x990]  }
0x147: {  	v44 =	vld [tilespmem:s20+$0x9A0]  }
0x148: {  	v45 =	vld [tilespmem:s20+$0x9B0]  }
0x149: {  	v46 =	vld [tilespmem:s20+$0x9C0]  }
0x14a: {  	v47 =	vld [tilespmem:s20+$0x9D0]  }
0x14b: {  	v48 =	vld [tilespmem:s20+$0x9E0]  }
0x14c: {  	v49 =	vld [tilespmem:s20+$0x9F0]  }
0x14d: {  	v50 =	vld [tilespmem:s20+$0xD80];
	s22 =	spop (v2sf)  }
0x14e: {  	v51 =	vld [tilespmem:s20+$0xD90];
	p1 =	seq.s32 s22, s21;
	s21 =	simm.f32 $1.000000000e+00  }
0x14f: {  	v52 =	vld [tilespmem:s20+$0xDA0];
	s21 =	simm.s32 @!p1 $0x0  }
0x150: {  	v53 =	vld [tilespmem:s20+$0xDB0];
	v17 =	vmul.f32 s21, v17  }
0x151: {  	v54 =	vld [tilespmem:s20+$0xDC0];
	s28 =	sshll.u32 s22, $0x8;
	s29 =	sshll.u32 s22, $0x7;
	v18 =	vmul.f32 s21, v18  }
0x152: {  	v55 =	vld [tilespmem:s20+$0xDD0];
	s24 =	sand.u32 $0xFFFFF800, s28;
	s25 =	sand.u32 $0x380, s29;
	v16 =	vmul.f32 s21, v16;
	v17 =	vadd.f32 v19, v17  }
0x153: {  	v56 =	vld [tilespmem:s20+$0xDE0];
	v15 =	vmul.f32 s21, v15;
	s24 =	sor.u32 s25, s24;
	v18 =	vadd.f32 v20, v18  }
0x154: {  	v14 =	vmul.f32 s21, v14;
	v19 =	vld [tilespmem:s20+$0xDF0];
	v16 =	vadd.f32 v44, v16;
	[tilespmem:s24+$0x7180] =	vst v17  }
0x155: {  	v13 =	vmul.f32 s21, v13;
	v15 =	vadd.f32 v45, v15;
	[tilespmem:s24+$0x7190] =	vst v18  }
0x156: {  	v12 =	vmul.f32 s21, v12;
	v14 =	vadd.f32 v46, v14;
	[tilespmem:s24+$0x71A0] =	vst v16  }
0x157: {  	v11 =	vmul.f32 s21, v11;
	v13 =	vadd.f32 v47, v13;
	[tilespmem:s24+$0x71B0] =	vst v15  }
0x158: {  	v10 =	vmul.f32 s21, v10;
	v12 =	vadd.f32 v48, v12;
	[tilespmem:s24+$0x71C0] =	vst v14  }
0x159: {  	v9 =	vmul.f32 s21, v9;
	v11 =	vadd.f32 v49, v11;
	[tilespmem:s24+$0x71D0] =	vst v13  }
0x15a: {  	v8 =	vmul.f32 s21, v8;
	v10 =	vadd.f32 v50, v10;
	[tilespmem:s24+$0x71E0] =	vst v12  }
0x15b: {  	v7 =	vmul.f32 s21, v7;
	v9 =	vadd.f32 v51, v9;
	[tilespmem:s24+$0x71F0] =	vst v11  }
0x15c: {  	v6 =	vmul.f32 s21, v6;
	v8 =	vadd.f32 v52, v8;
	[tilespmem:s24+$0x7580] =	vst v10  }
0x15d: {  	v5 =	vmul.f32 s21, v5;
	v7 =	vadd.f32 v53, v7;
	[tilespmem:s24+$0x7590] =	vst v9  }
0x15e: {  	(v2sf) =	vpush v2, $0x9;
	v4 =	vmul.f32 s21, v4;
	v6 =	vadd.f32 v54, v6;
	[tilespmem:s24+$0x75A0] =	vst v8  }
0x15f: {  	s23 =	sadd.s32 $0x1, s23;
	v3 =	vmul.f32 s21, v3;
	v5 =	vadd.f32 v55, v5;
	[tilespmem:s24+$0x75B0] =	vst v7  }
0x160: {  	s23 =	simm.s32 @!p1 $0x1;
	v4 =	vadd.f32 v56, v4;
	[tilespmem:s24+$0x75C0] =	vst v6  }
0x161: {  	s30 =	scvt.s32.f32 s23;
	[tilespmem:s24+$0x75D0] =	vst v5;
	v3 =	vadd.f32 v19, v3  }
0x162: {  	s31 =	sshll.u32 s22, $0x9;
	[tilespmem:s24+$0x75E0] =	vst v4  }
0x163: {  	s26 =	sshra.s32 s31, $0x2;
	v19 =	vmov s30;
	[tilespmem:s24+$0x75F0] =	vst v3  }
0x164: {  	[tilespmem:s26+$0xF980] =	vst v19  }
0x165: {  	v19 =	vld [tilespmem:s20+$0xA00]  }
0x166: {  	v20 =	vld [tilespmem:s20+$0xA10]  }
0x167: {  	v57 =	vld [tilespmem:s20+$0xA20]  }
0x168: {  	v58 =	vld [tilespmem:s20+$0xA30]  }
0x169: {  	v59 =	vld [tilespmem:s20+$0xA40]  }
0x16a: {  	v60 =	vld [tilespmem:s20+$0xA50]  }
0x16b: {  	v61 =	vld [tilespmem:s20+$0xA60]  }
0x16c: {  	v62 =	vld [tilespmem:s20+$0xA70]  }
0x16d: {  	v63 =	vld [tilespmem:s20+$0xE00];
	s21 =	spop (v2sf)  }
0x16e: {  	v36 =	vld [tilespmem:s20+$0xE10];
	p1 =	seq.s32 s21, s22;
	s22 =	simm.f32 $1.000000000e+00  }
0x16f: {  	v37 =	vld [tilespmem:s20+$0xE20];
	s22 =	simm.s32 @!p1 $0x0  }
0x170: {  	v38 =	vld [tilespmem:s20+$0xE30];
	v17 =	vmul.f32 s22, v17  }
0x171: {  	v39 =	vld [tilespmem:s20+$0xE40];
	s28 =	sshll.u32 s21, $0x8;
	s29 =	sshll.u32 s21, $0x7;
	v18 =	vmul.f32 s22, v18  }
0x172: {  	v40 =	vld [tilespmem:s20+$0xE50];
	s24 =	sand.u32 $0xFFFFF800, s28;
	s25 =	sand.u32 $0x380, s29;
	v16 =	vmul.f32 s22, v16;
	v17 =	vadd.f32 v19, v17  }
0x173: {  	v41 =	vld [tilespmem:s20+$0xE60];
	v15 =	vmul.f32 s22, v15;
	s24 =	sor.u32 s25, s24;
	v18 =	vadd.f32 v20, v18  }
0x174: {  	v14 =	vmul.f32 s22, v14;
	v19 =	vld [tilespmem:s20+$0xE70];
	v16 =	vadd.f32 v57, v16;
	[tilespmem:s24+$0x7180] =	vst v17  }
0x175: {  	v13 =	vmul.f32 s22, v13;
	v15 =	vadd.f32 v58, v15;
	[tilespmem:s24+$0x7190] =	vst v18  }
0x176: {  	v12 =	vmul.f32 s22, v12;
	v14 =	vadd.f32 v59, v14;
	[tilespmem:s24+$0x71A0] =	vst v16  }
0x177: {  	v11 =	vmul.f32 s22, v11;
	v13 =	vadd.f32 v60, v13;
	[tilespmem:s24+$0x71B0] =	vst v15  }
0x178: {  	v10 =	vmul.f32 s22, v10;
	v12 =	vadd.f32 v61, v12;
	[tilespmem:s24+$0x71C0] =	vst v14  }
0x179: {  	v9 =	vmul.f32 s22, v9;
	v11 =	vadd.f32 v62, v11;
	[tilespmem:s24+$0x71D0] =	vst v13  }
0x17a: {  	v8 =	vmul.f32 s22, v8;
	v10 =	vadd.f32 v63, v10;
	[tilespmem:s24+$0x71E0] =	vst v12  }
0x17b: {  	v7 =	vmul.f32 s22, v7;
	v9 =	vadd.f32 v36, v9;
	[tilespmem:s24+$0x71F0] =	vst v11  }
0x17c: {  	v6 =	vmul.f32 s22, v6;
	v8 =	vadd.f32 v37, v8;
	[tilespmem:s24+$0x7580] =	vst v10  }
0x17d: {  	v5 =	vmul.f32 s22, v5;
	v7 =	vadd.f32 v38, v7;
	[tilespmem:s24+$0x7590] =	vst v9  }
0x17e: {  	(v2sf) =	vpush v2, $0xA;
	v4 =	vmul.f32 s22, v4;
	v6 =	vadd.f32 v39, v6;
	[tilespmem:s24+$0x75A0] =	vst v8  }
0x17f: {  	s23 =	sadd.s32 $0x1, s23;
	v3 =	vmul.f32 s22, v3;
	v5 =	vadd.f32 v40, v5;
	[tilespmem:s24+$0x75B0] =	vst v7  }
0x180: {  	s23 =	simm.s32 @!p1 $0x1;
	v4 =	vadd.f32 v41, v4;
	[tilespmem:s24+$0x75C0] =	vst v6  }
0x181: {  	s30 =	scvt.s32.f32 s23;
	[tilespmem:s24+$0x75D0] =	vst v5;
	v3 =	vadd.f32 v19, v3  }
0x182: {  	s31 =	sshll.u32 s21, $0x9;
	[tilespmem:s24+$0x75E0] =	vst v4  }
0x183: {  	s26 =	sshra.s32 s31, $0x2;
	v19 =	vmov s30;
	[tilespmem:s24+$0x75F0] =	vst v3  }
0x184: {  	[tilespmem:s26+$0xF980] =	vst v19  }
0x185: {  	v19 =	vld [tilespmem:s20+$0xA80]  }
0x186: {  	v20 =	vld [tilespmem:s20+$0xA90]  }
0x187: {  	v42 =	vld [tilespmem:s20+$0xAA0]  }
0x188: {  	v43 =	vld [tilespmem:s20+$0xAB0]  }
0x189: {  	v44 =	vld [tilespmem:s20+$0xAC0]  }
0x18a: {  	v45 =	vld [tilespmem:s20+$0xAD0]  }
0x18b: {  	v46 =	vld [tilespmem:s20+$0xAE0]  }
0x18c: {  	v47 =	vld [tilespmem:s20+$0xAF0]  }
0x18d: {  	v48 =	vld [tilespmem:s20+$0xE80];
	s22 =	spop (v2sf)  }
0x18e: {  	v49 =	vld [tilespmem:s20+$0xE90];
	p1 =	seq.s32 s22, s21;
	s21 =	simm.f32 $1.000000000e+00  }
0x18f: {  	v50 =	vld [tilespmem:s20+$0xEA0];
	s21 =	simm.s32 @!p1 $0x0  }
0x190: {  	v51 =	vld [tilespmem:s20+$0xEB0];
	v17 =	vmul.f32 s21, v17  }
0x191: {  	v52 =	vld [tilespmem:s20+$0xEC0];
	s28 =	sshll.u32 s22, $0x8;
	s29 =	sshll.u32 s22, $0x7;
	v18 =	vmul.f32 s21, v18  }
0x192: {  	v53 =	vld [tilespmem:s20+$0xED0];
	s24 =	sand.u32 $0xFFFFF800, s28;
	s25 =	sand.u32 $0x380, s29;
	v16 =	vmul.f32 s21, v16;
	v17 =	vadd.f32 v19, v17  }
0x193: {  	v54 =	vld [tilespmem:s20+$0xEE0];
	v15 =	vmul.f32 s21, v15;
	s24 =	sor.u32 s25, s24;
	v18 =	vadd.f32 v20, v18  }
0x194: {  	v14 =	vmul.f32 s21, v14;
	v19 =	vld [tilespmem:s20+$0xEF0];
	v16 =	vadd.f32 v42, v16;
	[tilespmem:s24+$0x7180] =	vst v17  }
0x195: {  	v13 =	vmul.f32 s21, v13;
	v15 =	vadd.f32 v43, v15;
	[tilespmem:s24+$0x7190] =	vst v18  }
0x196: {  	v12 =	vmul.f32 s21, v12;
	v14 =	vadd.f32 v44, v14;
	[tilespmem:s24+$0x71A0] =	vst v16  }
0x197: {  	v11 =	vmul.f32 s21, v11;
	v13 =	vadd.f32 v45, v13;
	[tilespmem:s24+$0x71B0] =	vst v15  }
0x198: {  	v10 =	vmul.f32 s21, v10;
	v12 =	vadd.f32 v46, v12;
	[tilespmem:s24+$0x71C0] =	vst v14  }
0x199: {  	v9 =	vmul.f32 s21, v9;
	v11 =	vadd.f32 v47, v11;
	[tilespmem:s24+$0x71D0] =	vst v13  }
0x19a: {  	v8 =	vmul.f32 s21, v8;
	v10 =	vadd.f32 v48, v10;
	[tilespmem:s24+$0x71E0] =	vst v12  }
0x19b: {  	v7 =	vmul.f32 s21, v7;
	v9 =	vadd.f32 v49, v9;
	[tilespmem:s24+$0x71F0] =	vst v11  }
0x19c: {  	v6 =	vmul.f32 s21, v6;
	v8 =	vadd.f32 v50, v8;
	[tilespmem:s24+$0x7580] =	vst v10  }
0x19d: {  	v5 =	vmul.f32 s21, v5;
	v7 =	vadd.f32 v51, v7;
	[tilespmem:s24+$0x7590] =	vst v9  }
0x19e: {  	(v2sf) =	vpush v2, $0xB;
	v4 =	vmul.f32 s21, v4;
	v6 =	vadd.f32 v52, v6;
	[tilespmem:s24+$0x75A0] =	vst v8  }
0x19f: {  	s23 =	sadd.s32 $0x1, s23;
	v3 =	vmul.f32 s21, v3;
	v5 =	vadd.f32 v53, v5;
	[tilespmem:s24+$0x75B0] =	vst v7  }
0x1a0: {  	s23 =	simm.s32 @!p1 $0x1;
	v4 =	vadd.f32 v54, v4;
	[tilespmem:s24+$0x75C0] =	vst v6  }
0x1a1: {  	s30 =	scvt.s32.f32 s23;
	[tilespmem:s24+$0x75D0] =	vst v5;
	v3 =	vadd.f32 v19, v3  }
0x1a2: {  	s31 =	sshll.u32 s22, $0x9;
	[tilespmem:s24+$0x75E0] =	vst v4  }
0x1a3: {  	s26 =	sshra.s32 s31, $0x2;
	v19 =	vmov s30;
	[tilespmem:s24+$0x75F0] =	vst v3  }
0x1a4: {  	[tilespmem:s26+$0xF980] =	vst v19  }
0x1a5: {  	v19 =	vld [tilespmem:s20+$0xB00]  }
0x1a6: {  	v20 =	vld [tilespmem:s20+$0xB10]  }
0x1a7: {  	v55 =	vld [tilespmem:s20+$0xB20]  }
0x1a8: {  	v56 =	vld [tilespmem:s20+$0xB30]  }
0x1a9: {  	v57 =	vld [tilespmem:s20+$0xB40]  }
0x1aa: {  	v58 =	vld [tilespmem:s20+$0xB50]  }
0x1ab: {  	v59 =	vld [tilespmem:s20+$0xB60]  }
0x1ac: {  	v60 =	vld [tilespmem:s20+$0xB70]  }
0x1ad: {  	v61 =	vld [tilespmem:s20+$0xF00];
	s21 =	spop (v2sf)  }
0x1ae: {  	v62 =	vld [tilespmem:s20+$0xF10];
	p1 =	seq.s32 s21, s22;
	s22 =	simm.f32 $1.000000000e+00  }
0x1af: {  	v63 =	vld [tilespmem:s20+$0xF20];
	s22 =	simm.s32 @!p1 $0x0  }
0x1b0: {  	v36 =	vld [tilespmem:s20+$0xF30];
	v17 =	vmul.f32 s22, v17  }
0x1b1: {  	v37 =	vld [tilespmem:s20+$0xF40];
	s28 =	sshll.u32 s21, $0x8;
	s29 =	sshll.u32 s21, $0x7;
	v18 =	vmul.f32 s22, v18  }
0x1b2: {  	v38 =	vld [tilespmem:s20+$0xF50];
	s24 =	sand.u32 $0xFFFFF800, s28;
	s25 =	sand.u32 $0x380, s29;
	v16 =	vmul.f32 s22, v16;
	v17 =	vadd.f32 v19, v17  }
0x1b3: {  	v39 =	vld [tilespmem:s20+$0xF60];
	v15 =	vmul.f32 s22, v15;
	s24 =	sor.u32 s25, s24;
	v18 =	vadd.f32 v20, v18  }
0x1b4: {  	v14 =	vmul.f32 s22, v14;
	v19 =	vld [tilespmem:s20+$0xF70];
	v16 =	vadd.f32 v55, v16;
	[tilespmem:s24+$0x7180] =	vst v17  }
0x1b5: {  	v13 =	vmul.f32 s22, v13;
	v15 =	vadd.f32 v56, v15;
	[tilespmem:s24+$0x7190] =	vst v18  }
0x1b6: {  	v12 =	vmul.f32 s22, v12;
	v14 =	vadd.f32 v57, v14;
	[tilespmem:s24+$0x71A0] =	vst v16  }
0x1b7: {  	v11 =	vmul.f32 s22, v11;
	v13 =	vadd.f32 v58, v13;
	[tilespmem:s24+$0x71B0] =	vst v15  }
0x1b8: {  	v10 =	vmul.f32 s22, v10;
	v12 =	vadd.f32 v59, v12;
	[tilespmem:s24+$0x71C0] =	vst v14  }
0x1b9: {  	v9 =	vmul.f32 s22, v9;
	v11 =	vadd.f32 v60, v11;
	[tilespmem:s24+$0x71D0] =	vst v13  }
0x1ba: {  	v8 =	vmul.f32 s22, v8;
	v10 =	vadd.f32 v61, v10;
	[tilespmem:s24+$0x71E0] =	vst v12  }
0x1bb: {  	v7 =	vmul.f32 s22, v7;
	v9 =	vadd.f32 v62, v9;
	[tilespmem:s24+$0x71F0] =	vst v11  }
0x1bc: {  	v6 =	vmul.f32 s22, v6;
	v8 =	vadd.f32 v63, v8;
	[tilespmem:s24+$0x7580] =	vst v10  }
0x1bd: {  	v5 =	vmul.f32 s22, v5;
	v7 =	vadd.f32 v36, v7;
	[tilespmem:s24+$0x7590] =	vst v9  }
0x1be: {  	(v2sf) =	vpush v2, $0xC;
	v4 =	vmul.f32 s22, v4;
	v6 =	vadd.f32 v37, v6;
	[tilespmem:s24+$0x75A0] =	vst v8  }
0x1bf: {  	s23 =	sadd.s32 $0x1, s23;
	v3 =	vmul.f32 s22, v3;
	v5 =	vadd.f32 v38, v5;
	[tilespmem:s24+$0x75B0] =	vst v7  }
0x1c0: {  	s23 =	simm.s32 @!p1 $0x1;
	v4 =	vadd.f32 v39, v4;
	[tilespmem:s24+$0x75C0] =	vst v6  }
0x1c1: {  	s30 =	scvt.s32.f32 s23;
	[tilespmem:s24+$0x75D0] =	vst v5;
	v3 =	vadd.f32 v19, v3  }
0x1c2: {  	s31 =	sshll.u32 s21, $0x9;
	[tilespmem:s24+$0x75E0] =	vst v4  }
0x1c3: {  	s26 =	sshra.s32 s31, $0x2;
	v19 =	vmov s30;
	[tilespmem:s24+$0x75F0] =	vst v3  }
0x1c4: {  	[tilespmem:s26+$0xF980] =	vst v19  }
0x1c5: {  	v19 =	vld [tilespmem:s20+$0xB80]  }
0x1c6: {  	v20 =	vld [tilespmem:s20+$0xB90]  }
0x1c7: {  	v40 =	vld [tilespmem:s20+$0xBA0]  }
0x1c8: {  	v41 =	vld [tilespmem:s20+$0xBB0]  }
0x1c9: {  	v42 =	vld [tilespmem:s20+$0xBC0]  }
0x1ca: {  	v43 =	vld [tilespmem:s20+$0xBD0]  }
0x1cb: {  	v44 =	vld [tilespmem:s20+$0xBE0]  }
0x1cc: {  	v45 =	vld [tilespmem:s20+$0xBF0]  }
0x1cd: {  	v46 =	vld [tilespmem:s20+$0xF80];
	s22 =	spop (v2sf)  }
0x1ce: {  	v47 =	vld [tilespmem:s20+$0xF90];
	p1 =	seq.s32 s22, s21;
	s21 =	simm.f32 $1.000000000e+00  }
0x1cf: {  	v48 =	vld [tilespmem:s20+$0xFA0];
	s21 =	simm.s32 @!p1 $0x0  }
0x1d0: {  	v49 =	vld [tilespmem:s20+$0xFB0];
	v17 =	vmul.f32 s21, v17  }
0x1d1: {  	v50 =	vld [tilespmem:s20+$0xFC0];
	s28 =	sshll.u32 s22, $0x8;
	s29 =	sshll.u32 s22, $0x7;
	v18 =	vmul.f32 s21, v18  }
0x1d2: {  	v51 =	vld [tilespmem:s20+$0xFD0];
	s24 =	sand.u32 $0xFFFFF800, s28;
	s25 =	sand.u32 $0x380, s29;
	v16 =	vmul.f32 s21, v16;
	v17 =	vadd.f32 v19, v17  }
0x1d3: {  	v52 =	vld [tilespmem:s20+$0xFE0];
	v15 =	vmul.f32 s21, v15;
	s24 =	sor.u32 s25, s24;
	v18 =	vadd.f32 v20, v18  }
0x1d4: {  	v14 =	vmul.f32 s21, v14;
	v19 =	vld [tilespmem:s20+$0xFF0];
	v16 =	vadd.f32 v40, v16;
	[tilespmem:s24+$0x7180] =	vst v17  }
0x1d5: {  	v13 =	vmul.f32 s21, v13;
	v15 =	vadd.f32 v41, v15;
	[tilespmem:s24+$0x7190] =	vst v18  }
0x1d6: {  	v12 =	vmul.f32 s21, v12;
	v14 =	vadd.f32 v42, v14;
	[tilespmem:s24+$0x71A0] =	vst v16  }
0x1d7: {  	v11 =	vmul.f32 s21, v11;
	v13 =	vadd.f32 v43, v13;
	[tilespmem:s24+$0x71B0] =	vst v15  }
0x1d8: {  	v10 =	vmul.f32 s21, v10;
	v12 =	vadd.f32 v44, v12;
	[tilespmem:s24+$0x71C0] =	vst v14  }
0x1d9: {  	v9 =	vmul.f32 s21, v9;
	v11 =	vadd.f32 v45, v11;
	[tilespmem:s24+$0x71D0] =	vst v13  }
0x1da: {  	v8 =	vmul.f32 s21, v8;
	v10 =	vadd.f32 v46, v10;
	[tilespmem:s24+$0x71E0] =	vst v12  }
0x1db: {  	v7 =	vmul.f32 s21, v7;
	v9 =	vadd.f32 v47, v9;
	[tilespmem:s24+$0x71F0] =	vst v11  }
0x1dc: {  	v6 =	vmul.f32 s21, v6;
	v8 =	vadd.f32 v48, v8;
	[tilespmem:s24+$0x7580] =	vst v10  }
0x1dd: {  	v5 =	vmul.f32 s21, v5;
	v7 =	vadd.f32 v49, v7;
	[tilespmem:s24+$0x7590] =	vst v9  }
0x1de: {  	(v2sf) =	vpush v2, $0xD;
	v4 =	vmul.f32 s21, v4;
	v6 =	vadd.f32 v50, v6;
	[tilespmem:s24+$0x75A0] =	vst v8  }
0x1df: {  	s23 =	sadd.s32 $0x1, s23;
	v3 =	vmul.f32 s21, v3;
	v5 =	vadd.f32 v51, v5;
	[tilespmem:s24+$0x75B0] =	vst v7  }
0x1e0: {  	s23 =	simm.s32 @!p1 $0x1;
	v4 =	vadd.f32 v52, v4;
	[tilespmem:s24+$0x75C0] =	vst v6  }
0x1e1: {  	s30 =	scvt.s32.f32 s23;
	[tilespmem:s24+$0x75D0] =	vst v5;
	v3 =	vadd.f32 v19, v3  }
0x1e2: {  	s31 =	sshll.u32 s22, $0x9;
	[tilespmem:s24+$0x75E0] =	vst v4  }
0x1e3: {  	s26 =	sshra.s32 s31, $0x2;
	v19 =	vmov s30;
	[tilespmem:s24+$0x75F0] =	vst v3  }
0x1e4: {  	[tilespmem:s26+$0xF980] =	vst v19  }
0x1e5: {  	v19 =	vld [tilespmem:s20+$0xC00]  }
0x1e6: {  	v20 =	vld [tilespmem:s20+$0xC10]  }
0x1e7: {  	v53 =	vld [tilespmem:s20+$0xC20]  }
0x1e8: {  	v54 =	vld [tilespmem:s20+$0xC30]  }
0x1e9: {  	v55 =	vld [tilespmem:s20+$0xC40]  }
0x1ea: {  	v56 =	vld [tilespmem:s20+$0xC50]  }
0x1eb: {  	v57 =	vld [tilespmem:s20+$0xC60]  }
0x1ec: {  	v58 =	vld [tilespmem:s20+$0xC70]  }
0x1ed: {  	v59 =	vld [tilespmem:s20+$0x1000];
	s21 =	spop (v2sf)  }
0x1ee: {  	v60 =	vld [tilespmem:s20+$0x1010];
	p1 =	seq.s32 s21, s22;
	s22 =	simm.f32 $1.000000000e+00  }
0x1ef: {  	v61 =	vld [tilespmem:s20+$0x1020];
	s22 =	simm.s32 @!p1 $0x0  }
0x1f0: {  	v62 =	vld [tilespmem:s20+$0x1030];
	v17 =	vmul.f32 s22, v17  }
0x1f1: {  	v63 =	vld [tilespmem:s20+$0x1040];
	s28 =	sshll.u32 s21, $0x8;
	s29 =	sshll.u32 s21, $0x7;
	v18 =	vmul.f32 s22, v18  }
0x1f2: {  	v36 =	vld [tilespmem:s20+$0x1050];
	s24 =	sand.u32 $0xFFFFF800, s28;
	s25 =	sand.u32 $0x380, s29;
	v16 =	vmul.f32 s22, v16;
	v17 =	vadd.f32 v19, v17  }
0x1f3: {  	v37 =	vld [tilespmem:s20+$0x1060];
	v15 =	vmul.f32 s22, v15;
	s24 =	sor.u32 s25, s24;
	v18 =	vadd.f32 v20, v18  }
0x1f4: {  	v14 =	vmul.f32 s22, v14;
	v19 =	vld [tilespmem:s20+$0x1070];
	v16 =	vadd.f32 v53, v16;
	[tilespmem:s24+$0x7180] =	vst v17  }
0x1f5: {  	v13 =	vmul.f32 s22, v13;
	v15 =	vadd.f32 v54, v15;
	[tilespmem:s24+$0x7190] =	vst v18  }
0x1f6: {  	v12 =	vmul.f32 s22, v12;
	v14 =	vadd.f32 v55, v14;
	[tilespmem:s24+$0x71A0] =	vst v16  }
0x1f7: {  	v11 =	vmul.f32 s22, v11;
	v13 =	vadd.f32 v56, v13;
	[tilespmem:s24+$0x71B0] =	vst v15  }
0x1f8: {  	v10 =	vmul.f32 s22, v10;
	v12 =	vadd.f32 v57, v12;
	[tilespmem:s24+$0x71C0] =	vst v14  }
0x1f9: {  	v9 =	vmul.f32 s22, v9;
	v11 =	vadd.f32 v58, v11;
	[tilespmem:s24+$0x71D0] =	vst v13  }
0x1fa: {  	v8 =	vmul.f32 s22, v8;
	v10 =	vadd.f32 v59, v10;
	[tilespmem:s24+$0x71E0] =	vst v12  }
0x1fb: {  	v7 =	vmul.f32 s22, v7;
	v9 =	vadd.f32 v60, v9;
	[tilespmem:s24+$0x71F0] =	vst v11  }
0x1fc: {  	v6 =	vmul.f32 s22, v6;
	v8 =	vadd.f32 v61, v8;
	[tilespmem:s24+$0x7580] =	vst v10  }
0x1fd: {  	v5 =	vmul.f32 s22, v5;
	v7 =	vadd.f32 v62, v7;
	[tilespmem:s24+$0x7590] =	vst v9  }
0x1fe: {  	(v2sf) =	vpush v2, $0xE;
	v4 =	vmul.f32 s22, v4;
	v6 =	vadd.f32 v63, v6;
	[tilespmem:s24+$0x75A0] =	vst v8  }
0x1ff: {  	s23 =	sadd.s32 $0x1, s23;
	v3 =	vmul.f32 s22, v3;
	v5 =	vadd.f32 v36, v5;
	[tilespmem:s24+$0x75B0] =	vst v7  }
0x200: {  	s23 =	simm.s32 @!p1 $0x1;
	v4 =	vadd.f32 v37, v4;
	[tilespmem:s24+$0x75C0] =	vst v6  }
0x201: {  	s30 =	scvt.s32.f32 s23;
	[tilespmem:s24+$0x75D0] =	vst v5;
	v3 =	vadd.f32 v19, v3  }
0x202: {  	s31 =	sshll.u32 s21, $0x9;
	[tilespmem:s24+$0x75E0] =	vst v4  }
0x203: {  	s25 =	sshra.s32 s31, $0x2;
	v19 =	vmov s30;
	[tilespmem:s24+$0x75F0] =	vst v3  }
0x204: {  	[tilespmem:s25+$0xF980] =	vst v19  }
0x205: {  	v19 =	vld [tilespmem:s20+$0xC80]  }
0x206: {  	v20 =	vld [tilespmem:s20+$0xC90]  }
0x207: {  	v38 =	vld [tilespmem:s20+$0xCA0]  }
0x208: {  	v39 =	vld [tilespmem:s20+$0xCB0]  }
0x209: {  	v40 =	vld [tilespmem:s20+$0xCC0]  }
0x20a: {  	v41 =	vld [tilespmem:s20+$0xCD0]  }
0x20b: {  	v42 =	vld [tilespmem:s20+$0xCE0]  }
0x20c: {  	v43 =	vld [tilespmem:s20+$0xCF0]  }
0x20d: {  	v44 =	vld [tilespmem:s20+$0x1080];
	s26 =	spop (v2sf)  }
0x20e: {  	v45 =	vld [tilespmem:s20+$0x1090];
	p1 =	seq.s32 s26, s21;
	s21 =	simm.f32 $1.000000000e+00  }
0x20f: {  	v46 =	vld [tilespmem:s20+$0x10A0];
	s21 =	simm.s32 @!p1 $0x0  }
0x210: {  	v47 =	vld [tilespmem:s20+$0x10B0];
	v17 =	vmul.f32 s21, v17  }
0x211: {  	v48 =	vld [tilespmem:s20+$0x10C0];
	s28 =	sshll.u32 s26, $0x8;
	s29 =	sshll.u32 s26, $0x7;
	v18 =	vmul.f32 s21, v18  }
0x212: {  	v49 =	vld [tilespmem:s20+$0x10D0];
	s24 =	sand.u32 $0xFFFFF800, s28;
	s25 =	sand.u32 $0x380, s29;
	v16 =	vmul.f32 s21, v16;
	v17 =	vadd.f32 v19, v17  }
0x213: {  	v50 =	vld [tilespmem:s20+$0x10E0];
	v15 =	vmul.f32 s21, v15;
	s24 =	sor.u32 s25, s24;
	v18 =	vadd.f32 v20, v18  }
0x214: {  	v14 =	vmul.f32 s21, v14;
	v19 =	vld [tilespmem:s20+$0x10F0];
	v16 =	vadd.f32 v38, v16;
	[tilespmem:s24+$0x7180] =	vst v17  }
0x215: {  	v13 =	vmul.f32 s21, v13;
	v15 =	vadd.f32 v39, v15;
	[tilespmem:s24+$0x7190] =	vst v18  }
0x216: {  	v12 =	vmul.f32 s21, v12;
	v14 =	vadd.f32 v40, v14;
	[tilespmem:s24+$0x71A0] =	vst v16  }
0x217: {  	v11 =	vmul.f32 s21, v11;
	v13 =	vadd.f32 v41, v13;
	[tilespmem:s24+$0x71B0] =	vst v15  }
0x218: {  	v10 =	vmul.f32 s21, v10;
	v12 =	vadd.f32 v42, v12;
	[tilespmem:s24+$0x71C0] =	vst v14  }
0x219: {  	v9 =	vmul.f32 s21, v9;
	v11 =	vadd.f32 v43, v11;
	[tilespmem:s24+$0x71D0] =	vst v13  }
0x21a: {  	v8 =	vmul.f32 s21, v8;
	v10 =	vadd.f32 v44, v10;
	[tilespmem:s24+$0x71E0] =	vst v12  }
0x21b: {  	v7 =	vmul.f32 s21, v7;
	v9 =	vadd.f32 v45, v9;
	[tilespmem:s24+$0x71F0] =	vst v11  }
0x21c: {  	v6 =	vmul.f32 s21, v6;
	v8 =	vadd.f32 v46, v8;
	[tilespmem:s24+$0x7580] =	vst v10  }
0x21d: {  	v5 =	vmul.f32 s21, v5;
	v7 =	vadd.f32 v47, v7;
	[tilespmem:s24+$0x7590] =	vst v9  }
0x21e: {  	(v2sf) =	vpush v2, $0xF;
	v4 =	vmul.f32 s21, v4;
	v6 =	vadd.f32 v48, v6;
	[tilespmem:s24+$0x75A0] =	vst v8  }
0x21f: {  	s23 =	sadd.s32 $0x1, s23;
	v3 =	vmul.f32 s21, v3;
	v5 =	vadd.f32 v49, v5;
	[tilespmem:s24+$0x75B0] =	vst v7  }
0x220: {  	s23 =	simm.s32 @!p1 $0x1;
	v2 =	vadd.f32 v50, v4;
	[tilespmem:s24+$0x75C0] =	vst v6  }
0x221: {  	s30 =	scvt.s32.f32 s23;
	[tilespmem:s24+$0x75D0] =	vst v5;
	v3 =	vadd.f32 v19, v3  }
0x222: {  	s31 =	sshll.u32 s26, $0x9;
	[tilespmem:s24+$0x75E0] =	vst v2  }
0x223: {  	v4 =	vmov s30;
	[tilespmem:s24+$0x75F0] =	vst v3;
	s24 =	sshra.s32 s31, $0x2  }
0x224: {  	[tilespmem:s24+$0xF980] =	vst v4  }
0x225: {  	v4 =	vld [tilespmem:s20+$0xD00]  }
0x226: {  	v19 =	vld [tilespmem:s20+$0xD10]  }
0x227: {  	v20 =	vld [tilespmem:s20+$0xD20]  }
0x228: {  	v51 =	vld [tilespmem:s20+$0xD30]  }
0x229: {  	v52 =	vld [tilespmem:s20+$0xD40]  }
0x22a: {  	v53 =	vld [tilespmem:s20+$0xD50]  }
0x22b: {  	v54 =	vld [tilespmem:s20+$0xD60]  }
0x22c: {  	v55 =	vld [tilespmem:s20+$0xD70]  }
0x22d: {  	v56 =	vld [tilespmem:s20+$0x1100];
	s21 =	spop (v2sf)  }
0x22e: {  	s24 =	simm.f32 $1.000000000e+00;
	v57 =	vld [tilespmem:s20+$0x1110];
	p1 =	seq.s32 s21, s26  }
0x22f: {  	v58 =	vld [tilespmem:s20+$0x1120];
	s24 =	simm.s32 @!p1 $0x0  }
0x230: {  	v59 =	vld [tilespmem:s20+$0x1130];
	v17 =	vmul.f32 s24, v17  }
0x231: {  	v60 =	vld [tilespmem:s20+$0x1140];
	s25 =	sshll.u32 s21, $0x8;
	s26 =	sshll.u32 s21, $0x7;
	v18 =	vmul.f32 s24, v18  }
0x232: {  	v61 =	vld [tilespmem:s20+$0x1150];
	s22 =	sand.u32 $0xFFFFF800, s25;
	s25 =	sand.u32 $0x380, s26;
	v15 =	vmul.f32 s24, v15;
	v17 =	vadd.f32 v4, v17  }
0x233: {  	v62 =	vld [tilespmem:s20+$0x1160];
	s28 =	sor.u32 s25, s22;
	v13 =	vmul.f32 s24, v13;
	v18 =	vadd.f32 v19, v18  }
0x234: {  	v63 =	vld [tilespmem:s20+$0x1170];
	v11 =	vmul.f32 s24, v11;
	v4 =	vmul.f32 s24, v16;
	v15 =	vadd.f32 v51, v15;
	[tilespmem:s28+$0x7180] =	vst v17  }
0x235: {  	v9 =	vmul.f32 s24, v9;
	v7 =	vmul.f32 s24, v7;
	v13 =	vadd.f32 v53, v13;
	[tilespmem:s28+$0x7190] =	vst v18  }
0x236: {  	v11 =	vadd.f32 v55, v11;
	v16 =	vadd.f32 v20, v4;
	v4 =	vmul.f32 s24, v14;
	[tilespmem:s28+$0x71B0] =	vst v15  }
0x237: {  	v5 =	vmul.f32 s24, v5;
	v3 =	vmul.f32 s24, v3;
	v9 =	vadd.f32 v57, v9;
	[tilespmem:s28+$0x71D0] =	vst v13  }
0x238: {  	v7 =	vadd.f32 v59, v7;
	[tilespmem:s28+$0x71F0] =	vst v11;
	v14 =	vadd.f32 v52, v4;
	v4 =	vmul.f32 s24, v12  }
0x239: {  	v5 =	vadd.f32 v61, v5;
	[tilespmem:s28+$0x7590] =	vst v9  }
0x23a: {  	v3 =	vadd.f32 v63, v3;
	[tilespmem:s28+$0x75B0] =	vst v7;
	v12 =	vadd.f32 v54, v4;
	v4 =	vmul.f32 s24, v10  }
0x23b: {  	[tilespmem:s28+$0x75D0] =	vst v5  }
0x23c: {  	[tilespmem:s28+$0x75F0] =	vst v3;
	v10 =	vadd.f32 v56, v4;
	v4 =	vmul.f32 s24, v8  }
0x23d: {  	[tilespmem:s28+$0x71A0] =	vst v16  }
0x23e: {  	s22 =	sadd.s32 $0x1, s23;
	[tilespmem:s28+$0x71C0] =	vst v14;
	v8 =	vadd.f32 v58, v4;
	v4 =	vmul.f32 s24, v6  }
0x23f: {  	v2 =	vmul.f32 s24, v2;
	s22 =	simm.s32 @!p1 $0x1;
	p1 =	sne.s32 s19, $0x6;
	[tilespmem:s28+$0x71E0] =	vst v12  }
.Ltmp1:
0x240: {  	[tilespmem:s28+$0x7580] =	vst v10;
	v6 =	vadd.f32 v60, v4;
	(pc) =	sbr.rel @p1 .LBB2_5-.Ltmp1, $4  }
0x241: {  	s29 =	scvt.s32.f32 s22;
	[tilespmem:s28+$0x75A0] =	vst v8;
	v4 =	vadd.f32 v62, v2  }
0x242: {  	s30 =	sshll.u32 s21, $0x9;
	[tilespmem:s28+$0x75C0] =	vst v6  }
0x243: {  	s31 =	sshra.s32 s30, $0x2;
	v2 =	vmov s29;
	[tilespmem:s28+$0x75E0] =	vst v4  }
0x244: {  	s19 =	sadd.s32 $0x1, s19;
	[tilespmem:s31+$0xF980] =	vst v2  }
0x245: {  	s17 =	sadd.s32 $0x1, s17  }
0x246: {  	p1 =	sne.s32 s17, $0x3  }
.Ltmp2:
0x247: {  	_ = 	snop;
	(pc) =	sbr.rel @p1 .LBB2_4-.Ltmp2, $1  }
0x248: {  	_ =	sdelay $0x3  }
0x249: {  	[hbm4b:s10+s3] =	stream.linear.scatter [tilespmem:s14], [sflag:$0x1], $0x8000, $0x38;
	[tilespmem:$0x13D80] =	vst v63  }
0x24a: {  	s16 =	sadd.s32 $0x1, s16;
	_ =	swait.ge [sflag:s13], $0x8000  }
0x24b: {  	p1 =	sne.s32 s16, s12;
	[sflag:s13] =	ssyncset.done $0x0  }
.Ltmp3:
0x24c: {  	[sflag:s13] =	ssyncadd.s32 $0xFFFF8000;
	(pc) =	sbr.rel @p1 .LBB2_1-.Ltmp3, $4  }
0x24d: {  	[hbm4b:s11+s3] =	stream.linear.scatter [tilespmem:s15], [sflag:$0x1], $0x4000, $0x38;
	[tilespmem:$0x13D80] =	vst v63  }
0x24e: {  	_ =	swait.ge [sflag:s13], $0x4000  }
0x24f: {  	[sflag:s13] =	ssyncset.done $0x0  }
0x250: {  	[sflag:s13] =	ssyncadd.s32 $0xFFFFC000  }
0x251: {  	_ =	sfence.sel $0x180000  }
0x252: {  	[bflag:$0x0] =	sbarrier.arrive $0xFFFF  }
0x253: {  	p0 =	sne.s32 s0, $0x0;
	_ =	strace $0x90000047  }
0x254: {  	s0 =	sadd.s32 @!p0 $0x100000, s2;
	[bflag:$0x2] =	sbarrier.arrive $0xFFFF  }
0x255: {  	[sflag:s0] =	ssyncadd.tile.s32 @!p0 $0x1;
	_ =	shalt  }
.Lfunc_end2:
_tile_overlayer_lowered:
.L_overlay_start_2:
0x256: {  	(tag) =	ssettag $0x2  }
0x257: {  	s0 =	rddreg [dreg:$0x0];
	s2 =	stileid.u32  }
0x258: {  	s1 =	rddreg [dreg:$0x1];
	p0 =	sne.s32 s2, $0x0  }
0x259: {  	s3 =	rddreg [dreg:$0x2];
	[bflag:$0x3] =	sbarrier.arrive $0xFFFF;
	s2 =	simm.s32 @!p0 $0x1C01  }
0x25a: {  	[timem:s3], [sflag:s2] =	dma.local @!p0 [hbm:s0], s1  }
0x25b: {  	s0 =	simm.s32 @!p0 $0x1  }
0x25c: {  	_ =	swait.ge @!p0 [sflag:s0], s1  }
0x25d: {  	s1 =	ssub.s32 @!p0 $0x0, s1;
	[sflag:s0] =	ssyncset.done @!p0 $0x0  }
0x25e: {  	[sflag:s0] =	ssyncadd.s32 @!p0 s1  }
0x25f: {  	[bflag:$0x3] =	sbarrier.arrive $0xFFFF  }
0x260: {  	_ =	shalt  }

</sc_bundles>
